<compile_context>
chip_gen: v7x
topology: tpu7x:2x2x1
jax: 0.10.2.dev20260603
libtpu: 0.0.44.dev20260713+nightly
codegen_flags: <defaults>
</compile_context>

<pallas_src>
import functools

import jax
import jax.numpy as jnp
from jax import lax
from jax.experimental import pallas as pl
from jax.experimental.pallas import tpu as pltpu
from jax.experimental.pallas import tpu_sc as plsc

N = 10000
E = 320000
F = 128
NC = 2
NS = 16
NW = NC * NS
KCH = 80
EPW = KCH * 128
E_PAD = NW * EPW
LB = 32768
N_ACC = 10240
TRASH = 10100
CB = 400


def _edge_tables(wmT, embT, bm2, wqT, bq2, wkT, bk2):
    f32 = jnp.float32
    e0c = embT[:, 0:1]
    e1c = embT[:, 1:2]
    dcc = e1c - e0c
    WrT = wmT[:, 0:5]
    WsT = wmT[:, 5:10]
    wc_col = wmT[:, 10:11]
    dot = functools.partial(jnp.dot, preferred_element_type=f32)
    Acol = dot(WrT, e0c) + dot(WsT, e0c) + bm2
    Brc = dot(WrT, dcc)
    Bsc = dot(WsT, dcc)
    q0 = dot(wqT, e0c) + bq2
    dq = dot(wqT, dcc)
    k0 = dot(wkT, e0c) + bk2
    dk = dot(wkT, dcc)
    base = [Acol, Acol + Bsc, Acol + Brc, Acol + Brc + Bsc]
    sig = []
    for ir in (0, 1):
        for is_ in (0, 1):
            a = jnp.sum((q0 + is_ * dq) * (k0 + ir * dk))
            sig.append(1.0 / (1.0 + jnp.exp(-a)))
    return base, wc_col, sig


def _edge_values_body(c_ref, wmT_ref, embT_ref, bm2_ref, wqT_ref, bq2_ref,
                      wkT_ref, bk2_ref, v_ref):
    bf16 = jnp.bfloat16
    base, wc_col, sig = _edge_tables(
        wmT_ref[...], embT_ref[...], bm2_ref[...], wqT_ref[...],
        bq2_ref[...], wkT_ref[...], bk2_ref[...])
    ones_row = jnp.ones((1, 128), bf16)
    wcb = wc_col.astype(bf16)
    nbase = [-b.astype(bf16) for b in base]
    sum_b = [jnp.sum(b, keepdims=True) for b in base]
    cb = c_ref[0].astype(bf16)
    CH = 512
    for k in range(LB // CH):
        pk = wcb * cb[:, k * CH:(k + 1) * CH]
        for t in range(4):
            y = jnp.maximum(pk, nbase[t])
            s = jnp.dot(ones_row, y, preferred_element_type=jnp.float32)
            v_ref[pl.ds(t, 1), k * CH:(k + 1) * CH] = sig[t] * (s + sum_b[t])


def _edge_values(c3, wmT, embT, bm2, wqT, bq2, wkT, bk2):
    n_blk = c3.shape[0]
    small = lambda shp: pl.BlockSpec(shp, lambda i: tuple(0 for _ in shp))
    return pl.pallas_call(
        _edge_values_body,
        grid=(n_blk,),
        in_specs=[
            pl.BlockSpec((1, 1, LB), lambda i: (i, 0, 0)),
            small((128, 11)), small((5, 2)), small((128, 1)),
            small((128, 5)), small((128, 1)), small((128, 5)),
            small((128, 1)),
        ],
        out_specs=pl.BlockSpec((4, LB), lambda i: (0, i)),
        out_shape=jax.ShapeDtypeStruct((4, n_blk * LB), jnp.float32),
    )(c3, wmT, embT, bm2, wqT, bq2, wkT, bk2)


def _gather_scatter(h_pad, snd3, rcv3, v_flat, kch):
    epw = kch * 128
    e_pad = NW * epw
    mesh = plsc.VectorSubcoreMesh(core_axis_name="c", subcore_axis_name="s")

    @functools.partial(
        pl.kernel,
        mesh=mesh,
        compiler_params=pltpu.CompilerParams(needs_layout_passes=False),
        out_type=jax.ShapeDtypeStruct((NC, N_ACC), jnp.float32),
        scratch_types=[
            pltpu.VMEM((N_ACC,), jnp.int32),
            pltpu.VMEM((kch, 128), jnp.int32),
            pltpu.VMEM((kch, 128), jnp.int32),
            pltpu.VMEM((4 * epw,), jnp.float32),
            pltpu.VMEM((epw,), jnp.float32),
            pltpu.VMEM((epw,), jnp.float32),
            pltpu.VMEM((N_ACC // NS,), jnp.float32),
            pltpu.VMEM_SHARED((N_ACC,), jnp.float32),
            pltpu.SemaphoreType.DMA,
        ],
    )
    def sc_kernel(h_hbm, snd3_hbm, rcv3_hbm, v_hbm,
                  out_hbm, htab, s2, r2, vloc, fw1, bw1, zbuf,
                  shared, dsem):
        cid = lax.axis_index("c")
        sid = lax.axis_index("s")
        wid = cid * NS + sid
        base_e = wid * epw
        copies = [
            pltpu.async_copy(h_hbm, htab, dsem),
            pltpu.async_copy(snd3_hbm.at[wid], s2, dsem),
            pltpu.async_copy(rcv3_hbm.at[wid], r2, dsem),
        ]
        for t in range(4):
            copies.append(pltpu.async_copy(
                v_hbm.at[pl.ds(t * e_pad + base_e, epw)],
                vloc.at[pl.ds(t * epw, epw)], dsem))

        nz = (N_ACC // NS) // 16

        def zloop(i, carry):
            zbuf[pl.ds(i * 16, 16)] = jnp.zeros((16,), jnp.float32)
            return carry

        lax.fori_loop(0, nz, zloop, 0)
        pltpu.sync_copy(zbuf, shared.at[pl.ds(sid * (N_ACC // NS),
                                              N_ACC // NS)])
        for c in copies:
            c.wait()
        plsc.subcore_barrier()

        iota16 = lax.iota(jnp.int32, 16)

        def cbody(i, carry):
            j = lax.shift_right_logical(i, 3)
            off16 = (i & 7) * 16
            off = j * 128 + off16
            s16 = s2[j, pl.ds(off16, 16)]
            r16 = r2[j, pl.ds(off16, 16)]
            hs = plsc.load_gather(htab, [s16])
            hr = plsc.load_gather(htab, [r16])
            a16 = jnp.right_shift(hs + 1, 1)
            b16 = jnp.right_shift(hr + 1, 1)
            el = off + iota16
            vf = plsc.load_gather(vloc, [(2 * b16 + a16) * epw + el])
            vb = plsc.load_gather(vloc, [(2 * a16 + b16) * epw + el])
            fw1[pl.ds(off, 16)] = vf
            bw1[pl.ds(off, 16)] = vb
            return carry

        lax.fori_loop(0, epw // 16, cbody, 0, unroll=2)

        def sbody(j, carry):
            df = pltpu.async_copy(fw1.at[pl.ds(j * 128, 128)],
                                  shared.at[r2.at[j]], dsem, add=True)
            db = pltpu.async_copy(bw1.at[pl.ds(j * 128, 128)],
                                  shared.at[s2.at[j]], dsem, add=True)
            df.wait()
            db.wait()
            return carry

        lax.fori_loop(0, kch, sbody, 0)
        plsc.subcore_barrier()

        @pl.when(sid == 0)
        def _():
            pltpu.sync_copy(shared, out_hbm.at[cid])

    return sc_kernel(h_pad, snd3, rcv3, v_flat)


def _ffn_body(pcol_ref, w_ref, b_ref, o_ref, acc_ref):
    i = pl.program_id(0)
    h_col = ((pcol_ref[:, 0:1] + pcol_ref[:, 1:2])
             + (pcol_ref[:, 2:3] + pcol_ref[:, 3:4]))
    y = lax.dot_general(h_col, w_ref[...],
                        (((0,), (0,)), ((), ())),
                        preferred_element_type=jnp.float32)

    @pl.when(i == 0)
    def _():
        acc_ref[...] = b_ref[...] + y

    @pl.when(i > 0)
    def _():
        acc_ref[...] = acc_ref[...] + y

    @pl.when(i == pl.num_programs(0) - 1)
    def _():
        ya = acc_ref[...]
        scale = 1.0507009873554805
        alpha = 1.6732632423543772
        ysel = scale * jnp.where(ya > 0, ya, alpha * (jnp.exp(ya) - 1.0))
        p = jnp.sum(jnp.exp(ysel))
        o_ref[...] = jnp.broadcast_to(jnp.log(p), (1, 1))


def _ffn(pcol, W_ffn, b2):
    return pl.pallas_call(
        _ffn_body,
        grid=(N // CB,),
        in_specs=[
            pl.BlockSpec((CB, 4), lambda i: (i, 0)),
            pl.BlockSpec((CB, N), lambda i: (i, 0)),
            pl.BlockSpec((1, N), lambda i: (0, 0)),
        ],
        out_specs=pl.BlockSpec((1, 1), lambda i: (0, 0)),
        out_shape=jax.ShapeDtypeStruct((1, 1), jnp.float32),
        scratch_shapes=[pltpu.VMEM((1, N), jnp.float32)],
    )(pcol, W_ffn, b2)


def kernel(h, senders, receivers, couplings, embed, W_mlp, b_mlp, Wq, bq,
           Wk, bk, W_ffn, b_ffn):
    f32 = jnp.float32
    i32 = jnp.int32
    pad = E_PAD - E
    c_pad = jnp.concatenate([couplings.astype(f32), jnp.zeros((pad,), f32)])
    c4 = c_pad.reshape(2, E_PAD // (2 * LB), 1, LB)
    snd1 = jnp.concatenate([senders.astype(i32),
                            jnp.full((pad,), TRASH, i32)])
    rcv1 = jnp.concatenate([receivers.astype(i32),
                            jnp.full((pad,), TRASH, i32)])
    snd4 = snd1.reshape(2, NW, KCH // 2, 128)
    rcv4 = rcv1.reshape(2, NW, KCH // 2, 128)
    h_pad = jnp.concatenate([h.astype(i32), jnp.ones((N_ACC - N,), i32)])

    wmT = W_mlp.astype(f32).T
    embT = embed.astype(f32).T
    bm2 = b_mlp.astype(f32)[:, None]
    wqT = Wq.astype(f32).T
    bq2 = bq.astype(f32)[:, None]
    wkT = Wk.astype(f32).T
    bk2 = bk.astype(f32)[:, None]

    va = _edge_values(c4[0], wmT, embT, bm2, wqT, bq2, wkT, bk2)
    vb = _edge_values(c4[1], wmT, embT, bm2, wqT, bq2, wkT, bk2)
    p1 = _gather_scatter(h_pad, snd4[0], rcv4[0],
                         va.reshape(4 * E_PAD // 2), KCH // 2)
    p2 = _gather_scatter(h_pad, snd4[1], rcv4[1],
                         vb.reshape(4 * E_PAD // 2), KCH // 2)
    pcol = jnp.concatenate([p1, p2])[:, :N].T
    out = _ffn(pcol, W_ffn.astype(f32), b_ffn.astype(f32)[None, :])
    return out[0, 0]

# --- scband reference (transcript-rebuilt; emitter-appended) ---
"""Pipeline reference for scband-graph-attention-gnn-80204219285967 (READ-ONLY COPY).

The authoritative reference and input builder live on the scoring server;
editing this copy changes nothing except your own understanding.
"""

import jax, jax.numpy as jnp
import numpy as np

N = 10000   # n_nodes / n_spins
E = 320000  # undirected edges (doubled to 2E directed inside forward)
F = 128     # features (out_features of GNN layer)
D = 5       # n_embd (fixed class attribute)


def setup_inputs(seed: int = 0) -> dict:
    key = jax.random.key(seed)
    ks = jax.random.split(key, 12)
    # spin configuration in {-1, +1}
    h = 2 * jax.random.randint(ks[0], (N,), 0, 2) - 1
    senders = jax.random.randint(ks[1], (E,), 0, N)
    receivers = jax.random.randint(ks[2], (E,), 0, N)
    couplings = jax.random.normal(ks[3], (E,), dtype=jnp.float32) * 0.5
    # learned parameters
    embed = jax.random.normal(ks[4], (2, D), dtype=jnp.float32) * 0.5      # nn.Embed(2, 5)
    W_mlp = jax.random.normal(ks[5], (2 * D + 1, F), dtype=jnp.float32) * 0.05  # MLP Dense(F) on edge feats
    b_mlp = jnp.zeros((F,), dtype=jnp.float32)
    Wq = jax.random.normal(ks[6], (D, F), dtype=jnp.float32) * 0.1         # attention q Dense
    bq = jnp.zeros((F,), dtype=jnp.float32)
    Wk = jax.random.normal(ks[7], (D, F), dtype=jnp.float32) * 0.1         # attention k Dense
    bk = jnp.zeros((F,), dtype=jnp.float32)
    W_ffn = jax.random.normal(ks[8], (N, N), dtype=jnp.float32) * 1e-4     # FFN(alpha=1, mu=1) Dense(N)
    b_ffn = jax.random.normal(ks[9], (N,), dtype=jnp.float32) * 0.01
    return {"h": h, "senders": senders, "receivers": receivers, "couplings": couplings,
            "embed": embed, "W_mlp": W_mlp, "b_mlp": b_mlp, "Wq": Wq, "bq": bq,
            "Wk": Wk, "bk": bk, "W_ffn": W_ffn, "b_ffn": b_ffn}


def reference(h, senders, receivers, couplings, embed, W_mlp, b_mlp, Wq, bq, Wk, bk, W_ffn, b_ffn):
    # GraphAttentionGNN.__call__ with layers=1, use_attention=True, output_phase=False
    idx = ((h + 1) // 2).astype(jnp.int32)
    h_embd = jnp.take(embed, idx, axis=0)                       # (N, 5)
    # senders = concat(e0, e1); receivers = concat(e1, e0)
    snd = jnp.concatenate([senders, receivers])                 # (2E,)
    rcv = jnp.concatenate([receivers, senders])                 # (2E,)
    mod_c = jnp.concatenate([couplings, couplings])[:, None]    # (2E, 1)
    # AttentionGNNLayer (single layer)
    recv_f = jnp.take(h_embd, rcv, axis=0)                      # (2E, 5) gather
    send_f = jnp.take(h_embd, snd, axis=0)                      # (2E, 5) gather
    edge_feat = jnp.concatenate([recv_f, send_f, mod_c], axis=-1)  # (2E, 11)
    messages = jax.nn.relu(edge_feat @ W_mlp + b_mlp)           # MLP: (2E, F)
    q = send_f @ Wq + bq
    k = recv_f @ Wk + bk
    a = jnp.sum(q * k, axis=-1, keepdims=True)
    messages = messages * jax.nn.sigmoid(a)
    agg = jax.ops.segment_sum(messages, rcv, num_segments=N)    # scatter-add (N, F)
    h_out = jax.nn.relu(agg)                                    # final nn.relu(aggregated)
    # readout
    h_sum = jnp.sum(h_out, axis=1)                              # (N,)
    # FFN(alpha=1, mu=1): Dense(N) + reim_selu (== selu on real dtype), then log-sum-exp
    y = jax.nn.selu(h_sum @ W_ffn + b_ffn)                      # (N,)
    log_amp = jnp.log(jnp.sum(jnp.exp(y), axis=-1))             # scalar
    return log_amp

if __name__ == "__main__":
    import jax
    _d = setup_inputs()
    print(jax.jit(kernel)(*tuple(_d.values())))

</pallas_src>

<mosaic_0001>
#map = affine_map<(d0, d1) -> (0)>
#map1 = affine_map<(d0, d1) -> (0, 0, 0)>
#map2 = affine_map<(d0, d1) -> (0, 0)>
module attributes {stable_mosaic.version = 14 : i64} {
  func.func @sc_kernel(%arg0: i32, %arg1: i32, %arg2: memref<10240xi32, #tpu.memory_space<hbm>>, %arg3: memref<32x40x128xi32, #tpu.memory_space<hbm>>, %arg4: memref<32x40x128xi32, #tpu.memory_space<hbm>>, %arg5: memref<655360xf32, #tpu.memory_space<hbm>>, %arg6: memref<2x10240xf32, #tpu.memory_space<hbm>>, %arg7: memref<10240xi32, #tpu.memory_space<vmem>>, %arg8: memref<40x128xi32, #tpu.memory_space<vmem>>, %arg9: memref<40x128xi32, #tpu.memory_space<vmem>>, %arg10: memref<20480xf32, #tpu.memory_space<vmem>>, %arg11: memref<5120xf32, #tpu.memory_space<vmem>>, %arg12: memref<5120xf32, #tpu.memory_space<vmem>>, %arg13: memref<640xf32, #tpu.memory_space<vmem>>, %arg14: memref<10240xf32, #tpu.memory_space<vmem_shared>>, %arg15: memref<!tpu.dma_semaphore, #tpu.memory_space<semaphore_mem>>) attributes {dimension_semantics = [#tpu.dimension_semantics<core_parallel>, #tpu.dimension_semantics<subcore_parallel>], iteration_bounds = array<i64: 2, 16>, scalar_prefetch = 0 : i64, scratch_operands = 9 : i64, tpu.core_type = #tpu.core_type<sc_vector_subcore>, window_params = [{transform_indices = #map}, {transform_indices = #map1}, {transform_indices = #map1}, {transform_indices = #map}, {transform_indices = #map2}]} {
    %mul3A = arith.constant 16 : i32
    %mul3A_0 = arith.muli %arg0, %mul3A : i32
    %add3A = arith.addi %mul3A_0, %arg1 : i32
    %mul3A_1 = arith.constant 5120 : i32
    %mul3A_2 = arith.muli %add3A, %mul3A_1 : i32
    tpu.enqueue_dma source(%arg2 : memref<10240xi32, #tpu.memory_space<hbm>>) target(%arg7 : memref<10240xi32, #tpu.memory_space<vmem>>) target_semaphore(%arg15 : memref<!tpu.dma_semaphore, #tpu.memory_space<semaphore_mem>>)
    %dma_start3A = arith.constant 0 : i32
    %dma_start3A_3 = arith.constant 0 : i32
    %dma_start3A_4 = tpu.memref_slice %arg3[%add3A, %dma_start3A, %dma_start3A_3] : memref<32x40x128xi32, #tpu.memory_space<hbm>> -> memref<1x40x128xi32, #tpu.memory_space<hbm>>
    %dma_start3A_5 = tpu.memref_squeeze %dma_start3A_4 : memref<1x40x128xi32, #tpu.memory_space<hbm>> -> memref<40x128xi32, #tpu.memory_space<hbm>>
    %dma_start3A_6 = arith.constant 0 : i32
    %dma_start3A_7 = arith.constant 0 : i32
    %dma_start3A_8 = tpu.memref_slice %arg3[%add3A, %dma_start3A_6, %dma_start3A_7] : memref<32x40x128xi32, #tpu.memory_space<hbm>> -> memref<1x40x128xi32, #tpu.memory_space<hbm>>
    %dma_start3A_9 = tpu.memref_squeeze %dma_start3A_8 : memref<1x40x128xi32, #tpu.memory_space<hbm>> -> memref<40x128xi32, #tpu.memory_space<hbm>>
    tpu.enqueue_dma source(%dma_start3A_9 : memref<40x128xi32, #tpu.memory_space<hbm>>) target(%arg8 : memref<40x128xi32, #tpu.memory_space<vmem>>) target_semaphore(%arg15 : memref<!tpu.dma_semaphore, #tpu.memory_space<semaphore_mem>>)
    %dma_start3A_10 = arith.constant 0 : i32
    %dma_start3A_11 = arith.constant 0 : i32
    %dma_start3A_12 = tpu.memref_slice %arg4[%add3A, %dma_start3A_10, %dma_start3A_11] : memref<32x40x128xi32, #tpu.memory_space<hbm>> -> memref<1x40x128xi32, #tpu.memory_space<hbm>>
    %dma_start3A_13 = tpu.memref_squeeze %dma_start3A_12 : memref<1x40x128xi32, #tpu.memory_space<hbm>> -> memref<40x128xi32, #tpu.memory_space<hbm>>
    %dma_start3A_14 = arith.constant 0 : i32
    %dma_start3A_15 = arith.constant 0 : i32
    %dma_start3A_16 = tpu.memref_slice %arg4[%add3A, %dma_start3A_14, %dma_start3A_15] : memref<32x40x128xi32, #tpu.memory_space<hbm>> -> memref<1x40x128xi32, #tpu.memory_space<hbm>>
    %dma_start3A_17 = tpu.memref_squeeze %dma_start3A_16 : memref<1x40x128xi32, #tpu.memory_space<hbm>> -> memref<40x128xi32, #tpu.memory_space<hbm>>
    tpu.enqueue_dma source(%dma_start3A_17 : memref<40x128xi32, #tpu.memory_space<hbm>>) target(%arg9 : memref<40x128xi32, #tpu.memory_space<vmem>>) target_semaphore(%arg15 : memref<!tpu.dma_semaphore, #tpu.memory_space<semaphore_mem>>)
    %add3A_18 = arith.constant 0 : i32
    %add3A_19 = arith.addi %add3A_18, %mul3A_2 : i32
    %dma_start3A_20 = arith.constant 0 : i32
    %dma_start3A_21 = tpu.memref_slice %arg10[%dma_start3A_20] : memref<20480xf32, #tpu.memory_space<vmem>> -> memref<5120xf32, #tpu.memory_space<vmem>>
    %dma_start3A_22 = tpu.memref_slice %arg5[%add3A_19] : memref<655360xf32, #tpu.memory_space<hbm>> -> memref<5120xf32, #tpu.memory_space<hbm>>
    %dma_start3A_23 = arith.constant 0 : i32
    %dma_start3A_24 = tpu.memref_slice %arg10[%dma_start3A_23] : memref<20480xf32, #tpu.memory_space<vmem>> -> memref<5120xf32, #tpu.memory_space<vmem>>
    %dma_start3A_25 = tpu.memref_slice %arg5[%add3A_19] : memref<655360xf32, #tpu.memory_space<hbm>> -> memref<5120xf32, #tpu.memory_space<hbm>>
    tpu.enqueue_dma source(%dma_start3A_25 : memref<5120xf32, #tpu.memory_space<hbm>>) target(%dma_start3A_24 : memref<5120xf32, #tpu.memory_space<vmem>>) target_semaphore(%arg15 : memref<!tpu.dma_semaphore, #tpu.memory_space<semaphore_mem>>)
    %add3A_26 = arith.constant 163840 : i32
    %add3A_27 = arith.addi %add3A_26, %mul3A_2 : i32
    %dma_start3A_28 = arith.constant 5120 : i32
    %dma_start3A_29 = tpu.memref_slice %arg10[%dma_start3A_28] : memref<20480xf32, #tpu.memory_space<vmem>> -> memref<5120xf32, #tpu.memory_space<vmem>>
    %dma_start3A_30 = tpu.memref_slice %arg5[%add3A_27] : memref<655360xf32, #tpu.memory_space<hbm>> -> memref<5120xf32, #tpu.memory_space<hbm>>
    %dma_start3A_31 = arith.constant 5120 : i32
    %dma_start3A_32 = tpu.memref_slice %arg10[%dma_start3A_31] : memref<20480xf32, #tpu.memory_space<vmem>> -> memref<5120xf32, #tpu.memory_space<vmem>>
    %dma_start3A_33 = tpu.memref_slice %arg5[%add3A_27] : memref<655360xf32, #tpu.memory_space<hbm>> -> memref<5120xf32, #tpu.memory_space<hbm>>
    tpu.enqueue_dma source(%dma_start3A_33 : memref<5120xf32, #tpu.memory_space<hbm>>) target(%dma_start3A_32 : memref<5120xf32, #tpu.memory_space<vmem>>) target_semaphore(%arg15 : memref<!tpu.dma_semaphore, #tpu.memory_space<semaphore_mem>>)
    %add3A_34 = arith.constant 327680 : i32
    %add3A_35 = arith.addi %add3A_34, %mul3A_2 : i32
    %dma_start3A_36 = arith.constant 10240 : i32
    %dma_start3A_37 = tpu.memref_slice %arg10[%dma_start3A_36] : memref<20480xf32, #tpu.memory_space<vmem>> -> memref<5120xf32, #tpu.memory_space<vmem>>
    %dma_start3A_38 = tpu.memref_slice %arg5[%add3A_35] : memref<655360xf32, #tpu.memory_space<hbm>> -> memref<5120xf32, #tpu.memory_space<hbm>>
    %dma_start3A_39 = arith.constant 10240 : i32
    %dma_start3A_40 = tpu.memref_slice %arg10[%dma_start3A_39] : memref<20480xf32, #tpu.memory_space<vmem>> -> memref<5120xf32, #tpu.memory_space<vmem>>
    %dma_start3A_41 = tpu.memref_slice %arg5[%add3A_35] : memref<655360xf32, #tpu.memory_space<hbm>> -> memref<5120xf32, #tpu.memory_space<hbm>>
    tpu.enqueue_dma source(%dma_start3A_41 : memref<5120xf32, #tpu.memory_space<hbm>>) target(%dma_start3A_40 : memref<5120xf32, #tpu.memory_space<vmem>>) target_semaphore(%arg15 : memref<!tpu.dma_semaphore, #tpu.memory_space<semaphore_mem>>)
    %add3A_42 = arith.constant 491520 : i32
    %add3A_43 = arith.addi %add3A_42, %mul3A_2 : i32
    %dma_start3A_44 = arith.constant 15360 : i32
    %dma_start3A_45 = tpu.memref_slice %arg10[%dma_start3A_44] : memref<20480xf32, #tpu.memory_space<vmem>> -> memref<5120xf32, #tpu.memory_space<vmem>>
    %dma_start3A_46 = tpu.memref_slice %arg5[%add3A_43] : memref<655360xf32, #tpu.memory_space<hbm>> -> memref<5120xf32, #tpu.memory_space<hbm>>
    %dma_start3A_47 = arith.constant 15360 : i32
    %dma_start3A_48 = tpu.memref_slice %arg10[%dma_start3A_47] : memref<20480xf32, #tpu.memory_space<vmem>> -> memref<5120xf32, #tpu.memory_space<vmem>>
    %dma_start3A_49 = tpu.memref_slice %arg5[%add3A_43] : memref<655360xf32, #tpu.memory_space<hbm>> -> memref<5120xf32, #tpu.memory_space<hbm>>
    tpu.enqueue_dma source(%dma_start3A_49 : memref<5120xf32, #tpu.memory_space<hbm>>) target(%dma_start3A_48 : memref<5120xf32, #tpu.memory_space<vmem>>) target_semaphore(%arg15 : memref<!tpu.dma_semaphore, #tpu.memory_space<semaphore_mem>>)
    %scan3A = arith.constant 0 : i32
    %scan3A_50 = arith.constant 0 : i32
    %scan3A_51 = arith.constant 40 : i32
    %scan3A_52 = arith.addi %scan3A_50, %scan3A_51 : i32
    %scan3A_53 = arith.constant 1 : i32
    scf.for %scan3A_111 = %scan3A_50 to %scan3A_52 step %scan3A_53  : i32 {
      %broadcast_in_dim3A = arith.constant 0.000000e+00 : f32
      %broadcast_in_dim3A_112 = vector.broadcast %broadcast_in_dim3A : f32 to vector<16xf32>
      %mul3A_113 = arith.constant 16 : i32
      %mul3A_114 = arith.muli %scan3A_111, %mul3A_113 : i32
      %swap3A = arith.index_cast %mul3A_114 : i32 to index
      %swap3A_115 = tpu.vector_load %arg13[%swap3A] {strides = array<i32>} : memref<640xf32, #tpu.memory_space<vmem>>, vector<16xf32>,
      tpu.vector_store %arg13[%swap3A], %broadcast_in_dim3A_112 {strides = array<i32>} : memref<640xf32, #tpu.memory_space<vmem>>, vector<16xf32>,
    }
    %scan3A_54 = arith.constant 40 : i32
    %mul3A_55 = arith.constant 640 : i32
    %mul3A_56 = arith.muli %arg1, %mul3A_55 : i32
    "tpu.region"() ({
      %run_scoped3A = tpu.sem_alloc : memref<!tpu.dma_semaphore, #tpu.memory_space<semaphore_mem>>
      %dma_start3A_111 = tpu.memref_slice %arg14[%mul3A_56] : memref<10240xf32, #tpu.memory_space<vmem_shared>> -> memref<640xf32, #tpu.memory_space<vmem_shared>>
      %dma_start3A_112 = tpu.memref_slice %arg14[%mul3A_56] : memref<10240xf32, #tpu.memory_space<vmem_shared>> -> memref<640xf32, #tpu.memory_space<vmem_shared>>
      tpu.enqueue_dma source(%arg13 : memref<640xf32, #tpu.memory_space<vmem>>) target(%dma_start3A_112 : memref<640xf32, #tpu.memory_space<vmem_shared>>) target_semaphore(%run_scoped3A : memref<!tpu.dma_semaphore, #tpu.memory_space<semaphore_mem>>)
      %dma_wait3A_113 = tpu.memref_slice %arg14[%mul3A_56] : memref<10240xf32, #tpu.memory_space<vmem_shared>> -> memref<640xf32, #tpu.memory_space<vmem_shared>>
      %dma_wait3A_114 = tpu.memref_slice %arg14[%mul3A_56] : memref<10240xf32, #tpu.memory_space<vmem_shared>> -> memref<640xf32, #tpu.memory_space<vmem_shared>>
      tpu.wait_dma2 semaphore(%run_scoped3A : memref<!tpu.dma_semaphore, #tpu.memory_space<semaphore_mem>>) src(%arg13 : memref<640xf32, #tpu.memory_space<vmem>>) dst(%dma_wait3A_114 : memref<640xf32, #tpu.memory_space<vmem_shared>>)
      tpu.yield
    }) : () -> ()
    tpu.wait_dma2 semaphore(%arg15 : memref<!tpu.dma_semaphore, #tpu.memory_space<semaphore_mem>>) src(%arg2 : memref<10240xi32, #tpu.memory_space<hbm>>) dst(%arg7 : memref<10240xi32, #tpu.memory_space<vmem>>)
    %dma_wait3A = arith.constant 0 : i32
    %dma_wait3A_57 = arith.constant 0 : i32
    %dma_wait3A_58 = tpu.memref_slice %arg3[%add3A, %dma_wait3A, %dma_wait3A_57] : memref<32x40x128xi32, #tpu.memory_space<hbm>> -> memref<1x40x128xi32, #tpu.memory_space<hbm>>
    %dma_wait3A_59 = tpu.memref_squeeze %dma_wait3A_58 : memref<1x40x128xi32, #tpu.memory_space<hbm>> -> memref<40x128xi32, #tpu.memory_space<hbm>>
    %dma_wait3A_60 = arith.constant 0 : i32
    %dma_wait3A_61 = arith.constant 0 : i32
    %dma_wait3A_62 = tpu.memref_slice %arg3[%add3A, %dma_wait3A_60, %dma_wait3A_61] : memref<32x40x128xi32, #tpu.memory_space<hbm>> -> memref<1x40x128xi32, #tpu.memory_space<hbm>>
    %dma_wait3A_63 = tpu.memref_squeeze %dma_wait3A_62 : memref<1x40x128xi32, #tpu.memory_space<hbm>> -> memref<40x128xi32, #tpu.memory_space<hbm>>
    tpu.wait_dma2 semaphore(%arg15 : memref<!tpu.dma_semaphore, #tpu.memory_space<semaphore_mem>>) src(%dma_wait3A_63 : memref<40x128xi32, #tpu.memory_space<hbm>>) dst(%arg8 : memref<40x128xi32, #tpu.memory_space<vmem>>)
    %dma_wait3A_64 = arith.constant 0 : i32
    %dma_wait3A_65 = arith.constant 0 : i32
    %dma_wait3A_66 = tpu.memref_slice %arg4[%add3A, %dma_wait3A_64, %dma_wait3A_65] : memref<32x40x128xi32, #tpu.memory_space<hbm>> -> memref<1x40x128xi32, #tpu.memory_space<hbm>>
    %dma_wait3A_67 = tpu.memref_squeeze %dma_wait3A_66 : memref<1x40x128xi32, #tpu.memory_space<hbm>> -> memref<40x128xi32, #tpu.memory_space<hbm>>
    %dma_wait3A_68 = arith.constant 0 : i32
    %dma_wait3A_69 = arith.constant 0 : i32
    %dma_wait3A_70 = tpu.memref_slice %arg4[%add3A, %dma_wait3A_68, %dma_wait3A_69] : memref<32x40x128xi32, #tpu.memory_space<hbm>> -> memref<1x40x128xi32, #tpu.memory_space<hbm>>
    %dma_wait3A_71 = tpu.memref_squeeze %dma_wait3A_70 : memref<1x40x128xi32, #tpu.memory_space<hbm>> -> memref<40x128xi32, #tpu.memory_space<hbm>>
    tpu.wait_dma2 semaphore(%arg15 : memref<!tpu.dma_semaphore, #tpu.memory_space<semaphore_mem>>) src(%dma_wait3A_71 : memref<40x128xi32, #tpu.memory_space<hbm>>) dst(%arg9 : memref<40x128xi32, #tpu.memory_space<vmem>>)
    %dma_wait3A_72 = arith.constant 0 : i32
    %dma_wait3A_73 = tpu.memref_slice %arg10[%dma_wait3A_72] : memref<20480xf32, #tpu.memory_space<vmem>> -> memref<5120xf32, #tpu.memory_space<vmem>>
    %dma_wait3A_74 = tpu.memref_slice %arg5[%add3A_19] : memref<655360xf32, #tpu.memory_space<hbm>> -> memref<5120xf32, #tpu.memory_space<hbm>>
    %dma_wait3A_75 = arith.constant 0 : i32
    %dma_wait3A_76 = tpu.memref_slice %arg10[%dma_wait3A_75] : memref<20480xf32, #tpu.memory_space<vmem>> -> memref<5120xf32, #tpu.memory_space<vmem>>
    %dma_wait3A_77 = tpu.memref_slice %arg5[%add3A_19] : memref<655360xf32, #tpu.memory_space<hbm>> -> memref<5120xf32, #tpu.memory_space<hbm>>
    tpu.wait_dma2 semaphore(%arg15 : memref<!tpu.dma_semaphore, #tpu.memory_space<semaphore_mem>>) src(%dma_wait3A_77 : memref<5120xf32, #tpu.memory_space<hbm>>) dst(%dma_wait3A_76 : memref<5120xf32, #tpu.memory_space<vmem>>)
    %dma_wait3A_78 = arith.constant 5120 : i32
    %dma_wait3A_79 = tpu.memref_slice %arg10[%dma_wait3A_78] : memref<20480xf32, #tpu.memory_space<vmem>> -> memref<5120xf32, #tpu.memory_space<vmem>>
    %dma_wait3A_80 = tpu.memref_slice %arg5[%add3A_27] : memref<655360xf32, #tpu.memory_space<hbm>> -> memref<5120xf32, #tpu.memory_space<hbm>>
    %dma_wait3A_81 = arith.constant 5120 : i32
    %dma_wait3A_82 = tpu.memref_slice %arg10[%dma_wait3A_81] : memref<20480xf32, #tpu.memory_space<vmem>> -> memref<5120xf32, #tpu.memory_space<vmem>>
    %dma_wait3A_83 = tpu.memref_slice %arg5[%add3A_27] : memref<655360xf32, #tpu.memory_space<hbm>> -> memref<5120xf32, #tpu.memory_space<hbm>>
    tpu.wait_dma2 semaphore(%arg15 : memref<!tpu.dma_semaphore, #tpu.memory_space<semaphore_mem>>) src(%dma_wait3A_83 : memref<5120xf32, #tpu.memory_space<hbm>>) dst(%dma_wait3A_82 : memref<5120xf32, #tpu.memory_space<vmem>>)
    %dma_wait3A_84 = arith.constant 10240 : i32
    %dma_wait3A_85 = tpu.memref_slice %arg10[%dma_wait3A_84] : memref<20480xf32, #tpu.memory_space<vmem>> -> memref<5120xf32, #tpu.memory_space<vmem>>
    %dma_wait3A_86 = tpu.memref_slice %arg5[%add3A_35] : memref<655360xf32, #tpu.memory_space<hbm>> -> memref<5120xf32, #tpu.memory_space<hbm>>
    %dma_wait3A_87 = arith.constant 10240 : i32
    %dma_wait3A_88 = tpu.memref_slice %arg10[%dma_wait3A_87] : memref<20480xf32, #tpu.memory_space<vmem>> -> memref<5120xf32, #tpu.memory_space<vmem>>
    %dma_wait3A_89 = tpu.memref_slice %arg5[%add3A_35] : memref<655360xf32, #tpu.memory_space<hbm>> -> memref<5120xf32, #tpu.memory_space<hbm>>
    tpu.wait_dma2 semaphore(%arg15 : memref<!tpu.dma_semaphore, #tpu.memory_space<semaphore_mem>>) src(%dma_wait3A_89 : memref<5120xf32, #tpu.memory_space<hbm>>) dst(%dma_wait3A_88 : memref<5120xf32, #tpu.memory_space<vmem>>)
    %dma_wait3A_90 = arith.constant 15360 : i32
    %dma_wait3A_91 = tpu.memref_slice %arg10[%dma_wait3A_90] : memref<20480xf32, #tpu.memory_space<vmem>> -> memref<5120xf32, #tpu.memory_space<vmem>>
    %dma_wait3A_92 = tpu.memref_slice %arg5[%add3A_43] : memref<655360xf32, #tpu.memory_space<hbm>> -> memref<5120xf32, #tpu.memory_space<hbm>>
    %dma_wait3A_93 = arith.constant 15360 : i32
    %dma_wait3A_94 = tpu.memref_slice %arg10[%dma_wait3A_93] : memref<20480xf32, #tpu.memory_space<vmem>> -> memref<5120xf32, #tpu.memory_space<vmem>>
    %dma_wait3A_95 = tpu.memref_slice %arg5[%add3A_43] : memref<655360xf32, #tpu.memory_space<hbm>> -> memref<5120xf32, #tpu.memory_space<hbm>>
    tpu.wait_dma2 semaphore(%arg15 : memref<!tpu.dma_semaphore, #tpu.memory_space<semaphore_mem>>) src(%dma_wait3A_95 : memref<5120xf32, #tpu.memory_space<hbm>>) dst(%dma_wait3A_94 : memref<5120xf32, #tpu.memory_space<vmem>>)
    %barrier3A = arith.constant 0 : index
    tpu.barrier barrier_id(%barrier3A)
    %iota3A = tpu.iota {dimensions = array<i32: 0>} : vector<16xi32>
    %scan3A_96 = arith.constant 0 : i32
    %scan3A_97 = arith.constant 0 : i32
    %scan3A_98 = arith.constant 320 : i32
    %scan3A_99 = arith.addi %scan3A_97, %scan3A_98 : i32
    %scan3A_100 = arith.constant 2 : i32
    scf.for %scan3A_111 = %scan3A_97 to %scan3A_99 step %scan3A_100  : i32 {
      %shift_right_logical3A = arith.constant 3 : i32
      %shift_right_logical3A_112 = arith.shrui %scan3A_111, %shift_right_logical3A : i32
      %and3A = arith.constant 7 : i32
      %and3A_113 = arith.andi %scan3A_111, %and3A : i32
      %mul3A_114 = arith.constant 16 : i32
      %mul3A_115 = arith.muli %and3A_113, %mul3A_114 : i32
      %mul3A_116 = arith.constant 128 : i32
      %mul3A_117 = arith.muli %shift_right_logical3A_112, %mul3A_116 : i32
      %add3A_118 = arith.addi %mul3A_117, %mul3A_115 : i32
      %get3A = arith.index_cast %shift_right_logical3A_112 : i32 to index
      %get3A_119 = arith.index_cast %mul3A_115 : i32 to index
      %get3A_120 = tpu.vector_load %arg8[%get3A, %get3A_119] {strides = array<i32>} : memref<40x128xi32, #tpu.memory_space<vmem>>, vector<16xi32>,
      %get3A_121 = arith.index_cast %shift_right_logical3A_112 : i32 to index
      %get3A_122 = arith.index_cast %mul3A_115 : i32 to index
      %get3A_123 = tpu.vector_load %arg9[%get3A_121, %get3A_122] {strides = array<i32>} : memref<40x128xi32, #tpu.memory_space<vmem>>, vector<16xi32>,
      %gather3A = tpu.vector_load_idx %arg7[%get3A_120] : memref<10240xi32, #tpu.memory_space<vmem>>[vector<16xi32>], vector<16xi32>,
      %gather3A_124 = tpu.vector_load_idx %arg7[%get3A_123] : memref<10240xi32, #tpu.memory_space<vmem>>[vector<16xi32>], vector<16xi32>,
      %add3A_125 = arith.constant 1 : i32
      %add3A_126 = vector.broadcast %add3A_125 : i32 to vector<16xi32>
      %add3A_127 = arith.addi %gather3A, %add3A_126 : vector<16xi32>
      %shift_right_arithmetic3A = arith.constant 1 : i32
      %shift_right_arithmetic3A_128 = vector.broadcast %shift_right_arithmetic3A : i32 to vector<16xi32>
      %shift_right_arithmetic3A_129 = arith.shrsi %add3A_127, %shift_right_arithmetic3A_128 : vector<16xi32>
      %add3A_130 = arith.constant 1 : i32
      %add3A_131 = vector.broadcast %add3A_130 : i32 to vector<16xi32>
      %add3A_132 = arith.addi %gather3A_124, %add3A_131 : vector<16xi32>
      %shift_right_arithmetic3A_133 = arith.constant 1 : i32
      %shift_right_arithmetic3A_134 = vector.broadcast %shift_right_arithmetic3A_133 : i32 to vector<16xi32>
      %shift_right_arithmetic3A_135 = arith.shrsi %add3A_132, %shift_right_arithmetic3A_134 : vector<16xi32>
      %add3A_136 = vector.broadcast %add3A_118 : i32 to vector<16xi32>
      %add3A_137 = arith.addi %add3A_136, %iota3A : vector<16xi32>
      %mul3A_138 = arith.constant 2 : i32
      %mul3A_139 = vector.broadcast %mul3A_138 : i32 to vector<16xi32>
      %mul3A_140 = arith.muli %mul3A_139, %shift_right_arithmetic3A_135 : vector<16xi32>
      %add3A_141 = arith.addi %mul3A_140, %shift_right_arithmetic3A_129 : vector<16xi32>
      %mul3A_142 = arith.constant 5120 : i32
      %mul3A_143 = vector.broadcast %mul3A_142 : i32 to vector<16xi32>
      %mul3A_144 = arith.muli %add3A_141, %mul3A_143 : vector<16xi32>
      %add3A_145 = arith.addi %mul3A_144, %add3A_137 : vector<16xi32>
      %gather3A_146 = tpu.vector_load_idx %arg10[%add3A_145] : memref<20480xf32, #tpu.memory_space<vmem>>[vector<16xi32>], vector<16xf32>,
      %mul3A_147 = arith.constant 2 : i32
      %mul3A_148 = vector.broadcast %mul3A_147 : i32 to vector<16xi32>
      %mul3A_149 = arith.muli %mul3A_148, %shift_right_arithmetic3A_129 : vector<16xi32>
      %add3A_150 = arith.addi %mul3A_149, %shift_right_arithmetic3A_135 : vector<16xi32>
      %mul3A_151 = arith.constant 5120 : i32
      %mul3A_152 = vector.broadcast %mul3A_151 : i32 to vector<16xi32>
      %mul3A_153 = arith.muli %add3A_150, %mul3A_152 : vector<16xi32>
      %add3A_154 = arith.addi %mul3A_153, %add3A_137 : vector<16xi32>
      %gather3A_155 = tpu.vector_load_idx %arg10[%add3A_154] : memref<20480xf32, #tpu.memory_space<vmem>>[vector<16xi32>], vector<16xf32>,
      %swap3A = arith.index_cast %add3A_118 : i32 to index
      %swap3A_156 = tpu.vector_load %arg11[%swap3A] {strides = array<i32>} : memref<5120xf32, #tpu.memory_space<vmem>>, vector<16xf32>,
      tpu.vector_store %arg11[%swap3A], %gather3A_146 {strides = array<i32>} : memref<5120xf32, #tpu.memory_space<vmem>>, vector<16xf32>,
      %swap3A_157 = arith.index_cast %add3A_118 : i32 to index
      %swap3A_158 = tpu.vector_load %arg12[%swap3A_157] {strides = array<i32>} : memref<5120xf32, #tpu.memory_space<vmem>>, vector<16xf32>,
      tpu.vector_store %arg12[%swap3A_157], %gather3A_155 {strides = array<i32>} : memref<5120xf32, #tpu.memory_space<vmem>>, vector<16xf32>,
      %scan3A_159 = arith.constant 1 : i32
      %scan3A_160 = arith.addi %scan3A_111, %scan3A_159 : i32
      %shift_right_logical3A_161 = arith.constant 3 : i32
      %shift_right_logical3A_162 = arith.shrui %scan3A_160, %shift_right_logical3A_161 : i32
      %and3A_163 = arith.constant 7 : i32
      %and3A_164 = arith.andi %scan3A_160, %and3A_163 : i32
      %mul3A_165 = arith.constant 16 : i32
      %mul3A_166 = arith.muli %and3A_164, %mul3A_165 : i32
      %mul3A_167 = arith.constant 128 : i32
      %mul3A_168 = arith.muli %shift_right_logical3A_162, %mul3A_167 : i32
      %add3A_169 = arith.addi %mul3A_168, %mul3A_166 : i32
      %get3A_170 = arith.index_cast %shift_right_logical3A_162 : i32 to index
      %get3A_171 = arith.index_cast %mul3A_166 : i32 to index
      %get3A_172 = tpu.vector_load %arg8[%get3A_170, %get3A_171] {strides = array<i32>} : memref<40x128xi32, #tpu.memory_space<vmem>>, vector<16xi32>,
      %get3A_173 = arith.index_cast %shift_right_logical3A_162 : i32 to index
      %get3A_174 = arith.index_cast %mul3A_166 : i32 to index
      %get3A_175 = tpu.vector_load %arg9[%get3A_173, %get3A_174] {strides = array<i32>} : memref<40x128xi32, #tpu.memory_space<vmem>>, vector<16xi32>,
      %gather3A_176 = tpu.vector_load_idx %arg7[%get3A_172] : memref<10240xi32, #tpu.memory_space<vmem>>[vector<16xi32>], vector<16xi32>,
      %gather3A_177 = tpu.vector_load_idx %arg7[%get3A_175] : memref<10240xi32, #tpu.memory_space<vmem>>[vector<16xi32>], vector<16xi32>,
      %add3A_178 = arith.constant 1 : i32
      %add3A_179 = vector.broadcast %add3A_178 : i32 to vector<16xi32>
      %add3A_180 = arith.addi %gather3A_176, %add3A_179 : vector<16xi32>
      %shift_right_arithmetic3A_181 = arith.constant 1 : i32
      %shift_right_arithmetic3A_182 = vector.broadcast %shift_right_arithmetic3A_181 : i32 to vector<16xi32>
      %shift_right_arithmetic3A_183 = arith.shrsi %add3A_180, %shift_right_arithmetic3A_182 : vector<16xi32>
      %add3A_184 = arith.constant 1 : i32
      %add3A_185 = vector.broadcast %add3A_184 : i32 to vector<16xi32>
      %add3A_186 = arith.addi %gather3A_177, %add3A_185 : vector<16xi32>
      %shift_right_arithmetic3A_187 = arith.constant 1 : i32
      %shift_right_arithmetic3A_188 = vector.broadcast %shift_right_arithmetic3A_187 : i32 to vector<16xi32>
      %shift_right_arithmetic3A_189 = arith.shrsi %add3A_186, %shift_right_arithmetic3A_188 : vector<16xi32>
      %add3A_190 = vector.broadcast %add3A_169 : i32 to vector<16xi32>
      %add3A_191 = arith.addi %add3A_190, %iota3A : vector<16xi32>
      %mul3A_192 = arith.constant 2 : i32
      %mul3A_193 = vector.broadcast %mul3A_192 : i32 to vector<16xi32>
      %mul3A_194 = arith.muli %mul3A_193, %shift_right_arithmetic3A_189 : vector<16xi32>
      %add3A_195 = arith.addi %mul3A_194, %shift_right_arithmetic3A_183 : vector<16xi32>
      %mul3A_196 = arith.constant 5120 : i32
      %mul3A_197 = vector.broadcast %mul3A_196 : i32 to vector<16xi32>
      %mul3A_198 = arith.muli %add3A_195, %mul3A_197 : vector<16xi32>
      %add3A_199 = arith.addi %mul3A_198, %add3A_191 : vector<16xi32>
      %gather3A_200 = tpu.vector_load_idx %arg10[%add3A_199] : memref<20480xf32, #tpu.memory_space<vmem>>[vector<16xi32>], vector<16xf32>,
      %mul3A_201 = arith.constant 2 : i32
      %mul3A_202 = vector.broadcast %mul3A_201 : i32 to vector<16xi32>
      %mul3A_203 = arith.muli %mul3A_202, %shift_right_arithmetic3A_183 : vector<16xi32>
      %add3A_204 = arith.addi %mul3A_203, %shift_right_arithmetic3A_189 : vector<16xi32>
      %mul3A_205 = arith.constant 5120 : i32
      %mul3A_206 = vector.broadcast %mul3A_205 : i32 to vector<16xi32>
      %mul3A_207 = arith.muli %add3A_204, %mul3A_206 : vector<16xi32>
      %add3A_208 = arith.addi %mul3A_207, %add3A_191 : vector<16xi32>
      %gather3A_209 = tpu.vector_load_idx %arg10[%add3A_208] : memref<20480xf32, #tpu.memory_space<vmem>>[vector<16xi32>], vector<16xf32>,
      %swap3A_210 = arith.index_cast %add3A_169 : i32 to index
      %swap3A_211 = tpu.vector_load %arg11[%swap3A_210] {strides = array<i32>} : memref<5120xf32, #tpu.memory_space<vmem>>, vector<16xf32>,
      tpu.vector_store %arg11[%swap3A_210], %gather3A_200 {strides = array<i32>} : memref<5120xf32, #tpu.memory_space<vmem>>, vector<16xf32>,
      %swap3A_212 = arith.index_cast %add3A_169 : i32 to index
      %swap3A_213 = tpu.vector_load %arg12[%swap3A_212] {strides = array<i32>} : memref<5120xf32, #tpu.memory_space<vmem>>, vector<16xf32>,
      tpu.vector_store %arg12[%swap3A_212], %gather3A_209 {strides = array<i32>} : memref<5120xf32, #tpu.memory_space<vmem>>, vector<16xf32>,
    }
    %scan3A_101 = arith.constant 320 : i32
    %scan3A_102 = arith.constant 0 : i32
    %scan3A_103 = arith.constant 0 : i32
    %scan3A_104 = arith.constant 40 : i32
    %scan3A_105 = arith.addi %scan3A_103, %scan3A_104 : i32
    %scan3A_106 = arith.constant 1 : i32
    scf.for %scan3A_111 = %scan3A_103 to %scan3A_105 step %scan3A_106  : i32 {
      %mul3A_112 = arith.constant 128 : i32
      %mul3A_113 = arith.muli %scan3A_111, %mul3A_112 : i32
      %dma_start3A_114 = tpu.memref_slice %arg11[%mul3A_113] : memref<5120xf32, #tpu.memory_space<vmem>> -> memref<128xf32, #tpu.memory_space<vmem>>
      %dma_start3A_115 = arith.constant 0 : i32
      %dma_start3A_116 = tpu.memref_slice %arg9[%scan3A_111, %dma_start3A_115] : memref<40x128xi32, #tpu.memory_space<vmem>> -> memref<1x128xi32, #tpu.memory_space<vmem>>
      %dma_start3A_117 = tpu.memref_squeeze %dma_start3A_116 : memref<1x128xi32, #tpu.memory_space<vmem>> -> memref<128xi32, #tpu.memory_space<vmem>>
      %dma_start3A_118 = arith.constant 0 : i32
      %dma_start3A_119 = tpu.memref_slice %arg14[%dma_start3A_118] : memref<10240xf32, #tpu.memory_space<vmem_shared>> -> memref<10240xf32, #tpu.memory_space<vmem_shared>>
      tpu.enqueue_indirect_dma source(%dma_start3A_114 : memref<128xf32, #tpu.memory_space<vmem>>) target(%dma_start3A_119 : memref<10240xf32, #tpu.memory_space<vmem_shared>>) offsets(%dma_start3A_117 : memref<128xi32, #tpu.memory_space<vmem>>) semaphore(%arg15 : memref<!tpu.dma_semaphore, #tpu.memory_space<semaphore_mem>>) {add = true}
      %mul3A_120 = arith.constant 128 : i32
      %mul3A_121 = arith.muli %scan3A_111, %mul3A_120 : i32
      %dma_start3A_122 = tpu.memref_slice %arg12[%mul3A_121] : memref<5120xf32, #tpu.memory_space<vmem>> -> memref<128xf32, #tpu.memory_space<vmem>>
      %dma_start3A_123 = arith.constant 0 : i32
      %dma_start3A_124 = tpu.memref_slice %arg8[%scan3A_111, %dma_start3A_123] : memref<40x128xi32, #tpu.memory_space<vmem>> -> memref<1x128xi32, #tpu.memory_space<vmem>>
      %dma_start3A_125 = tpu.memref_squeeze %dma_start3A_124 : memref<1x128xi32, #tpu.memory_space<vmem>> -> memref<128xi32, #tpu.memory_space<vmem>>
      %dma_start3A_126 = arith.constant 0 : i32
      %dma_start3A_127 = tpu.memref_slice %arg14[%dma_start3A_126] : memref<10240xf32, #tpu.memory_space<vmem_shared>> -> memref<10240xf32, #tpu.memory_space<vmem_shared>>
      tpu.enqueue_indirect_dma source(%dma_start3A_122 : memref<128xf32, #tpu.memory_space<vmem>>) target(%dma_start3A_127 : memref<10240xf32, #tpu.memory_space<vmem_shared>>) offsets(%dma_start3A_125 : memref<128xi32, #tpu.memory_space<vmem>>) semaphore(%arg15 : memref<!tpu.dma_semaphore, #tpu.memory_space<semaphore_mem>>) {add = true}
      %dma_wait3A_128 = tpu.memref_slice %arg11[%mul3A_113] : memref<5120xf32, #tpu.memory_space<vmem>> -> memref<128xf32, #tpu.memory_space<vmem>>
      %dma_wait3A_129 = arith.constant 0 : i32
      %dma_wait3A_130 = tpu.memref_slice %arg9[%scan3A_111, %dma_wait3A_129] : memref<40x128xi32, #tpu.memory_space<vmem>> -> memref<1x128xi32, #tpu.memory_space<vmem>>
      %dma_wait3A_131 = tpu.memref_squeeze %dma_wait3A_130 : memref<1x128xi32, #tpu.memory_space<vmem>> -> memref<128xi32, #tpu.memory_space<vmem>>
      %dma_wait3A_132 = arith.constant 0 : i32
      %dma_wait3A_133 = tpu.memref_slice %arg14[%dma_wait3A_132] : memref<10240xf32, #tpu.memory_space<vmem_shared>> -> memref<10240xf32, #tpu.memory_space<vmem_shared>>
      tpu.wait_indirect_dma semaphore(%arg15 : memref<!tpu.dma_semaphore, #tpu.memory_space<semaphore_mem>>) src(%dma_wait3A_128 : memref<128xf32, #tpu.memory_space<vmem>>) dst(%dma_wait3A_133 : memref<10240xf32, #tpu.memory_space<vmem_shared>>)
      %dma_wait3A_134 = tpu.memref_slice %arg12[%mul3A_121] : memref<5120xf32, #tpu.memory_space<vmem>> -> memref<128xf32, #tpu.memory_space<vmem>>
      %dma_wait3A_135 = arith.constant 0 : i32
      %dma_wait3A_136 = tpu.memref_slice %arg8[%scan3A_111, %dma_wait3A_135] : memref<40x128xi32, #tpu.memory_space<vmem>> -> memref<1x128xi32, #tpu.memory_space<vmem>>
      %dma_wait3A_137 = tpu.memref_squeeze %dma_wait3A_136 : memref<1x128xi32, #tpu.memory_space<vmem>> -> memref<128xi32, #tpu.memory_space<vmem>>
      %dma_wait3A_138 = arith.constant 0 : i32
      %dma_wait3A_139 = tpu.memref_slice %arg14[%dma_wait3A_138] : memref<10240xf32, #tpu.memory_space<vmem_shared>> -> memref<10240xf32, #tpu.memory_space<vmem_shared>>
      tpu.wait_indirect_dma semaphore(%arg15 : memref<!tpu.dma_semaphore, #tpu.memory_space<semaphore_mem>>) src(%dma_wait3A_134 : memref<128xf32, #tpu.memory_space<vmem>>) dst(%dma_wait3A_139 : memref<10240xf32, #tpu.memory_space<vmem_shared>>)
    }
    %scan3A_107 = arith.constant 40 : i32
    %barrier3A_108 = arith.constant 0 : index
    tpu.barrier barrier_id(%barrier3A_108)
    %eq3A = arith.constant 0 : i32
    %eq3A_109 = arith.cmpi eq, %arg1, %eq3A : i32
    %convert_element_type3A = arith.extui %eq3A_109 : i1 to i32
    %cond3A = arith.constant 0 : i32
    %cond3A_110 = arith.cmpi ne, %convert_element_type3A, %cond3A : i32
    scf.if %cond3A_110 {
      "tpu.region"() ({
        %run_scoped3A = tpu.sem_alloc : memref<!tpu.dma_semaphore, #tpu.memory_space<semaphore_mem>>
        %dma_start3A_111 = arith.constant 0 : i32
        %dma_start3A_112 = tpu.memref_slice %arg6[%arg0, %dma_start3A_111] : memref<2x10240xf32, #tpu.memory_space<hbm>> -> memref<1x10240xf32, #tpu.memory_space<hbm>>
        %dma_start3A_113 = tpu.memref_squeeze %dma_start3A_112 : memref<1x10240xf32, #tpu.memory_space<hbm>> -> memref<10240xf32, #tpu.memory_space<hbm>>
        tpu.enqueue_dma source(%arg14 : memref<10240xf32, #tpu.memory_space<vmem_shared>>) target(%dma_start3A_113 : memref<10240xf32, #tpu.memory_space<hbm>>) target_semaphore(%run_scoped3A : memref<!tpu.dma_semaphore, #tpu.memory_space<semaphore_mem>>)
        %dma_wait3A_114 = arith.constant 0 : i32
        %dma_wait3A_115 = tpu.memref_slice %arg6[%arg0, %dma_wait3A_114] : memref<2x10240xf32, #tpu.memory_space<hbm>> -> memref<1x10240xf32, #tpu.memory_space<hbm>>
        %dma_wait3A_116 = tpu.memref_squeeze %dma_wait3A_115 : memref<1x10240xf32, #tpu.memory_space<hbm>> -> memref<10240xf32, #tpu.memory_space<hbm>>
        tpu.wait_dma2 semaphore(%run_scoped3A : memref<!tpu.dma_semaphore, #tpu.memory_space<semaphore_mem>>) src(%arg14 : memref<10240xf32, #tpu.memory_space<vmem_shared>>) dst(%dma_wait3A_116 : memref<10240xf32, #tpu.memory_space<hbm>>)
        tpu.yield
      }) : () -> ()
    } else {
    }
    return
  }
}

#map = affine_map<(d0, d1) -> (0)>
#map1 = affine_map<(d0, d1) -> (0, 0, 0)>
#map2 = affine_map<(d0, d1) -> (0, 0)>
module attributes {stable_mosaic.version = 14 : i64} {
  func.func @sc_kernel(%arg0: i32, %arg1: i32, %arg2: memref<10240xi32, #tpu.memory_space<hbm>>, %arg3: memref<32x40x128xi32, #tpu.memory_space<hbm>>, %arg4: memref<32x40x128xi32, #tpu.memory_space<hbm>>, %arg5: memref<655360xf32, #tpu.memory_space<hbm>>, %arg6: memref<2x10240xf32, #tpu.memory_space<hbm>>, %arg7: memref<10240xi32, #tpu.memory_space<vmem>>, %arg8: memref<40x128xi32, #tpu.memory_space<vmem>>, %arg9: memref<40x128xi32, #tpu.memory_space<vmem>>, %arg10: memref<20480xf32, #tpu.memory_space<vmem>>, %arg11: memref<5120xf32, #tpu.memory_space<vmem>>, %arg12: memref<5120xf32, #tpu.memory_space<vmem>>, %arg13: memref<640xf32, #tpu.memory_space<vmem>>, %arg14: memref<10240xf32, #tpu.memory_space<vmem_shared>>, %arg15: memref<!tpu.dma_semaphore, #tpu.memory_space<semaphore_mem>>) attributes {dimension_semantics = [#tpu.dimension_semantics<core_parallel>, #tpu.dimension_semantics<subcore_parallel>], iteration_bounds = array<i64: 2, 16>, scalar_prefetch = 0 : i64, scratch_operands = 9 : i64, tpu.core_type = #tpu.core_type<sc_vector_subcore>, window_params = [{transform_indices = #map}, {transform_indices = #map1}, {transform_indices = #map1}, {transform_indices = #map}, {transform_indices = #map2}]} {
    %mul3A = arith.constant 16 : i32
    %mul3A_0 = arith.muli %arg0, %mul3A : i32
    %add3A = arith.addi %mul3A_0, %arg1 : i32
    %mul3A_1 = arith.constant 5120 : i32
    %mul3A_2 = arith.muli %add3A, %mul3A_1 : i32
    tpu.enqueue_dma source(%arg2 : memref<10240xi32, #tpu.memory_space<hbm>>) target(%arg7 : memref<10240xi32, #tpu.memory_space<vmem>>) target_semaphore(%arg15 : memref<!tpu.dma_semaphore, #tpu.memory_space<semaphore_mem>>)
    %dma_start3A = arith.constant 0 : i32
    %dma_start3A_3 = arith.constant 0 : i32
    %dma_start3A_4 = tpu.memref_slice %arg3[%add3A, %dma_start3A, %dma_start3A_3] : memref<32x40x128xi32, #tpu.memory_space<hbm>> -> memref<1x40x128xi32, #tpu.memory_space<hbm>>
    %dma_start3A_5 = tpu.memref_squeeze %dma_start3A_4 : memref<1x40x128xi32, #tpu.memory_space<hbm>> -> memref<40x128xi32, #tpu.memory_space<hbm>>
    %dma_start3A_6 = arith.constant 0 : i32
    %dma_start3A_7 = arith.constant 0 : i32
    %dma_start3A_8 = tpu.memref_slice %arg3[%add3A, %dma_start3A_6, %dma_start3A_7] : memref<32x40x128xi32, #tpu.memory_space<hbm>> -> memref<1x40x128xi32, #tpu.memory_space<hbm>>
    %dma_start3A_9 = tpu.memref_squeeze %dma_start3A_8 : memref<1x40x128xi32, #tpu.memory_space<hbm>> -> memref<40x128xi32, #tpu.memory_space<hbm>>
    tpu.enqueue_dma source(%dma_start3A_9 : memref<40x128xi32, #tpu.memory_space<hbm>>) target(%arg8 : memref<40x128xi32, #tpu.memory_space<vmem>>) target_semaphore(%arg15 : memref<!tpu.dma_semaphore, #tpu.memory_space<semaphore_mem>>)
    %dma_start3A_10 = arith.constant 0 : i32
    %dma_start3A_11 = arith.constant 0 : i32
    %dma_start3A_12 = tpu.memref_slice %arg4[%add3A, %dma_start3A_10, %dma_start3A_11] : memref<32x40x128xi32, #tpu.memory_space<hbm>> -> memref<1x40x128xi32, #tpu.memory_space<hbm>>
    %dma_start3A_13 = tpu.memref_squeeze %dma_start3A_12 : memref<1x40x128xi32, #tpu.memory_space<hbm>> -> memref<40x128xi32, #tpu.memory_space<hbm>>
    %dma_start3A_14 = arith.constant 0 : i32
    %dma_start3A_15 = arith.constant 0 : i32
    %dma_start3A_16 = tpu.memref_slice %arg4[%add3A, %dma_start3A_14, %dma_start3A_15] : memref<32x40x128xi32, #tpu.memory_space<hbm>> -> memref<1x40x128xi32, #tpu.memory_space<hbm>>
    %dma_start3A_17 = tpu.memref_squeeze %dma_start3A_16 : memref<1x40x128xi32, #tpu.memory_space<hbm>> -> memref<40x128xi32, #tpu.memory_space<hbm>>
    tpu.enqueue_dma source(%dma_start3A_17 : memref<40x128xi32, #tpu.memory_space<hbm>>) target(%arg9 : memref<40x128xi32, #tpu.memory_space<vmem>>) target_semaphore(%arg15 : memref<!tpu.dma_semaphore, #tpu.memory_space<semaphore_mem>>)
    %add3A_18 = arith.constant 0 : i32
    %add3A_19 = arith.addi %add3A_18, %mul3A_2 : i32
    %dma_start3A_20 = arith.constant 0 : i32
    %dma_start3A_21 = tpu.memref_slice %arg10[%dma_start3A_20] : memref<20480xf32, #tpu.memory_space<vmem>> -> memref<5120xf32, #tpu.memory_space<vmem>>
    %dma_start3A_22 = tpu.memref_slice %arg5[%add3A_19] : memref<655360xf32, #tpu.memory_space<hbm>> -> memref<5120xf32, #tpu.memory_space<hbm>>
    %dma_start3A_23 = arith.constant 0 : i32
    %dma_start3A_24 = tpu.memref_slice %arg10[%dma_start3A_23] : memref<20480xf32, #tpu.memory_space<vmem>> -> memref<5120xf32, #tpu.memory_space<vmem>>
    %dma_start3A_25 = tpu.memref_slice %arg5[%add3A_19] : memref<655360xf32, #tpu.memory_space<hbm>> -> memref<5120xf32, #tpu.memory_space<hbm>>
    tpu.enqueue_dma source(%dma_start3A_25 : memref<5120xf32, #tpu.memory_space<hbm>>) target(%dma_start3A_24 : memref<5120xf32, #tpu.memory_space<vmem>>) target_semaphore(%arg15 : memref<!tpu.dma_semaphore, #tpu.memory_space<semaphore_mem>>)
    %add3A_26 = arith.constant 163840 : i32
    %add3A_27 = arith.addi %add3A_26, %mul3A_2 : i32
    %dma_start3A_28 = arith.constant 5120 : i32
    %dma_start3A_29 = tpu.memref_slice %arg10[%dma_start3A_28] : memref<20480xf32, #tpu.memory_space<vmem>> -> memref<5120xf32, #tpu.memory_space<vmem>>
    %dma_start3A_30 = tpu.memref_slice %arg5[%add3A_27] : memref<655360xf32, #tpu.memory_space<hbm>> -> memref<5120xf32, #tpu.memory_space<hbm>>
    %dma_start3A_31 = arith.constant 5120 : i32
    %dma_start3A_32 = tpu.memref_slice %arg10[%dma_start3A_31] : memref<20480xf32, #tpu.memory_space<vmem>> -> memref<5120xf32, #tpu.memory_space<vmem>>
    %dma_start3A_33 = tpu.memref_slice %arg5[%add3A_27] : memref<655360xf32, #tpu.memory_space<hbm>> -> memref<5120xf32, #tpu.memory_space<hbm>>
    tpu.enqueue_dma source(%dma_start3A_33 : memref<5120xf32, #tpu.memory_space<hbm>>) target(%dma_start3A_32 : memref<5120xf32, #tpu.memory_space<vmem>>) target_semaphore(%arg15 : memref<!tpu.dma_semaphore, #tpu.memory_space<semaphore_mem>>)
    %add3A_34 = arith.constant 327680 : i32
    %add3A_35 = arith.addi %add3A_34, %mul3A_2 : i32
    %dma_start3A_36 = arith.constant 10240 : i32
    %dma_start3A_37 = tpu.memref_slice %arg10[%dma_start3A_36] : memref<20480xf32, #tpu.memory_space<vmem>> -> memref<5120xf32, #tpu.memory_space<vmem>>
    %dma_start3A_38 = tpu.memref_slice %arg5[%add3A_35] : memref<655360xf32, #tpu.memory_space<hbm>> -> memref<5120xf32, #tpu.memory_space<hbm>>
    %dma_start3A_39 = arith.constant 10240 : i32
    %dma_start3A_40 = tpu.memref_slice %arg10[%dma_start3A_39] : memref<20480xf32, #tpu.memory_space<vmem>> -> memref<5120xf32, #tpu.memory_space<vmem>>
    %dma_start3A_41 = tpu.memref_slice %arg5[%add3A_35] : memref<655360xf32, #tpu.memory_space<hbm>> -> memref<5120xf32, #tpu.memory_space<hbm>>
    tpu.enqueue_dma source(%dma_start3A_41 : memref<5120xf32, #tpu.memory_space<hbm>>) target(%dma_start3A_40 : memref<5120xf32, #tpu.memory_space<vmem>>) target_semaphore(%arg15 : memref<!tpu.dma_semaphore, #tpu.memory_space<semaphore_mem>>)
    %add3A_42 = arith.constant 491520 : i32
    %add3A_43 = arith.addi %add3A_42, %mul3A_2 : i32
    %dma_start3A_44 = arith.constant 15360 : i32
    %dma_start3A_45 = tpu.memref_slice %arg10[%dma_start3A_44] : memref<20480xf32, #tpu.memory_space<vmem>> -> memref<5120xf32, #tpu.memory_space<vmem>>
    %dma_start3A_46 = tpu.memref_slice %arg5[%add3A_43] : memref<655360xf32, #tpu.memory_space<hbm>> -> memref<5120xf32, #tpu.memory_space<hbm>>
    %dma_start3A_47 = arith.constant 15360 : i32
    %dma_start3A_48 = tpu.memref_slice %arg10[%dma_start3A_47] : memref<20480xf32, #tpu.memory_space<vmem>> -> memref<5120xf32, #tpu.memory_space<vmem>>
    %dma_start3A_49 = tpu.memref_slice %arg5[%add3A_43] : memref<655360xf32, #tpu.memory_space<hbm>> -> memref<5120xf32, #tpu.memory_space<hbm>>
    tpu.enqueue_dma source(%dma_start3A_49 : memref<5120xf32, #tpu.memory_space<hbm>>) target(%dma_start3A_48 : memref<5120xf32, #tpu.memory_space<vmem>>) target_semaphore(%arg15 : memref<!tpu.dma_semaphore, #tpu.memory_space<semaphore_mem>>)
    %scan3A = arith.constant 0 : i32
    %scan3A_50 = arith.constant 0 : i32
    %scan3A_51 = arith.constant 40 : i32
    %scan3A_52 = arith.addi %scan3A_50, %scan3A_51 : i32
    %scan3A_53 = arith.constant 1 : i32
    scf.for %scan3A_111 = %scan3A_50 to %scan3A_52 step %scan3A_53  : i32 {
      %broadcast_in_dim3A = arith.constant 0.000000e+00 : f32
      %broadcast_in_dim3A_112 = vector.broadcast %broadcast_in_dim3A : f32 to vector<16xf32>
      %mul3A_113 = arith.constant 16 : i32
      %mul3A_114 = arith.muli %scan3A_111, %mul3A_113 : i32
      %swap3A = arith.index_cast %mul3A_114 : i32 to index
      %swap3A_115 = tpu.vector_load %arg13[%swap3A] {strides = array<i32>} : memref<640xf32, #tpu.memory_space<vmem>>, vector<16xf32>,
      tpu.vector_store %arg13[%swap3A], %broadcast_in_dim3A_112 {strides = array<i32>} : memref<640xf32, #tpu.memory_space<vmem>>, vector<16xf32>,
    }
    %scan3A_54 = arith.constant 40 : i32
    %mul3A_55 = arith.constant 640 : i32
    %mul3A_56 = arith.muli %arg1, %mul3A_55 : i32
    "tpu.region"() ({
      %run_scoped3A = tpu.sem_alloc : memref<!tpu.dma_semaphore, #tpu.memory_space<semaphore_mem>>
      %dma_start3A_111 = tpu.memref_slice %arg14[%mul3A_56] : memref<10240xf32, #tpu.memory_space<vmem_shared>> -> memref<640xf32, #tpu.memory_space<vmem_shared>>
      %dma_start3A_112 = tpu.memref_slice %arg14[%mul3A_56] : memref<10240xf32, #tpu.memory_space<vmem_shared>> -> memref<640xf32, #tpu.memory_space<vmem_shared>>
      tpu.enqueue_dma source(%arg13 : memref<640xf32, #tpu.memory_space<vmem>>) target(%dma_start3A_112 : memref<640xf32, #tpu.memory_space<vmem_shared>>) target_semaphore(%run_scoped3A : memref<!tpu.dma_semaphore, #tpu.memory_space<semaphore_mem>>)
      %dma_wait3A_113 = tpu.memref_slice %arg14[%mul3A_56] : memref<10240xf32, #tpu.memory_space<vmem_shared>> -> memref<640xf32, #tpu.memory_space<vmem_shared>>
      %dma_wait3A_114 = tpu.memref_slice %arg14[%mul3A_56] : memref<10240xf32, #tpu.memory_space<vmem_shared>> -> memref<640xf32, #tpu.memory_space<vmem_shared>>
      tpu.wait_dma2 semaphore(%run_scoped3A : memref<!tpu.dma_semaphore, #tpu.memory_space<semaphore_mem>>) src(%arg13 : memref<640xf32, #tpu.memory_space<vmem>>) dst(%dma_wait3A_114 : memref<640xf32, #tpu.memory_space<vmem_shared>>)
      tpu.yield
    }) : () -> ()
    tpu.wait_dma2 semaphore(%arg15 : memref<!tpu.dma_semaphore, #tpu.memory_space<semaphore_mem>>) src(%arg2 : memref<10240xi32, #tpu.memory_space<hbm>>) dst(%arg7 : memref<10240xi32, #tpu.memory_space<vmem>>)
    %dma_wait3A = arith.constant 0 : i32
    %dma_wait3A_57 = arith.constant 0 : i32
    %dma_wait3A_58 = tpu.memref_slice %arg3[%add3A, %dma_wait3A, %dma_wait3A_57] : memref<32x40x128xi32, #tpu.memory_space<hbm>> -> memref<1x40x128xi32, #tpu.memory_space<hbm>>
    %dma_wait3A_59 = tpu.memref_squeeze %dma_wait3A_58 : memref<1x40x128xi32, #tpu.memory_space<hbm>> -> memref<40x128xi32, #tpu.memory_space<hbm>>
    %dma_wait3A_60 = arith.constant 0 : i32
    %dma_wait3A_61 = arith.constant 0 : i32
    %dma_wait3A_62 = tpu.memref_slice %arg3[%add3A, %dma_wait3A_60, %dma_wait3A_61] : memref<32x40x128xi32, #tpu.memory_space<hbm>> -> memref<1x40x128xi32, #tpu.memory_space<hbm>>
    %dma_wait3A_63 = tpu.memref_squeeze %dma_wait3A_62 : memref<1x40x128xi32, #tpu.memory_space<hbm>> -> memref<40x128xi32, #tpu.memory_space<hbm>>
    tpu.wait_dma2 semaphore(%arg15 : memref<!tpu.dma_semaphore, #tpu.memory_space<semaphore_mem>>) src(%dma_wait3A_63 : memref<40x128xi32, #tpu.memory_space<hbm>>) dst(%arg8 : memref<40x128xi32, #tpu.memory_space<vmem>>)
    %dma_wait3A_64 = arith.constant 0 : i32
    %dma_wait3A_65 = arith.constant 0 : i32
    %dma_wait3A_66 = tpu.memref_slice %arg4[%add3A, %dma_wait3A_64, %dma_wait3A_65] : memref<32x40x128xi32, #tpu.memory_space<hbm>> -> memref<1x40x128xi32, #tpu.memory_space<hbm>>
    %dma_wait3A_67 = tpu.memref_squeeze %dma_wait3A_66 : memref<1x40x128xi32, #tpu.memory_space<hbm>> -> memref<40x128xi32, #tpu.memory_space<hbm>>
    %dma_wait3A_68 = arith.constant 0 : i32
    %dma_wait3A_69 = arith.constant 0 : i32
    %dma_wait3A_70 = tpu.memref_slice %arg4[%add3A, %dma_wait3A_68, %dma_wait3A_69] : memref<32x40x128xi32, #tpu.memory_space<hbm>> -> memref<1x40x128xi32, #tpu.memory_space<hbm>>
    %dma_wait3A_71 = tpu.memref_squeeze %dma_wait3A_70 : memref<1x40x128xi32, #tpu.memory_space<hbm>> -> memref<40x128xi32, #tpu.memory_space<hbm>>
    tpu.wait_dma2 semaphore(%arg15 : memref<!tpu.dma_semaphore, #tpu.memory_space<semaphore_mem>>) src(%dma_wait3A_71 : memref<40x128xi32, #tpu.memory_space<hbm>>) dst(%arg9 : memref<40x128xi32, #tpu.memory_space<vmem>>)
    %dma_wait3A_72 = arith.constant 0 : i32
    %dma_wait3A_73 = tpu.memref_slice %arg10[%dma_wait3A_72] : memref<20480xf32, #tpu.memory_space<vmem>> -> memref<5120xf32, #tpu.memory_space<vmem>>
    %dma_wait3A_74 = tpu.memref_slice %arg5[%add3A_19] : memref<655360xf32, #tpu.memory_space<hbm>> -> memref<5120xf32, #tpu.memory_space<hbm>>
    %dma_wait3A_75 = arith.constant 0 : i32
    %dma_wait3A_76 = tpu.memref_slice %arg10[%dma_wait3A_75] : memref<20480xf32, #tpu.memory_space<vmem>> -> memref<5120xf32, #tpu.memory_space<vmem>>
    %dma_wait3A_77 = tpu.memref_slice %arg5[%add3A_19] : memref<655360xf32, #tpu.memory_space<hbm>> -> memref<5120xf32, #tpu.memory_space<hbm>>
    tpu.wait_dma2 semaphore(%arg15 : memref<!tpu.dma_semaphore, #tpu.memory_space<semaphore_mem>>) src(%dma_wait3A_77 : memref<5120xf32, #tpu.memory_space<hbm>>) dst(%dma_wait3A_76 : memref<5120xf32, #tpu.memory_space<vmem>>)
    %dma_wait3A_78 = arith.constant 5120 : i32
    %dma_wait3A_79 = tpu.memref_slice %arg10[%dma_wait3A_78] : memref<20480xf32, #tpu.memory_space<vmem>> -> memref<5120xf32, #tpu.memory_space<vmem>>
    %dma_wait3A_80 = tpu.memref_slice %arg5[%add3A_27] : memref<655360xf32, #tpu.memory_space<hbm>> -> memref<5120xf32, #tpu.memory_space<hbm>>
    %dma_wait3A_81 = arith.constant 5120 : i32
    %dma_wait3A_82 = tpu.memref_slice %arg10[%dma_wait3A_81] : memref<20480xf32, #tpu.memory_space<vmem>> -> memref<5120xf32, #tpu.memory_space<vmem>>
    %dma_wait3A_83 = tpu.memref_slice %arg5[%add3A_27] : memref<655360xf32, #tpu.memory_space<hbm>> -> memref<5120xf32, #tpu.memory_space<hbm>>
    tpu.wait_dma2 semaphore(%arg15 : memref<!tpu.dma_semaphore, #tpu.memory_space<semaphore_mem>>) src(%dma_wait3A_83 : memref<5120xf32, #tpu.memory_space<hbm>>) dst(%dma_wait3A_82 : memref<5120xf32, #tpu.memory_space<vmem>>)
    %dma_wait3A_84 = arith.constant 10240 : i32
    %dma_wait3A_85 = tpu.memref_slice %arg10[%dma_wait3A_84] : memref<20480xf32, #tpu.memory_space<vmem>> -> memref<5120xf32, #tpu.memory_space<vmem>>
    %dma_wait3A_86 = tpu.memref_slice %arg5[%add3A_35] : memref<655360xf32, #tpu.memory_space<hbm>> -> memref<5120xf32, #tpu.memory_space<hbm>>
    %dma_wait3A_87 = arith.constant 10240 : i32
    %dma_wait3A_88 = tpu.memref_slice %arg10[%dma_wait3A_87] : memref<20480xf32, #tpu.memory_space<vmem>> -> memref<5120xf32, #tpu.memory_space<vmem>>
    %dma_wait3A_89 = tpu.memref_slice %arg5[%add3A_35] : memref<655360xf32, #tpu.memory_space<hbm>> -> memref<5120xf32, #tpu.memory_space<hbm>>
    tpu.wait_dma2 semaphore(%arg15 : memref<!tpu.dma_semaphore, #tpu.memory_space<semaphore_mem>>) src(%dma_wait3A_89 : memref<5120xf32, #tpu.memory_space<hbm>>) dst(%dma_wait3A_88 : memref<5120xf32, #tpu.memory_space<vmem>>)
    %dma_wait3A_90 = arith.constant 15360 : i32
    %dma_wait3A_91 = tpu.memref_slice %arg10[%dma_wait3A_90] : memref<20480xf32, #tpu.memory_space<vmem>> -> memref<5120xf32, #tpu.memory_space<vmem>>
    %dma_wait3A_92 = tpu.memref_slice %arg5[%add3A_43] : memref<655360xf32, #tpu.memory_space<hbm>> -> memref<5120xf32, #tpu.memory_space<hbm>>
    %dma_wait3A_93 = arith.constant 15360 : i32
    %dma_wait3A_94 = tpu.memref_slice %arg10[%dma_wait3A_93] : memref<20480xf32, #tpu.memory_space<vmem>> -> memref<5120xf32, #tpu.memory_space<vmem>>
    %dma_wait3A_95 = tpu.memref_slice %arg5[%add3A_43] : memref<655360xf32, #tpu.memory_space<hbm>> -> memref<5120xf32, #tpu.memory_space<hbm>>
    tpu.wait_dma2 semaphore(%arg15 : memref<!tpu.dma_semaphore, #tpu.memory_space<semaphore_mem>>) src(%dma_wait3A_95 : memref<5120xf32, #tpu.memory_space<hbm>>) dst(%dma_wait3A_94 : memref<5120xf32, #tpu.memory_space<vmem>>)
    %barrier3A = arith.constant 0 : index
    tpu.barrier barrier_id(%barrier3A)
    %iota3A = tpu.iota {dimensions = array<i32: 0>} : vector<16xi32>
    %scan3A_96 = arith.constant 0 : i32
    %scan3A_97 = arith.constant 0 : i32
    %scan3A_98 = arith.constant 320 : i32
    %scan3A_99 = arith.addi %scan3A_97, %scan3A_98 : i32
    %scan3A_100 = arith.constant 2 : i32
    scf.for %scan3A_111 = %scan3A_97 to %scan3A_99 step %scan3A_100  : i32 {
      %shift_right_logical3A = arith.constant 3 : i32
      %shift_right_logical3A_112 = arith.shrui %scan3A_111, %shift_right_logical3A : i32
      %and3A = arith.constant 7 : i32
      %and3A_113 = arith.andi %scan3A_111, %and3A : i32
      %mul3A_114 = arith.constant 16 : i32
      %mul3A_115 = arith.muli %and3A_113, %mul3A_114 : i32
      %mul3A_116 = arith.constant 128 : i32
      %mul3A_117 = arith.muli %shift_right_logical3A_112, %mul3A_116 : i32
      %add3A_118 = arith.addi %mul3A_117, %mul3A_115 : i32
      %get3A = arith.index_cast %shift_right_logical3A_112 : i32 to index
      %get3A_119 = arith.index_cast %mul3A_115 : i32 to index
      %get3A_120 = tpu.vector_load %arg8[%get3A, %get3A_119] {strides = array<i32>} : memref<40x128xi32, #tpu.memory_space<vmem>>, vector<16xi32>,
      %get3A_121 = arith.index_cast %shift_right_logical3A_112 : i32 to index
      %get3A_122 = arith.index_cast %mul3A_115 : i32 to index
      %get3A_123 = tpu.vector_load %arg9[%get3A_121, %get3A_122] {strides = array<i32>} : memref<40x128xi32, #tpu.memory_space<vmem>>, vector<16xi32>,
      %gather3A = tpu.vector_load_idx %arg7[%get3A_120] : memref<10240xi32, #tpu.memory_space<vmem>>[vector<16xi32>], vector<16xi32>,
      %gather3A_124 = tpu.vector_load_idx %arg7[%get3A_123] : memref<10240xi32, #tpu.memory_space<vmem>>[vector<16xi32>], vector<16xi32>,
      %add3A_125 = arith.constant 1 : i32
      %add3A_126 = vector.broadcast %add3A_125 : i32 to vector<16xi32>
      %add3A_127 = arith.addi %gather3A, %add3A_126 : vector<16xi32>
      %shift_right_arithmetic3A = arith.constant 1 : i32
      %shift_right_arithmetic3A_128 = vector.broadcast %shift_right_arithmetic3A : i32 to vector<16xi32>
      %shift_right_arithmetic3A_129 = arith.shrsi %add3A_127, %shift_right_arithmetic3A_128 : vector<16xi32>
      %add3A_130 = arith.constant 1 : i32
      %add3A_131 = vector.broadcast %add3A_130 : i32 to vector<16xi32>
      %add3A_132 = arith.addi %gather3A_124, %add3A_131 : vector<16xi32>
      %shift_right_arithmetic3A_133 = arith.constant 1 : i32
      %shift_right_arithmetic3A_134 = vector.broadcast %shift_right_arithmetic3A_133 : i32 to vector<16xi32>
      %shift_right_arithmetic3A_135 = arith.shrsi %add3A_132, %shift_right_arithmetic3A_134 : vector<16xi32>
      %add3A_136 = vector.broadcast %add3A_118 : i32 to vector<16xi32>
      %add3A_137 = arith.addi %add3A_136, %iota3A : vector<16xi32>
      %mul3A_138 = arith.constant 2 : i32
      %mul3A_139 = vector.broadcast %mul3A_138 : i32 to vector<16xi32>
      %mul3A_140 = arith.muli %mul3A_139, %shift_right_arithmetic3A_135 : vector<16xi32>
      %add3A_141 = arith.addi %mul3A_140, %shift_right_arithmetic3A_129 : vector<16xi32>
      %mul3A_142 = arith.constant 5120 : i32
      %mul3A_143 = vector.broadcast %mul3A_142 : i32 to vector<16xi32>
      %mul3A_144 = arith.muli %add3A_141, %mul3A_143 : vector<16xi32>
      %add3A_145 = arith.addi %mul3A_144, %add3A_137 : vector<16xi32>
      %gather3A_146 = tpu.vector_load_idx %arg10[%add3A_145] : memref<20480xf32, #tpu.memory_space<vmem>>[vector<16xi32>], vector<16xf32>,
      %mul3A_147 = arith.constant 2 : i32
      %mul3A_148 = vector.broadcast %mul3A_147 : i32 to vector<16xi32>
      %mul3A_149 = arith.muli %mul3A_148, %shift_right_arithmetic3A_129 : vector<16xi32>
      %add3A_150 = arith.addi %mul3A_149, %shift_right_arithmetic3A_135 : vector<16xi32>
      %mul3A_151 = arith.constant 5120 : i32
      %mul3A_152 = vector.broadcast %mul3A_151 : i32 to vector<16xi32>
      %mul3A_153 = arith.muli %add3A_150, %mul3A_152 : vector<16xi32>
      %add3A_154 = arith.addi %mul3A_153, %add3A_137 : vector<16xi32>
      %gather3A_155 = tpu.vector_load_idx %arg10[%add3A_154] : memref<20480xf32, #tpu.memory_space<vmem>>[vector<16xi32>], vector<16xf32>,
      %swap3A = arith.index_cast %add3A_118 : i32 to index
      %swap3A_156 = tpu.vector_load %arg11[%swap3A] {strides = array<i32>} : memref<5120xf32, #tpu.memory_space<vmem>>, vector<16xf32>,
      tpu.vector_store %arg11[%swap3A], %gather3A_146 {strides = array<i32>} : memref<5120xf32, #tpu.memory_space<vmem>>, vector<16xf32>,
      %swap3A_157 = arith.index_cast %add3A_118 : i32 to index
      %swap3A_158 = tpu.vector_load %arg12[%swap3A_157] {strides = array<i32>} : memref<5120xf32, #tpu.memory_space<vmem>>, vector<16xf32>,
      tpu.vector_store %arg12[%swap3A_157], %gather3A_155 {strides = array<i32>} : memref<5120xf32, #tpu.memory_space<vmem>>, vector<16xf32>,
      %scan3A_159 = arith.constant 1 : i32
      %scan3A_160 = arith.addi %scan3A_111, %scan3A_159 : i32
      %shift_right_logical3A_161 = arith.constant 3 : i32
      %shift_right_logical3A_162 = arith.shrui %scan3A_160, %shift_right_logical3A_161 : i32
      %and3A_163 = arith.constant 7 : i32
      %and3A_164 = arith.andi %scan3A_160, %and3A_163 : i32
      %mul3A_165 = arith.constant 16 : i32
      %mul3A_166 = arith.muli %and3A_164, %mul3A_165 : i32
      %mul3A_167 = arith.constant 128 : i32
      %mul3A_168 = arith.muli %shift_right_logical3A_162, %mul3A_167 : i32
      %add3A_169 = arith.addi %mul3A_168, %mul3A_166 : i32
      %get3A_170 = arith.index_cast %shift_right_logical3A_162 : i32 to index
      %get3A_171 = arith.index_cast %mul3A_166 : i32 to index
      %get3A_172 = tpu.vector_load %arg8[%get3A_170, %get3A_171] {strides = array<i32>} : memref<40x128xi32, #tpu.memory_space<vmem>>, vector<16xi32>,
      %get3A_173 = arith.index_cast %shift_right_logical3A_162 : i32 to index
      %get3A_174 = arith.index_cast %mul3A_166 : i32 to index
      %get3A_175 = tpu.vector_load %arg9[%get3A_173, %get3A_174] {strides = array<i32>} : memref<40x128xi32, #tpu.memory_space<vmem>>, vector<16xi32>,
      %gather3A_176 = tpu.vector_load_idx %arg7[%get3A_172] : memref<10240xi32, #tpu.memory_space<vmem>>[vector<16xi32>], vector<16xi32>,
      %gather3A_177 = tpu.vector_load_idx %arg7[%get3A_175] : memref<10240xi32, #tpu.memory_space<vmem>>[vector<16xi32>], vector<16xi32>,
      %add3A_178 = arith.constant 1 : i32
      %add3A_179 = vector.broadcast %add3A_178 : i32 to vector<16xi32>
      %add3A_180 = arith.addi %gather3A_176, %add3A_179 : vector<16xi32>
      %shift_right_arithmetic3A_181 = arith.constant 1 : i32
      %shift_right_arithmetic3A_182 = vector.broadcast %shift_right_arithmetic3A_181 : i32 to vector<16xi32>
      %shift_right_arithmetic3A_183 = arith.shrsi %add3A_180, %shift_right_arithmetic3A_182 : vector<16xi32>
      %add3A_184 = arith.constant 1 : i32
      %add3A_185 = vector.broadcast %add3A_184 : i32 to vector<16xi32>
      %add3A_186 = arith.addi %gather3A_177, %add3A_185 : vector<16xi32>
      %shift_right_arithmetic3A_187 = arith.constant 1 : i32
      %shift_right_arithmetic3A_188 = vector.broadcast %shift_right_arithmetic3A_187 : i32 to vector<16xi32>
      %shift_right_arithmetic3A_189 = arith.shrsi %add3A_186, %shift_right_arithmetic3A_188 : vector<16xi32>
      %add3A_190 = vector.broadcast %add3A_169 : i32 to vector<16xi32>
      %add3A_191 = arith.addi %add3A_190, %iota3A : vector<16xi32>
      %mul3A_192 = arith.constant 2 : i32
      %mul3A_193 = vector.broadcast %mul3A_192 : i32 to vector<16xi32>
      %mul3A_194 = arith.muli %mul3A_193, %shift_right_arithmetic3A_189 : vector<16xi32>
      %add3A_195 = arith.addi %mul3A_194, %shift_right_arithmetic3A_183 : vector<16xi32>
      %mul3A_196 = arith.constant 5120 : i32
      %mul3A_197 = vector.broadcast %mul3A_196 : i32 to vector<16xi32>
      %mul3A_198 = arith.muli %add3A_195, %mul3A_197 : vector<16xi32>
      %add3A_199 = arith.addi %mul3A_198, %add3A_191 : vector<16xi32>
      %gather3A_200 = tpu.vector_load_idx %arg10[%add3A_199] : memref<20480xf32, #tpu.memory_space<vmem>>[vector<16xi32>], vector<16xf32>,
      %mul3A_201 = arith.constant 2 : i32
      %mul3A_202 = vector.broadcast %mul3A_201 : i32 to vector<16xi32>
      %mul3A_203 = arith.muli %mul3A_202, %shift_right_arithmetic3A_183 : vector<16xi32>
      %add3A_204 = arith.addi %mul3A_203, %shift_right_arithmetic3A_189 : vector<16xi32>
      %mul3A_205 = arith.constant 5120 : i32
      %mul3A_206 = vector.broadcast %mul3A_205 : i32 to vector<16xi32>
      %mul3A_207 = arith.muli %add3A_204, %mul3A_206 : vector<16xi32>
      %add3A_208 = arith.addi %mul3A_207, %add3A_191 : vector<16xi32>
      %gather3A_209 = tpu.vector_load_idx %arg10[%add3A_208] : memref<20480xf32, #tpu.memory_space<vmem>>[vector<16xi32>], vector<16xf32>,
      %swap3A_210 = arith.index_cast %add3A_169 : i32 to index
      %swap3A_211 = tpu.vector_load %arg11[%swap3A_210] {strides = array<i32>} : memref<5120xf32, #tpu.memory_space<vmem>>, vector<16xf32>,
      tpu.vector_store %arg11[%swap3A_210], %gather3A_200 {strides = array<i32>} : memref<5120xf32, #tpu.memory_space<vmem>>, vector<16xf32>,
      %swap3A_212 = arith.index_cast %add3A_169 : i32 to index
      %swap3A_213 = tpu.vector_load %arg12[%swap3A_212] {strides = array<i32>} : memref<5120xf32, #tpu.memory_space<vmem>>, vector<16xf32>,
      tpu.vector_store %arg12[%swap3A_212], %gather3A_209 {strides = array<i32>} : memref<5120xf32, #tpu.memory_space<vmem>>, vector<16xf32>,
    }
    %scan3A_101 = arith.constant 320 : i32
    %scan3A_102 = arith.constant 0 : i32
    %scan3A_103 = arith.constant 0 : i32
    %scan3A_104 = arith.constant 40 : i32
    %scan3A_105 = arith.addi %scan3A_103, %scan3A_104 : i32
    %scan3A_106 = arith.constant 1 : i32
    scf.for %scan3A_111 = %scan3A_103 to %scan3A_105 step %scan3A_106  : i32 {
      %mul3A_112 = arith.constant 128 : i32
      %mul3A_113 = arith.muli %scan3A_111, %mul3A_112 : i32
      %dma_start3A_114 = tpu.memref_slice %arg11[%mul3A_113] : memref<5120xf32, #tpu.memory_space<vmem>> -> memref<128xf32, #tpu.memory_space<vmem>>
      %dma_start3A_115 = arith.constant 0 : i32
      %dma_start3A_116 = tpu.memref_slice %arg9[%scan3A_111, %dma_start3A_115] : memref<40x128xi32, #tpu.memory_space<vmem>> -> memref<1x128xi32, #tpu.memory_space<vmem>>
      %dma_start3A_117 = tpu.memref_squeeze %dma_start3A_116 : memref<1x128xi32, #tpu.memory_space<vmem>> -> memref<128xi32, #tpu.memory_space<vmem>>
      %dma_start3A_118 = arith.constant 0 : i32
      %dma_start3A_119 = tpu.memref_slice %arg14[%dma_start3A_118] : memref<10240xf32, #tpu.memory_space<vmem_shared>> -> memref<10240xf32, #tpu.memory_space<vmem_shared>>
      tpu.enqueue_indirect_dma source(%dma_start3A_114 : memref<128xf32, #tpu.memory_space<vmem>>) target(%dma_start3A_119 : memref<10240xf32, #tpu.memory_space<vmem_shared>>) offsets(%dma_start3A_117 : memref<128xi32, #tpu.memory_space<vmem>>) semaphore(%arg15 : memref<!tpu.dma_semaphore, #tpu.memory_space<semaphore_mem>>) {add = true}
      %mul3A_120 = arith.constant 128 : i32
      %mul3A_121 = arith.muli %scan3A_111, %mul3A_120 : i32
      %dma_start3A_122 = tpu.memref_slice %arg12[%mul3A_121] : memref<5120xf32, #tpu.memory_space<vmem>> -> memref<128xf32, #tpu.memory_space<vmem>>
      %dma_start3A_123 = arith.constant 0 : i32
      %dma_start3A_124 = tpu.memref_slice %arg8[%scan3A_111, %dma_start3A_123] : memref<40x128xi32, #tpu.memory_space<vmem>> -> memref<1x128xi32, #tpu.memory_space<vmem>>
      %dma_start3A_125 = tpu.memref_squeeze %dma_start3A_124 : memref<1x128xi32, #tpu.memory_space<vmem>> -> memref<128xi32, #tpu.memory_space<vmem>>
      %dma_start3A_126 = arith.constant 0 : i32
      %dma_start3A_127 = tpu.memref_slice %arg14[%dma_start3A_126] : memref<10240xf32, #tpu.memory_space<vmem_shared>> -> memref<10240xf32, #tpu.memory_space<vmem_shared>>
      tpu.enqueue_indirect_dma source(%dma_start3A_122 : memref<128xf32, #tpu.memory_space<vmem>>) target(%dma_start3A_127 : memref<10240xf32, #tpu.memory_space<vmem_shared>>) offsets(%dma_start3A_125 : memref<128xi32, #tpu.memory_space<vmem>>) semaphore(%arg15 : memref<!tpu.dma_semaphore, #tpu.memory_space<semaphore_mem>>) {add = true}
      %dma_wait3A_128 = tpu.memref_slice %arg11[%mul3A_113] : memref<5120xf32, #tpu.memory_space<vmem>> -> memref<128xf32, #tpu.memory_space<vmem>>
      %dma_wait3A_129 = arith.constant 0 : i32
      %dma_wait3A_130 = tpu.memref_slice %arg9[%scan3A_111, %dma_wait3A_129] : memref<40x128xi32, #tpu.memory_space<vmem>> -> memref<1x128xi32, #tpu.memory_space<vmem>>
      %dma_wait3A_131 = tpu.memref_squeeze %dma_wait3A_130 : memref<1x128xi32, #tpu.memory_space<vmem>> -> memref<128xi32, #tpu.memory_space<vmem>>
      %dma_wait3A_132 = arith.constant 0 : i32
      %dma_wait3A_133 = tpu.memref_slice %arg14[%dma_wait3A_132] : memref<10240xf32, #tpu.memory_space<vmem_shared>> -> memref<10240xf32, #tpu.memory_space<vmem_shared>>
      tpu.wait_indirect_dma semaphore(%arg15 : memref<!tpu.dma_semaphore, #tpu.memory_space<semaphore_mem>>) src(%dma_wait3A_128 : memref<128xf32, #tpu.memory_space<vmem>>) dst(%dma_wait3A_133 : memref<10240xf32, #tpu.memory_space<vmem_shared>>)
      %dma_wait3A_134 = tpu.memref_slice %arg12[%mul3A_121] : memref<5120xf32, #tpu.memory_space<vmem>> -> memref<128xf32, #tpu.memory_space<vmem>>
      %dma_wait3A_135 = arith.constant 0 : i32
      %dma_wait3A_136 = tpu.memref_slice %arg8[%scan3A_111, %dma_wait3A_135] : memref<40x128xi32, #tpu.memory_space<vmem>> -> memref<1x128xi32, #tpu.memory_space<vmem>>
      %dma_wait3A_137 = tpu.memref_squeeze %dma_wait3A_136 : memref<1x128xi32, #tpu.memory_space<vmem>> -> memref<128xi32, #tpu.memory_space<vmem>>
      %dma_wait3A_138 = arith.constant 0 : i32
      %dma_wait3A_139 = tpu.memref_slice %arg14[%dma_wait3A_138] : memref<10240xf32, #tpu.memory_space<vmem_shared>> -> memref<10240xf32, #tpu.memory_space<vmem_shared>>
      tpu.wait_indirect_dma semaphore(%arg15 : memref<!tpu.dma_semaphore, #tpu.memory_space<semaphore_mem>>) src(%dma_wait3A_134 : memref<128xf32, #tpu.memory_space<vmem>>) dst(%dma_wait3A_139 : memref<10240xf32, #tpu.memory_space<vmem_shared>>)
    }
    %scan3A_107 = arith.constant 40 : i32
    %barrier3A_108 = arith.constant 0 : index
    tpu.barrier barrier_id(%barrier3A_108)
    %eq3A = arith.constant 0 : i32
    %eq3A_109 = arith.cmpi eq, %arg1, %eq3A : i32
    %convert_element_type3A = arith.extui %eq3A_109 : i1 to i32
    %cond3A = arith.constant 0 : i32
    %cond3A_110 = arith.cmpi ne, %convert_element_type3A, %cond3A : i32
    scf.if %cond3A_110 {
      "tpu.region"() ({
        %run_scoped3A = tpu.sem_alloc : memref<!tpu.dma_semaphore, #tpu.memory_space<semaphore_mem>>
        %dma_start3A_111 = arith.constant 0 : i32
        %dma_start3A_112 = tpu.memref_slice %arg6[%arg0, %dma_start3A_111] : memref<2x10240xf32, #tpu.memory_space<hbm>> -> memref<1x10240xf32, #tpu.memory_space<hbm>>
        %dma_start3A_113 = tpu.memref_squeeze %dma_start3A_112 : memref<1x10240xf32, #tpu.memory_space<hbm>> -> memref<10240xf32, #tpu.memory_space<hbm>>
        tpu.enqueue_dma source(%arg14 : memref<10240xf32, #tpu.memory_space<vmem_shared>>) target(%dma_start3A_113 : memref<10240xf32, #tpu.memory_space<hbm>>) target_semaphore(%run_scoped3A : memref<!tpu.dma_semaphore, #tpu.memory_space<semaphore_mem>>)
        %dma_wait3A_114 = arith.constant 0 : i32
        %dma_wait3A_115 = tpu.memref_slice %arg6[%arg0, %dma_wait3A_114] : memref<2x10240xf32, #tpu.memory_space<hbm>> -> memref<1x10240xf32, #tpu.memory_space<hbm>>
        %dma_wait3A_116 = tpu.memref_squeeze %dma_wait3A_115 : memref<1x10240xf32, #tpu.memory_space<hbm>> -> memref<10240xf32, #tpu.memory_space<hbm>>
        tpu.wait_dma2 semaphore(%run_scoped3A : memref<!tpu.dma_semaphore, #tpu.memory_space<semaphore_mem>>) src(%arg14 : memref<10240xf32, #tpu.memory_space<vmem_shared>>) dst(%dma_wait3A_116 : memref<10240xf32, #tpu.memory_space<hbm>>)
        tpu.yield
      }) : () -> ()
    } else {
    }
    return
  }
}

module attributes {stable_mosaic.version = 14 : i64} {
  func.func @_edge_values_body(%arg0: i32, %arg1: memref<1x1x32768xf32, #tpu.memory_space<vmem>>, %arg2: memref<128x11xf32, #tpu.memory_space<vmem>>, %arg3: memref<5x2xf32, #tpu.memory_space<vmem>>, %arg4: memref<128x1xf32, #tpu.memory_space<vmem>>, %arg5: memref<128x5xf32, #tpu.memory_space<vmem>>, %arg6: memref<128x1xf32, #tpu.memory_space<vmem>>, %arg7: memref<128x5xf32, #tpu.memory_space<vmem>>, %arg8: memref<128x1xf32, #tpu.memory_space<vmem>>, %arg9: memref<4x32768xf32, #tpu.memory_space<vmem>>) attributes {dimension_semantics = [#tpu.dimension_semantics<arbitrary>], iteration_bounds = array<i64: 5>, scalar_prefetch = 0 : i64, scratch_operands = 0 : i64, tpu.core_type = #tpu.core_type<tc>, window_params = [{transform_indices = @transform_0, window_bounds = array<i64: 1, 1, 32768>}, {pipeline_mode = #tpu.pipeline_mode<synchronous>, transform_indices = @transform_1, window_bounds = array<i64: 128, 11>}, {pipeline_mode = #tpu.pipeline_mode<synchronous>, transform_indices = @transform_2, window_bounds = array<i64: 5, 2>}, {pipeline_mode = #tpu.pipeline_mode<synchronous>, transform_indices = @transform_3, window_bounds = array<i64: 128, 1>}, {pipeline_mode = #tpu.pipeline_mode<synchronous>, transform_indices = @transform_4, window_bounds = array<i64: 128, 5>}, {pipeline_mode = #tpu.pipeline_mode<synchronous>, transform_indices = @transform_5, window_bounds = array<i64: 128, 1>}, {pipeline_mode = #tpu.pipeline_mode<synchronous>, transform_indices = @transform_6, window_bounds = array<i64: 128, 5>}, {pipeline_mode = #tpu.pipeline_mode<synchronous>, transform_indices = @transform_7, window_bounds = array<i64: 128, 1>}, {transform_indices = @transform_8, window_bounds = array<i64: 4, 32768>}]} {
    %get3A = arith.constant 0 : index
    %get3A_0 = arith.constant 0 : index
    %get3A_1 = vector.load %arg2[%get3A, %get3A_0] : memref<128x11xf32, #tpu.memory_space<vmem>>, vector<128x11xf32>
    %get3A_2 = arith.constant 0 : index
    %get3A_3 = arith.constant 0 : index
    %get3A_4 = vector.load %arg3[%get3A_2, %get3A_3] : memref<5x2xf32, #tpu.memory_space<vmem>>, vector<5x2xf32>
    %get3A_5 = arith.constant 0 : index
    %get3A_6 = arith.constant 0 : index
    %get3A_7 = vector.load %arg4[%get3A_5, %get3A_6] : memref<128x1xf32, #tpu.memory_space<vmem>>, vector<128x1xf32>
    %get3A_8 = arith.constant 0 : index
    %get3A_9 = arith.constant 0 : index
    %get3A_10 = vector.load %arg5[%get3A_8, %get3A_9] : memref<128x5xf32, #tpu.memory_space<vmem>>, vector<128x5xf32>
    %get3A_11 = arith.constant 0 : index
    %get3A_12 = arith.constant 0 : index
    %get3A_13 = vector.load %arg6[%get3A_11, %get3A_12] : memref<128x1xf32, #tpu.memory_space<vmem>>, vector<128x1xf32>
    %get3A_14 = arith.constant 0 : index
    %get3A_15 = arith.constant 0 : index
    %get3A_16 = vector.load %arg7[%get3A_14, %get3A_15] : memref<128x5xf32, #tpu.memory_space<vmem>>, vector<128x5xf32>
    %get3A_17 = arith.constant 0 : index
    %get3A_18 = arith.constant 0 : index
    %get3A_19 = vector.load %arg8[%get3A_17, %get3A_18] : memref<128x1xf32, #tpu.memory_space<vmem>>, vector<128x1xf32>
    %slice3A = vector.extract_strided_slice %get3A_4 {offsets = [0, 0], sizes = [5, 1], strides = [1, 1]} : vector<5x2xf32> to vector<5x1xf32>
    %slice3A_20 = vector.extract_strided_slice %get3A_4 {offsets = [0, 1], sizes = [5, 1], strides = [1, 1]} : vector<5x2xf32> to vector<5x1xf32>
    %sub3A = arith.subf %slice3A_20, %slice3A : vector<5x1xf32>
    %slice3A_21 = vector.extract_strided_slice %get3A_1 {offsets = [0, 0], sizes = [128, 5], strides = [1, 1]} : vector<128x11xf32> to vector<128x5xf32>
    %slice3A_22 = vector.extract_strided_slice %get3A_1 {offsets = [0, 5], sizes = [128, 5], strides = [1, 1]} : vector<128x11xf32> to vector<128x5xf32>
    %slice3A_23 = vector.extract_strided_slice %get3A_1 {offsets = [0, 10], sizes = [128, 1], strides = [1, 1]} : vector<128x11xf32> to vector<128x1xf32>
    %dot_general3A = arith.constant dense<0.000000e+00> : vector<128x1xf32>
    %dot_general3A_24 = tpu.matmul %slice3A_21, %slice3A, %dot_general3A {dimension_numbers = #tpu.dot_dimension_numbers<[1], [0], [0], [1], [0, 0, 1, 1], [], []>, transpose_lhs_hint = false} : vector<128x5xf32>, vector<5x1xf32>, vector<128x1xf32> -> vector<128x1xf32>
    %dot_general3A_25 = arith.constant dense<0.000000e+00> : vector<128x1xf32>
    %dot_general3A_26 = tpu.matmul %slice3A_22, %slice3A, %dot_general3A_25 {dimension_numbers = #tpu.dot_dimension_numbers<[1], [0], [0], [1], [0, 0, 1, 1], [], []>, transpose_lhs_hint = false} : vector<128x5xf32>, vector<5x1xf32>, vector<128x1xf32> -> vector<128x1xf32>
    %add3A = arith.addf %dot_general3A_24, %dot_general3A_26 : vector<128x1xf32>
    %add3A_27 = arith.addf %add3A, %get3A_7 : vector<128x1xf32>
    %dot_general3A_28 = arith.constant dense<0.000000e+00> : vector<128x1xf32>
    %dot_general3A_29 = tpu.matmul %slice3A_21, %sub3A, %dot_general3A_28 {dimension_numbers = #tpu.dot_dimension_numbers<[1], [0], [0], [1], [0, 0, 1, 1], [], []>, transpose_lhs_hint = false} : vector<128x5xf32>, vector<5x1xf32>, vector<128x1xf32> -> vector<128x1xf32>
    %dot_general3A_30 = arith.constant dense<0.000000e+00> : vector<128x1xf32>
    %dot_general3A_31 = tpu.matmul %slice3A_22, %sub3A, %dot_general3A_30 {dimension_numbers = #tpu.dot_dimension_numbers<[1], [0], [0], [1], [0, 0, 1, 1], [], []>, transpose_lhs_hint = false} : vector<128x5xf32>, vector<5x1xf32>, vector<128x1xf32> -> vector<128x1xf32>
    %dot_general3A_32 = arith.constant dense<0.000000e+00> : vector<128x1xf32>
    %dot_general3A_33 = tpu.matmul %get3A_10, %slice3A, %dot_general3A_32 {dimension_numbers = #tpu.dot_dimension_numbers<[1], [0], [0], [1], [0, 0, 1, 1], [], []>, transpose_lhs_hint = false} : vector<128x5xf32>, vector<5x1xf32>, vector<128x1xf32> -> vector<128x1xf32>
    %add3A_34 = arith.addf %dot_general3A_33, %get3A_13 : vector<128x1xf32>
    %dot_general3A_35 = arith.constant dense<0.000000e+00> : vector<128x1xf32>
    %dot_general3A_36 = tpu.matmul %get3A_10, %sub3A, %dot_general3A_35 {dimension_numbers = #tpu.dot_dimension_numbers<[1], [0], [0], [1], [0, 0, 1, 1], [], []>, transpose_lhs_hint = false} : vector<128x5xf32>, vector<5x1xf32>, vector<128x1xf32> -> vector<128x1xf32>
    %dot_general3A_37 = arith.constant dense<0.000000e+00> : vector<128x1xf32>
    %dot_general3A_38 = tpu.matmul %get3A_16, %slice3A, %dot_general3A_37 {dimension_numbers = #tpu.dot_dimension_numbers<[1], [0], [0], [1], [0, 0, 1, 1], [], []>, transpose_lhs_hint = false} : vector<128x5xf32>, vector<5x1xf32>, vector<128x1xf32> -> vector<128x1xf32>
    %add3A_39 = arith.addf %dot_general3A_38, %get3A_19 : vector<128x1xf32>
    %dot_general3A_40 = arith.constant dense<0.000000e+00> : vector<128x1xf32>
    %dot_general3A_41 = tpu.matmul %get3A_16, %sub3A, %dot_general3A_40 {dimension_numbers = #tpu.dot_dimension_numbers<[1], [0], [0], [1], [0, 0, 1, 1], [], []>, transpose_lhs_hint = false} : vector<128x5xf32>, vector<5x1xf32>, vector<128x1xf32> -> vector<128x1xf32>
    %add3A_42 = arith.addf %add3A_27, %dot_general3A_31 : vector<128x1xf32>
    %add3A_43 = arith.addf %add3A_27, %dot_general3A_29 : vector<128x1xf32>
    %add3A_44 = arith.addf %add3A_27, %dot_general3A_29 : vector<128x1xf32>
    %add3A_45 = arith.addf %add3A_44, %dot_general3A_31 : vector<128x1xf32>
    %mul3A = arith.constant 0.000000e+00 : f32
    %mul3A_46 = vector.broadcast %mul3A : f32 to vector<128x1xf32>
    %mul3A_47 = arith.mulf %mul3A_46, %dot_general3A_36 : vector<128x1xf32>
    %add3A_48 = arith.addf %add3A_34, %mul3A_47 : vector<128x1xf32>
    %mul3A_49 = arith.constant 0.000000e+00 : f32
    %mul3A_50 = vector.broadcast %mul3A_49 : f32 to vector<128x1xf32>
    %mul3A_51 = arith.mulf %mul3A_50, %dot_general3A_41 : vector<128x1xf32>
    %add3A_52 = arith.addf %add3A_39, %mul3A_51 : vector<128x1xf32>
    %mul3A_53 = arith.mulf %add3A_48, %add3A_52 : vector<128x1xf32>
    %reduce_sum3A = vector.shape_cast %mul3A_53 : vector<128x1xf32> to vector<1x128x1xf32>
    %reduce_sum3A_54 = arith.constant dense<0.000000e+00> : vector<1xf32>
    %reduce_sum3A_55 = vector.multi_reduction <add>, %reduce_sum3A, %reduce_sum3A_54 [1, 2] : vector<1x128x1xf32> to vector<1xf32>
    %reduce_sum3A_56 = vector.shape_cast %reduce_sum3A_55 : vector<1xf32> to vector<1x1x1xf32>
    %reduce_sum3A_57 = vector.extract %reduce_sum3A_56[0, 0, 0] : f32 from vector<1x1x1xf32>
    %neg3A = arith.constant 0.000000e+00 : f32
    %neg3A_58 = arith.subf %neg3A, %reduce_sum3A_57 : f32
    %exp3A = math.exp %neg3A_58 : f32
    %add3A_59 = arith.constant 1.000000e+00 : f32
    %add3A_60 = arith.addf %add3A_59, %exp3A : f32
    %div3A = arith.constant 1.000000e+00 : f32
    %div3A_61 = arith.divf %div3A, %add3A_60 : f32
    %mul3A_62 = arith.constant 1.000000e+00 : f32
    %mul3A_63 = vector.broadcast %mul3A_62 : f32 to vector<128x1xf32>
    %mul3A_64 = arith.mulf %mul3A_63, %dot_general3A_36 : vector<128x1xf32>
    %add3A_65 = arith.addf %add3A_34, %mul3A_64 : vector<128x1xf32>
    %mul3A_66 = arith.constant 0.000000e+00 : f32
    %mul3A_67 = vector.broadcast %mul3A_66 : f32 to vector<128x1xf32>
    %mul3A_68 = arith.mulf %mul3A_67, %dot_general3A_41 : vector<128x1xf32>
    %add3A_69 = arith.addf %add3A_39, %mul3A_68 : vector<128x1xf32>
    %mul3A_70 = arith.mulf %add3A_65, %add3A_69 : vector<128x1xf32>
    %reduce_sum3A_71 = vector.shape_cast %mul3A_70 : vector<128x1xf32> to vector<1x128x1xf32>
    %reduce_sum3A_72 = arith.constant dense<0.000000e+00> : vector<1xf32>
    %reduce_sum3A_73 = vector.multi_reduction <add>, %reduce_sum3A_71, %reduce_sum3A_72 [1, 2] : vector<1x128x1xf32> to vector<1xf32>
    %reduce_sum3A_74 = vector.shape_cast %reduce_sum3A_73 : vector<1xf32> to vector<1x1x1xf32>
    %reduce_sum3A_75 = vector.extract %reduce_sum3A_74[0, 0, 0] : f32 from vector<1x1x1xf32>
    %neg3A_76 = arith.constant 0.000000e+00 : f32
    %neg3A_77 = arith.subf %neg3A_76, %reduce_sum3A_75 : f32
    %exp3A_78 = math.exp %neg3A_77 : f32
    %add3A_79 = arith.constant 1.000000e+00 : f32
    %add3A_80 = arith.addf %add3A_79, %exp3A_78 : f32
    %div3A_81 = arith.constant 1.000000e+00 : f32
    %div3A_82 = arith.divf %div3A_81, %add3A_80 : f32
    %mul3A_83 = arith.constant 0.000000e+00 : f32
    %mul3A_84 = vector.broadcast %mul3A_83 : f32 to vector<128x1xf32>
    %mul3A_85 = arith.mulf %mul3A_84, %dot_general3A_36 : vector<128x1xf32>
    %add3A_86 = arith.addf %add3A_34, %mul3A_85 : vector<128x1xf32>
    %mul3A_87 = arith.constant 1.000000e+00 : f32
    %mul3A_88 = vector.broadcast %mul3A_87 : f32 to vector<128x1xf32>
    %mul3A_89 = arith.mulf %mul3A_88, %dot_general3A_41 : vector<128x1xf32>
    %add3A_90 = arith.addf %add3A_39, %mul3A_89 : vector<128x1xf32>
    %mul3A_91 = arith.mulf %add3A_86, %add3A_90 : vector<128x1xf32>
    %reduce_sum3A_92 = vector.shape_cast %mul3A_91 : vector<128x1xf32> to vector<1x128x1xf32>
    %reduce_sum3A_93 = arith.constant dense<0.000000e+00> : vector<1xf32>
    %reduce_sum3A_94 = vector.multi_reduction <add>, %reduce_sum3A_92, %reduce_sum3A_93 [1, 2] : vector<1x128x1xf32> to vector<1xf32>
    %reduce_sum3A_95 = vector.shape_cast %reduce_sum3A_94 : vector<1xf32> to vector<1x1x1xf32>
    %reduce_sum3A_96 = vector.extract %reduce_sum3A_95[0, 0, 0] : f32 from vector<1x1x1xf32>
    %neg3A_97 = arith.constant 0.000000e+00 : f32
    %neg3A_98 = arith.subf %neg3A_97, %reduce_sum3A_96 : f32
    %exp3A_99 = math.exp %neg3A_98 : f32
    %add3A_100 = arith.constant 1.000000e+00 : f32
    %add3A_101 = arith.addf %add3A_100, %exp3A_99 : f32
    %div3A_102 = arith.constant 1.000000e+00 : f32
    %div3A_103 = arith.divf %div3A_102, %add3A_101 : f32
    %mul3A_104 = arith.constant 1.000000e+00 : f32
    %mul3A_105 = vector.broadcast %mul3A_104 : f32 to vector<128x1xf32>
    %mul3A_106 = arith.mulf %mul3A_105, %dot_general3A_36 : vector<128x1xf32>
    %add3A_107 = arith.addf %add3A_34, %mul3A_106 : vector<128x1xf32>
    %mul3A_108 = arith.constant 1.000000e+00 : f32
    %mul3A_109 = vector.broadcast %mul3A_108 : f32 to vector<128x1xf32>
    %mul3A_110 = arith.mulf %mul3A_109, %dot_general3A_41 : vector<128x1xf32>
    %add3A_111 = arith.addf %add3A_39, %mul3A_110 : vector<128x1xf32>
    %mul3A_112 = arith.mulf %add3A_107, %add3A_111 : vector<128x1xf32>
    %reduce_sum3A_113 = vector.shape_cast %mul3A_112 : vector<128x1xf32> to vector<1x128x1xf32>
    %reduce_sum3A_114 = arith.constant dense<0.000000e+00> : vector<1xf32>
    %reduce_sum3A_115 = vector.multi_reduction <add>, %reduce_sum3A_113, %reduce_sum3A_114 [1, 2] : vector<1x128x1xf32> to vector<1xf32>
    %reduce_sum3A_116 = vector.shape_cast %reduce_sum3A_115 : vector<1xf32> to vector<1x1x1xf32>
    %reduce_sum3A_117 = vector.extract %reduce_sum3A_116[0, 0, 0] : f32 from vector<1x1x1xf32>
    %neg3A_118 = arith.constant 0.000000e+00 : f32
    %neg3A_119 = arith.subf %neg3A_118, %reduce_sum3A_117 : f32
    %exp3A_120 = math.exp %neg3A_119 : f32
    %add3A_121 = arith.constant 1.000000e+00 : f32
    %add3A_122 = arith.addf %add3A_121, %exp3A_120 : f32
    %div3A_123 = arith.constant 1.000000e+00 : f32
    %div3A_124 = arith.divf %div3A_123, %add3A_122 : f32
    %broadcast_in_dim3A = arith.constant 1.000000e+00 : bf16
    %broadcast_in_dim3A_125 = vector.broadcast %broadcast_in_dim3A : bf16 to vector<1x128xbf16>
    %convert_element_type3A = arith.truncf %slice3A_23 : vector<128x1xf32> to vector<128x1xbf16>
    %convert_element_type3A_126 = arith.truncf %add3A_27 : vector<128x1xf32> to vector<128x1xbf16>
    %neg3A_127 = arith.constant 0.000000e+00 : bf16
    %neg3A_128 = vector.broadcast %neg3A_127 : bf16 to vector<128x1xbf16>
    %neg3A_129 = arith.subf %neg3A_128, %convert_element_type3A_126 : vector<128x1xbf16>
    %convert_element_type3A_130 = arith.truncf %add3A_42 : vector<128x1xf32> to vector<128x1xbf16>
    %neg3A_131 = arith.constant 0.000000e+00 : bf16
    %neg3A_132 = vector.broadcast %neg3A_131 : bf16 to vector<128x1xbf16>
    %neg3A_133 = arith.subf %neg3A_132, %convert_element_type3A_130 : vector<128x1xbf16>
    %convert_element_type3A_134 = arith.truncf %add3A_43 : vector<128x1xf32> to vector<128x1xbf16>
    %neg3A_135 = arith.constant 0.000000e+00 : bf16
    %neg3A_136 = vector.broadcast %neg3A_135 : bf16 to vector<128x1xbf16>
    %neg3A_137 = arith.subf %neg3A_136, %convert_element_type3A_134 : vector<128x1xbf16>
    %convert_element_type3A_138 = arith.truncf %add3A_45 : vector<128x1xf32> to vector<128x1xbf16>
    %neg3A_139 = arith.constant 0.000000e+00 : bf16
    %neg3A_140 = vector.broadcast %neg3A_139 : bf16 to vector<128x1xbf16>
    %neg3A_141 = arith.subf %neg3A_140, %convert_element_type3A_138 : vector<128x1xbf16>
    %reduce_sum3A_142 = vector.shape_cast %add3A_27 : vector<128x1xf32> to vector<1x128x1xf32>
    %reduce_sum3A_143 = arith.constant dense<0.000000e+00> : vector<1xf32>
    %reduce_sum3A_144 = vector.multi_reduction <add>, %reduce_sum3A_142, %reduce_sum3A_143 [1, 2] : vector<1x128x1xf32> to vector<1xf32>
    %reduce_sum3A_145 = vector.shape_cast %reduce_sum3A_144 : vector<1xf32> to vector<1x1x1xf32>
    %reduce_sum3A_146 = vector.extract %reduce_sum3A_145[0, 0, 0] : f32 from vector<1x1x1xf32>
    %broadcast_in_dim3A_147 = vector.broadcast %reduce_sum3A_146 : f32 to vector<1x1xf32>
    %reduce_sum3A_148 = vector.shape_cast %add3A_42 : vector<128x1xf32> to vector<1x128x1xf32>
    %reduce_sum3A_149 = arith.constant dense<0.000000e+00> : vector<1xf32>
    %reduce_sum3A_150 = vector.multi_reduction <add>, %reduce_sum3A_148, %reduce_sum3A_149 [1, 2] : vector<1x128x1xf32> to vector<1xf32>
    %reduce_sum3A_151 = vector.shape_cast %reduce_sum3A_150 : vector<1xf32> to vector<1x1x1xf32>
    %reduce_sum3A_152 = vector.extract %reduce_sum3A_151[0, 0, 0] : f32 from vector<1x1x1xf32>
    %broadcast_in_dim3A_153 = vector.broadcast %reduce_sum3A_152 : f32 to vector<1x1xf32>
    %reduce_sum3A_154 = vector.shape_cast %add3A_43 : vector<128x1xf32> to vector<1x128x1xf32>
    %reduce_sum3A_155 = arith.constant dense<0.000000e+00> : vector<1xf32>
    %reduce_sum3A_156 = vector.multi_reduction <add>, %reduce_sum3A_154, %reduce_sum3A_155 [1, 2] : vector<1x128x1xf32> to vector<1xf32>
    %reduce_sum3A_157 = vector.shape_cast %reduce_sum3A_156 : vector<1xf32> to vector<1x1x1xf32>
    %reduce_sum3A_158 = vector.extract %reduce_sum3A_157[0, 0, 0] : f32 from vector<1x1x1xf32>
    %broadcast_in_dim3A_159 = vector.broadcast %reduce_sum3A_158 : f32 to vector<1x1xf32>
    %reduce_sum3A_160 = vector.shape_cast %add3A_45 : vector<128x1xf32> to vector<1x128x1xf32>
    %reduce_sum3A_161 = arith.constant dense<0.000000e+00> : vector<1xf32>
    %reduce_sum3A_162 = vector.multi_reduction <add>, %reduce_sum3A_160, %reduce_sum3A_161 [1, 2] : vector<1x128x1xf32> to vector<1xf32>
    %reduce_sum3A_163 = vector.shape_cast %reduce_sum3A_162 : vector<1xf32> to vector<1x1x1xf32>
    %reduce_sum3A_164 = vector.extract %reduce_sum3A_163[0, 0, 0] : f32 from vector<1x1x1xf32>
    %broadcast_in_dim3A_165 = vector.broadcast %reduce_sum3A_164 : f32 to vector<1x1xf32>
    %get3A_166 = arith.constant 0 : index
    %get3A_167 = arith.constant 0 : index
    %get3A_168 = arith.constant 0 : index
    %get3A_169 = vector.load %arg1[%get3A_166, %get3A_167, %get3A_168] : memref<1x1x32768xf32, #tpu.memory_space<vmem>>, vector<1x1x32768xf32>
    %get3A_170 = vector.shape_cast %get3A_169 : vector<1x1x32768xf32> to vector<1x32768xf32>
    %convert_element_type3A_171 = arith.truncf %get3A_170 : vector<1x32768xf32> to vector<1x32768xbf16>
    %slice3A_172 = vector.extract_strided_slice %convert_element_type3A_171 {offsets = [0, 0], sizes = [1, 512], strides = [1, 1]} : vector<1x32768xbf16> to vector<1x512xbf16>
    %mul3A_173 = vector.broadcast %convert_element_type3A : vector<128x1xbf16> to vector<128x512xbf16>
    %mul3A_174 = vector.broadcast %slice3A_172 : vector<1x512xbf16> to vector<128x512xbf16>
    %mul3A_175 = arith.mulf %mul3A_173, %mul3A_174 : vector<128x512xbf16>
    %max3A = vector.broadcast %neg3A_129 : vector<128x1xbf16> to vector<128x512xbf16>
    %max3A_176 = arith.maximumf %mul3A_175, %max3A : vector<128x512xbf16>
    %dot_general3A_177 = arith.constant dense<0.000000e+00> : vector<1x512xf32>
    %dot_general3A_178 = tpu.matmul %broadcast_in_dim3A_125, %max3A_176, %dot_general3A_177 {dimension_numbers = #tpu.dot_dimension_numbers<[1], [0], [0], [1], [0, 0, 1, 1], [], []>, transpose_lhs_hint = false} : vector<1x128xbf16>, vector<128x512xbf16>, vector<1x512xf32> -> vector<1x512xf32>
    %add3A_179 = vector.broadcast %broadcast_in_dim3A_147 : vector<1x1xf32> to vector<1x512xf32>
    %add3A_180 = arith.addf %dot_general3A_178, %add3A_179 : vector<1x512xf32>
    %mul3A_181 = vector.broadcast %div3A_61 : f32 to vector<1x512xf32>
    %mul3A_182 = arith.mulf %mul3A_181, %add3A_180 : vector<1x512xf32>
    %swap3A = arith.constant 0 : index
    %swap3A_183 = arith.constant 0 : index
    %swap3A_184 = vector.load %arg9[%swap3A, %swap3A_183] : memref<4x32768xf32, #tpu.memory_space<vmem>>, vector<1x512xf32>
    tpu.vector_store %arg9[%swap3A, %swap3A_183], %mul3A_182 {strides = array<i32>} : memref<4x32768xf32, #tpu.memory_space<vmem>>, vector<1x512xf32>,
    %max3A_185 = vector.broadcast %neg3A_133 : vector<128x1xbf16> to vector<128x512xbf16>
    %max3A_186 = arith.maximumf %mul3A_175, %max3A_185 : vector<128x512xbf16>
    %dot_general3A_187 = arith.constant dense<0.000000e+00> : vector<1x512xf32>
    %dot_general3A_188 = tpu.matmul %broadcast_in_dim3A_125, %max3A_186, %dot_general3A_187 {dimension_numbers = #tpu.dot_dimension_numbers<[1], [0], [0], [1], [0, 0, 1, 1], [], []>, transpose_lhs_hint = false} : vector<1x128xbf16>, vector<128x512xbf16>, vector<1x512xf32> -> vector<1x512xf32>
    %add3A_189 = vector.broadcast %broadcast_in_dim3A_153 : vector<1x1xf32> to vector<1x512xf32>
    %add3A_190 = arith.addf %dot_general3A_188, %add3A_189 : vector<1x512xf32>
    %mul3A_191 = vector.broadcast %div3A_82 : f32 to vector<1x512xf32>
    %mul3A_192 = arith.mulf %mul3A_191, %add3A_190 : vector<1x512xf32>
    %swap3A_193 = arith.constant 1 : index
    %swap3A_194 = arith.constant 0 : index
    %swap3A_195 = vector.load %arg9[%swap3A_193, %swap3A_194] : memref<4x32768xf32, #tpu.memory_space<vmem>>, vector<1x512xf32>
    tpu.vector_store %arg9[%swap3A_193, %swap3A_194], %mul3A_192 {strides = array<i32>} : memref<4x32768xf32, #tpu.memory_space<vmem>>, vector<1x512xf32>,
    %max3A_196 = vector.broadcast %neg3A_137 : vector<128x1xbf16> to vector<128x512xbf16>
    %max3A_197 = arith.maximumf %mul3A_175, %max3A_196 : vector<128x512xbf16>
    %dot_general3A_198 = arith.constant dense<0.000000e+00> : vector<1x512xf32>
    %dot_general3A_199 = tpu.matmul %broadcast_in_dim3A_125, %max3A_197, %dot_general3A_198 {dimension_numbers = #tpu.dot_dimension_numbers<[1], [0], [0], [1], [0, 0, 1, 1], [], []>, transpose_lhs_hint = false} : vector<1x128xbf16>, vector<128x512xbf16>, vector<1x512xf32> -> vector<1x512xf32>
    %add3A_200 = vector.broadcast %broadcast_in_dim3A_159 : vector<1x1xf32> to vector<1x512xf32>
    %add3A_201 = arith.addf %dot_general3A_199, %add3A_200 : vector<1x512xf32>
    %mul3A_202 = vector.broadcast %div3A_103 : f32 to vector<1x512xf32>
    %mul3A_203 = arith.mulf %mul3A_202, %add3A_201 : vector<1x512xf32>
    %swap3A_204 = arith.constant 2 : index
    %swap3A_205 = arith.constant 0 : index
    %swap3A_206 = vector.load %arg9[%swap3A_204, %swap3A_205] : memref<4x32768xf32, #tpu.memory_space<vmem>>, vector<1x512xf32>
    tpu.vector_store %arg9[%swap3A_204, %swap3A_205], %mul3A_203 {strides = array<i32>} : memref<4x32768xf32, #tpu.memory_space<vmem>>, vector<1x512xf32>,
    %max3A_207 = vector.broadcast %neg3A_141 : vector<128x1xbf16> to vector<128x512xbf16>
    %max3A_208 = arith.maximumf %mul3A_175, %max3A_207 : vector<128x512xbf16>
    %dot_general3A_209 = arith.constant dense<0.000000e+00> : vector<1x512xf32>
    %dot_general3A_210 = tpu.matmul %broadcast_in_dim3A_125, %max3A_208, %dot_general3A_209 {dimension_numbers = #tpu.dot_dimension_numbers<[1], [0], [0], [1], [0, 0, 1, 1], [], []>, transpose_lhs_hint = false} : vector<1x128xbf16>, vector<128x512xbf16>, vector<1x512xf32> -> vector<1x512xf32>
    %add3A_211 = vector.broadcast %broadcast_in_dim3A_165 : vector<1x1xf32> to vector<1x512xf32>
    %add3A_212 = arith.addf %dot_general3A_210, %add3A_211 : vector<1x512xf32>
    %mul3A_213 = vector.broadcast %div3A_124 : f32 to vector<1x512xf32>
    %mul3A_214 = arith.mulf %mul3A_213, %add3A_212 : vector<1x512xf32>
    %swap3A_215 = arith.constant 3 : index
    %swap3A_216 = arith.constant 0 : index
    %swap3A_217 = vector.load %arg9[%swap3A_215, %swap3A_216] : memref<4x32768xf32, #tpu.memory_space<vmem>>, vector<1x512xf32>
    tpu.vector_store %arg9[%swap3A_215, %swap3A_216], %mul3A_214 {strides = array<i32>} : memref<4x32768xf32, #tpu.memory_space<vmem>>, vector<1x512xf32>,
    %slice3A_218 = vector.extract_strided_slice %convert_element_type3A_171 {offsets = [0, 512], sizes = [1, 512], strides = [1, 1]} : vector<1x32768xbf16> to vector<1x512xbf16>
    %mul3A_219 = vector.broadcast %convert_element_type3A : vector<128x1xbf16> to vector<128x512xbf16>
    %mul3A_220 = vector.broadcast %slice3A_218 : vector<1x512xbf16> to vector<128x512xbf16>
    %mul3A_221 = arith.mulf %mul3A_219, %mul3A_220 : vector<128x512xbf16>
    %max3A_222 = vector.broadcast %neg3A_129 : vector<128x1xbf16> to vector<128x512xbf16>
    %max3A_223 = arith.maximumf %mul3A_221, %max3A_222 : vector<128x512xbf16>
    %dot_general3A_224 = arith.constant dense<0.000000e+00> : vector<1x512xf32>
    %dot_general3A_225 = tpu.matmul %broadcast_in_dim3A_125, %max3A_223, %dot_general3A_224 {dimension_numbers = #tpu.dot_dimension_numbers<[1], [0], [0], [1], [0, 0, 1, 1], [], []>, transpose_lhs_hint = false} : vector<1x128xbf16>, vector<128x512xbf16>, vector<1x512xf32> -> vector<1x512xf32>
    %add3A_226 = vector.broadcast %broadcast_in_dim3A_147 : vector<1x1xf32> to vector<1x512xf32>
    %add3A_227 = arith.addf %dot_general3A_225, %add3A_226 : vector<1x512xf32>
    %mul3A_228 = vector.broadcast %div3A_61 : f32 to vector<1x512xf32>
    %mul3A_229 = arith.mulf %mul3A_228, %add3A_227 : vector<1x512xf32>
    %swap3A_230 = arith.constant 0 : index
    %swap3A_231 = arith.constant 512 : index
    %swap3A_232 = vector.load %arg9[%swap3A_230, %swap3A_231] : memref<4x32768xf32, #tpu.memory_space<vmem>>, vector<1x512xf32>
    tpu.vector_store %arg9[%swap3A_230, %swap3A_231], %mul3A_229 {strides = array<i32>} : memref<4x32768xf32, #tpu.memory_space<vmem>>, vector<1x512xf32>,
    %max3A_233 = vector.broadcast %neg3A_133 : vector<128x1xbf16> to vector<128x512xbf16>
    %max3A_234 = arith.maximumf %mul3A_221, %max3A_233 : vector<128x512xbf16>
    %dot_general3A_235 = arith.constant dense<0.000000e+00> : vector<1x512xf32>
    %dot_general3A_236 = tpu.matmul %broadcast_in_dim3A_125, %max3A_234, %dot_general3A_235 {dimension_numbers = #tpu.dot_dimension_numbers<[1], [0], [0], [1], [0, 0, 1, 1], [], []>, transpose_lhs_hint = false} : vector<1x128xbf16>, vector<128x512xbf16>, vector<1x512xf32> -> vector<1x512xf32>
    %add3A_237 = vector.broadcast %broadcast_in_dim3A_153 : vector<1x1xf32> to vector<1x512xf32>
    %add3A_238 = arith.addf %dot_general3A_236, %add3A_237 : vector<1x512xf32>
    %mul3A_239 = vector.broadcast %div3A_82 : f32 to vector<1x512xf32>
    %mul3A_240 = arith.mulf %mul3A_239, %add3A_238 : vector<1x512xf32>
    %swap3A_241 = arith.constant 1 : index
    %swap3A_242 = arith.constant 512 : index
    %swap3A_243 = vector.load %arg9[%swap3A_241, %swap3A_242] : memref<4x32768xf32, #tpu.memory_space<vmem>>, vector<1x512xf32>
    tpu.vector_store %arg9[%swap3A_241, %swap3A_242], %mul3A_240 {strides = array<i32>} : memref<4x32768xf32, #tpu.memory_space<vmem>>, vector<1x512xf32>,
    %max3A_244 = vector.broadcast %neg3A_137 : vector<128x1xbf16> to vector<128x512xbf16>
    %max3A_245 = arith.maximumf %mul3A_221, %max3A_244 : vector<128x512xbf16>
    %dot_general3A_246 = arith.constant dense<0.000000e+00> : vector<1x512xf32>
    %dot_general3A_247 = tpu.matmul %broadcast_in_dim3A_125, %max3A_245, %dot_general3A_246 {dimension_numbers = #tpu.dot_dimension_numbers<[1], [0], [0], [1], [0, 0, 1, 1], [], []>, transpose_lhs_hint = false} : vector<1x128xbf16>, vector<128x512xbf16>, vector<1x512xf32> -> vector<1x512xf32>
    %add3A_248 = vector.broadcast %broadcast_in_dim3A_159 : vector<1x1xf32> to vector<1x512xf32>
    %add3A_249 = arith.addf %dot_general3A_247, %add3A_248 : vector<1x512xf32>
    %mul3A_250 = vector.broadcast %div3A_103 : f32 to vector<1x512xf32>
    %mul3A_251 = arith.mulf %mul3A_250, %add3A_249 : vector<1x512xf32>
    %swap3A_252 = arith.constant 2 : index
    %swap3A_253 = arith.constant 512 : index
    %swap3A_254 = vector.load %arg9[%swap3A_252, %swap3A_253] : memref<4x32768xf32, #tpu.memory_space<vmem>>, vector<1x512xf32>
    tpu.vector_store %arg9[%swap3A_252, %swap3A_253], %mul3A_251 {strides = array<i32>} : memref<4x32768xf32, #tpu.memory_space<vmem>>, vector<1x512xf32>,
    %max3A_255 = vector.broadcast %neg3A_141 : vector<128x1xbf16> to vector<128x512xbf16>
    %max3A_256 = arith.maximumf %mul3A_221, %max3A_255 : vector<128x512xbf16>
    %dot_general3A_257 = arith.constant dense<0.000000e+00> : vector<1x512xf32>
    %dot_general3A_258 = tpu.matmul %broadcast_in_dim3A_125, %max3A_256, %dot_general3A_257 {dimension_numbers = #tpu.dot_dimension_numbers<[1], [0], [0], [1], [0, 0, 1, 1], [], []>, transpose_lhs_hint = false} : vector<1x128xbf16>, vector<128x512xbf16>, vector<1x512xf32> -> vector<1x512xf32>
    %add3A_259 = vector.broadcast %broadcast_in_dim3A_165 : vector<1x1xf32> to vector<1x512xf32>
    %add3A_260 = arith.addf %dot_general3A_258, %add3A_259 : vector<1x512xf32>
    %mul3A_261 = vector.broadcast %div3A_124 : f32 to vector<1x512xf32>
    %mul3A_262 = arith.mulf %mul3A_261, %add3A_260 : vector<1x512xf32>
    %swap3A_263 = arith.constant 3 : index
    %swap3A_264 = arith.constant 512 : index
    %swap3A_265 = vector.load %arg9[%swap3A_263, %swap3A_264] : memref<4x32768xf32, #tpu.memory_space<vmem>>, vector<1x512xf32>
    tpu.vector_store %arg9[%swap3A_263, %swap3A_264], %mul3A_262 {strides = array<i32>} : memref<4x32768xf32, #tpu.memory_space<vmem>>, vector<1x512xf32>,
    %slice3A_266 = vector.extract_strided_slice %convert_element_type3A_171 {offsets = [0, 1024], sizes = [1, 512], strides = [1, 1]} : vector<1x32768xbf16> to vector<1x512xbf16>
    %mul3A_267 = vector.broadcast %convert_element_type3A : vector<128x1xbf16> to vector<128x512xbf16>
    %mul3A_268 = vector.broadcast %slice3A_266 : vector<1x512xbf16> to vector<128x512xbf16>
    %mul3A_269 = arith.mulf %mul3A_267, %mul3A_268 : vector<128x512xbf16>
    %max3A_270 = vector.broadcast %neg3A_129 : vector<128x1xbf16> to vector<128x512xbf16>
    %max3A_271 = arith.maximumf %mul3A_269, %max3A_270 : vector<128x512xbf16>
    %dot_general3A_272 = arith.constant dense<0.000000e+00> : vector<1x512xf32>
    %dot_general3A_273 = tpu.matmul %broadcast_in_dim3A_125, %max3A_271, %dot_general3A_272 {dimension_numbers = #tpu.dot_dimension_numbers<[1], [0], [0], [1], [0, 0, 1, 1], [], []>, transpose_lhs_hint = false} : vector<1x128xbf16>, vector<128x512xbf16>, vector<1x512xf32> -> vector<1x512xf32>
    %add3A_274 = vector.broadcast %broadcast_in_dim3A_147 : vector<1x1xf32> to vector<1x512xf32>
    %add3A_275 = arith.addf %dot_general3A_273, %add3A_274 : vector<1x512xf32>
    %mul3A_276 = vector.broadcast %div3A_61 : f32 to vector<1x512xf32>
    %mul3A_277 = arith.mulf %mul3A_276, %add3A_275 : vector<1x512xf32>
    %swap3A_278 = arith.constant 0 : index
    %swap3A_279 = arith.constant 1024 : index
    %swap3A_280 = vector.load %arg9[%swap3A_278, %swap3A_279] : memref<4x32768xf32, #tpu.memory_space<vmem>>, vector<1x512xf32>
    tpu.vector_store %arg9[%swap3A_278, %swap3A_279], %mul3A_277 {strides = array<i32>} : memref<4x32768xf32, #tpu.memory_space<vmem>>, vector<1x512xf32>,
    %max3A_281 = vector.broadcast %neg3A_133 : vector<128x1xbf16> to vector<128x512xbf16>
    %max3A_282 = arith.maximumf %mul3A_269, %max3A_281 : vector<128x512xbf16>
    %dot_general3A_283 = arith.constant dense<0.000000e+00> : vector<1x512xf32>
    %dot_general3A_284 = tpu.matmul %broadcast_in_dim3A_125, %max3A_282, %dot_general3A_283 {dimension_numbers = #tpu.dot_dimension_numbers<[1], [0], [0], [1], [0, 0, 1, 1], [], []>, transpose_lhs_hint = false} : vector<1x128xbf16>, vector<128x512xbf16>, vector<1x512xf32> -> vector<1x512xf32>
    %add3A_285 = vector.broadcast %broadcast_in_dim3A_153 : vector<1x1xf32> to vector<1x512xf32>
    %add3A_286 = arith.addf %dot_general3A_284, %add3A_285 : vector<1x512xf32>
    %mul3A_287 = vector.broadcast %div3A_82 : f32 to vector<1x512xf32>
    %mul3A_288 = arith.mulf %mul3A_287, %add3A_286 : vector<1x512xf32>
    %swap3A_289 = arith.constant 1 : index
    %swap3A_290 = arith.constant 1024 : index
    %swap3A_291 = vector.load %arg9[%swap3A_289, %swap3A_290] : memref<4x32768xf32, #tpu.memory_space<vmem>>, vector<1x512xf32>
    tpu.vector_store %arg9[%swap3A_289, %swap3A_290], %mul3A_288 {strides = array<i32>} : memref<4x32768xf32, #tpu.memory_space<vmem>>, vector<1x512xf32>,
    %max3A_292 = vector.broadcast %neg3A_137 : vector<128x1xbf16> to vector<128x512xbf16>
    %max3A_293 = arith.maximumf %mul3A_269, %max3A_292 : vector<128x512xbf16>
    %dot_general3A_294 = arith.constant dense<0.000000e+00> : vector<1x512xf32>
    %dot_general3A_295 = tpu.matmul %broadcast_in_dim3A_125, %max3A_293, %dot_general3A_294 {dimension_numbers = #tpu.dot_dimension_numbers<[1], [0], [0], [1], [0, 0, 1, 1], [], []>, transpose_lhs_hint = false} : vector<1x128xbf16>, vector<128x512xbf16>, vector<1x512xf32> -> vector<1x512xf32>
    %add3A_296 = vector.broadcast %broadcast_in_dim3A_159 : vector<1x1xf32> to vector<1x512xf32>
    %add3A_297 = arith.addf %dot_general3A_295, %add3A_296 : vector<1x512xf32>
    %mul3A_298 = vector.broadcast %div3A_103 : f32 to vector<1x512xf32>
    %mul3A_299 = arith.mulf %mul3A_298, %add3A_297 : vector<1x512xf32>
    %swap3A_300 = arith.constant 2 : index
    %swap3A_301 = arith.constant 1024 : index
    %swap3A_302 = vector.load %arg9[%swap3A_300, %swap3A_301] : memref<4x32768xf32, #tpu.memory_space<vmem>>, vector<1x512xf32>
    tpu.vector_store %arg9[%swap3A_300, %swap3A_301], %mul3A_299 {strides = array<i32>} : memref<4x32768xf32, #tpu.memory_space<vmem>>, vector<1x512xf32>,
    %max3A_303 = vector.broadcast %neg3A_141 : vector<128x1xbf16> to vector<128x512xbf16>
    %max3A_304 = arith.maximumf %mul3A_269, %max3A_303 : vector<128x512xbf16>
    %dot_general3A_305 = arith.constant dense<0.000000e+00> : vector<1x512xf32>
    %dot_general3A_306 = tpu.matmul %broadcast_in_dim3A_125, %max3A_304, %dot_general3A_305 {dimension_numbers = #tpu.dot_dimension_numbers<[1], [0], [0], [1], [0, 0, 1, 1], [], []>, transpose_lhs_hint = false} : vector<1x128xbf16>, vector<128x512xbf16>, vector<1x512xf32> -> vector<1x512xf32>
    %add3A_307 = vector.broadcast %broadcast_in_dim3A_165 : vector<1x1xf32> to vector<1x512xf32>
    %add3A_308 = arith.addf %dot_general3A_306, %add3A_307 : vector<1x512xf32>
    %mul3A_309 = vector.broadcast %div3A_124 : f32 to vector<1x512xf32>
    %mul3A_310 = arith.mulf %mul3A_309, %add3A_308 : vector<1x512xf32>
    %swap3A_311 = arith.constant 3 : index
    %swap3A_312 = arith.constant 1024 : index
    %swap3A_313 = vector.load %arg9[%swap3A_311, %swap3A_312] : memref<4x32768xf32, #tpu.memory_space<vmem>>, vector<1x512xf32>
    tpu.vector_store %arg9[%swap3A_311, %swap3A_312], %mul3A_310 {strides = array<i32>} : memref<4x32768xf32, #tpu.memory_space<vmem>>, vector<1x512xf32>,
    %slice3A_314 = vector.extract_strided_slice %convert_element_type3A_171 {offsets = [0, 1536], sizes = [1, 512], strides = [1, 1]} : vector<1x32768xbf16> to vector<1x512xbf16>
    %mul3A_315 = vector.broadcast %convert_element_type3A : vector<128x1xbf16> to vector<128x512xbf16>
    %mul3A_316 = vector.broadcast %slice3A_314 : vector<1x512xbf16> to vector<128x512xbf16>
    %mul3A_317 = arith.mulf %mul3A_315, %mul3A_316 : vector<128x512xbf16>
    %max3A_318 = vector.broadcast %neg3A_129 : vector<128x1xbf16> to vector<128x512xbf16>
    %max3A_319 = arith.maximumf %mul3A_317, %max3A_318 : vector<128x512xbf16>
    %dot_general3A_320 = arith.constant dense<0.000000e+00> : vector<1x512xf32>
    %dot_general3A_321 = tpu.matmul %broadcast_in_dim3A_125, %max3A_319, %dot_general3A_320 {dimension_numbers = #tpu.dot_dimension_numbers<[1], [0], [0], [1], [0, 0, 1, 1], [], []>, transpose_lhs_hint = false} : vector<1x128xbf16>, vector<128x512xbf16>, vector<1x512xf32> -> vector<1x512xf32>
    %add3A_322 = vector.broadcast %broadcast_in_dim3A_147 : vector<1x1xf32> to vector<1x512xf32>
    %add3A_323 = arith.addf %dot_general3A_321, %add3A_322 : vector<1x512xf32>
    %mul3A_324 = vector.broadcast %div3A_61 : f32 to vector<1x512xf32>
    %mul3A_325 = arith.mulf %mul3A_324, %add3A_323 : vector<1x512xf32>
    %swap3A_326 = arith.constant 0 : index
    %swap3A_327 = arith.constant 1536 : index
    %swap3A_328 = vector.load %arg9[%swap3A_326, %swap3A_327] : memref<4x32768xf32, #tpu.memory_space<vmem>>, vector<1x512xf32>
    tpu.vector_store %arg9[%swap3A_326, %swap3A_327], %mul3A_325 {strides = array<i32>} : memref<4x32768xf32, #tpu.memory_space<vmem>>, vector<1x512xf32>,
    %max3A_329 = vector.broadcast %neg3A_133 : vector<128x1xbf16> to vector<128x512xbf16>
    %max3A_330 = arith.maximumf %mul3A_317, %max3A_329 : vector<128x512xbf16>
    %dot_general3A_331 = arith.constant dense<0.000000e+00> : vector<1x512xf32>
    %dot_general3A_332 = tpu.matmul %broadcast_in_dim3A_125, %max3A_330, %dot_general3A_331 {dimension_numbers = #tpu.dot_dimension_numbers<[1], [0], [0], [1], [0, 0, 1, 1], [], []>, transpose_lhs_hint = false} : vector<1x128xbf16>, vector<128x512xbf16>, vector<1x512xf32> -> vector<1x512xf32>
    %add3A_333 = vector.broadcast %broadcast_in_dim3A_153 : vector<1x1xf32> to vector<1x512xf32>
    %add3A_334 = arith.addf %dot_general3A_332, %add3A_333 : vector<1x512xf32>
    %mul3A_335 = vector.broadcast %div3A_82 : f32 to vector<1x512xf32>
    %mul3A_336 = arith.mulf %mul3A_335, %add3A_334 : vector<1x512xf32>
    %swap3A_337 = arith.constant 1 : index
    %swap3A_338 = arith.constant 1536 : index
    %swap3A_339 = vector.load %arg9[%swap3A_337, %swap3A_338] : memref<4x32768xf32, #tpu.memory_space<vmem>>, vector<1x512xf32>
    tpu.vector_store %arg9[%swap3A_337, %swap3A_338], %mul3A_336 {strides = array<i32>} : memref<4x32768xf32, #tpu.memory_space<vmem>>, vector<1x512xf32>,
    %max3A_340 = vector.broadcast %neg3A_137 : vector<128x1xbf16> to vector<128x512xbf16>
    %max3A_341 = arith.maximumf %mul3A_317, %max3A_340 : vector<128x512xbf16>
    %dot_general3A_342 = arith.constant dense<0.000000e+00> : vector<1x512xf32>
    %dot_general3A_343 = tpu.matmul %broadcast_in_dim3A_125, %max3A_341, %dot_general3A_342 {dimension_numbers = #tpu.dot_dimension_numbers<[1], [0], [0], [1], [0, 0, 1, 1], [], []>, transpose_lhs_hint = false} : vector<1x128xbf16>, vector<128x512xbf16>, vector<1x512xf32> -> vector<1x512xf32>
    %add3A_344 = vector.broadcast %broadcast_in_dim3A_159 : vector<1x1xf32> to vector<1x512xf32>
    %add3A_345 = arith.addf %dot_general3A_343, %add3A_344 : vector<1x512xf32>
    %mul3A_346 = vector.broadcast %div3A_103 : f32 to vector<1x512xf32>
    %mul3A_347 = arith.mulf %mul3A_346, %add3A_345 : vector<1x512xf32>
    %swap3A_348 = arith.constant 2 : index
    %swap3A_349 = arith.constant 1536 : index
    %swap3A_350 = vector.load %arg9[%swap3A_348, %swap3A_349] : memref<4x32768xf32, #tpu.memory_space<vmem>>, vector<1x512xf32>
    tpu.vector_store %arg9[%swap3A_348, %swap3A_349], %mul3A_347 {strides = array<i32>} : memref<4x32768xf32, #tpu.memory_space<vmem>>, vector<1x512xf32>,
    %max3A_351 = vector.broadcast %neg3A_141 : vector<128x1xbf16> to vector<128x512xbf16>
    %max3A_352 = arith.maximumf %mul3A_317, %max3A_351 : vector<128x512xbf16>
    %dot_general3A_353 = arith.constant dense<0.000000e+00> : vector<1x512xf32>
    %dot_general3A_354 = tpu.matmul %broadcast_in_dim3A_125, %max3A_352, %dot_general3A_353 {dimension_numbers = #tpu.dot_dimension_numbers<[1], [0], [0], [1], [0, 0, 1, 1], [], []>, transpose_lhs_hint = false} : vector<1x128xbf16>, vector<128x512xbf16>, vector<1x512xf32> -> vector<1x512xf32>
    %add3A_355 = vector.broadcast %broadcast_in_dim3A_165 : vector<1x1xf32> to vector<1x512xf32>
    %add3A_356 = arith.addf %dot_general3A_354, %add3A_355 : vector<1x512xf32>
    %mul3A_357 = vector.broadcast %div3A_124 : f32 to vector<1x512xf32>
    %mul3A_358 = arith.mulf %mul3A_357, %add3A_356 : vector<1x512xf32>
    %swap3A_359 = arith.constant 3 : index
    %swap3A_360 = arith.constant 1536 : index
    %swap3A_361 = vector.load %arg9[%swap3A_359, %swap3A_360] : memref<4x32768xf32, #tpu.memory_space<vmem>>, vector<1x512xf32>
    tpu.vector_store %arg9[%swap3A_359, %swap3A_360], %mul3A_358 {strides = array<i32>} : memref<4x32768xf32, #tpu.memory_space<vmem>>, vector<1x512xf32>,
    %slice3A_362 = vector.extract_strided_slice %convert_element_type3A_171 {offsets = [0, 2048], sizes = [1, 512], strides = [1, 1]} : vector<1x32768xbf16> to vector<1x512xbf16>
    %mul3A_363 = vector.broadcast %convert_element_type3A : vector<128x1xbf16> to vector<128x512xbf16>
    %mul3A_364 = vector.broadcast %slice3A_362 : vector<1x512xbf16> to vector<128x512xbf16>
    %mul3A_365 = arith.mulf %mul3A_363, %mul3A_364 : vector<128x512xbf16>
    %max3A_366 = vector.broadcast %neg3A_129 : vector<128x1xbf16> to vector<128x512xbf16>
    %max3A_367 = arith.maximumf %mul3A_365, %max3A_366 : vector<128x512xbf16>
    %dot_general3A_368 = arith.constant dense<0.000000e+00> : vector<1x512xf32>
    %dot_general3A_369 = tpu.matmul %broadcast_in_dim3A_125, %max3A_367, %dot_general3A_368 {dimension_numbers = #tpu.dot_dimension_numbers<[1], [0], [0], [1], [0, 0, 1, 1], [], []>, transpose_lhs_hint = false} : vector<1x128xbf16>, vector<128x512xbf16>, vector<1x512xf32> -> vector<1x512xf32>
    %add3A_370 = vector.broadcast %broadcast_in_dim3A_147 : vector<1x1xf32> to vector<1x512xf32>
    %add3A_371 = arith.addf %dot_general3A_369, %add3A_370 : vector<1x512xf32>
    %mul3A_372 = vector.broadcast %div3A_61 : f32 to vector<1x512xf32>
    %mul3A_373 = arith.mulf %mul3A_372, %add3A_371 : vector<1x512xf32>
    %swap3A_374 = arith.constant 0 : index
    %swap3A_375 = arith.constant 2048 : index
    %swap3A_376 = vector.load %arg9[%swap3A_374, %swap3A_375] : memref<4x32768xf32, #tpu.memory_space<vmem>>, vector<1x512xf32>
    tpu.vector_store %arg9[%swap3A_374, %swap3A_375], %mul3A_373 {strides = array<i32>} : memref<4x32768xf32, #tpu.memory_space<vmem>>, vector<1x512xf32>,
    %max3A_377 = vector.broadcast %neg3A_133 : vector<128x1xbf16> to vector<128x512xbf16>
    %max3A_378 = arith.maximumf %mul3A_365, %max3A_377 : vector<128x512xbf16>
    %dot_general3A_379 = arith.constant dense<0.000000e+00> : vector<1x512xf32>
    %dot_general3A_380 = tpu.matmul %broadcast_in_dim3A_125, %max3A_378, %dot_general3A_379 {dimension_numbers = #tpu.dot_dimension_numbers<[1], [0], [0], [1], [0, 0, 1, 1], [], []>, transpose_lhs_hint = false} : vector<1x128xbf16>, vector<128x512xbf16>, vector<1x512xf32> -> vector<1x512xf32>
    %add3A_381 = vector.broadcast %broadcast_in_dim3A_153 : vector<1x1xf32> to vector<1x512xf32>
    %add3A_382 = arith.addf %dot_general3A_380, %add3A_381 : vector<1x512xf32>
    %mul3A_383 = vector.broadcast %div3A_82 : f32 to vector<1x512xf32>
    %mul3A_384 = arith.mulf %mul3A_383, %add3A_382 : vector<1x512xf32>
    %swap3A_385 = arith.constant 1 : index
    %swap3A_386 = arith.constant 2048 : index
    %swap3A_387 = vector.load %arg9[%swap3A_385, %swap3A_386] : memref<4x32768xf32, #tpu.memory_space<vmem>>, vector<1x512xf32>
    tpu.vector_store %arg9[%swap3A_385, %swap3A_386], %mul3A_384 {strides = array<i32>} : memref<4x32768xf32, #tpu.memory_space<vmem>>, vector<1x512xf32>,
    %max3A_388 = vector.broadcast %neg3A_137 : vector<128x1xbf16> to vector<128x512xbf16>
    %max3A_389 = arith.maximumf %mul3A_365, %max3A_388 : vector<128x512xbf16>
    %dot_general3A_390 = arith.constant dense<0.000000e+00> : vector<1x512xf32>
    %dot_general3A_391 = tpu.matmul %broadcast_in_dim3A_125, %max3A_389, %dot_general3A_390 {dimension_numbers = #tpu.dot_dimension_numbers<[1], [0], [0], [1], [0, 0, 1, 1], [], []>, transpose_lhs_hint = false} : vector<1x128xbf16>, vector<128x512xbf16>, vector<1x512xf32> -> vector<1x512xf32>
    %add3A_392 = vector.broadcast %broadcast_in_dim3A_159 : vector<1x1xf32> to vector<1x512xf32>
    %add3A_393 = arith.addf %dot_general3A_391, %add3A_392 : vector<1x512xf32>
    %mul3A_394 = vector.broadcast %div3A_103 : f32 to vector<1x512xf32>
    %mul3A_395 = arith.mulf %mul3A_394, %add3A_393 : vector<1x512xf32>
    %swap3A_396 = arith.constant 2 : index
    %swap3A_397 = arith.constant 2048 : index
    %swap3A_398 = vector.load %arg9[%swap3A_396, %swap3A_397] : memref<4x32768xf32, #tpu.memory_space<vmem>>, vector<1x512xf32>
    tpu.vector_store %arg9[%swap3A_396, %swap3A_397], %mul3A_395 {strides = array<i32>} : memref<4x32768xf32, #tpu.memory_space<vmem>>, vector<1x512xf32>,
    %max3A_399 = vector.broadcast %neg3A_141 : vector<128x1xbf16> to vector<128x512xbf16>
    %max3A_400 = arith.maximumf %mul3A_365, %max3A_399 : vector<128x512xbf16>
    %dot_general3A_401 = arith.constant dense<0.000000e+00> : vector<1x512xf32>
    %dot_general3A_402 = tpu.matmul %broadcast_in_dim3A_125, %max3A_400, %dot_general3A_401 {dimension_numbers = #tpu.dot_dimension_numbers<[1], [0], [0], [1], [0, 0, 1, 1], [], []>, transpose_lhs_hint = false} : vector<1x128xbf16>, vector<128x512xbf16>, vector<1x512xf32> -> vector<1x512xf32>
    %add3A_403 = vector.broadcast %broadcast_in_dim3A_165 : vector<1x1xf32> to vector<1x512xf32>
    %add3A_404 = arith.addf %dot_general3A_402, %add3A_403 : vector<1x512xf32>
    %mul3A_405 = vector.broadcast %div3A_124 : f32 to vector<1x512xf32>
    %mul3A_406 = arith.mulf %mul3A_405, %add3A_404 : vector<1x512xf32>
    %swap3A_407 = arith.constant 3 : index
    %swap3A_408 = arith.constant 2048 : index
    %swap3A_409 = vector.load %arg9[%swap3A_407, %swap3A_408] : memref<4x32768xf32, #tpu.memory_space<vmem>>, vector<1x512xf32>
    tpu.vector_store %arg9[%swap3A_407, %swap3A_408], %mul3A_406 {strides = array<i32>} : memref<4x32768xf32, #tpu.memory_space<vmem>>, vector<1x512xf32>,
    %slice3A_410 = vector.extract_strided_slice %convert_element_type3A_171 {offsets = [0, 2560], sizes = [1, 512], strides = [1, 1]} : vector<1x32768xbf16> to vector<1x512xbf16>
    %mul3A_411 = vector.broadcast %convert_element_type3A : vector<128x1xbf16> to vector<128x512xbf16>
    %mul3A_412 = vector.broadcast %slice3A_410 : vector<1x512xbf16> to vector<128x512xbf16>
    %mul3A_413 = arith.mulf %mul3A_411, %mul3A_412 : vector<128x512xbf16>
    %max3A_414 = vector.broadcast %neg3A_129 : vector<128x1xbf16> to vector<128x512xbf16>
    %max3A_415 = arith.maximumf %mul3A_413, %max3A_414 : vector<128x512xbf16>
    %dot_general3A_416 = arith.constant dense<0.000000e+00> : vector<1x512xf32>
    %dot_general3A_417 = tpu.matmul %broadcast_in_dim3A_125, %max3A_415, %dot_general3A_416 {dimension_numbers = #tpu.dot_dimension_numbers<[1], [0], [0], [1], [0, 0, 1, 1], [], []>, transpose_lhs_hint = false} : vector<1x128xbf16>, vector<128x512xbf16>, vector<1x512xf32> -> vector<1x512xf32>
    %add3A_418 = vector.broadcast %broadcast_in_dim3A_147 : vector<1x1xf32> to vector<1x512xf32>
    %add3A_419 = arith.addf %dot_general3A_417, %add3A_418 : vector<1x512xf32>
    %mul3A_420 = vector.broadcast %div3A_61 : f32 to vector<1x512xf32>
    %mul3A_421 = arith.mulf %mul3A_420, %add3A_419 : vector<1x512xf32>
    %swap3A_422 = arith.constant 0 : index
    %swap3A_423 = arith.constant 2560 : index
    %swap3A_424 = vector.load %arg9[%swap3A_422, %swap3A_423] : memref<4x32768xf32, #tpu.memory_space<vmem>>, vector<1x512xf32>
    tpu.vector_store %arg9[%swap3A_422, %swap3A_423], %mul3A_421 {strides = array<i32>} : memref<4x32768xf32, #tpu.memory_space<vmem>>, vector<1x512xf32>,
    %max3A_425 = vector.broadcast %neg3A_133 : vector<128x1xbf16> to vector<128x512xbf16>
    %max3A_426 = arith.maximumf %mul3A_413, %max3A_425 : vector<128x512xbf16>
    %dot_general3A_427 = arith.constant dense<0.000000e+00> : vector<1x512xf32>
    %dot_general3A_428 = tpu.matmul %broadcast_in_dim3A_125, %max3A_426, %dot_general3A_427 {dimension_numbers = #tpu.dot_dimension_numbers<[1], [0], [0], [1], [0, 0, 1, 1], [], []>, transpose_lhs_hint = false} : vector<1x128xbf16>, vector<128x512xbf16>, vector<1x512xf32> -> vector<1x512xf32>
    %add3A_429 = vector.broadcast %broadcast_in_dim3A_153 : vector<1x1xf32> to vector<1x512xf32>
    %add3A_430 = arith.addf %dot_general3A_428, %add3A_429 : vector<1x512xf32>
    %mul3A_431 = vector.broadcast %div3A_82 : f32 to vector<1x512xf32>
    %mul3A_432 = arith.mulf %mul3A_431, %add3A_430 : vector<1x512xf32>
    %swap3A_433 = arith.constant 1 : index
    %swap3A_434 = arith.constant 2560 : index
    %swap3A_435 = vector.load %arg9[%swap3A_433, %swap3A_434] : memref<4x32768xf32, #tpu.memory_space<vmem>>, vector<1x512xf32>
    tpu.vector_store %arg9[%swap3A_433, %swap3A_434], %mul3A_432 {strides = array<i32>} : memref<4x32768xf32, #tpu.memory_space<vmem>>, vector<1x512xf32>,
    %max3A_436 = vector.broadcast %neg3A_137 : vector<128x1xbf16> to vector<128x512xbf16>
    %max3A_437 = arith.maximumf %mul3A_413, %max3A_436 : vector<128x512xbf16>
    %dot_general3A_438 = arith.constant dense<0.000000e+00> : vector<1x512xf32>
    %dot_general3A_439 = tpu.matmul %broadcast_in_dim3A_125, %max3A_437, %dot_general3A_438 {dimension_numbers = #tpu.dot_dimension_numbers<[1], [0], [0], [1], [0, 0, 1, 1], [], []>, transpose_lhs_hint = false} : vector<1x128xbf16>, vector<128x512xbf16>, vector<1x512xf32> -> vector<1x512xf32>
    %add3A_440 = vector.broadcast %broadcast_in_dim3A_159 : vector<1x1xf32> to vector<1x512xf32>
    %add3A_441 = arith.addf %dot_general3A_439, %add3A_440 : vector<1x512xf32>
    %mul3A_442 = vector.broadcast %div3A_103 : f32 to vector<1x512xf32>
    %mul3A_443 = arith.mulf %mul3A_442, %add3A_441 : vector<1x512xf32>
    %swap3A_444 = arith.constant 2 : index
    %swap3A_445 = arith.constant 2560 : index
    %swap3A_446 = vector.load %arg9[%swap3A_444, %swap3A_445] : memref<4x32768xf32, #tpu.memory_space<vmem>>, vector<1x512xf32>
    tpu.vector_store %arg9[%swap3A_444, %swap3A_445], %mul3A_443 {strides = array<i32>} : memref<4x32768xf32, #tpu.memory_space<vmem>>, vector<1x512xf32>,
    %max3A_447 = vector.broadcast %neg3A_141 : vector<128x1xbf16> to vector<128x512xbf16>
    %max3A_448 = arith.maximumf %mul3A_413, %max3A_447 : vector<128x512xbf16>
    %dot_general3A_449 = arith.constant dense<0.000000e+00> : vector<1x512xf32>
    %dot_general3A_450 = tpu.matmul %broadcast_in_dim3A_125, %max3A_448, %dot_general3A_449 {dimension_numbers = #tpu.dot_dimension_numbers<[1], [0], [0], [1], [0, 0, 1, 1], [], []>, transpose_lhs_hint = false} : vector<1x128xbf16>, vector<128x512xbf16>, vector<1x512xf32> -> vector<1x512xf32>
    %add3A_451 = vector.broadcast %broadcast_in_dim3A_165 : vector<1x1xf32> to vector<1x512xf32>
    %add3A_452 = arith.addf %dot_general3A_450, %add3A_451 : vector<1x512xf32>
    %mul3A_453 = vector.broadcast %div3A_124 : f32 to vector<1x512xf32>
    %mul3A_454 = arith.mulf %mul3A_453, %add3A_452 : vector<1x512xf32>
    %swap3A_455 = arith.constant 3 : index
    %swap3A_456 = arith.constant 2560 : index
    %swap3A_457 = vector.load %arg9[%swap3A_455, %swap3A_456] : memref<4x32768xf32, #tpu.memory_space<vmem>>, vector<1x512xf32>
    tpu.vector_store %arg9[%swap3A_455, %swap3A_456], %mul3A_454 {strides = array<i32>} : memref<4x32768xf32, #tpu.memory_space<vmem>>, vector<1x512xf32>,
    %slice3A_458 = vector.extract_strided_slice %convert_element_type3A_171 {offsets = [0, 3072], sizes = [1, 512], strides = [1, 1]} : vector<1x32768xbf16> to vector<1x512xbf16>
    %mul3A_459 = vector.broadcast %convert_element_type3A : vector<128x1xbf16> to vector<128x512xbf16>
    %mul3A_460 = vector.broadcast %slice3A_458 : vector<1x512xbf16> to vector<128x512xbf16>
    %mul3A_461 = arith.mulf %mul3A_459, %mul3A_460 : vector<128x512xbf16>
    %max3A_462 = vector.broadcast %neg3A_129 : vector<128x1xbf16> to vector<128x512xbf16>
    %max3A_463 = arith.maximumf %mul3A_461, %max3A_462 : vector<128x512xbf16>
    %dot_general3A_464 = arith.constant dense<0.000000e+00> : vector<1x512xf32>
    %dot_general3A_465 = tpu.matmul %broadcast_in_dim3A_125, %max3A_463, %dot_general3A_464 {dimension_numbers = #tpu.dot_dimension_numbers<[1], [0], [0], [1], [0, 0, 1, 1], [], []>, transpose_lhs_hint = false} : vector<1x128xbf16>, vector<128x512xbf16>, vector<1x512xf32> -> vector<1x512xf32>
    %add3A_466 = vector.broadcast %broadcast_in_dim3A_147 : vector<1x1xf32> to vector<1x512xf32>
    %add3A_467 = arith.addf %dot_general3A_465, %add3A_466 : vector<1x512xf32>
    %mul3A_468 = vector.broadcast %div3A_61 : f32 to vector<1x512xf32>
    %mul3A_469 = arith.mulf %mul3A_468, %add3A_467 : vector<1x512xf32>
    %swap3A_470 = arith.constant 0 : index
    %swap3A_471 = arith.constant 3072 : index
    %swap3A_472 = vector.load %arg9[%swap3A_470, %swap3A_471] : memref<4x32768xf32, #tpu.memory_space<vmem>>, vector<1x512xf32>
    tpu.vector_store %arg9[%swap3A_470, %swap3A_471], %mul3A_469 {strides = array<i32>} : memref<4x32768xf32, #tpu.memory_space<vmem>>, vector<1x512xf32>,
    %max3A_473 = vector.broadcast %neg3A_133 : vector<128x1xbf16> to vector<128x512xbf16>
    %max3A_474 = arith.maximumf %mul3A_461, %max3A_473 : vector<128x512xbf16>
    %dot_general3A_475 = arith.constant dense<0.000000e+00> : vector<1x512xf32>
    %dot_general3A_476 = tpu.matmul %broadcast_in_dim3A_125, %max3A_474, %dot_general3A_475 {dimension_numbers = #tpu.dot_dimension_numbers<[1], [0], [0], [1], [0, 0, 1, 1], [], []>, transpose_lhs_hint = false} : vector<1x128xbf16>, vector<128x512xbf16>, vector<1x512xf32> -> vector<1x512xf32>
    %add3A_477 = vector.broadcast %broadcast_in_dim3A_153 : vector<1x1xf32> to vector<1x512xf32>
    %add3A_478 = arith.addf %dot_general3A_476, %add3A_477 : vector<1x512xf32>
    %mul3A_479 = vector.broadcast %div3A_82 : f32 to vector<1x512xf32>
    %mul3A_480 = arith.mulf %mul3A_479, %add3A_478 : vector<1x512xf32>
    %swap3A_481 = arith.constant 1 : index
    %swap3A_482 = arith.constant 3072 : index
    %swap3A_483 = vector.load %arg9[%swap3A_481, %swap3A_482] : memref<4x32768xf32, #tpu.memory_space<vmem>>, vector<1x512xf32>
    tpu.vector_store %arg9[%swap3A_481, %swap3A_482], %mul3A_480 {strides = array<i32>} : memref<4x32768xf32, #tpu.memory_space<vmem>>, vector<1x512xf32>,
    %max3A_484 = vector.broadcast %neg3A_137 : vector<128x1xbf16> to vector<128x512xbf16>
    %max3A_485 = arith.maximumf %mul3A_461, %max3A_484 : vector<128x512xbf16>
    %dot_general3A_486 = arith.constant dense<0.000000e+00> : vector<1x512xf32>
    %dot_general3A_487 = tpu.matmul %broadcast_in_dim3A_125, %max3A_485, %dot_general3A_486 {dimension_numbers = #tpu.dot_dimension_numbers<[1], [0], [0], [1], [0, 0, 1, 1], [], []>, transpose_lhs_hint = false} : vector<1x128xbf16>, vector<128x512xbf16>, vector<1x512xf32> -> vector<1x512xf32>
    %add3A_488 = vector.broadcast %broadcast_in_dim3A_159 : vector<1x1xf32> to vector<1x512xf32>
    %add3A_489 = arith.addf %dot_general3A_487, %add3A_488 : vector<1x512xf32>
    %mul3A_490 = vector.broadcast %div3A_103 : f32 to vector<1x512xf32>
    %mul3A_491 = arith.mulf %mul3A_490, %add3A_489 : vector<1x512xf32>
    %swap3A_492 = arith.constant 2 : index
    %swap3A_493 = arith.constant 3072 : index
    %swap3A_494 = vector.load %arg9[%swap3A_492, %swap3A_493] : memref<4x32768xf32, #tpu.memory_space<vmem>>, vector<1x512xf32>
    tpu.vector_store %arg9[%swap3A_492, %swap3A_493], %mul3A_491 {strides = array<i32>} : memref<4x32768xf32, #tpu.memory_space<vmem>>, vector<1x512xf32>,
    %max3A_495 = vector.broadcast %neg3A_141 : vector<128x1xbf16> to vector<128x512xbf16>
    %max3A_496 = arith.maximumf %mul3A_461, %max3A_495 : vector<128x512xbf16>
    %dot_general3A_497 = arith.constant dense<0.000000e+00> : vector<1x512xf32>
    %dot_general3A_498 = tpu.matmul %broadcast_in_dim3A_125, %max3A_496, %dot_general3A_497 {dimension_numbers = #tpu.dot_dimension_numbers<[1], [0], [0], [1], [0, 0, 1, 1], [], []>, transpose_lhs_hint = false} : vector<1x128xbf16>, vector<128x512xbf16>, vector<1x512xf32> -> vector<1x512xf32>
    %add3A_499 = vector.broadcast %broadcast_in_dim3A_165 : vector<1x1xf32> to vector<1x512xf32>
    %add3A_500 = arith.addf %dot_general3A_498, %add3A_499 : vector<1x512xf32>
    %mul3A_501 = vector.broadcast %div3A_124 : f32 to vector<1x512xf32>
    %mul3A_502 = arith.mulf %mul3A_501, %add3A_500 : vector<1x512xf32>
    %swap3A_503 = arith.constant 3 : index
    %swap3A_504 = arith.constant 3072 : index
    %swap3A_505 = vector.load %arg9[%swap3A_503, %swap3A_504] : memref<4x32768xf32, #tpu.memory_space<vmem>>, vector<1x512xf32>
    tpu.vector_store %arg9[%swap3A_503, %swap3A_504], %mul3A_502 {strides = array<i32>} : memref<4x32768xf32, #tpu.memory_space<vmem>>, vector<1x512xf32>,
    %slice3A_506 = vector.extract_strided_slice %convert_element_type3A_171 {offsets = [0, 3584], sizes = [1, 512], strides = [1, 1]} : vector<1x32768xbf16> to vector<1x512xbf16>
    %mul3A_507 = vector.broadcast %convert_element_type3A : vector<128x1xbf16> to vector<128x512xbf16>
    %mul3A_508 = vector.broadcast %slice3A_506 : vector<1x512xbf16> to vector<128x512xbf16>
    %mul3A_509 = arith.mulf %mul3A_507, %mul3A_508 : vector<128x512xbf16>
    %max3A_510 = vector.broadcast %neg3A_129 : vector<128x1xbf16> to vector<128x512xbf16>
    %max3A_511 = arith.maximumf %mul3A_509, %max3A_510 : vector<128x512xbf16>
    %dot_general3A_512 = arith.constant dense<0.000000e+00> : vector<1x512xf32>
    %dot_general3A_513 = tpu.matmul %broadcast_in_dim3A_125, %max3A_511, %dot_general3A_512 {dimension_numbers = #tpu.dot_dimension_numbers<[1], [0], [0], [1], [0, 0, 1, 1], [], []>, transpose_lhs_hint = false} : vector<1x128xbf16>, vector<128x512xbf16>, vector<1x512xf32> -> vector<1x512xf32>
    %add3A_514 = vector.broadcast %broadcast_in_dim3A_147 : vector<1x1xf32> to vector<1x512xf32>
    %add3A_515 = arith.addf %dot_general3A_513, %add3A_514 : vector<1x512xf32>
    %mul3A_516 = vector.broadcast %div3A_61 : f32 to vector<1x512xf32>
    %mul3A_517 = arith.mulf %mul3A_516, %add3A_515 : vector<1x512xf32>
    %swap3A_518 = arith.constant 0 : index
    %swap3A_519 = arith.constant 3584 : index
    %swap3A_520 = vector.load %arg9[%swap3A_518, %swap3A_519] : memref<4x32768xf32, #tpu.memory_space<vmem>>, vector<1x512xf32>
    tpu.vector_store %arg9[%swap3A_518, %swap3A_519], %mul3A_517 {strides = array<i32>} : memref<4x32768xf32, #tpu.memory_space<vmem>>, vector<1x512xf32>,
    %max3A_521 = vector.broadcast %neg3A_133 : vector<128x1xbf16> to vector<128x512xbf16>
    %max3A_522 = arith.maximumf %mul3A_509, %max3A_521 : vector<128x512xbf16>
    %dot_general3A_523 = arith.constant dense<0.000000e+00> : vector<1x512xf32>
    %dot_general3A_524 = tpu.matmul %broadcast_in_dim3A_125, %max3A_522, %dot_general3A_523 {dimension_numbers = #tpu.dot_dimension_numbers<[1], [0], [0], [1], [0, 0, 1, 1], [], []>, transpose_lhs_hint = false} : vector<1x128xbf16>, vector<128x512xbf16>, vector<1x512xf32> -> vector<1x512xf32>
    %add3A_525 = vector.broadcast %broadcast_in_dim3A_153 : vector<1x1xf32> to vector<1x512xf32>
    %add3A_526 = arith.addf %dot_general3A_524, %add3A_525 : vector<1x512xf32>
    %mul3A_527 = vector.broadcast %div3A_82 : f32 to vector<1x512xf32>
    %mul3A_528 = arith.mulf %mul3A_527, %add3A_526 : vector<1x512xf32>
    %swap3A_529 = arith.constant 1 : index
    %swap3A_530 = arith.constant 3584 : index
    %swap3A_531 = vector.load %arg9[%swap3A_529, %swap3A_530] : memref<4x32768xf32, #tpu.memory_space<vmem>>, vector<1x512xf32>
    tpu.vector_store %arg9[%swap3A_529, %swap3A_530], %mul3A_528 {strides = array<i32>} : memref<4x32768xf32, #tpu.memory_space<vmem>>, vector<1x512xf32>,
    %max3A_532 = vector.broadcast %neg3A_137 : vector<128x1xbf16> to vector<128x512xbf16>
    %max3A_533 = arith.maximumf %mul3A_509, %max3A_532 : vector<128x512xbf16>
    %dot_general3A_534 = arith.constant dense<0.000000e+00> : vector<1x512xf32>
    %dot_general3A_535 = tpu.matmul %broadcast_in_dim3A_125, %max3A_533, %dot_general3A_534 {dimension_numbers = #tpu.dot_dimension_numbers<[1], [0], [0], [1], [0, 0, 1, 1], [], []>, transpose_lhs_hint = false} : vector<1x128xbf16>, vector<128x512xbf16>, vector<1x512xf32> -> vector<1x512xf32>
    %add3A_536 = vector.broadcast %broadcast_in_dim3A_159 : vector<1x1xf32> to vector<1x512xf32>
    %add3A_537 = arith.addf %dot_general3A_535, %add3A_536 : vector<1x512xf32>
    %mul3A_538 = vector.broadcast %div3A_103 : f32 to vector<1x512xf32>
    %mul3A_539 = arith.mulf %mul3A_538, %add3A_537 : vector<1x512xf32>
    %swap3A_540 = arith.constant 2 : index
    %swap3A_541 = arith.constant 3584 : index
    %swap3A_542 = vector.load %arg9[%swap3A_540, %swap3A_541] : memref<4x32768xf32, #tpu.memory_space<vmem>>, vector<1x512xf32>
    tpu.vector_store %arg9[%swap3A_540, %swap3A_541], %mul3A_539 {strides = array<i32>} : memref<4x32768xf32, #tpu.memory_space<vmem>>, vector<1x512xf32>,
    %max3A_543 = vector.broadcast %neg3A_141 : vector<128x1xbf16> to vector<128x512xbf16>
    %max3A_544 = arith.maximumf %mul3A_509, %max3A_543 : vector<128x512xbf16>
    %dot_general3A_545 = arith.constant dense<0.000000e+00> : vector<1x512xf32>
    %dot_general3A_546 = tpu.matmul %broadcast_in_dim3A_125, %max3A_544, %dot_general3A_545 {dimension_numbers = #tpu.dot_dimension_numbers<[1], [0], [0], [1], [0, 0, 1, 1], [], []>, transpose_lhs_hint = false} : vector<1x128xbf16>, vector<128x512xbf16>, vector<1x512xf32> -> vector<1x512xf32>
    %add3A_547 = vector.broadcast %broadcast_in_dim3A_165 : vector<1x1xf32> to vector<1x512xf32>
    %add3A_548 = arith.addf %dot_general3A_546, %add3A_547 : vector<1x512xf32>
    %mul3A_549 = vector.broadcast %div3A_124 : f32 to vector<1x512xf32>
    %mul3A_550 = arith.mulf %mul3A_549, %add3A_548 : vector<1x512xf32>
    %swap3A_551 = arith.constant 3 : index
    %swap3A_552 = arith.constant 3584 : index
    %swap3A_553 = vector.load %arg9[%swap3A_551, %swap3A_552] : memref<4x32768xf32, #tpu.memory_space<vmem>>, vector<1x512xf32>
    tpu.vector_store %arg9[%swap3A_551, %swap3A_552], %mul3A_550 {strides = array<i32>} : memref<4x32768xf32, #tpu.memory_space<vmem>>, vector<1x512xf32>,
    %slice3A_554 = vector.extract_strided_slice %convert_element_type3A_171 {offsets = [0, 4096], sizes = [1, 512], strides = [1, 1]} : vector<1x32768xbf16> to vector<1x512xbf16>
    %mul3A_555 = vector.broadcast %convert_element_type3A : vector<128x1xbf16> to vector<128x512xbf16>
    %mul3A_556 = vector.broadcast %slice3A_554 : vector<1x512xbf16> to vector<128x512xbf16>
    %mul3A_557 = arith.mulf %mul3A_555, %mul3A_556 : vector<128x512xbf16>
    %max3A_558 = vector.broadcast %neg3A_129 : vector<128x1xbf16> to vector<128x512xbf16>
    %max3A_559 = arith.maximumf %mul3A_557, %max3A_558 : vector<128x512xbf16>
    %dot_general3A_560 = arith.constant dense<0.000000e+00> : vector<1x512xf32>
    %dot_general3A_561 = tpu.matmul %broadcast_in_dim3A_125, %max3A_559, %dot_general3A_560 {dimension_numbers = #tpu.dot_dimension_numbers<[1], [0], [0], [1], [0, 0, 1, 1], [], []>, transpose_lhs_hint = false} : vector<1x128xbf16>, vector<128x512xbf16>, vector<1x512xf32> -> vector<1x512xf32>
    %add3A_562 = vector.broadcast %broadcast_in_dim3A_147 : vector<1x1xf32> to vector<1x512xf32>
    %add3A_563 = arith.addf %dot_general3A_561, %add3A_562 : vector<1x512xf32>
    %mul3A_564 = vector.broadcast %div3A_61 : f32 to vector<1x512xf32>
    %mul3A_565 = arith.mulf %mul3A_564, %add3A_563 : vector<1x512xf32>
    %swap3A_566 = arith.constant 0 : index
    %swap3A_567 = arith.constant 4096 : index
    %swap3A_568 = vector.load %arg9[%swap3A_566, %swap3A_567] : memref<4x32768xf32, #tpu.memory_space<vmem>>, vector<1x512xf32>
    tpu.vector_store %arg9[%swap3A_566, %swap3A_567], %mul3A_565 {strides = array<i32>} : memref<4x32768xf32, #tpu.memory_space<vmem>>, vector<1x512xf32>,
    %max3A_569 = vector.broadcast %neg3A_133 : vector<128x1xbf16> to vector<128x512xbf16>
    %max3A_570 = arith.maximumf %mul3A_557, %max3A_569 : vector<128x512xbf16>
    %dot_general3A_571 = arith.constant dense<0.000000e+00> : vector<1x512xf32>
    %dot_general3A_572 = tpu.matmul %broadcast_in_dim3A_125, %max3A_570, %dot_general3A_571 {dimension_numbers = #tpu.dot_dimension_numbers<[1], [0], [0], [1], [0, 0, 1, 1], [], []>, transpose_lhs_hint = false} : vector<1x128xbf16>, vector<128x512xbf16>, vector<1x512xf32> -> vector<1x512xf32>
    %add3A_573 = vector.broadcast %broadcast_in_dim3A_153 : vector<1x1xf32> to vector<1x512xf32>
    %add3A_574 = arith.addf %dot_general3A_572, %add3A_573 : vector<1x512xf32>
    %mul3A_575 = vector.broadcast %div3A_82 : f32 to vector<1x512xf32>
    %mul3A_576 = arith.mulf %mul3A_575, %add3A_574 : vector<1x512xf32>
    %swap3A_577 = arith.constant 1 : index
    %swap3A_578 = arith.constant 4096 : index
    %swap3A_579 = vector.load %arg9[%swap3A_577, %swap3A_578] : memref<4x32768xf32, #tpu.memory_space<vmem>>, vector<1x512xf32>
    tpu.vector_store %arg9[%swap3A_577, %swap3A_578], %mul3A_576 {strides = array<i32>} : memref<4x32768xf32, #tpu.memory_space<vmem>>, vector<1x512xf32>,
    %max3A_580 = vector.broadcast %neg3A_137 : vector<128x1xbf16> to vector<128x512xbf16>
    %max3A_581 = arith.maximumf %mul3A_557, %max3A_580 : vector<128x512xbf16>
    %dot_general3A_582 = arith.constant dense<0.000000e+00> : vector<1x512xf32>
    %dot_general3A_583 = tpu.matmul %broadcast_in_dim3A_125, %max3A_581, %dot_general3A_582 {dimension_numbers = #tpu.dot_dimension_numbers<[1], [0], [0], [1], [0, 0, 1, 1], [], []>, transpose_lhs_hint = false} : vector<1x128xbf16>, vector<128x512xbf16>, vector<1x512xf32> -> vector<1x512xf32>
    %add3A_584 = vector.broadcast %broadcast_in_dim3A_159 : vector<1x1xf32> to vector<1x512xf32>
    %add3A_585 = arith.addf %dot_general3A_583, %add3A_584 : vector<1x512xf32>
    %mul3A_586 = vector.broadcast %div3A_103 : f32 to vector<1x512xf32>
    %mul3A_587 = arith.mulf %mul3A_586, %add3A_585 : vector<1x512xf32>
    %swap3A_588 = arith.constant 2 : index
    %swap3A_589 = arith.constant 4096 : index
    %swap3A_590 = vector.load %arg9[%swap3A_588, %swap3A_589] : memref<4x32768xf32, #tpu.memory_space<vmem>>, vector<1x512xf32>
    tpu.vector_store %arg9[%swap3A_588, %swap3A_589], %mul3A_587 {strides = array<i32>} : memref<4x32768xf32, #tpu.memory_space<vmem>>, vector<1x512xf32>,
    %max3A_591 = vector.broadcast %neg3A_141 : vector<128x1xbf16> to vector<128x512xbf16>
    %max3A_592 = arith.maximumf %mul3A_557, %max3A_591 : vector<128x512xbf16>
    %dot_general3A_593 = arith.constant dense<0.000000e+00> : vector<1x512xf32>
    %dot_general3A_594 = tpu.matmul %broadcast_in_dim3A_125, %max3A_592, %dot_general3A_593 {dimension_numbers = #tpu.dot_dimension_numbers<[1], [0], [0], [1], [0, 0, 1, 1], [], []>, transpose_lhs_hint = false} : vector<1x128xbf16>, vector<128x512xbf16>, vector<1x512xf32> -> vector<1x512xf32>
    %add3A_595 = vector.broadcast %broadcast_in_dim3A_165 : vector<1x1xf32> to vector<1x512xf32>
    %add3A_596 = arith.addf %dot_general3A_594, %add3A_595 : vector<1x512xf32>
    %mul3A_597 = vector.broadcast %div3A_124 : f32 to vector<1x512xf32>
    %mul3A_598 = arith.mulf %mul3A_597, %add3A_596 : vector<1x512xf32>
    %swap3A_599 = arith.constant 3 : index
    %swap3A_600 = arith.constant 4096 : index
    %swap3A_601 = vector.load %arg9[%swap3A_599, %swap3A_600] : memref<4x32768xf32, #tpu.memory_space<vmem>>, vector<1x512xf32>
    tpu.vector_store %arg9[%swap3A_599, %swap3A_600], %mul3A_598 {strides = array<i32>} : memref<4x32768xf32, #tpu.memory_space<vmem>>, vector<1x512xf32>,
    %slice3A_602 = vector.extract_strided_slice %convert_element_type3A_171 {offsets = [0, 4608], sizes = [1, 512], strides = [1, 1]} : vector<1x32768xbf16> to vector<1x512xbf16>
    %mul3A_603 = vector.broadcast %convert_element_type3A : vector<128x1xbf16> to vector<128x512xbf16>
    %mul3A_604 = vector.broadcast %slice3A_602 : vector<1x512xbf16> to vector<128x512xbf16>
    %mul3A_605 = arith.mulf %mul3A_603, %mul3A_604 : vector<128x512xbf16>
    %max3A_606 = vector.broadcast %neg3A_129 : vector<128x1xbf16> to vector<128x512xbf16>
    %max3A_607 = arith.maximumf %mul3A_605, %max3A_606 : vector<128x512xbf16>
    %dot_general3A_608 = arith.constant dense<0.000000e+00> : vector<1x512xf32>
    %dot_general3A_609 = tpu.matmul %broadcast_in_dim3A_125, %max3A_607, %dot_general3A_608 {dimension_numbers = #tpu.dot_dimension_numbers<[1], [0], [0], [1], [0, 0, 1, 1], [], []>, transpose_lhs_hint = false} : vector<1x128xbf16>, vector<128x512xbf16>, vector<1x512xf32> -> vector<1x512xf32>
    %add3A_610 = vector.broadcast %broadcast_in_dim3A_147 : vector<1x1xf32> to vector<1x512xf32>
    %add3A_611 = arith.addf %dot_general3A_609, %add3A_610 : vector<1x512xf32>
    %mul3A_612 = vector.broadcast %div3A_61 : f32 to vector<1x512xf32>
    %mul3A_613 = arith.mulf %mul3A_612, %add3A_611 : vector<1x512xf32>
    %swap3A_614 = arith.constant 0 : index
    %swap3A_615 = arith.constant 4608 : index
    %swap3A_616 = vector.load %arg9[%swap3A_614, %swap3A_615] : memref<4x32768xf32, #tpu.memory_space<vmem>>, vector<1x512xf32>
    tpu.vector_store %arg9[%swap3A_614, %swap3A_615], %mul3A_613 {strides = array<i32>} : memref<4x32768xf32, #tpu.memory_space<vmem>>, vector<1x512xf32>,
    %max3A_617 = vector.broadcast %neg3A_133 : vector<128x1xbf16> to vector<128x512xbf16>
    %max3A_618 = arith.maximumf %mul3A_605, %max3A_617 : vector<128x512xbf16>
    %dot_general3A_619 = arith.constant dense<0.000000e+00> : vector<1x512xf32>
    %dot_general3A_620 = tpu.matmul %broadcast_in_dim3A_125, %max3A_618, %dot_general3A_619 {dimension_numbers = #tpu.dot_dimension_numbers<[1], [0], [0], [1], [0, 0, 1, 1], [], []>, transpose_lhs_hint = false} : vector<1x128xbf16>, vector<128x512xbf16>, vector<1x512xf32> -> vector<1x512xf32>
    %add3A_621 = vector.broadcast %broadcast_in_dim3A_153 : vector<1x1xf32> to vector<1x512xf32>
    %add3A_622 = arith.addf %dot_general3A_620, %add3A_621 : vector<1x512xf32>
    %mul3A_623 = vector.broadcast %div3A_82 : f32 to vector<1x512xf32>
    %mul3A_624 = arith.mulf %mul3A_623, %add3A_622 : vector<1x512xf32>
    %swap3A_625 = arith.constant 1 : index
    %swap3A_626 = arith.constant 4608 : index
    %swap3A_627 = vector.load %arg9[%swap3A_625, %swap3A_626] : memref<4x32768xf32, #tpu.memory_space<vmem>>, vector<1x512xf32>
    tpu.vector_store %arg9[%swap3A_625, %swap3A_626], %mul3A_624 {strides = array<i32>} : memref<4x32768xf32, #tpu.memory_space<vmem>>, vector<1x512xf32>,
    %max3A_628 = vector.broadcast %neg3A_137 : vector<128x1xbf16> to vector<128x512xbf16>
    %max3A_629 = arith.maximumf %mul3A_605, %max3A_628 : vector<128x512xbf16>
    %dot_general3A_630 = arith.constant dense<0.000000e+00> : vector<1x512xf32>
    %dot_general3A_631 = tpu.matmul %broadcast_in_dim3A_125, %max3A_629, %dot_general3A_630 {dimension_numbers = #tpu.dot_dimension_numbers<[1], [0], [0], [1], [0, 0, 1, 1], [], []>, transpose_lhs_hint = false} : vector<1x128xbf16>, vector<128x512xbf16>, vector<1x512xf32> -> vector<1x512xf32>
    %add3A_632 = vector.broadcast %broadcast_in_dim3A_159 : vector<1x1xf32> to vector<1x512xf32>
    %add3A_633 = arith.addf %dot_general3A_631, %add3A_632 : vector<1x512xf32>
    %mul3A_634 = vector.broadcast %div3A_103 : f32 to vector<1x512xf32>
    %mul3A_635 = arith.mulf %mul3A_634, %add3A_633 : vector<1x512xf32>
    %swap3A_636 = arith.constant 2 : index
    %swap3A_637 = arith.constant 4608 : index
    %swap3A_638 = vector.load %arg9[%swap3A_636, %swap3A_637] : memref<4x32768xf32, #tpu.memory_space<vmem>>, vector<1x512xf32>
    tpu.vector_store %arg9[%swap3A_636, %swap3A_637], %mul3A_635 {strides = array<i32>} : memref<4x32768xf32, #tpu.memory_space<vmem>>, vector<1x512xf32>,
    %max3A_639 = vector.broadcast %neg3A_141 : vector<128x1xbf16> to vector<128x512xbf16>
    %max3A_640 = arith.maximumf %mul3A_605, %max3A_639 : vector<128x512xbf16>
    %dot_general3A_641 = arith.constant dense<0.000000e+00> : vector<1x512xf32>
    %dot_general3A_642 = tpu.matmul %broadcast_in_dim3A_125, %max3A_640, %dot_general3A_641 {dimension_numbers = #tpu.dot_dimension_numbers<[1], [0], [0], [1], [0, 0, 1, 1], [], []>, transpose_lhs_hint = false} : vector<1x128xbf16>, vector<128x512xbf16>, vector<1x512xf32> -> vector<1x512xf32>
    %add3A_643 = vector.broadcast %broadcast_in_dim3A_165 : vector<1x1xf32> to vector<1x512xf32>
    %add3A_644 = arith.addf %dot_general3A_642, %add3A_643 : vector<1x512xf32>
    %mul3A_645 = vector.broadcast %div3A_124 : f32 to vector<1x512xf32>
    %mul3A_646 = arith.mulf %mul3A_645, %add3A_644 : vector<1x512xf32>
    %swap3A_647 = arith.constant 3 : index
    %swap3A_648 = arith.constant 4608 : index
    %swap3A_649 = vector.load %arg9[%swap3A_647, %swap3A_648] : memref<4x32768xf32, #tpu.memory_space<vmem>>, vector<1x512xf32>
    tpu.vector_store %arg9[%swap3A_647, %swap3A_648], %mul3A_646 {strides = array<i32>} : memref<4x32768xf32, #tpu.memory_space<vmem>>, vector<1x512xf32>,
    %slice3A_650 = vector.extract_strided_slice %convert_element_type3A_171 {offsets = [0, 5120], sizes = [1, 512], strides = [1, 1]} : vector<1x32768xbf16> to vector<1x512xbf16>
    %mul3A_651 = vector.broadcast %convert_element_type3A : vector<128x1xbf16> to vector<128x512xbf16>
    %mul3A_652 = vector.broadcast %slice3A_650 : vector<1x512xbf16> to vector<128x512xbf16>
    %mul3A_653 = arith.mulf %mul3A_651, %mul3A_652 : vector<128x512xbf16>
    %max3A_654 = vector.broadcast %neg3A_129 : vector<128x1xbf16> to vector<128x512xbf16>
    %max3A_655 = arith.maximumf %mul3A_653, %max3A_654 : vector<128x512xbf16>
    %dot_general3A_656 = arith.constant dense<0.000000e+00> : vector<1x512xf32>
    %dot_general3A_657 = tpu.matmul %broadcast_in_dim3A_125, %max3A_655, %dot_general3A_656 {dimension_numbers = #tpu.dot_dimension_numbers<[1], [0], [0], [1], [0, 0, 1, 1], [], []>, transpose_lhs_hint = false} : vector<1x128xbf16>, vector<128x512xbf16>, vector<1x512xf32> -> vector<1x512xf32>
    %add3A_658 = vector.broadcast %broadcast_in_dim3A_147 : vector<1x1xf32> to vector<1x512xf32>
    %add3A_659 = arith.addf %dot_general3A_657, %add3A_658 : vector<1x512xf32>
    %mul3A_660 = vector.broadcast %div3A_61 : f32 to vector<1x512xf32>
    %mul3A_661 = arith.mulf %mul3A_660, %add3A_659 : vector<1x512xf32>
    %swap3A_662 = arith.constant 0 : index
    %swap3A_663 = arith.constant 5120 : index
    %swap3A_664 = vector.load %arg9[%swap3A_662, %swap3A_663] : memref<4x32768xf32, #tpu.memory_space<vmem>>, vector<1x512xf32>
    tpu.vector_store %arg9[%swap3A_662, %swap3A_663], %mul3A_661 {strides = array<i32>} : memref<4x32768xf32, #tpu.memory_space<vmem>>, vector<1x512xf32>,
    %max3A_665 = vector.broadcast %neg3A_133 : vector<128x1xbf16> to vector<128x512xbf16>
    %max3A_666 = arith.maximumf %mul3A_653, %max3A_665 : vector<128x512xbf16>
    %dot_general3A_667 = arith.constant dense<0.000000e+00> : vector<1x512xf32>
    %dot_general3A_668 = tpu.matmul %broadcast_in_dim3A_125, %max3A_666, %dot_general3A_667 {dimension_numbers = #tpu.dot_dimension_numbers<[1], [0], [0], [1], [0, 0, 1, 1], [], []>, transpose_lhs_hint = false} : vector<1x128xbf16>, vector<128x512xbf16>, vector<1x512xf32> -> vector<1x512xf32>
    %add3A_669 = vector.broadcast %broadcast_in_dim3A_153 : vector<1x1xf32> to vector<1x512xf32>
    %add3A_670 = arith.addf %dot_general3A_668, %add3A_669 : vector<1x512xf32>
    %mul3A_671 = vector.broadcast %div3A_82 : f32 to vector<1x512xf32>
    %mul3A_672 = arith.mulf %mul3A_671, %add3A_670 : vector<1x512xf32>
    %swap3A_673 = arith.constant 1 : index
    %swap3A_674 = arith.constant 5120 : index
    %swap3A_675 = vector.load %arg9[%swap3A_673, %swap3A_674] : memref<4x32768xf32, #tpu.memory_space<vmem>>, vector<1x512xf32>
    tpu.vector_store %arg9[%swap3A_673, %swap3A_674], %mul3A_672 {strides = array<i32>} : memref<4x32768xf32, #tpu.memory_space<vmem>>, vector<1x512xf32>,
    %max3A_676 = vector.broadcast %neg3A_137 : vector<128x1xbf16> to vector<128x512xbf16>
    %max3A_677 = arith.maximumf %mul3A_653, %max3A_676 : vector<128x512xbf16>
    %dot_general3A_678 = arith.constant dense<0.000000e+00> : vector<1x512xf32>
    %dot_general3A_679 = tpu.matmul %broadcast_in_dim3A_125, %max3A_677, %dot_general3A_678 {dimension_numbers = #tpu.dot_dimension_numbers<[1], [0], [0], [1], [0, 0, 1, 1], [], []>, transpose_lhs_hint = false} : vector<1x128xbf16>, vector<128x512xbf16>, vector<1x512xf32> -> vector<1x512xf32>
    %add3A_680 = vector.broadcast %broadcast_in_dim3A_159 : vector<1x1xf32> to vector<1x512xf32>
    %add3A_681 = arith.addf %dot_general3A_679, %add3A_680 : vector<1x512xf32>
    %mul3A_682 = vector.broadcast %div3A_103 : f32 to vector<1x512xf32>
    %mul3A_683 = arith.mulf %mul3A_682, %add3A_681 : vector<1x512xf32>
    %swap3A_684 = arith.constant 2 : index
    %swap3A_685 = arith.constant 5120 : index
    %swap3A_686 = vector.load %arg9[%swap3A_684, %swap3A_685] : memref<4x32768xf32, #tpu.memory_space<vmem>>, vector<1x512xf32>
    tpu.vector_store %arg9[%swap3A_684, %swap3A_685], %mul3A_683 {strides = array<i32>} : memref<4x32768xf32, #tpu.memory_space<vmem>>, vector<1x512xf32>,
    %max3A_687 = vector.broadcast %neg3A_141 : vector<128x1xbf16> to vector<128x512xbf16>
    %max3A_688 = arith.maximumf %mul3A_653, %max3A_687 : vector<128x512xbf16>
    %dot_general3A_689 = arith.constant dense<0.000000e+00> : vector<1x512xf32>
    %dot_general3A_690 = tpu.matmul %broadcast_in_dim3A_125, %max3A_688, %dot_general3A_689 {dimension_numbers = #tpu.dot_dimension_numbers<[1], [0], [0], [1], [0, 0, 1, 1], [], []>, transpose_lhs_hint = false} : vector<1x128xbf16>, vector<128x512xbf16>, vector<1x512xf32> -> vector<1x512xf32>
    %add3A_691 = vector.broadcast %broadcast_in_dim3A_165 : vector<1x1xf32> to vector<1x512xf32>
    %add3A_692 = arith.addf %dot_general3A_690, %add3A_691 : vector<1x512xf32>
    %mul3A_693 = vector.broadcast %div3A_124 : f32 to vector<1x512xf32>
    %mul3A_694 = arith.mulf %mul3A_693, %add3A_692 : vector<1x512xf32>
    %swap3A_695 = arith.constant 3 : index
    %swap3A_696 = arith.constant 5120 : index
    %swap3A_697 = vector.load %arg9[%swap3A_695, %swap3A_696] : memref<4x32768xf32, #tpu.memory_space<vmem>>, vector<1x512xf32>
    tpu.vector_store %arg9[%swap3A_695, %swap3A_696], %mul3A_694 {strides = array<i32>} : memref<4x32768xf32, #tpu.memory_space<vmem>>, vector<1x512xf32>,
    %slice3A_698 = vector.extract_strided_slice %convert_element_type3A_171 {offsets = [0, 5632], sizes = [1, 512], strides = [1, 1]} : vector<1x32768xbf16> to vector<1x512xbf16>
    %mul3A_699 = vector.broadcast %convert_element_type3A : vector<128x1xbf16> to vector<128x512xbf16>
    %mul3A_700 = vector.broadcast %slice3A_698 : vector<1x512xbf16> to vector<128x512xbf16>
    %mul3A_701 = arith.mulf %mul3A_699, %mul3A_700 : vector<128x512xbf16>
    %max3A_702 = vector.broadcast %neg3A_129 : vector<128x1xbf16> to vector<128x512xbf16>
    %max3A_703 = arith.maximumf %mul3A_701, %max3A_702 : vector<128x512xbf16>
    %dot_general3A_704 = arith.constant dense<0.000000e+00> : vector<1x512xf32>
    %dot_general3A_705 = tpu.matmul %broadcast_in_dim3A_125, %max3A_703, %dot_general3A_704 {dimension_numbers = #tpu.dot_dimension_numbers<[1], [0], [0], [1], [0, 0, 1, 1], [], []>, transpose_lhs_hint = false} : vector<1x128xbf16>, vector<128x512xbf16>, vector<1x512xf32> -> vector<1x512xf32>
    %add3A_706 = vector.broadcast %broadcast_in_dim3A_147 : vector<1x1xf32> to vector<1x512xf32>
    %add3A_707 = arith.addf %dot_general3A_705, %add3A_706 : vector<1x512xf32>
    %mul3A_708 = vector.broadcast %div3A_61 : f32 to vector<1x512xf32>
    %mul3A_709 = arith.mulf %mul3A_708, %add3A_707 : vector<1x512xf32>
    %swap3A_710 = arith.constant 0 : index
    %swap3A_711 = arith.constant 5632 : index
    %swap3A_712 = vector.load %arg9[%swap3A_710, %swap3A_711] : memref<4x32768xf32, #tpu.memory_space<vmem>>, vector<1x512xf32>
    tpu.vector_store %arg9[%swap3A_710, %swap3A_711], %mul3A_709 {strides = array<i32>} : memref<4x32768xf32, #tpu.memory_space<vmem>>, vector<1x512xf32>,
    %max3A_713 = vector.broadcast %neg3A_133 : vector<128x1xbf16> to vector<128x512xbf16>
    %max3A_714 = arith.maximumf %mul3A_701, %max3A_713 : vector<128x512xbf16>
    %dot_general3A_715 = arith.constant dense<0.000000e+00> : vector<1x512xf32>
    %dot_general3A_716 = tpu.matmul %broadcast_in_dim3A_125, %max3A_714, %dot_general3A_715 {dimension_numbers = #tpu.dot_dimension_numbers<[1], [0], [0], [1], [0, 0, 1, 1], [], []>, transpose_lhs_hint = false} : vector<1x128xbf16>, vector<128x512xbf16>, vector<1x512xf32> -> vector<1x512xf32>
    %add3A_717 = vector.broadcast %broadcast_in_dim3A_153 : vector<1x1xf32> to vector<1x512xf32>
    %add3A_718 = arith.addf %dot_general3A_716, %add3A_717 : vector<1x512xf32>
    %mul3A_719 = vector.broadcast %div3A_82 : f32 to vector<1x512xf32>
    %mul3A_720 = arith.mulf %mul3A_719, %add3A_718 : vector<1x512xf32>
    %swap3A_721 = arith.constant 1 : index
    %swap3A_722 = arith.constant 5632 : index
    %swap3A_723 = vector.load %arg9[%swap3A_721, %swap3A_722] : memref<4x32768xf32, #tpu.memory_space<vmem>>, vector<1x512xf32>
    tpu.vector_store %arg9[%swap3A_721, %swap3A_722], %mul3A_720 {strides = array<i32>} : memref<4x32768xf32, #tpu.memory_space<vmem>>, vector<1x512xf32>,
    %max3A_724 = vector.broadcast %neg3A_137 : vector<128x1xbf16> to vector<128x512xbf16>
    %max3A_725 = arith.maximumf %mul3A_701, %max3A_724 : vector<128x512xbf16>
    %dot_general3A_726 = arith.constant dense<0.000000e+00> : vector<1x512xf32>
    %dot_general3A_727 = tpu.matmul %broadcast_in_dim3A_125, %max3A_725, %dot_general3A_726 {dimension_numbers = #tpu.dot_dimension_numbers<[1], [0], [0], [1], [0, 0, 1, 1], [], []>, transpose_lhs_hint = false} : vector<1x128xbf16>, vector<128x512xbf16>, vector<1x512xf32> -> vector<1x512xf32>
    %add3A_728 = vector.broadcast %broadcast_in_dim3A_159 : vector<1x1xf32> to vector<1x512xf32>
    %add3A_729 = arith.addf %dot_general3A_727, %add3A_728 : vector<1x512xf32>
    %mul3A_730 = vector.broadcast %div3A_103 : f32 to vector<1x512xf32>
    %mul3A_731 = arith.mulf %mul3A_730, %add3A_729 : vector<1x512xf32>
    %swap3A_732 = arith.constant 2 : index
    %swap3A_733 = arith.constant 5632 : index
    %swap3A_734 = vector.load %arg9[%swap3A_732, %swap3A_733] : memref<4x32768xf32, #tpu.memory_space<vmem>>, vector<1x512xf32>
    tpu.vector_store %arg9[%swap3A_732, %swap3A_733], %mul3A_731 {strides = array<i32>} : memref<4x32768xf32, #tpu.memory_space<vmem>>, vector<1x512xf32>,
    %max3A_735 = vector.broadcast %neg3A_141 : vector<128x1xbf16> to vector<128x512xbf16>
    %max3A_736 = arith.maximumf %mul3A_701, %max3A_735 : vector<128x512xbf16>
    %dot_general3A_737 = arith.constant dense<0.000000e+00> : vector<1x512xf32>
    %dot_general3A_738 = tpu.matmul %broadcast_in_dim3A_125, %max3A_736, %dot_general3A_737 {dimension_numbers = #tpu.dot_dimension_numbers<[1], [0], [0], [1], [0, 0, 1, 1], [], []>, transpose_lhs_hint = false} : vector<1x128xbf16>, vector<128x512xbf16>, vector<1x512xf32> -> vector<1x512xf32>
    %add3A_739 = vector.broadcast %broadcast_in_dim3A_165 : vector<1x1xf32> to vector<1x512xf32>
    %add3A_740 = arith.addf %dot_general3A_738, %add3A_739 : vector<1x512xf32>
    %mul3A_741 = vector.broadcast %div3A_124 : f32 to vector<1x512xf32>
    %mul3A_742 = arith.mulf %mul3A_741, %add3A_740 : vector<1x512xf32>
    %swap3A_743 = arith.constant 3 : index
    %swap3A_744 = arith.constant 5632 : index
    %swap3A_745 = vector.load %arg9[%swap3A_743, %swap3A_744] : memref<4x32768xf32, #tpu.memory_space<vmem>>, vector<1x512xf32>
    tpu.vector_store %arg9[%swap3A_743, %swap3A_744], %mul3A_742 {strides = array<i32>} : memref<4x32768xf32, #tpu.memory_space<vmem>>, vector<1x512xf32>,
    %slice3A_746 = vector.extract_strided_slice %convert_element_type3A_171 {offsets = [0, 6144], sizes = [1, 512], strides = [1, 1]} : vector<1x32768xbf16> to vector<1x512xbf16>
    %mul3A_747 = vector.broadcast %convert_element_type3A : vector<128x1xbf16> to vector<128x512xbf16>
    %mul3A_748 = vector.broadcast %slice3A_746 : vector<1x512xbf16> to vector<128x512xbf16>
    %mul3A_749 = arith.mulf %mul3A_747, %mul3A_748 : vector<128x512xbf16>
    %max3A_750 = vector.broadcast %neg3A_129 : vector<128x1xbf16> to vector<128x512xbf16>
    %max3A_751 = arith.maximumf %mul3A_749, %max3A_750 : vector<128x512xbf16>
    %dot_general3A_752 = arith.constant dense<0.000000e+00> : vector<1x512xf32>
    %dot_general3A_753 = tpu.matmul %broadcast_in_dim3A_125, %max3A_751, %dot_general3A_752 {dimension_numbers = #tpu.dot_dimension_numbers<[1], [0], [0], [1], [0, 0, 1, 1], [], []>, transpose_lhs_hint = false} : vector<1x128xbf16>, vector<128x512xbf16>, vector<1x512xf32> -> vector<1x512xf32>
    %add3A_754 = vector.broadcast %broadcast_in_dim3A_147 : vector<1x1xf32> to vector<1x512xf32>
    %add3A_755 = arith.addf %dot_general3A_753, %add3A_754 : vector<1x512xf32>
    %mul3A_756 = vector.broadcast %div3A_61 : f32 to vector<1x512xf32>
    %mul3A_757 = arith.mulf %mul3A_756, %add3A_755 : vector<1x512xf32>
    %swap3A_758 = arith.constant 0 : index
    %swap3A_759 = arith.constant 6144 : index
    %swap3A_760 = vector.load %arg9[%swap3A_758, %swap3A_759] : memref<4x32768xf32, #tpu.memory_space<vmem>>, vector<1x512xf32>
    tpu.vector_store %arg9[%swap3A_758, %swap3A_759], %mul3A_757 {strides = array<i32>} : memref<4x32768xf32, #tpu.memory_space<vmem>>, vector<1x512xf32>,
    %max3A_761 = vector.broadcast %neg3A_133 : vector<128x1xbf16> to vector<128x512xbf16>
    %max3A_762 = arith.maximumf %mul3A_749, %max3A_761 : vector<128x512xbf16>
    %dot_general3A_763 = arith.constant dense<0.000000e+00> : vector<1x512xf32>
    %dot_general3A_764 = tpu.matmul %broadcast_in_dim3A_125, %max3A_762, %dot_general3A_763 {dimension_numbers = #tpu.dot_dimension_numbers<[1], [0], [0], [1], [0, 0, 1, 1], [], []>, transpose_lhs_hint = false} : vector<1x128xbf16>, vector<128x512xbf16>, vector<1x512xf32> -> vector<1x512xf32>
    %add3A_765 = vector.broadcast %broadcast_in_dim3A_153 : vector<1x1xf32> to vector<1x512xf32>
    %add3A_766 = arith.addf %dot_general3A_764, %add3A_765 : vector<1x512xf32>
    %mul3A_767 = vector.broadcast %div3A_82 : f32 to vector<1x512xf32>
    %mul3A_768 = arith.mulf %mul3A_767, %add3A_766 : vector<1x512xf32>
    %swap3A_769 = arith.constant 1 : index
    %swap3A_770 = arith.constant 6144 : index
    %swap3A_771 = vector.load %arg9[%swap3A_769, %swap3A_770] : memref<4x32768xf32, #tpu.memory_space<vmem>>, vector<1x512xf32>
    tpu.vector_store %arg9[%swap3A_769, %swap3A_770], %mul3A_768 {strides = array<i32>} : memref<4x32768xf32, #tpu.memory_space<vmem>>, vector<1x512xf32>,
    %max3A_772 = vector.broadcast %neg3A_137 : vector<128x1xbf16> to vector<128x512xbf16>
    %max3A_773 = arith.maximumf %mul3A_749, %max3A_772 : vector<128x512xbf16>
    %dot_general3A_774 = arith.constant dense<0.000000e+00> : vector<1x512xf32>
    %dot_general3A_775 = tpu.matmul %broadcast_in_dim3A_125, %max3A_773, %dot_general3A_774 {dimension_numbers = #tpu.dot_dimension_numbers<[1], [0], [0], [1], [0, 0, 1, 1], [], []>, transpose_lhs_hint = false} : vector<1x128xbf16>, vector<128x512xbf16>, vector<1x512xf32> -> vector<1x512xf32>
    %add3A_776 = vector.broadcast %broadcast_in_dim3A_159 : vector<1x1xf32> to vector<1x512xf32>
    %add3A_777 = arith.addf %dot_general3A_775, %add3A_776 : vector<1x512xf32>
    %mul3A_778 = vector.broadcast %div3A_103 : f32 to vector<1x512xf32>
    %mul3A_779 = arith.mulf %mul3A_778, %add3A_777 : vector<1x512xf32>
    %swap3A_780 = arith.constant 2 : index
    %swap3A_781 = arith.constant 6144 : index
    %swap3A_782 = vector.load %arg9[%swap3A_780, %swap3A_781] : memref<4x32768xf32, #tpu.memory_space<vmem>>, vector<1x512xf32>
    tpu.vector_store %arg9[%swap3A_780, %swap3A_781], %mul3A_779 {strides = array<i32>} : memref<4x32768xf32, #tpu.memory_space<vmem>>, vector<1x512xf32>,
    %max3A_783 = vector.broadcast %neg3A_141 : vector<128x1xbf16> to vector<128x512xbf16>
    %max3A_784 = arith.maximumf %mul3A_749, %max3A_783 : vector<128x512xbf16>
    %dot_general3A_785 = arith.constant dense<0.000000e+00> : vector<1x512xf32>
    %dot_general3A_786 = tpu.matmul %broadcast_in_dim3A_125, %max3A_784, %dot_general3A_785 {dimension_numbers = #tpu.dot_dimension_numbers<[1], [0], [0], [1], [0, 0, 1, 1], [], []>, transpose_lhs_hint = false} : vector<1x128xbf16>, vector<128x512xbf16>, vector<1x512xf32> -> vector<1x512xf32>
    %add3A_787 = vector.broadcast %broadcast_in_dim3A_165 : vector<1x1xf32> to vector<1x512xf32>
    %add3A_788 = arith.addf %dot_general3A_786, %add3A_787 : vector<1x512xf32>
    %mul3A_789 = vector.broadcast %div3A_124 : f32 to vector<1x512xf32>
    %mul3A_790 = arith.mulf %mul3A_789, %add3A_788 : vector<1x512xf32>
    %swap3A_791 = arith.constant 3 : index
    %swap3A_792 = arith.constant 6144 : index
    %swap3A_793 = vector.load %arg9[%swap3A_791, %swap3A_792] : memref<4x32768xf32, #tpu.memory_space<vmem>>, vector<1x512xf32>
    tpu.vector_store %arg9[%swap3A_791, %swap3A_792], %mul3A_790 {strides = array<i32>} : memref<4x32768xf32, #tpu.memory_space<vmem>>, vector<1x512xf32>,
    %slice3A_794 = vector.extract_strided_slice %convert_element_type3A_171 {offsets = [0, 6656], sizes = [1, 512], strides = [1, 1]} : vector<1x32768xbf16> to vector<1x512xbf16>
    %mul3A_795 = vector.broadcast %convert_element_type3A : vector<128x1xbf16> to vector<128x512xbf16>
    %mul3A_796 = vector.broadcast %slice3A_794 : vector<1x512xbf16> to vector<128x512xbf16>
    %mul3A_797 = arith.mulf %mul3A_795, %mul3A_796 : vector<128x512xbf16>
    %max3A_798 = vector.broadcast %neg3A_129 : vector<128x1xbf16> to vector<128x512xbf16>
    %max3A_799 = arith.maximumf %mul3A_797, %max3A_798 : vector<128x512xbf16>
    %dot_general3A_800 = arith.constant dense<0.000000e+00> : vector<1x512xf32>
    %dot_general3A_801 = tpu.matmul %broadcast_in_dim3A_125, %max3A_799, %dot_general3A_800 {dimension_numbers = #tpu.dot_dimension_numbers<[1], [0], [0], [1], [0, 0, 1, 1], [], []>, transpose_lhs_hint = false} : vector<1x128xbf16>, vector<128x512xbf16>, vector<1x512xf32> -> vector<1x512xf32>
    %add3A_802 = vector.broadcast %broadcast_in_dim3A_147 : vector<1x1xf32> to vector<1x512xf32>
    %add3A_803 = arith.addf %dot_general3A_801, %add3A_802 : vector<1x512xf32>
    %mul3A_804 = vector.broadcast %div3A_61 : f32 to vector<1x512xf32>
    %mul3A_805 = arith.mulf %mul3A_804, %add3A_803 : vector<1x512xf32>
    %swap3A_806 = arith.constant 0 : index
    %swap3A_807 = arith.constant 6656 : index
    %swap3A_808 = vector.load %arg9[%swap3A_806, %swap3A_807] : memref<4x32768xf32, #tpu.memory_space<vmem>>, vector<1x512xf32>
    tpu.vector_store %arg9[%swap3A_806, %swap3A_807], %mul3A_805 {strides = array<i32>} : memref<4x32768xf32, #tpu.memory_space<vmem>>, vector<1x512xf32>,
    %max3A_809 = vector.broadcast %neg3A_133 : vector<128x1xbf16> to vector<128x512xbf16>
    %max3A_810 = arith.maximumf %mul3A_797, %max3A_809 : vector<128x512xbf16>
    %dot_general3A_811 = arith.constant dense<0.000000e+00> : vector<1x512xf32>
    %dot_general3A_812 = tpu.matmul %broadcast_in_dim3A_125, %max3A_810, %dot_general3A_811 {dimension_numbers = #tpu.dot_dimension_numbers<[1], [0], [0], [1], [0, 0, 1, 1], [], []>, transpose_lhs_hint = false} : vector<1x128xbf16>, vector<128x512xbf16>, vector<1x512xf32> -> vector<1x512xf32>
    %add3A_813 = vector.broadcast %broadcast_in_dim3A_153 : vector<1x1xf32> to vector<1x512xf32>
    %add3A_814 = arith.addf %dot_general3A_812, %add3A_813 : vector<1x512xf32>
    %mul3A_815 = vector.broadcast %div3A_82 : f32 to vector<1x512xf32>
    %mul3A_816 = arith.mulf %mul3A_815, %add3A_814 : vector<1x512xf32>
    %swap3A_817 = arith.constant 1 : index
    %swap3A_818 = arith.constant 6656 : index
    %swap3A_819 = vector.load %arg9[%swap3A_817, %swap3A_818] : memref<4x32768xf32, #tpu.memory_space<vmem>>, vector<1x512xf32>
    tpu.vector_store %arg9[%swap3A_817, %swap3A_818], %mul3A_816 {strides = array<i32>} : memref<4x32768xf32, #tpu.memory_space<vmem>>, vector<1x512xf32>,
    %max3A_820 = vector.broadcast %neg3A_137 : vector<128x1xbf16> to vector<128x512xbf16>
    %max3A_821 = arith.maximumf %mul3A_797, %max3A_820 : vector<128x512xbf16>
    %dot_general3A_822 = arith.constant dense<0.000000e+00> : vector<1x512xf32>
    %dot_general3A_823 = tpu.matmul %broadcast_in_dim3A_125, %max3A_821, %dot_general3A_822 {dimension_numbers = #tpu.dot_dimension_numbers<[1], [0], [0], [1], [0, 0, 1, 1], [], []>, transpose_lhs_hint = false} : vector<1x128xbf16>, vector<128x512xbf16>, vector<1x512xf32> -> vector<1x512xf32>
    %add3A_824 = vector.broadcast %broadcast_in_dim3A_159 : vector<1x1xf32> to vector<1x512xf32>
    %add3A_825 = arith.addf %dot_general3A_823, %add3A_824 : vector<1x512xf32>
    %mul3A_826 = vector.broadcast %div3A_103 : f32 to vector<1x512xf32>
    %mul3A_827 = arith.mulf %mul3A_826, %add3A_825 : vector<1x512xf32>
    %swap3A_828 = arith.constant 2 : index
    %swap3A_829 = arith.constant 6656 : index
    %swap3A_830 = vector.load %arg9[%swap3A_828, %swap3A_829] : memref<4x32768xf32, #tpu.memory_space<vmem>>, vector<1x512xf32>
    tpu.vector_store %arg9[%swap3A_828, %swap3A_829], %mul3A_827 {strides = array<i32>} : memref<4x32768xf32, #tpu.memory_space<vmem>>, vector<1x512xf32>,
    %max3A_831 = vector.broadcast %neg3A_141 : vector<128x1xbf16> to vector<128x512xbf16>
    %max3A_832 = arith.maximumf %mul3A_797, %max3A_831 : vector<128x512xbf16>
    %dot_general3A_833 = arith.constant dense<0.000000e+00> : vector<1x512xf32>
    %dot_general3A_834 = tpu.matmul %broadcast_in_dim3A_125, %max3A_832, %dot_general3A_833 {dimension_numbers = #tpu.dot_dimension_numbers<[1], [0], [0], [1], [0, 0, 1, 1], [], []>, transpose_lhs_hint = false} : vector<1x128xbf16>, vector<128x512xbf16>, vector<1x512xf32> -> vector<1x512xf32>
    %add3A_835 = vector.broadcast %broadcast_in_dim3A_165 : vector<1x1xf32> to vector<1x512xf32>
    %add3A_836 = arith.addf %dot_general3A_834, %add3A_835 : vector<1x512xf32>
    %mul3A_837 = vector.broadcast %div3A_124 : f32 to vector<1x512xf32>
    %mul3A_838 = arith.mulf %mul3A_837, %add3A_836 : vector<1x512xf32>
    %swap3A_839 = arith.constant 3 : index
    %swap3A_840 = arith.constant 6656 : index
    %swap3A_841 = vector.load %arg9[%swap3A_839, %swap3A_840] : memref<4x32768xf32, #tpu.memory_space<vmem>>, vector<1x512xf32>
    tpu.vector_store %arg9[%swap3A_839, %swap3A_840], %mul3A_838 {strides = array<i32>} : memref<4x32768xf32, #tpu.memory_space<vmem>>, vector<1x512xf32>,
    %slice3A_842 = vector.extract_strided_slice %convert_element_type3A_171 {offsets = [0, 7168], sizes = [1, 512], strides = [1, 1]} : vector<1x32768xbf16> to vector<1x512xbf16>
    %mul3A_843 = vector.broadcast %convert_element_type3A : vector<128x1xbf16> to vector<128x512xbf16>
    %mul3A_844 = vector.broadcast %slice3A_842 : vector<1x512xbf16> to vector<128x512xbf16>
    %mul3A_845 = arith.mulf %mul3A_843, %mul3A_844 : vector<128x512xbf16>
    %max3A_846 = vector.broadcast %neg3A_129 : vector<128x1xbf16> to vector<128x512xbf16>
    %max3A_847 = arith.maximumf %mul3A_845, %max3A_846 : vector<128x512xbf16>
    %dot_general3A_848 = arith.constant dense<0.000000e+00> : vector<1x512xf32>
    %dot_general3A_849 = tpu.matmul %broadcast_in_dim3A_125, %max3A_847, %dot_general3A_848 {dimension_numbers = #tpu.dot_dimension_numbers<[1], [0], [0], [1], [0, 0, 1, 1], [], []>, transpose_lhs_hint = false} : vector<1x128xbf16>, vector<128x512xbf16>, vector<1x512xf32> -> vector<1x512xf32>
    %add3A_850 = vector.broadcast %broadcast_in_dim3A_147 : vector<1x1xf32> to vector<1x512xf32>
    %add3A_851 = arith.addf %dot_general3A_849, %add3A_850 : vector<1x512xf32>
    %mul3A_852 = vector.broadcast %div3A_61 : f32 to vector<1x512xf32>
    %mul3A_853 = arith.mulf %mul3A_852, %add3A_851 : vector<1x512xf32>
    %swap3A_854 = arith.constant 0 : index
    %swap3A_855 = arith.constant 7168 : index
    %swap3A_856 = vector.load %arg9[%swap3A_854, %swap3A_855] : memref<4x32768xf32, #tpu.memory_space<vmem>>, vector<1x512xf32>
    tpu.vector_store %arg9[%swap3A_854, %swap3A_855], %mul3A_853 {strides = array<i32>} : memref<4x32768xf32, #tpu.memory_space<vmem>>, vector<1x512xf32>,
    %max3A_857 = vector.broadcast %neg3A_133 : vector<128x1xbf16> to vector<128x512xbf16>
    %max3A_858 = arith.maximumf %mul3A_845, %max3A_857 : vector<128x512xbf16>
    %dot_general3A_859 = arith.constant dense<0.000000e+00> : vector<1x512xf32>
    %dot_general3A_860 = tpu.matmul %broadcast_in_dim3A_125, %max3A_858, %dot_general3A_859 {dimension_numbers = #tpu.dot_dimension_numbers<[1], [0], [0], [1], [0, 0, 1, 1], [], []>, transpose_lhs_hint = false} : vector<1x128xbf16>, vector<128x512xbf16>, vector<1x512xf32> -> vector<1x512xf32>
    %add3A_861 = vector.broadcast %broadcast_in_dim3A_153 : vector<1x1xf32> to vector<1x512xf32>
    %add3A_862 = arith.addf %dot_general3A_860, %add3A_861 : vector<1x512xf32>
    %mul3A_863 = vector.broadcast %div3A_82 : f32 to vector<1x512xf32>
    %mul3A_864 = arith.mulf %mul3A_863, %add3A_862 : vector<1x512xf32>
    %swap3A_865 = arith.constant 1 : index
    %swap3A_866 = arith.constant 7168 : index
    %swap3A_867 = vector.load %arg9[%swap3A_865, %swap3A_866] : memref<4x32768xf32, #tpu.memory_space<vmem>>, vector<1x512xf32>
    tpu.vector_store %arg9[%swap3A_865, %swap3A_866], %mul3A_864 {strides = array<i32>} : memref<4x32768xf32, #tpu.memory_space<vmem>>, vector<1x512xf32>,
    %max3A_868 = vector.broadcast %neg3A_137 : vector<128x1xbf16> to vector<128x512xbf16>
    %max3A_869 = arith.maximumf %mul3A_845, %max3A_868 : vector<128x512xbf16>
    %dot_general3A_870 = arith.constant dense<0.000000e+00> : vector<1x512xf32>
    %dot_general3A_871 = tpu.matmul %broadcast_in_dim3A_125, %max3A_869, %dot_general3A_870 {dimension_numbers = #tpu.dot_dimension_numbers<[1], [0], [0], [1], [0, 0, 1, 1], [], []>, transpose_lhs_hint = false} : vector<1x128xbf16>, vector<128x512xbf16>, vector<1x512xf32> -> vector<1x512xf32>
    %add3A_872 = vector.broadcast %broadcast_in_dim3A_159 : vector<1x1xf32> to vector<1x512xf32>
    %add3A_873 = arith.addf %dot_general3A_871, %add3A_872 : vector<1x512xf32>
    %mul3A_874 = vector.broadcast %div3A_103 : f32 to vector<1x512xf32>
    %mul3A_875 = arith.mulf %mul3A_874, %add3A_873 : vector<1x512xf32>
    %swap3A_876 = arith.constant 2 : index
    %swap3A_877 = arith.constant 7168 : index
    %swap3A_878 = vector.load %arg9[%swap3A_876, %swap3A_877] : memref<4x32768xf32, #tpu.memory_space<vmem>>, vector<1x512xf32>
    tpu.vector_store %arg9[%swap3A_876, %swap3A_877], %mul3A_875 {strides = array<i32>} : memref<4x32768xf32, #tpu.memory_space<vmem>>, vector<1x512xf32>,
    %max3A_879 = vector.broadcast %neg3A_141 : vector<128x1xbf16> to vector<128x512xbf16>
    %max3A_880 = arith.maximumf %mul3A_845, %max3A_879 : vector<128x512xbf16>
    %dot_general3A_881 = arith.constant dense<0.000000e+00> : vector<1x512xf32>
    %dot_general3A_882 = tpu.matmul %broadcast_in_dim3A_125, %max3A_880, %dot_general3A_881 {dimension_numbers = #tpu.dot_dimension_numbers<[1], [0], [0], [1], [0, 0, 1, 1], [], []>, transpose_lhs_hint = false} : vector<1x128xbf16>, vector<128x512xbf16>, vector<1x512xf32> -> vector<1x512xf32>
    %add3A_883 = vector.broadcast %broadcast_in_dim3A_165 : vector<1x1xf32> to vector<1x512xf32>
    %add3A_884 = arith.addf %dot_general3A_882, %add3A_883 : vector<1x512xf32>
    %mul3A_885 = vector.broadcast %div3A_124 : f32 to vector<1x512xf32>
    %mul3A_886 = arith.mulf %mul3A_885, %add3A_884 : vector<1x512xf32>
    %swap3A_887 = arith.constant 3 : index
    %swap3A_888 = arith.constant 7168 : index
    %swap3A_889 = vector.load %arg9[%swap3A_887, %swap3A_888] : memref<4x32768xf32, #tpu.memory_space<vmem>>, vector<1x512xf32>
    tpu.vector_store %arg9[%swap3A_887, %swap3A_888], %mul3A_886 {strides = array<i32>} : memref<4x32768xf32, #tpu.memory_space<vmem>>, vector<1x512xf32>,
    %slice3A_890 = vector.extract_strided_slice %convert_element_type3A_171 {offsets = [0, 7680], sizes = [1, 512], strides = [1, 1]} : vector<1x32768xbf16> to vector<1x512xbf16>
    %mul3A_891 = vector.broadcast %convert_element_type3A : vector<128x1xbf16> to vector<128x512xbf16>
    %mul3A_892 = vector.broadcast %slice3A_890 : vector<1x512xbf16> to vector<128x512xbf16>
    %mul3A_893 = arith.mulf %mul3A_891, %mul3A_892 : vector<128x512xbf16>
    %max3A_894 = vector.broadcast %neg3A_129 : vector<128x1xbf16> to vector<128x512xbf16>
    %max3A_895 = arith.maximumf %mul3A_893, %max3A_894 : vector<128x512xbf16>
    %dot_general3A_896 = arith.constant dense<0.000000e+00> : vector<1x512xf32>
    %dot_general3A_897 = tpu.matmul %broadcast_in_dim3A_125, %max3A_895, %dot_general3A_896 {dimension_numbers = #tpu.dot_dimension_numbers<[1], [0], [0], [1], [0, 0, 1, 1], [], []>, transpose_lhs_hint = false} : vector<1x128xbf16>, vector<128x512xbf16>, vector<1x512xf32> -> vector<1x512xf32>
    %add3A_898 = vector.broadcast %broadcast_in_dim3A_147 : vector<1x1xf32> to vector<1x512xf32>
    %add3A_899 = arith.addf %dot_general3A_897, %add3A_898 : vector<1x512xf32>
    %mul3A_900 = vector.broadcast %div3A_61 : f32 to vector<1x512xf32>
    %mul3A_901 = arith.mulf %mul3A_900, %add3A_899 : vector<1x512xf32>
    %swap3A_902 = arith.constant 0 : index
    %swap3A_903 = arith.constant 7680 : index
    %swap3A_904 = vector.load %arg9[%swap3A_902, %swap3A_903] : memref<4x32768xf32, #tpu.memory_space<vmem>>, vector<1x512xf32>
    tpu.vector_store %arg9[%swap3A_902, %swap3A_903], %mul3A_901 {strides = array<i32>} : memref<4x32768xf32, #tpu.memory_space<vmem>>, vector<1x512xf32>,
    %max3A_905 = vector.broadcast %neg3A_133 : vector<128x1xbf16> to vector<128x512xbf16>
    %max3A_906 = arith.maximumf %mul3A_893, %max3A_905 : vector<128x512xbf16>
    %dot_general3A_907 = arith.constant dense<0.000000e+00> : vector<1x512xf32>
    %dot_general3A_908 = tpu.matmul %broadcast_in_dim3A_125, %max3A_906, %dot_general3A_907 {dimension_numbers = #tpu.dot_dimension_numbers<[1], [0], [0], [1], [0, 0, 1, 1], [], []>, transpose_lhs_hint = false} : vector<1x128xbf16>, vector<128x512xbf16>, vector<1x512xf32> -> vector<1x512xf32>
    %add3A_909 = vector.broadcast %broadcast_in_dim3A_153 : vector<1x1xf32> to vector<1x512xf32>
    %add3A_910 = arith.addf %dot_general3A_908, %add3A_909 : vector<1x512xf32>
    %mul3A_911 = vector.broadcast %div3A_82 : f32 to vector<1x512xf32>
    %mul3A_912 = arith.mulf %mul3A_911, %add3A_910 : vector<1x512xf32>
    %swap3A_913 = arith.constant 1 : index
    %swap3A_914 = arith.constant 7680 : index
    %swap3A_915 = vector.load %arg9[%swap3A_913, %swap3A_914] : memref<4x32768xf32, #tpu.memory_space<vmem>>, vector<1x512xf32>
    tpu.vector_store %arg9[%swap3A_913, %swap3A_914], %mul3A_912 {strides = array<i32>} : memref<4x32768xf32, #tpu.memory_space<vmem>>, vector<1x512xf32>,
    %max3A_916 = vector.broadcast %neg3A_137 : vector<128x1xbf16> to vector<128x512xbf16>
    %max3A_917 = arith.maximumf %mul3A_893, %max3A_916 : vector<128x512xbf16>
    %dot_general3A_918 = arith.constant dense<0.000000e+00> : vector<1x512xf32>
    %dot_general3A_919 = tpu.matmul %broadcast_in_dim3A_125, %max3A_917, %dot_general3A_918 {dimension_numbers = #tpu.dot_dimension_numbers<[1], [0], [0], [1], [0, 0, 1, 1], [], []>, transpose_lhs_hint = false} : vector<1x128xbf16>, vector<128x512xbf16>, vector<1x512xf32> -> vector<1x512xf32>
    %add3A_920 = vector.broadcast %broadcast_in_dim3A_159 : vector<1x1xf32> to vector<1x512xf32>
    %add3A_921 = arith.addf %dot_general3A_919, %add3A_920 : vector<1x512xf32>
    %mul3A_922 = vector.broadcast %div3A_103 : f32 to vector<1x512xf32>
    %mul3A_923 = arith.mulf %mul3A_922, %add3A_921 : vector<1x512xf32>
    %swap3A_924 = arith.constant 2 : index
    %swap3A_925 = arith.constant 7680 : index
    %swap3A_926 = vector.load %arg9[%swap3A_924, %swap3A_925] : memref<4x32768xf32, #tpu.memory_space<vmem>>, vector<1x512xf32>
    tpu.vector_store %arg9[%swap3A_924, %swap3A_925], %mul3A_923 {strides = array<i32>} : memref<4x32768xf32, #tpu.memory_space<vmem>>, vector<1x512xf32>,
    %max3A_927 = vector.broadcast %neg3A_141 : vector<128x1xbf16> to vector<128x512xbf16>
    %max3A_928 = arith.maximumf %mul3A_893, %max3A_927 : vector<128x512xbf16>
    %dot_general3A_929 = arith.constant dense<0.000000e+00> : vector<1x512xf32>
    %dot_general3A_930 = tpu.matmul %broadcast_in_dim3A_125, %max3A_928, %dot_general3A_929 {dimension_numbers = #tpu.dot_dimension_numbers<[1], [0], [0], [1], [0, 0, 1, 1], [], []>, transpose_lhs_hint = false} : vector<1x128xbf16>, vector<128x512xbf16>, vector<1x512xf32> -> vector<1x512xf32>
    %add3A_931 = vector.broadcast %broadcast_in_dim3A_165 : vector<1x1xf32> to vector<1x512xf32>
    %add3A_932 = arith.addf %dot_general3A_930, %add3A_931 : vector<1x512xf32>
    %mul3A_933 = vector.broadcast %div3A_124 : f32 to vector<1x512xf32>
    %mul3A_934 = arith.mulf %mul3A_933, %add3A_932 : vector<1x512xf32>
    %swap3A_935 = arith.constant 3 : index
    %swap3A_936 = arith.constant 7680 : index
    %swap3A_937 = vector.load %arg9[%swap3A_935, %swap3A_936] : memref<4x32768xf32, #tpu.memory_space<vmem>>, vector<1x512xf32>
    tpu.vector_store %arg9[%swap3A_935, %swap3A_936], %mul3A_934 {strides = array<i32>} : memref<4x32768xf32, #tpu.memory_space<vmem>>, vector<1x512xf32>,
    %slice3A_938 = vector.extract_strided_slice %convert_element_type3A_171 {offsets = [0, 8192], sizes = [1, 512], strides = [1, 1]} : vector<1x32768xbf16> to vector<1x512xbf16>
    %mul3A_939 = vector.broadcast %convert_element_type3A : vector<128x1xbf16> to vector<128x512xbf16>
    %mul3A_940 = vector.broadcast %slice3A_938 : vector<1x512xbf16> to vector<128x512xbf16>
    %mul3A_941 = arith.mulf %mul3A_939, %mul3A_940 : vector<128x512xbf16>
    %max3A_942 = vector.broadcast %neg3A_129 : vector<128x1xbf16> to vector<128x512xbf16>
    %max3A_943 = arith.maximumf %mul3A_941, %max3A_942 : vector<128x512xbf16>
    %dot_general3A_944 = arith.constant dense<0.000000e+00> : vector<1x512xf32>
    %dot_general3A_945 = tpu.matmul %broadcast_in_dim3A_125, %max3A_943, %dot_general3A_944 {dimension_numbers = #tpu.dot_dimension_numbers<[1], [0], [0], [1], [0, 0, 1, 1], [], []>, transpose_lhs_hint = false} : vector<1x128xbf16>, vector<128x512xbf16>, vector<1x512xf32> -> vector<1x512xf32>
    %add3A_946 = vector.broadcast %broadcast_in_dim3A_147 : vector<1x1xf32> to vector<1x512xf32>
    %add3A_947 = arith.addf %dot_general3A_945, %add3A_946 : vector<1x512xf32>
    %mul3A_948 = vector.broadcast %div3A_61 : f32 to vector<1x512xf32>
    %mul3A_949 = arith.mulf %mul3A_948, %add3A_947 : vector<1x512xf32>
    %swap3A_950 = arith.constant 0 : index
    %swap3A_951 = arith.constant 8192 : index
    %swap3A_952 = vector.load %arg9[%swap3A_950, %swap3A_951] : memref<4x32768xf32, #tpu.memory_space<vmem>>, vector<1x512xf32>
    tpu.vector_store %arg9[%swap3A_950, %swap3A_951], %mul3A_949 {strides = array<i32>} : memref<4x32768xf32, #tpu.memory_space<vmem>>, vector<1x512xf32>,
    %max3A_953 = vector.broadcast %neg3A_133 : vector<128x1xbf16> to vector<128x512xbf16>
    %max3A_954 = arith.maximumf %mul3A_941, %max3A_953 : vector<128x512xbf16>
    %dot_general3A_955 = arith.constant dense<0.000000e+00> : vector<1x512xf32>
    %dot_general3A_956 = tpu.matmul %broadcast_in_dim3A_125, %max3A_954, %dot_general3A_955 {dimension_numbers = #tpu.dot_dimension_numbers<[1], [0], [0], [1], [0, 0, 1, 1], [], []>, transpose_lhs_hint = false} : vector<1x128xbf16>, vector<128x512xbf16>, vector<1x512xf32> -> vector<1x512xf32>
    %add3A_957 = vector.broadcast %broadcast_in_dim3A_153 : vector<1x1xf32> to vector<1x512xf32>
    %add3A_958 = arith.addf %dot_general3A_956, %add3A_957 : vector<1x512xf32>
    %mul3A_959 = vector.broadcast %div3A_82 : f32 to vector<1x512xf32>
    %mul3A_960 = arith.mulf %mul3A_959, %add3A_958 : vector<1x512xf32>
    %swap3A_961 = arith.constant 1 : index
    %swap3A_962 = arith.constant 8192 : index
    %swap3A_963 = vector.load %arg9[%swap3A_961, %swap3A_962] : memref<4x32768xf32, #tpu.memory_space<vmem>>, vector<1x512xf32>
    tpu.vector_store %arg9[%swap3A_961, %swap3A_962], %mul3A_960 {strides = array<i32>} : memref<4x32768xf32, #tpu.memory_space<vmem>>, vector<1x512xf32>,
    %max3A_964 = vector.broadcast %neg3A_137 : vector<128x1xbf16> to vector<128x512xbf16>
    %max3A_965 = arith.maximumf %mul3A_941, %max3A_964 : vector<128x512xbf16>
    %dot_general3A_966 = arith.constant dense<0.000000e+00> : vector<1x512xf32>
    %dot_general3A_967 = tpu.matmul %broadcast_in_dim3A_125, %max3A_965, %dot_general3A_966 {dimension_numbers = #tpu.dot_dimension_numbers<[1], [0], [0], [1], [0, 0, 1, 1], [], []>, transpose_lhs_hint = false} : vector<1x128xbf16>, vector<128x512xbf16>, vector<1x512xf32> -> vector<1x512xf32>
    %add3A_968 = vector.broadcast %broadcast_in_dim3A_159 : vector<1x1xf32> to vector<1x512xf32>
    %add3A_969 = arith.addf %dot_general3A_967, %add3A_968 : vector<1x512xf32>
    %mul3A_970 = vector.broadcast %div3A_103 : f32 to vector<1x512xf32>
    %mul3A_971 = arith.mulf %mul3A_970, %add3A_969 : vector<1x512xf32>
    %swap3A_972 = arith.constant 2 : index
    %swap3A_973 = arith.constant 8192 : index
    %swap3A_974 = vector.load %arg9[%swap3A_972, %swap3A_973] : memref<4x32768xf32, #tpu.memory_space<vmem>>, vector<1x512xf32>
    tpu.vector_store %arg9[%swap3A_972, %swap3A_973], %mul3A_971 {strides = array<i32>} : memref<4x32768xf32, #tpu.memory_space<vmem>>, vector<1x512xf32>,
    %max3A_975 = vector.broadcast %neg3A_141 : vector<128x1xbf16> to vector<128x512xbf16>
    %max3A_976 = arith.maximumf %mul3A_941, %max3A_975 : vector<128x512xbf16>
    %dot_general3A_977 = arith.constant dense<0.000000e+00> : vector<1x512xf32>
    %dot_general3A_978 = tpu.matmul %broadcast_in_dim3A_125, %max3A_976, %dot_general3A_977 {dimension_numbers = #tpu.dot_dimension_numbers<[1], [0], [0], [1], [0, 0, 1, 1], [], []>, transpose_lhs_hint = false} : vector<1x128xbf16>, vector<128x512xbf16>, vector<1x512xf32> -> vector<1x512xf32>
    %add3A_979 = vector.broadcast %broadcast_in_dim3A_165 : vector<1x1xf32> to vector<1x512xf32>
    %add3A_980 = arith.addf %dot_general3A_978, %add3A_979 : vector<1x512xf32>
    %mul3A_981 = vector.broadcast %div3A_124 : f32 to vector<1x512xf32>
    %mul3A_982 = arith.mulf %mul3A_981, %add3A_980 : vector<1x512xf32>
    %swap3A_983 = arith.constant 3 : index
    %swap3A_984 = arith.constant 8192 : index
    %swap3A_985 = vector.load %arg9[%swap3A_983, %swap3A_984] : memref<4x32768xf32, #tpu.memory_space<vmem>>, vector<1x512xf32>
    tpu.vector_store %arg9[%swap3A_983, %swap3A_984], %mul3A_982 {strides = array<i32>} : memref<4x32768xf32, #tpu.memory_space<vmem>>, vector<1x512xf32>,
    %slice3A_986 = vector.extract_strided_slice %convert_element_type3A_171 {offsets = [0, 8704], sizes = [1, 512], strides = [1, 1]} : vector<1x32768xbf16> to vector<1x512xbf16>
    %mul3A_987 = vector.broadcast %convert_element_type3A : vector<128x1xbf16> to vector<128x512xbf16>
    %mul3A_988 = vector.broadcast %slice3A_986 : vector<1x512xbf16> to vector<128x512xbf16>
    %mul3A_989 = arith.mulf %mul3A_987, %mul3A_988 : vector<128x512xbf16>
    %max3A_990 = vector.broadcast %neg3A_129 : vector<128x1xbf16> to vector<128x512xbf16>
    %max3A_991 = arith.maximumf %mul3A_989, %max3A_990 : vector<128x512xbf16>
    %dot_general3A_992 = arith.constant dense<0.000000e+00> : vector<1x512xf32>
    %dot_general3A_993 = tpu.matmul %broadcast_in_dim3A_125, %max3A_991, %dot_general3A_992 {dimension_numbers = #tpu.dot_dimension_numbers<[1], [0], [0], [1], [0, 0, 1, 1], [], []>, transpose_lhs_hint = false} : vector<1x128xbf16>, vector<128x512xbf16>, vector<1x512xf32> -> vector<1x512xf32>
    %add3A_994 = vector.broadcast %broadcast_in_dim3A_147 : vector<1x1xf32> to vector<1x512xf32>
    %add3A_995 = arith.addf %dot_general3A_993, %add3A_994 : vector<1x512xf32>
    %mul3A_996 = vector.broadcast %div3A_61 : f32 to vector<1x512xf32>
    %mul3A_997 = arith.mulf %mul3A_996, %add3A_995 : vector<1x512xf32>
    %swap3A_998 = arith.constant 0 : index
    %swap3A_999 = arith.constant 8704 : index
    %swap3A_1000 = vector.load %arg9[%swap3A_998, %swap3A_999] : memref<4x32768xf32, #tpu.memory_space<vmem>>, vector<1x512xf32>
    tpu.vector_store %arg9[%swap3A_998, %swap3A_999], %mul3A_997 {strides = array<i32>} : memref<4x32768xf32, #tpu.memory_space<vmem>>, vector<1x512xf32>,
    %max3A_1001 = vector.broadcast %neg3A_133 : vector<128x1xbf16> to vector<128x512xbf16>
    %max3A_1002 = arith.maximumf %mul3A_989, %max3A_1001 : vector<128x512xbf16>
    %dot_general3A_1003 = arith.constant dense<0.000000e+00> : vector<1x512xf32>
    %dot_general3A_1004 = tpu.matmul %broadcast_in_dim3A_125, %max3A_1002, %dot_general3A_1003 {dimension_numbers = #tpu.dot_dimension_numbers<[1], [0], [0], [1], [0, 0, 1, 1], [], []>, transpose_lhs_hint = false} : vector<1x128xbf16>, vector<128x512xbf16>, vector<1x512xf32> -> vector<1x512xf32>
    %add3A_1005 = vector.broadcast %broadcast_in_dim3A_153 : vector<1x1xf32> to vector<1x512xf32>
    %add3A_1006 = arith.addf %dot_general3A_1004, %add3A_1005 : vector<1x512xf32>
    %mul3A_1007 = vector.broadcast %div3A_82 : f32 to vector<1x512xf32>
    %mul3A_1008 = arith.mulf %mul3A_1007, %add3A_1006 : vector<1x512xf32>
    %swap3A_1009 = arith.constant 1 : index
    %swap3A_1010 = arith.constant 8704 : index
    %swap3A_1011 = vector.load %arg9[%swap3A_1009, %swap3A_1010] : memref<4x32768xf32, #tpu.memory_space<vmem>>, vector<1x512xf32>
    tpu.vector_store %arg9[%swap3A_1009, %swap3A_1010], %mul3A_1008 {strides = array<i32>} : memref<4x32768xf32, #tpu.memory_space<vmem>>, vector<1x512xf32>,
    %max3A_1012 = vector.broadcast %neg3A_137 : vector<128x1xbf16> to vector<128x512xbf16>
    %max3A_1013 = arith.maximumf %mul3A_989, %max3A_1012 : vector<128x512xbf16>
    %dot_general3A_1014 = arith.constant dense<0.000000e+00> : vector<1x512xf32>
    %dot_general3A_1015 = tpu.matmul %broadcast_in_dim3A_125, %max3A_1013, %dot_general3A_1014 {dimension_numbers = #tpu.dot_dimension_numbers<[1], [0], [0], [1], [0, 0, 1, 1], [], []>, transpose_lhs_hint = false} : vector<1x128xbf16>, vector<128x512xbf16>, vector<1x512xf32> -> vector<1x512xf32>
    %add3A_1016 = vector.broadcast %broadcast_in_dim3A_159 : vector<1x1xf32> to vector<1x512xf32>
    %add3A_1017 = arith.addf %dot_general3A_1015, %add3A_1016 : vector<1x512xf32>
    %mul3A_1018 = vector.broadcast %div3A_103 : f32 to vector<1x512xf32>
    %mul3A_1019 = arith.mulf %mul3A_1018, %add3A_1017 : vector<1x512xf32>
    %swap3A_1020 = arith.constant 2 : index
    %swap3A_1021 = arith.constant 8704 : index
    %swap3A_1022 = vector.load %arg9[%swap3A_1020, %swap3A_1021] : memref<4x32768xf32, #tpu.memory_space<vmem>>, vector<1x512xf32>
    tpu.vector_store %arg9[%swap3A_1020, %swap3A_1021], %mul3A_1019 {strides = array<i32>} : memref<4x32768xf32, #tpu.memory_space<vmem>>, vector<1x512xf32>,
    %max3A_1023 = vector.broadcast %neg3A_141 : vector<128x1xbf16> to vector<128x512xbf16>
    %max3A_1024 = arith.maximumf %mul3A_989, %max3A_1023 : vector<128x512xbf16>
    %dot_general3A_1025 = arith.constant dense<0.000000e+00> : vector<1x512xf32>
    %dot_general3A_1026 = tpu.matmul %broadcast_in_dim3A_125, %max3A_1024, %dot_general3A_1025 {dimension_numbers = #tpu.dot_dimension_numbers<[1], [0], [0], [1], [0, 0, 1, 1], [], []>, transpose_lhs_hint = false} : vector<1x128xbf16>, vector<128x512xbf16>, vector<1x512xf32> -> vector<1x512xf32>
    %add3A_1027 = vector.broadcast %broadcast_in_dim3A_165 : vector<1x1xf32> to vector<1x512xf32>
    %add3A_1028 = arith.addf %dot_general3A_1026, %add3A_1027 : vector<1x512xf32>
    %mul3A_1029 = vector.broadcast %div3A_124 : f32 to vector<1x512xf32>
    %mul3A_1030 = arith.mulf %mul3A_1029, %add3A_1028 : vector<1x512xf32>
    %swap3A_1031 = arith.constant 3 : index
    %swap3A_1032 = arith.constant 8704 : index
    %swap3A_1033 = vector.load %arg9[%swap3A_1031, %swap3A_1032] : memref<4x32768xf32, #tpu.memory_space<vmem>>, vector<1x512xf32>
    tpu.vector_store %arg9[%swap3A_1031, %swap3A_1032], %mul3A_1030 {strides = array<i32>} : memref<4x32768xf32, #tpu.memory_space<vmem>>, vector<1x512xf32>,
    %slice3A_1034 = vector.extract_strided_slice %convert_element_type3A_171 {offsets = [0, 9216], sizes = [1, 512], strides = [1, 1]} : vector<1x32768xbf16> to vector<1x512xbf16>
    %mul3A_1035 = vector.broadcast %convert_element_type3A : vector<128x1xbf16> to vector<128x512xbf16>
    %mul3A_1036 = vector.broadcast %slice3A_1034 : vector<1x512xbf16> to vector<128x512xbf16>
    %mul3A_1037 = arith.mulf %mul3A_1035, %mul3A_1036 : vector<128x512xbf16>
    %max3A_1038 = vector.broadcast %neg3A_129 : vector<128x1xbf16> to vector<128x512xbf16>
    %max3A_1039 = arith.maximumf %mul3A_1037, %max3A_1038 : vector<128x512xbf16>
    %dot_general3A_1040 = arith.constant dense<0.000000e+00> : vector<1x512xf32>
    %dot_general3A_1041 = tpu.matmul %broadcast_in_dim3A_125, %max3A_1039, %dot_general3A_1040 {dimension_numbers = #tpu.dot_dimension_numbers<[1], [0], [0], [1], [0, 0, 1, 1], [], []>, transpose_lhs_hint = false} : vector<1x128xbf16>, vector<128x512xbf16>, vector<1x512xf32> -> vector<1x512xf32>
    %add3A_1042 = vector.broadcast %broadcast_in_dim3A_147 : vector<1x1xf32> to vector<1x512xf32>
    %add3A_1043 = arith.addf %dot_general3A_1041, %add3A_1042 : vector<1x512xf32>
    %mul3A_1044 = vector.broadcast %div3A_61 : f32 to vector<1x512xf32>
    %mul3A_1045 = arith.mulf %mul3A_1044, %add3A_1043 : vector<1x512xf32>
    %swap3A_1046 = arith.constant 0 : index
    %swap3A_1047 = arith.constant 9216 : index
    %swap3A_1048 = vector.load %arg9[%swap3A_1046, %swap3A_1047] : memref<4x32768xf32, #tpu.memory_space<vmem>>, vector<1x512xf32>
    tpu.vector_store %arg9[%swap3A_1046, %swap3A_1047], %mul3A_1045 {strides = array<i32>} : memref<4x32768xf32, #tpu.memory_space<vmem>>, vector<1x512xf32>,
    %max3A_1049 = vector.broadcast %neg3A_133 : vector<128x1xbf16> to vector<128x512xbf16>
    %max3A_1050 = arith.maximumf %mul3A_1037, %max3A_1049 : vector<128x512xbf16>
    %dot_general3A_1051 = arith.constant dense<0.000000e+00> : vector<1x512xf32>
    %dot_general3A_1052 = tpu.matmul %broadcast_in_dim3A_125, %max3A_1050, %dot_general3A_1051 {dimension_numbers = #tpu.dot_dimension_numbers<[1], [0], [0], [1], [0, 0, 1, 1], [], []>, transpose_lhs_hint = false} : vector<1x128xbf16>, vector<128x512xbf16>, vector<1x512xf32> -> vector<1x512xf32>
    %add3A_1053 = vector.broadcast %broadcast_in_dim3A_153 : vector<1x1xf32> to vector<1x512xf32>
    %add3A_1054 = arith.addf %dot_general3A_1052, %add3A_1053 : vector<1x512xf32>
    %mul3A_1055 = vector.broadcast %div3A_82 : f32 to vector<1x512xf32>
    %mul3A_1056 = arith.mulf %mul3A_1055, %add3A_1054 : vector<1x512xf32>
    %swap3A_1057 = arith.constant 1 : index
    %swap3A_1058 = arith.constant 9216 : index
    %swap3A_1059 = vector.load %arg9[%swap3A_1057, %swap3A_1058] : memref<4x32768xf32, #tpu.memory_space<vmem>>, vector<1x512xf32>
    tpu.vector_store %arg9[%swap3A_1057, %swap3A_1058], %mul3A_1056 {strides = array<i32>} : memref<4x32768xf32, #tpu.memory_space<vmem>>, vector<1x512xf32>,
    %max3A_1060 = vector.broadcast %neg3A_137 : vector<128x1xbf16> to vector<128x512xbf16>
    %max3A_1061 = arith.maximumf %mul3A_1037, %max3A_1060 : vector<128x512xbf16>
    %dot_general3A_1062 = arith.constant dense<0.000000e+00> : vector<1x512xf32>
    %dot_general3A_1063 = tpu.matmul %broadcast_in_dim3A_125, %max3A_1061, %dot_general3A_1062 {dimension_numbers = #tpu.dot_dimension_numbers<[1], [0], [0], [1], [0, 0, 1, 1], [], []>, transpose_lhs_hint = false} : vector<1x128xbf16>, vector<128x512xbf16>, vector<1x512xf32> -> vector<1x512xf32>
    %add3A_1064 = vector.broadcast %broadcast_in_dim3A_159 : vector<1x1xf32> to vector<1x512xf32>
    %add3A_1065 = arith.addf %dot_general3A_1063, %add3A_1064 : vector<1x512xf32>
    %mul3A_1066 = vector.broadcast %div3A_103 : f32 to vector<1x512xf32>
    %mul3A_1067 = arith.mulf %mul3A_1066, %add3A_1065 : vector<1x512xf32>
    %swap3A_1068 = arith.constant 2 : index
    %swap3A_1069 = arith.constant 9216 : index
    %swap3A_1070 = vector.load %arg9[%swap3A_1068, %swap3A_1069] : memref<4x32768xf32, #tpu.memory_space<vmem>>, vector<1x512xf32>
    tpu.vector_store %arg9[%swap3A_1068, %swap3A_1069], %mul3A_1067 {strides = array<i32>} : memref<4x32768xf32, #tpu.memory_space<vmem>>, vector<1x512xf32>,
    %max3A_1071 = vector.broadcast %neg3A_141 : vector<128x1xbf16> to vector<128x512xbf16>
    %max3A_1072 = arith.maximumf %mul3A_1037, %max3A_1071 : vector<128x512xbf16>
    %dot_general3A_1073 = arith.constant dense<0.000000e+00> : vector<1x512xf32>
    %dot_general3A_1074 = tpu.matmul %broadcast_in_dim3A_125, %max3A_1072, %dot_general3A_1073 {dimension_numbers = #tpu.dot_dimension_numbers<[1], [0], [0], [1], [0, 0, 1, 1], [], []>, transpose_lhs_hint = false} : vector<1x128xbf16>, vector<128x512xbf16>, vector<1x512xf32> -> vector<1x512xf32>
    %add3A_1075 = vector.broadcast %broadcast_in_dim3A_165 : vector<1x1xf32> to vector<1x512xf32>
    %add3A_1076 = arith.addf %dot_general3A_1074, %add3A_1075 : vector<1x512xf32>
    %mul3A_1077 = vector.broadcast %div3A_124 : f32 to vector<1x512xf32>
    %mul3A_1078 = arith.mulf %mul3A_1077, %add3A_1076 : vector<1x512xf32>
    %swap3A_1079 = arith.constant 3 : index
    %swap3A_1080 = arith.constant 9216 : index
    %swap3A_1081 = vector.load %arg9[%swap3A_1079, %swap3A_1080] : memref<4x32768xf32, #tpu.memory_space<vmem>>, vector<1x512xf32>
    tpu.vector_store %arg9[%swap3A_1079, %swap3A_1080], %mul3A_1078 {strides = array<i32>} : memref<4x32768xf32, #tpu.memory_space<vmem>>, vector<1x512xf32>,
    %slice3A_1082 = vector.extract_strided_slice %convert_element_type3A_171 {offsets = [0, 9728], sizes = [1, 512], strides = [1, 1]} : vector<1x32768xbf16> to vector<1x512xbf16>
    %mul3A_1083 = vector.broadcast %convert_element_type3A : vector<128x1xbf16> to vector<128x512xbf16>
    %mul3A_1084 = vector.broadcast %slice3A_1082 : vector<1x512xbf16> to vector<128x512xbf16>
    %mul3A_1085 = arith.mulf %mul3A_1083, %mul3A_1084 : vector<128x512xbf16>
    %max3A_1086 = vector.broadcast %neg3A_129 : vector<128x1xbf16> to vector<128x512xbf16>
    %max3A_1087 = arith.maximumf %mul3A_1085, %max3A_1086 : vector<128x512xbf16>
    %dot_general3A_1088 = arith.constant dense<0.000000e+00> : vector<1x512xf32>
    %dot_general3A_1089 = tpu.matmul %broadcast_in_dim3A_125, %max3A_1087, %dot_general3A_1088 {dimension_numbers = #tpu.dot_dimension_numbers<[1], [0], [0], [1], [0, 0, 1, 1], [], []>, transpose_lhs_hint = false} : vector<1x128xbf16>, vector<128x512xbf16>, vector<1x512xf32> -> vector<1x512xf32>
    %add3A_1090 = vector.broadcast %broadcast_in_dim3A_147 : vector<1x1xf32> to vector<1x512xf32>
    %add3A_1091 = arith.addf %dot_general3A_1089, %add3A_1090 : vector<1x512xf32>
    %mul3A_1092 = vector.broadcast %div3A_61 : f32 to vector<1x512xf32>
    %mul3A_1093 = arith.mulf %mul3A_1092, %add3A_1091 : vector<1x512xf32>
    %swap3A_1094 = arith.constant 0 : index
    %swap3A_1095 = arith.constant 9728 : index
    %swap3A_1096 = vector.load %arg9[%swap3A_1094, %swap3A_1095] : memref<4x32768xf32, #tpu.memory_space<vmem>>, vector<1x512xf32>
    tpu.vector_store %arg9[%swap3A_1094, %swap3A_1095], %mul3A_1093 {strides = array<i32>} : memref<4x32768xf32, #tpu.memory_space<vmem>>, vector<1x512xf32>,
    %max3A_1097 = vector.broadcast %neg3A_133 : vector<128x1xbf16> to vector<128x512xbf16>
    %max3A_1098 = arith.maximumf %mul3A_1085, %max3A_1097 : vector<128x512xbf16>
    %dot_general3A_1099 = arith.constant dense<0.000000e+00> : vector<1x512xf32>
    %dot_general3A_1100 = tpu.matmul %broadcast_in_dim3A_125, %max3A_1098, %dot_general3A_1099 {dimension_numbers = #tpu.dot_dimension_numbers<[1], [0], [0], [1], [0, 0, 1, 1], [], []>, transpose_lhs_hint = false} : vector<1x128xbf16>, vector<128x512xbf16>, vector<1x512xf32> -> vector<1x512xf32>
    %add3A_1101 = vector.broadcast %broadcast_in_dim3A_153 : vector<1x1xf32> to vector<1x512xf32>
    %add3A_1102 = arith.addf %dot_general3A_1100, %add3A_1101 : vector<1x512xf32>
    %mul3A_1103 = vector.broadcast %div3A_82 : f32 to vector<1x512xf32>
    %mul3A_1104 = arith.mulf %mul3A_1103, %add3A_1102 : vector<1x512xf32>
    %swap3A_1105 = arith.constant 1 : index
    %swap3A_1106 = arith.constant 9728 : index
    %swap3A_1107 = vector.load %arg9[%swap3A_1105, %swap3A_1106] : memref<4x32768xf32, #tpu.memory_space<vmem>>, vector<1x512xf32>
    tpu.vector_store %arg9[%swap3A_1105, %swap3A_1106], %mul3A_1104 {strides = array<i32>} : memref<4x32768xf32, #tpu.memory_space<vmem>>, vector<1x512xf32>,
    %max3A_1108 = vector.broadcast %neg3A_137 : vector<128x1xbf16> to vector<128x512xbf16>
    %max3A_1109 = arith.maximumf %mul3A_1085, %max3A_1108 : vector<128x512xbf16>
    %dot_general3A_1110 = arith.constant dense<0.000000e+00> : vector<1x512xf32>
    %dot_general3A_1111 = tpu.matmul %broadcast_in_dim3A_125, %max3A_1109, %dot_general3A_1110 {dimension_numbers = #tpu.dot_dimension_numbers<[1], [0], [0], [1], [0, 0, 1, 1], [], []>, transpose_lhs_hint = false} : vector<1x128xbf16>, vector<128x512xbf16>, vector<1x512xf32> -> vector<1x512xf32>
    %add3A_1112 = vector.broadcast %broadcast_in_dim3A_159 : vector<1x1xf32> to vector<1x512xf32>
    %add3A_1113 = arith.addf %dot_general3A_1111, %add3A_1112 : vector<1x512xf32>
    %mul3A_1114 = vector.broadcast %div3A_103 : f32 to vector<1x512xf32>
    %mul3A_1115 = arith.mulf %mul3A_1114, %add3A_1113 : vector<1x512xf32>
    %swap3A_1116 = arith.constant 2 : index
    %swap3A_1117 = arith.constant 9728 : index
    %swap3A_1118 = vector.load %arg9[%swap3A_1116, %swap3A_1117] : memref<4x32768xf32, #tpu.memory_space<vmem>>, vector<1x512xf32>
    tpu.vector_store %arg9[%swap3A_1116, %swap3A_1117], %mul3A_1115 {strides = array<i32>} : memref<4x32768xf32, #tpu.memory_space<vmem>>, vector<1x512xf32>,
    %max3A_1119 = vector.broadcast %neg3A_141 : vector<128x1xbf16> to vector<128x512xbf16>
    %max3A_1120 = arith.maximumf %mul3A_1085, %max3A_1119 : vector<128x512xbf16>
    %dot_general3A_1121 = arith.constant dense<0.000000e+00> : vector<1x512xf32>
    %dot_general3A_1122 = tpu.matmul %broadcast_in_dim3A_125, %max3A_1120, %dot_general3A_1121 {dimension_numbers = #tpu.dot_dimension_numbers<[1], [0], [0], [1], [0, 0, 1, 1], [], []>, transpose_lhs_hint = false} : vector<1x128xbf16>, vector<128x512xbf16>, vector<1x512xf32> -> vector<1x512xf32>
    %add3A_1123 = vector.broadcast %broadcast_in_dim3A_165 : vector<1x1xf32> to vector<1x512xf32>
    %add3A_1124 = arith.addf %dot_general3A_1122, %add3A_1123 : vector<1x512xf32>
    %mul3A_1125 = vector.broadcast %div3A_124 : f32 to vector<1x512xf32>
    %mul3A_1126 = arith.mulf %mul3A_1125, %add3A_1124 : vector<1x512xf32>
    %swap3A_1127 = arith.constant 3 : index
    %swap3A_1128 = arith.constant 9728 : index
    %swap3A_1129 = vector.load %arg9[%swap3A_1127, %swap3A_1128] : memref<4x32768xf32, #tpu.memory_space<vmem>>, vector<1x512xf32>
    tpu.vector_store %arg9[%swap3A_1127, %swap3A_1128], %mul3A_1126 {strides = array<i32>} : memref<4x32768xf32, #tpu.memory_space<vmem>>, vector<1x512xf32>,
    %slice3A_1130 = vector.extract_strided_slice %convert_element_type3A_171 {offsets = [0, 10240], sizes = [1, 512], strides = [1, 1]} : vector<1x32768xbf16> to vector<1x512xbf16>
    %mul3A_1131 = vector.broadcast %convert_element_type3A : vector<128x1xbf16> to vector<128x512xbf16>
    %mul3A_1132 = vector.broadcast %slice3A_1130 : vector<1x512xbf16> to vector<128x512xbf16>
    %mul3A_1133 = arith.mulf %mul3A_1131, %mul3A_1132 : vector<128x512xbf16>
    %max3A_1134 = vector.broadcast %neg3A_129 : vector<128x1xbf16> to vector<128x512xbf16>
    %max3A_1135 = arith.maximumf %mul3A_1133, %max3A_1134 : vector<128x512xbf16>
    %dot_general3A_1136 = arith.constant dense<0.000000e+00> : vector<1x512xf32>
    %dot_general3A_1137 = tpu.matmul %broadcast_in_dim3A_125, %max3A_1135, %dot_general3A_1136 {dimension_numbers = #tpu.dot_dimension_numbers<[1], [0], [0], [1], [0, 0, 1, 1], [], []>, transpose_lhs_hint = false} : vector<1x128xbf16>, vector<128x512xbf16>, vector<1x512xf32> -> vector<1x512xf32>
    %add3A_1138 = vector.broadcast %broadcast_in_dim3A_147 : vector<1x1xf32> to vector<1x512xf32>
    %add3A_1139 = arith.addf %dot_general3A_1137, %add3A_1138 : vector<1x512xf32>
    %mul3A_1140 = vector.broadcast %div3A_61 : f32 to vector<1x512xf32>
    %mul3A_1141 = arith.mulf %mul3A_1140, %add3A_1139 : vector<1x512xf32>
    %swap3A_1142 = arith.constant 0 : index
    %swap3A_1143 = arith.constant 10240 : index
    %swap3A_1144 = vector.load %arg9[%swap3A_1142, %swap3A_1143] : memref<4x32768xf32, #tpu.memory_space<vmem>>, vector<1x512xf32>
    tpu.vector_store %arg9[%swap3A_1142, %swap3A_1143], %mul3A_1141 {strides = array<i32>} : memref<4x32768xf32, #tpu.memory_space<vmem>>, vector<1x512xf32>,
    %max3A_1145 = vector.broadcast %neg3A_133 : vector<128x1xbf16> to vector<128x512xbf16>
    %max3A_1146 = arith.maximumf %mul3A_1133, %max3A_1145 : vector<128x512xbf16>
    %dot_general3A_1147 = arith.constant dense<0.000000e+00> : vector<1x512xf32>
    %dot_general3A_1148 = tpu.matmul %broadcast_in_dim3A_125, %max3A_1146, %dot_general3A_1147 {dimension_numbers = #tpu.dot_dimension_numbers<[1], [0], [0], [1], [0, 0, 1, 1], [], []>, transpose_lhs_hint = false} : vector<1x128xbf16>, vector<128x512xbf16>, vector<1x512xf32> -> vector<1x512xf32>
    %add3A_1149 = vector.broadcast %broadcast_in_dim3A_153 : vector<1x1xf32> to vector<1x512xf32>
    %add3A_1150 = arith.addf %dot_general3A_1148, %add3A_1149 : vector<1x512xf32>
    %mul3A_1151 = vector.broadcast %div3A_82 : f32 to vector<1x512xf32>
    %mul3A_1152 = arith.mulf %mul3A_1151, %add3A_1150 : vector<1x512xf32>
    %swap3A_1153 = arith.constant 1 : index
    %swap3A_1154 = arith.constant 10240 : index
    %swap3A_1155 = vector.load %arg9[%swap3A_1153, %swap3A_1154] : memref<4x32768xf32, #tpu.memory_space<vmem>>, vector<1x512xf32>
    tpu.vector_store %arg9[%swap3A_1153, %swap3A_1154], %mul3A_1152 {strides = array<i32>} : memref<4x32768xf32, #tpu.memory_space<vmem>>, vector<1x512xf32>,
    %max3A_1156 = vector.broadcast %neg3A_137 : vector<128x1xbf16> to vector<128x512xbf16>
    %max3A_1157 = arith.maximumf %mul3A_1133, %max3A_1156 : vector<128x512xbf16>
    %dot_general3A_1158 = arith.constant dense<0.000000e+00> : vector<1x512xf32>
    %dot_general3A_1159 = tpu.matmul %broadcast_in_dim3A_125, %max3A_1157, %dot_general3A_1158 {dimension_numbers = #tpu.dot_dimension_numbers<[1], [0], [0], [1], [0, 0, 1, 1], [], []>, transpose_lhs_hint = false} : vector<1x128xbf16>, vector<128x512xbf16>, vector<1x512xf32> -> vector<1x512xf32>
    %add3A_1160 = vector.broadcast %broadcast_in_dim3A_159 : vector<1x1xf32> to vector<1x512xf32>
    %add3A_1161 = arith.addf %dot_general3A_1159, %add3A_1160 : vector<1x512xf32>
    %mul3A_1162 = vector.broadcast %div3A_103 : f32 to vector<1x512xf32>
    %mul3A_1163 = arith.mulf %mul3A_1162, %add3A_1161 : vector<1x512xf32>
    %swap3A_1164 = arith.constant 2 : index
    %swap3A_1165 = arith.constant 10240 : index
    %swap3A_1166 = vector.load %arg9[%swap3A_1164, %swap3A_1165] : memref<4x32768xf32, #tpu.memory_space<vmem>>, vector<1x512xf32>
    tpu.vector_store %arg9[%swap3A_1164, %swap3A_1165], %mul3A_1163 {strides = array<i32>} : memref<4x32768xf32, #tpu.memory_space<vmem>>, vector<1x512xf32>,
    %max3A_1167 = vector.broadcast %neg3A_141 : vector<128x1xbf16> to vector<128x512xbf16>
    %max3A_1168 = arith.maximumf %mul3A_1133, %max3A_1167 : vector<128x512xbf16>
    %dot_general3A_1169 = arith.constant dense<0.000000e+00> : vector<1x512xf32>
    %dot_general3A_1170 = tpu.matmul %broadcast_in_dim3A_125, %max3A_1168, %dot_general3A_1169 {dimension_numbers = #tpu.dot_dimension_numbers<[1], [0], [0], [1], [0, 0, 1, 1], [], []>, transpose_lhs_hint = false} : vector<1x128xbf16>, vector<128x512xbf16>, vector<1x512xf32> -> vector<1x512xf32>
    %add3A_1171 = vector.broadcast %broadcast_in_dim3A_165 : vector<1x1xf32> to vector<1x512xf32>
    %add3A_1172 = arith.addf %dot_general3A_1170, %add3A_1171 : vector<1x512xf32>
    %mul3A_1173 = vector.broadcast %div3A_124 : f32 to vector<1x512xf32>
    %mul3A_1174 = arith.mulf %mul3A_1173, %add3A_1172 : vector<1x512xf32>
    %swap3A_1175 = arith.constant 3 : index
    %swap3A_1176 = arith.constant 10240 : index
    %swap3A_1177 = vector.load %arg9[%swap3A_1175, %swap3A_1176] : memref<4x32768xf32, #tpu.memory_space<vmem>>, vector<1x512xf32>
    tpu.vector_store %arg9[%swap3A_1175, %swap3A_1176], %mul3A_1174 {strides = array<i32>} : memref<4x32768xf32, #tpu.memory_space<vmem>>, vector<1x512xf32>,
    %slice3A_1178 = vector.extract_strided_slice %convert_element_type3A_171 {offsets = [0, 10752], sizes = [1, 512], strides = [1, 1]} : vector<1x32768xbf16> to vector<1x512xbf16>
    %mul3A_1179 = vector.broadcast %convert_element_type3A : vector<128x1xbf16> to vector<128x512xbf16>
    %mul3A_1180 = vector.broadcast %slice3A_1178 : vector<1x512xbf16> to vector<128x512xbf16>
    %mul3A_1181 = arith.mulf %mul3A_1179, %mul3A_1180 : vector<128x512xbf16>
    %max3A_1182 = vector.broadcast %neg3A_129 : vector<128x1xbf16> to vector<128x512xbf16>
    %max3A_1183 = arith.maximumf %mul3A_1181, %max3A_1182 : vector<128x512xbf16>
    %dot_general3A_1184 = arith.constant dense<0.000000e+00> : vector<1x512xf32>
    %dot_general3A_1185 = tpu.matmul %broadcast_in_dim3A_125, %max3A_1183, %dot_general3A_1184 {dimension_numbers = #tpu.dot_dimension_numbers<[1], [0], [0], [1], [0, 0, 1, 1], [], []>, transpose_lhs_hint = false} : vector<1x128xbf16>, vector<128x512xbf16>, vector<1x512xf32> -> vector<1x512xf32>
    %add3A_1186 = vector.broadcast %broadcast_in_dim3A_147 : vector<1x1xf32> to vector<1x512xf32>
    %add3A_1187 = arith.addf %dot_general3A_1185, %add3A_1186 : vector<1x512xf32>
    %mul3A_1188 = vector.broadcast %div3A_61 : f32 to vector<1x512xf32>
    %mul3A_1189 = arith.mulf %mul3A_1188, %add3A_1187 : vector<1x512xf32>
    %swap3A_1190 = arith.constant 0 : index
    %swap3A_1191 = arith.constant 10752 : index
    %swap3A_1192 = vector.load %arg9[%swap3A_1190, %swap3A_1191] : memref<4x32768xf32, #tpu.memory_space<vmem>>, vector<1x512xf32>
    tpu.vector_store %arg9[%swap3A_1190, %swap3A_1191], %mul3A_1189 {strides = array<i32>} : memref<4x32768xf32, #tpu.memory_space<vmem>>, vector<1x512xf32>,
    %max3A_1193 = vector.broadcast %neg3A_133 : vector<128x1xbf16> to vector<128x512xbf16>
    %max3A_1194 = arith.maximumf %mul3A_1181, %max3A_1193 : vector<128x512xbf16>
    %dot_general3A_1195 = arith.constant dense<0.000000e+00> : vector<1x512xf32>
    %dot_general3A_1196 = tpu.matmul %broadcast_in_dim3A_125, %max3A_1194, %dot_general3A_1195 {dimension_numbers = #tpu.dot_dimension_numbers<[1], [0], [0], [1], [0, 0, 1, 1], [], []>, transpose_lhs_hint = false} : vector<1x128xbf16>, vector<128x512xbf16>, vector<1x512xf32> -> vector<1x512xf32>
    %add3A_1197 = vector.broadcast %broadcast_in_dim3A_153 : vector<1x1xf32> to vector<1x512xf32>
    %add3A_1198 = arith.addf %dot_general3A_1196, %add3A_1197 : vector<1x512xf32>
    %mul3A_1199 = vector.broadcast %div3A_82 : f32 to vector<1x512xf32>
    %mul3A_1200 = arith.mulf %mul3A_1199, %add3A_1198 : vector<1x512xf32>
    %swap3A_1201 = arith.constant 1 : index
    %swap3A_1202 = arith.constant 10752 : index
    %swap3A_1203 = vector.load %arg9[%swap3A_1201, %swap3A_1202] : memref<4x32768xf32, #tpu.memory_space<vmem>>, vector<1x512xf32>
    tpu.vector_store %arg9[%swap3A_1201, %swap3A_1202], %mul3A_1200 {strides = array<i32>} : memref<4x32768xf32, #tpu.memory_space<vmem>>, vector<1x512xf32>,
    %max3A_1204 = vector.broadcast %neg3A_137 : vector<128x1xbf16> to vector<128x512xbf16>
    %max3A_1205 = arith.maximumf %mul3A_1181, %max3A_1204 : vector<128x512xbf16>
    %dot_general3A_1206 = arith.constant dense<0.000000e+00> : vector<1x512xf32>
    %dot_general3A_1207 = tpu.matmul %broadcast_in_dim3A_125, %max3A_1205, %dot_general3A_1206 {dimension_numbers = #tpu.dot_dimension_numbers<[1], [0], [0], [1], [0, 0, 1, 1], [], []>, transpose_lhs_hint = false} : vector<1x128xbf16>, vector<128x512xbf16>, vector<1x512xf32> -> vector<1x512xf32>
    %add3A_1208 = vector.broadcast %broadcast_in_dim3A_159 : vector<1x1xf32> to vector<1x512xf32>
    %add3A_1209 = arith.addf %dot_general3A_1207, %add3A_1208 : vector<1x512xf32>
    %mul3A_1210 = vector.broadcast %div3A_103 : f32 to vector<1x512xf32>
    %mul3A_1211 = arith.mulf %mul3A_1210, %add3A_1209 : vector<1x512xf32>
    %swap3A_1212 = arith.constant 2 : index
    %swap3A_1213 = arith.constant 10752 : index
    %swap3A_1214 = vector.load %arg9[%swap3A_1212, %swap3A_1213] : memref<4x32768xf32, #tpu.memory_space<vmem>>, vector<1x512xf32>
    tpu.vector_store %arg9[%swap3A_1212, %swap3A_1213], %mul3A_1211 {strides = array<i32>} : memref<4x32768xf32, #tpu.memory_space<vmem>>, vector<1x512xf32>,
    %max3A_1215 = vector.broadcast %neg3A_141 : vector<128x1xbf16> to vector<128x512xbf16>
    %max3A_1216 = arith.maximumf %mul3A_1181, %max3A_1215 : vector<128x512xbf16>
    %dot_general3A_1217 = arith.constant dense<0.000000e+00> : vector<1x512xf32>
    %dot_general3A_1218 = tpu.matmul %broadcast_in_dim3A_125, %max3A_1216, %dot_general3A_1217 {dimension_numbers = #tpu.dot_dimension_numbers<[1], [0], [0], [1], [0, 0, 1, 1], [], []>, transpose_lhs_hint = false} : vector<1x128xbf16>, vector<128x512xbf16>, vector<1x512xf32> -> vector<1x512xf32>
    %add3A_1219 = vector.broadcast %broadcast_in_dim3A_165 : vector<1x1xf32> to vector<1x512xf32>
    %add3A_1220 = arith.addf %dot_general3A_1218, %add3A_1219 : vector<1x512xf32>
    %mul3A_1221 = vector.broadcast %div3A_124 : f32 to vector<1x512xf32>
    %mul3A_1222 = arith.mulf %mul3A_1221, %add3A_1220 : vector<1x512xf32>
    %swap3A_1223 = arith.constant 3 : index
    %swap3A_1224 = arith.constant 10752 : index
    %swap3A_1225 = vector.load %arg9[%swap3A_1223, %swap3A_1224] : memref<4x32768xf32, #tpu.memory_space<vmem>>, vector<1x512xf32>
    tpu.vector_store %arg9[%swap3A_1223, %swap3A_1224], %mul3A_1222 {strides = array<i32>} : memref<4x32768xf32, #tpu.memory_space<vmem>>, vector<1x512xf32>,
    %slice3A_1226 = vector.extract_strided_slice %convert_element_type3A_171 {offsets = [0, 11264], sizes = [1, 512], strides = [1, 1]} : vector<1x32768xbf16> to vector<1x512xbf16>
    %mul3A_1227 = vector.broadcast %convert_element_type3A : vector<128x1xbf16> to vector<128x512xbf16>
    %mul3A_1228 = vector.broadcast %slice3A_1226 : vector<1x512xbf16> to vector<128x512xbf16>
    %mul3A_1229 = arith.mulf %mul3A_1227, %mul3A_1228 : vector<128x512xbf16>
    %max3A_1230 = vector.broadcast %neg3A_129 : vector<128x1xbf16> to vector<128x512xbf16>
    %max3A_1231 = arith.maximumf %mul3A_1229, %max3A_1230 : vector<128x512xbf16>
    %dot_general3A_1232 = arith.constant dense<0.000000e+00> : vector<1x512xf32>
    %dot_general3A_1233 = tpu.matmul %broadcast_in_dim3A_125, %max3A_1231, %dot_general3A_1232 {dimension_numbers = #tpu.dot_dimension_numbers<[1], [0], [0], [1], [0, 0, 1, 1], [], []>, transpose_lhs_hint = false} : vector<1x128xbf16>, vector<128x512xbf16>, vector<1x512xf32> -> vector<1x512xf32>
    %add3A_1234 = vector.broadcast %broadcast_in_dim3A_147 : vector<1x1xf32> to vector<1x512xf32>
    %add3A_1235 = arith.addf %dot_general3A_1233, %add3A_1234 : vector<1x512xf32>
    %mul3A_1236 = vector.broadcast %div3A_61 : f32 to vector<1x512xf32>
    %mul3A_1237 = arith.mulf %mul3A_1236, %add3A_1235 : vector<1x512xf32>
    %swap3A_1238 = arith.constant 0 : index
    %swap3A_1239 = arith.constant 11264 : index
    %swap3A_1240 = vector.load %arg9[%swap3A_1238, %swap3A_1239] : memref<4x32768xf32, #tpu.memory_space<vmem>>, vector<1x512xf32>
    tpu.vector_store %arg9[%swap3A_1238, %swap3A_1239], %mul3A_1237 {strides = array<i32>} : memref<4x32768xf32, #tpu.memory_space<vmem>>, vector<1x512xf32>,
    %max3A_1241 = vector.broadcast %neg3A_133 : vector<128x1xbf16> to vector<128x512xbf16>
    %max3A_1242 = arith.maximumf %mul3A_1229, %max3A_1241 : vector<128x512xbf16>
    %dot_general3A_1243 = arith.constant dense<0.000000e+00> : vector<1x512xf32>
    %dot_general3A_1244 = tpu.matmul %broadcast_in_dim3A_125, %max3A_1242, %dot_general3A_1243 {dimension_numbers = #tpu.dot_dimension_numbers<[1], [0], [0], [1], [0, 0, 1, 1], [], []>, transpose_lhs_hint = false} : vector<1x128xbf16>, vector<128x512xbf16>, vector<1x512xf32> -> vector<1x512xf32>
    %add3A_1245 = vector.broadcast %broadcast_in_dim3A_153 : vector<1x1xf32> to vector<1x512xf32>
    %add3A_1246 = arith.addf %dot_general3A_1244, %add3A_1245 : vector<1x512xf32>
    %mul3A_1247 = vector.broadcast %div3A_82 : f32 to vector<1x512xf32>
    %mul3A_1248 = arith.mulf %mul3A_1247, %add3A_1246 : vector<1x512xf32>
    %swap3A_1249 = arith.constant 1 : index
    %swap3A_1250 = arith.constant 11264 : index
    %swap3A_1251 = vector.load %arg9[%swap3A_1249, %swap3A_1250] : memref<4x32768xf32, #tpu.memory_space<vmem>>, vector<1x512xf32>
    tpu.vector_store %arg9[%swap3A_1249, %swap3A_1250], %mul3A_1248 {strides = array<i32>} : memref<4x32768xf32, #tpu.memory_space<vmem>>, vector<1x512xf32>,
    %max3A_1252 = vector.broadcast %neg3A_137 : vector<128x1xbf16> to vector<128x512xbf16>
    %max3A_1253 = arith.maximumf %mul3A_1229, %max3A_1252 : vector<128x512xbf16>
    %dot_general3A_1254 = arith.constant dense<0.000000e+00> : vector<1x512xf32>
    %dot_general3A_1255 = tpu.matmul %broadcast_in_dim3A_125, %max3A_1253, %dot_general3A_1254 {dimension_numbers = #tpu.dot_dimension_numbers<[1], [0], [0], [1], [0, 0, 1, 1], [], []>, transpose_lhs_hint = false} : vector<1x128xbf16>, vector<128x512xbf16>, vector<1x512xf32> -> vector<1x512xf32>
    %add3A_1256 = vector.broadcast %broadcast_in_dim3A_159 : vector<1x1xf32> to vector<1x512xf32>
    %add3A_1257 = arith.addf %dot_general3A_1255, %add3A_1256 : vector<1x512xf32>
    %mul3A_1258 = vector.broadcast %div3A_103 : f32 to vector<1x512xf32>
    %mul3A_1259 = arith.mulf %mul3A_1258, %add3A_1257 : vector<1x512xf32>
    %swap3A_1260 = arith.constant 2 : index
    %swap3A_1261 = arith.constant 11264 : index
    %swap3A_1262 = vector.load %arg9[%swap3A_1260, %swap3A_1261] : memref<4x32768xf32, #tpu.memory_space<vmem>>, vector<1x512xf32>
    tpu.vector_store %arg9[%swap3A_1260, %swap3A_1261], %mul3A_1259 {strides = array<i32>} : memref<4x32768xf32, #tpu.memory_space<vmem>>, vector<1x512xf32>,
    %max3A_1263 = vector.broadcast %neg3A_141 : vector<128x1xbf16> to vector<128x512xbf16>
    %max3A_1264 = arith.maximumf %mul3A_1229, %max3A_1263 : vector<128x512xbf16>
    %dot_general3A_1265 = arith.constant dense<0.000000e+00> : vector<1x512xf32>
    %dot_general3A_1266 = tpu.matmul %broadcast_in_dim3A_125, %max3A_1264, %dot_general3A_1265 {dimension_numbers = #tpu.dot_dimension_numbers<[1], [0], [0], [1], [0, 0, 1, 1], [], []>, transpose_lhs_hint = false} : vector<1x128xbf16>, vector<128x512xbf16>, vector<1x512xf32> -> vector<1x512xf32>
    %add3A_1267 = vector.broadcast %broadcast_in_dim3A_165 : vector<1x1xf32> to vector<1x512xf32>
    %add3A_1268 = arith.addf %dot_general3A_1266, %add3A_1267 : vector<1x512xf32>
    %mul3A_1269 = vector.broadcast %div3A_124 : f32 to vector<1x512xf32>
    %mul3A_1270 = arith.mulf %mul3A_1269, %add3A_1268 : vector<1x512xf32>
    %swap3A_1271 = arith.constant 3 : index
    %swap3A_1272 = arith.constant 11264 : index
    %swap3A_1273 = vector.load %arg9[%swap3A_1271, %swap3A_1272] : memref<4x32768xf32, #tpu.memory_space<vmem>>, vector<1x512xf32>
    tpu.vector_store %arg9[%swap3A_1271, %swap3A_1272], %mul3A_1270 {strides = array<i32>} : memref<4x32768xf32, #tpu.memory_space<vmem>>, vector<1x512xf32>,
    %slice3A_1274 = vector.extract_strided_slice %convert_element_type3A_171 {offsets = [0, 11776], sizes = [1, 512], strides = [1, 1]} : vector<1x32768xbf16> to vector<1x512xbf16>
    %mul3A_1275 = vector.broadcast %convert_element_type3A : vector<128x1xbf16> to vector<128x512xbf16>
    %mul3A_1276 = vector.broadcast %slice3A_1274 : vector<1x512xbf16> to vector<128x512xbf16>
    %mul3A_1277 = arith.mulf %mul3A_1275, %mul3A_1276 : vector<128x512xbf16>
    %max3A_1278 = vector.broadcast %neg3A_129 : vector<128x1xbf16> to vector<128x512xbf16>
    %max3A_1279 = arith.maximumf %mul3A_1277, %max3A_1278 : vector<128x512xbf16>
    %dot_general3A_1280 = arith.constant dense<0.000000e+00> : vector<1x512xf32>
    %dot_general3A_1281 = tpu.matmul %broadcast_in_dim3A_125, %max3A_1279, %dot_general3A_1280 {dimension_numbers = #tpu.dot_dimension_numbers<[1], [0], [0], [1], [0, 0, 1, 1], [], []>, transpose_lhs_hint = false} : vector<1x128xbf16>, vector<128x512xbf16>, vector<1x512xf32> -> vector<1x512xf32>
    %add3A_1282 = vector.broadcast %broadcast_in_dim3A_147 : vector<1x1xf32> to vector<1x512xf32>
    %add3A_1283 = arith.addf %dot_general3A_1281, %add3A_1282 : vector<1x512xf32>
    %mul3A_1284 = vector.broadcast %div3A_61 : f32 to vector<1x512xf32>
    %mul3A_1285 = arith.mulf %mul3A_1284, %add3A_1283 : vector<1x512xf32>
    %swap3A_1286 = arith.constant 0 : index
    %swap3A_1287 = arith.constant 11776 : index
    %swap3A_1288 = vector.load %arg9[%swap3A_1286, %swap3A_1287] : memref<4x32768xf32, #tpu.memory_space<vmem>>, vector<1x512xf32>
    tpu.vector_store %arg9[%swap3A_1286, %swap3A_1287], %mul3A_1285 {strides = array<i32>} : memref<4x32768xf32, #tpu.memory_space<vmem>>, vector<1x512xf32>,
    %max3A_1289 = vector.broadcast %neg3A_133 : vector<128x1xbf16> to vector<128x512xbf16>
    %max3A_1290 = arith.maximumf %mul3A_1277, %max3A_1289 : vector<128x512xbf16>
    %dot_general3A_1291 = arith.constant dense<0.000000e+00> : vector<1x512xf32>
    %dot_general3A_1292 = tpu.matmul %broadcast_in_dim3A_125, %max3A_1290, %dot_general3A_1291 {dimension_numbers = #tpu.dot_dimension_numbers<[1], [0], [0], [1], [0, 0, 1, 1], [], []>, transpose_lhs_hint = false} : vector<1x128xbf16>, vector<128x512xbf16>, vector<1x512xf32> -> vector<1x512xf32>
    %add3A_1293 = vector.broadcast %broadcast_in_dim3A_153 : vector<1x1xf32> to vector<1x512xf32>
    %add3A_1294 = arith.addf %dot_general3A_1292, %add3A_1293 : vector<1x512xf32>
    %mul3A_1295 = vector.broadcast %div3A_82 : f32 to vector<1x512xf32>
    %mul3A_1296 = arith.mulf %mul3A_1295, %add3A_1294 : vector<1x512xf32>
    %swap3A_1297 = arith.constant 1 : index
    %swap3A_1298 = arith.constant 11776 : index
    %swap3A_1299 = vector.load %arg9[%swap3A_1297, %swap3A_1298] : memref<4x32768xf32, #tpu.memory_space<vmem>>, vector<1x512xf32>
    tpu.vector_store %arg9[%swap3A_1297, %swap3A_1298], %mul3A_1296 {strides = array<i32>} : memref<4x32768xf32, #tpu.memory_space<vmem>>, vector<1x512xf32>,
    %max3A_1300 = vector.broadcast %neg3A_137 : vector<128x1xbf16> to vector<128x512xbf16>
    %max3A_1301 = arith.maximumf %mul3A_1277, %max3A_1300 : vector<128x512xbf16>
    %dot_general3A_1302 = arith.constant dense<0.000000e+00> : vector<1x512xf32>
    %dot_general3A_1303 = tpu.matmul %broadcast_in_dim3A_125, %max3A_1301, %dot_general3A_1302 {dimension_numbers = #tpu.dot_dimension_numbers<[1], [0], [0], [1], [0, 0, 1, 1], [], []>, transpose_lhs_hint = false} : vector<1x128xbf16>, vector<128x512xbf16>, vector<1x512xf32> -> vector<1x512xf32>
    %add3A_1304 = vector.broadcast %broadcast_in_dim3A_159 : vector<1x1xf32> to vector<1x512xf32>
    %add3A_1305 = arith.addf %dot_general3A_1303, %add3A_1304 : vector<1x512xf32>
    %mul3A_1306 = vector.broadcast %div3A_103 : f32 to vector<1x512xf32>
    %mul3A_1307 = arith.mulf %mul3A_1306, %add3A_1305 : vector<1x512xf32>
    %swap3A_1308 = arith.constant 2 : index
    %swap3A_1309 = arith.constant 11776 : index
    %swap3A_1310 = vector.load %arg9[%swap3A_1308, %swap3A_1309] : memref<4x32768xf32, #tpu.memory_space<vmem>>, vector<1x512xf32>
    tpu.vector_store %arg9[%swap3A_1308, %swap3A_1309], %mul3A_1307 {strides = array<i32>} : memref<4x32768xf32, #tpu.memory_space<vmem>>, vector<1x512xf32>,
    %max3A_1311 = vector.broadcast %neg3A_141 : vector<128x1xbf16> to vector<128x512xbf16>
    %max3A_1312 = arith.maximumf %mul3A_1277, %max3A_1311 : vector<128x512xbf16>
    %dot_general3A_1313 = arith.constant dense<0.000000e+00> : vector<1x512xf32>
    %dot_general3A_1314 = tpu.matmul %broadcast_in_dim3A_125, %max3A_1312, %dot_general3A_1313 {dimension_numbers = #tpu.dot_dimension_numbers<[1], [0], [0], [1], [0, 0, 1, 1], [], []>, transpose_lhs_hint = false} : vector<1x128xbf16>, vector<128x512xbf16>, vector<1x512xf32> -> vector<1x512xf32>
    %add3A_1315 = vector.broadcast %broadcast_in_dim3A_165 : vector<1x1xf32> to vector<1x512xf32>
    %add3A_1316 = arith.addf %dot_general3A_1314, %add3A_1315 : vector<1x512xf32>
    %mul3A_1317 = vector.broadcast %div3A_124 : f32 to vector<1x512xf32>
    %mul3A_1318 = arith.mulf %mul3A_1317, %add3A_1316 : vector<1x512xf32>
    %swap3A_1319 = arith.constant 3 : index
    %swap3A_1320 = arith.constant 11776 : index
    %swap3A_1321 = vector.load %arg9[%swap3A_1319, %swap3A_1320] : memref<4x32768xf32, #tpu.memory_space<vmem>>, vector<1x512xf32>
    tpu.vector_store %arg9[%swap3A_1319, %swap3A_1320], %mul3A_1318 {strides = array<i32>} : memref<4x32768xf32, #tpu.memory_space<vmem>>, vector<1x512xf32>,
    %slice3A_1322 = vector.extract_strided_slice %convert_element_type3A_171 {offsets = [0, 12288], sizes = [1, 512], strides = [1, 1]} : vector<1x32768xbf16> to vector<1x512xbf16>
    %mul3A_1323 = vector.broadcast %convert_element_type3A : vector<128x1xbf16> to vector<128x512xbf16>
    %mul3A_1324 = vector.broadcast %slice3A_1322 : vector<1x512xbf16> to vector<128x512xbf16>
    %mul3A_1325 = arith.mulf %mul3A_1323, %mul3A_1324 : vector<128x512xbf16>
    %max3A_1326 = vector.broadcast %neg3A_129 : vector<128x1xbf16> to vector<128x512xbf16>
    %max3A_1327 = arith.maximumf %mul3A_1325, %max3A_1326 : vector<128x512xbf16>
    %dot_general3A_1328 = arith.constant dense<0.000000e+00> : vector<1x512xf32>
    %dot_general3A_1329 = tpu.matmul %broadcast_in_dim3A_125, %max3A_1327, %dot_general3A_1328 {dimension_numbers = #tpu.dot_dimension_numbers<[1], [0], [0], [1], [0, 0, 1, 1], [], []>, transpose_lhs_hint = false} : vector<1x128xbf16>, vector<128x512xbf16>, vector<1x512xf32> -> vector<1x512xf32>
    %add3A_1330 = vector.broadcast %broadcast_in_dim3A_147 : vector<1x1xf32> to vector<1x512xf32>
    %add3A_1331 = arith.addf %dot_general3A_1329, %add3A_1330 : vector<1x512xf32>
    %mul3A_1332 = vector.broadcast %div3A_61 : f32 to vector<1x512xf32>
    %mul3A_1333 = arith.mulf %mul3A_1332, %add3A_1331 : vector<1x512xf32>
    %swap3A_1334 = arith.constant 0 : index
    %swap3A_1335 = arith.constant 12288 : index
    %swap3A_1336 = vector.load %arg9[%swap3A_1334, %swap3A_1335] : memref<4x32768xf32, #tpu.memory_space<vmem>>, vector<1x512xf32>
    tpu.vector_store %arg9[%swap3A_1334, %swap3A_1335], %mul3A_1333 {strides = array<i32>} : memref<4x32768xf32, #tpu.memory_space<vmem>>, vector<1x512xf32>,
    %max3A_1337 = vector.broadcast %neg3A_133 : vector<128x1xbf16> to vector<128x512xbf16>
    %max3A_1338 = arith.maximumf %mul3A_1325, %max3A_1337 : vector<128x512xbf16>
    %dot_general3A_1339 = arith.constant dense<0.000000e+00> : vector<1x512xf32>
    %dot_general3A_1340 = tpu.matmul %broadcast_in_dim3A_125, %max3A_1338, %dot_general3A_1339 {dimension_numbers = #tpu.dot_dimension_numbers<[1], [0], [0], [1], [0, 0, 1, 1], [], []>, transpose_lhs_hint = false} : vector<1x128xbf16>, vector<128x512xbf16>, vector<1x512xf32> -> vector<1x512xf32>
    %add3A_1341 = vector.broadcast %broadcast_in_dim3A_153 : vector<1x1xf32> to vector<1x512xf32>
    %add3A_1342 = arith.addf %dot_general3A_1340, %add3A_1341 : vector<1x512xf32>
    %mul3A_1343 = vector.broadcast %div3A_82 : f32 to vector<1x512xf32>
    %mul3A_1344 = arith.mulf %mul3A_1343, %add3A_1342 : vector<1x512xf32>
    %swap3A_1345 = arith.constant 1 : index
    %swap3A_1346 = arith.constant 12288 : index
    %swap3A_1347 = vector.load %arg9[%swap3A_1345, %swap3A_1346] : memref<4x32768xf32, #tpu.memory_space<vmem>>, vector<1x512xf32>
    tpu.vector_store %arg9[%swap3A_1345, %swap3A_1346], %mul3A_1344 {strides = array<i32>} : memref<4x32768xf32, #tpu.memory_space<vmem>>, vector<1x512xf32>,
    %max3A_1348 = vector.broadcast %neg3A_137 : vector<128x1xbf16> to vector<128x512xbf16>
    %max3A_1349 = arith.maximumf %mul3A_1325, %max3A_1348 : vector<128x512xbf16>
    %dot_general3A_1350 = arith.constant dense<0.000000e+00> : vector<1x512xf32>
    %dot_general3A_1351 = tpu.matmul %broadcast_in_dim3A_125, %max3A_1349, %dot_general3A_1350 {dimension_numbers = #tpu.dot_dimension_numbers<[1], [0], [0], [1], [0, 0, 1, 1], [], []>, transpose_lhs_hint = false} : vector<1x128xbf16>, vector<128x512xbf16>, vector<1x512xf32> -> vector<1x512xf32>
    %add3A_1352 = vector.broadcast %broadcast_in_dim3A_159 : vector<1x1xf32> to vector<1x512xf32>
    %add3A_1353 = arith.addf %dot_general3A_1351, %add3A_1352 : vector<1x512xf32>
    %mul3A_1354 = vector.broadcast %div3A_103 : f32 to vector<1x512xf32>
    %mul3A_1355 = arith.mulf %mul3A_1354, %add3A_1353 : vector<1x512xf32>
    %swap3A_1356 = arith.constant 2 : index
    %swap3A_1357 = arith.constant 12288 : index
    %swap3A_1358 = vector.load %arg9[%swap3A_1356, %swap3A_1357] : memref<4x32768xf32, #tpu.memory_space<vmem>>, vector<1x512xf32>
    tpu.vector_store %arg9[%swap3A_1356, %swap3A_1357], %mul3A_1355 {strides = array<i32>} : memref<4x32768xf32, #tpu.memory_space<vmem>>, vector<1x512xf32>,
    %max3A_1359 = vector.broadcast %neg3A_141 : vector<128x1xbf16> to vector<128x512xbf16>
    %max3A_1360 = arith.maximumf %mul3A_1325, %max3A_1359 : vector<128x512xbf16>
    %dot_general3A_1361 = arith.constant dense<0.000000e+00> : vector<1x512xf32>
    %dot_general3A_1362 = tpu.matmul %broadcast_in_dim3A_125, %max3A_1360, %dot_general3A_1361 {dimension_numbers = #tpu.dot_dimension_numbers<[1], [0], [0], [1], [0, 0, 1, 1], [], []>, transpose_lhs_hint = false} : vector<1x128xbf16>, vector<128x512xbf16>, vector<1x512xf32> -> vector<1x512xf32>
    %add3A_1363 = vector.broadcast %broadcast_in_dim3A_165 : vector<1x1xf32> to vector<1x512xf32>
    %add3A_1364 = arith.addf %dot_general3A_1362, %add3A_1363 : vector<1x512xf32>
    %mul3A_1365 = vector.broadcast %div3A_124 : f32 to vector<1x512xf32>
    %mul3A_1366 = arith.mulf %mul3A_1365, %add3A_1364 : vector<1x512xf32>
    %swap3A_1367 = arith.constant 3 : index
    %swap3A_1368 = arith.constant 12288 : index
    %swap3A_1369 = vector.load %arg9[%swap3A_1367, %swap3A_1368] : memref<4x32768xf32, #tpu.memory_space<vmem>>, vector<1x512xf32>
    tpu.vector_store %arg9[%swap3A_1367, %swap3A_1368], %mul3A_1366 {strides = array<i32>} : memref<4x32768xf32, #tpu.memory_space<vmem>>, vector<1x512xf32>,
    %slice3A_1370 = vector.extract_strided_slice %convert_element_type3A_171 {offsets = [0, 12800], sizes = [1, 512], strides = [1, 1]} : vector<1x32768xbf16> to vector<1x512xbf16>
    %mul3A_1371 = vector.broadcast %convert_element_type3A : vector<128x1xbf16> to vector<128x512xbf16>
    %mul3A_1372 = vector.broadcast %slice3A_1370 : vector<1x512xbf16> to vector<128x512xbf16>
    %mul3A_1373 = arith.mulf %mul3A_1371, %mul3A_1372 : vector<128x512xbf16>
    %max3A_1374 = vector.broadcast %neg3A_129 : vector<128x1xbf16> to vector<128x512xbf16>
    %max3A_1375 = arith.maximumf %mul3A_1373, %max3A_1374 : vector<128x512xbf16>
    %dot_general3A_1376 = arith.constant dense<0.000000e+00> : vector<1x512xf32>
    %dot_general3A_1377 = tpu.matmul %broadcast_in_dim3A_125, %max3A_1375, %dot_general3A_1376 {dimension_numbers = #tpu.dot_dimension_numbers<[1], [0], [0], [1], [0, 0, 1, 1], [], []>, transpose_lhs_hint = false} : vector<1x128xbf16>, vector<128x512xbf16>, vector<1x512xf32> -> vector<1x512xf32>
    %add3A_1378 = vector.broadcast %broadcast_in_dim3A_147 : vector<1x1xf32> to vector<1x512xf32>
    %add3A_1379 = arith.addf %dot_general3A_1377, %add3A_1378 : vector<1x512xf32>
    %mul3A_1380 = vector.broadcast %div3A_61 : f32 to vector<1x512xf32>
    %mul3A_1381 = arith.mulf %mul3A_1380, %add3A_1379 : vector<1x512xf32>
    %swap3A_1382 = arith.constant 0 : index
    %swap3A_1383 = arith.constant 12800 : index
    %swap3A_1384 = vector.load %arg9[%swap3A_1382, %swap3A_1383] : memref<4x32768xf32, #tpu.memory_space<vmem>>, vector<1x512xf32>
    tpu.vector_store %arg9[%swap3A_1382, %swap3A_1383], %mul3A_1381 {strides = array<i32>} : memref<4x32768xf32, #tpu.memory_space<vmem>>, vector<1x512xf32>,
    %max3A_1385 = vector.broadcast %neg3A_133 : vector<128x1xbf16> to vector<128x512xbf16>
    %max3A_1386 = arith.maximumf %mul3A_1373, %max3A_1385 : vector<128x512xbf16>
    %dot_general3A_1387 = arith.constant dense<0.000000e+00> : vector<1x512xf32>
    %dot_general3A_1388 = tpu.matmul %broadcast_in_dim3A_125, %max3A_1386, %dot_general3A_1387 {dimension_numbers = #tpu.dot_dimension_numbers<[1], [0], [0], [1], [0, 0, 1, 1], [], []>, transpose_lhs_hint = false} : vector<1x128xbf16>, vector<128x512xbf16>, vector<1x512xf32> -> vector<1x512xf32>
    %add3A_1389 = vector.broadcast %broadcast_in_dim3A_153 : vector<1x1xf32> to vector<1x512xf32>
    %add3A_1390 = arith.addf %dot_general3A_1388, %add3A_1389 : vector<1x512xf32>
    %mul3A_1391 = vector.broadcast %div3A_82 : f32 to vector<1x512xf32>
    %mul3A_1392 = arith.mulf %mul3A_1391, %add3A_1390 : vector<1x512xf32>
    %swap3A_1393 = arith.constant 1 : index
    %swap3A_1394 = arith.constant 12800 : index
    %swap3A_1395 = vector.load %arg9[%swap3A_1393, %swap3A_1394] : memref<4x32768xf32, #tpu.memory_space<vmem>>, vector<1x512xf32>
    tpu.vector_store %arg9[%swap3A_1393, %swap3A_1394], %mul3A_1392 {strides = array<i32>} : memref<4x32768xf32, #tpu.memory_space<vmem>>, vector<1x512xf32>,
    %max3A_1396 = vector.broadcast %neg3A_137 : vector<128x1xbf16> to vector<128x512xbf16>
    %max3A_1397 = arith.maximumf %mul3A_1373, %max3A_1396 : vector<128x512xbf16>
    %dot_general3A_1398 = arith.constant dense<0.000000e+00> : vector<1x512xf32>
    %dot_general3A_1399 = tpu.matmul %broadcast_in_dim3A_125, %max3A_1397, %dot_general3A_1398 {dimension_numbers = #tpu.dot_dimension_numbers<[1], [0], [0], [1], [0, 0, 1, 1], [], []>, transpose_lhs_hint = false} : vector<1x128xbf16>, vector<128x512xbf16>, vector<1x512xf32> -> vector<1x512xf32>
    %add3A_1400 = vector.broadcast %broadcast_in_dim3A_159 : vector<1x1xf32> to vector<1x512xf32>
    %add3A_1401 = arith.addf %dot_general3A_1399, %add3A_1400 : vector<1x512xf32>
    %mul3A_1402 = vector.broadcast %div3A_103 : f32 to vector<1x512xf32>
    %mul3A_1403 = arith.mulf %mul3A_1402, %add3A_1401 : vector<1x512xf32>
    %swap3A_1404 = arith.constant 2 : index
    %swap3A_1405 = arith.constant 12800 : index
    %swap3A_1406 = vector.load %arg9[%swap3A_1404, %swap3A_1405] : memref<4x32768xf32, #tpu.memory_space<vmem>>, vector<1x512xf32>
    tpu.vector_store %arg9[%swap3A_1404, %swap3A_1405], %mul3A_1403 {strides = array<i32>} : memref<4x32768xf32, #tpu.memory_space<vmem>>, vector<1x512xf32>,
    %max3A_1407 = vector.broadcast %neg3A_141 : vector<128x1xbf16> to vector<128x512xbf16>
    %max3A_1408 = arith.maximumf %mul3A_1373, %max3A_1407 : vector<128x512xbf16>
    %dot_general3A_1409 = arith.constant dense<0.000000e+00> : vector<1x512xf32>
    %dot_general3A_1410 = tpu.matmul %broadcast_in_dim3A_125, %max3A_1408, %dot_general3A_1409 {dimension_numbers = #tpu.dot_dimension_numbers<[1], [0], [0], [1], [0, 0, 1, 1], [], []>, transpose_lhs_hint = false} : vector<1x128xbf16>, vector<128x512xbf16>, vector<1x512xf32> -> vector<1x512xf32>
    %add3A_1411 = vector.broadcast %broadcast_in_dim3A_165 : vector<1x1xf32> to vector<1x512xf32>
    %add3A_1412 = arith.addf %dot_general3A_1410, %add3A_1411 : vector<1x512xf32>
    %mul3A_1413 = vector.broadcast %div3A_124 : f32 to vector<1x512xf32>
    %mul3A_1414 = arith.mulf %mul3A_1413, %add3A_1412 : vector<1x512xf32>
    %swap3A_1415 = arith.constant 3 : index
    %swap3A_1416 = arith.constant 12800 : index
    %swap3A_1417 = vector.load %arg9[%swap3A_1415, %swap3A_1416] : memref<4x32768xf32, #tpu.memory_space<vmem>>, vector<1x512xf32>
    tpu.vector_store %arg9[%swap3A_1415, %swap3A_1416], %mul3A_1414 {strides = array<i32>} : memref<4x32768xf32, #tpu.memory_space<vmem>>, vector<1x512xf32>,
    %slice3A_1418 = vector.extract_strided_slice %convert_element_type3A_171 {offsets = [0, 13312], sizes = [1, 512], strides = [1, 1]} : vector<1x32768xbf16> to vector<1x512xbf16>
    %mul3A_1419 = vector.broadcast %convert_element_type3A : vector<128x1xbf16> to vector<128x512xbf16>
    %mul3A_1420 = vector.broadcast %slice3A_1418 : vector<1x512xbf16> to vector<128x512xbf16>
    %mul3A_1421 = arith.mulf %mul3A_1419, %mul3A_1420 : vector<128x512xbf16>
    %max3A_1422 = vector.broadcast %neg3A_129 : vector<128x1xbf16> to vector<128x512xbf16>
    %max3A_1423 = arith.maximumf %mul3A_1421, %max3A_1422 : vector<128x512xbf16>
    %dot_general3A_1424 = arith.constant dense<0.000000e+00> : vector<1x512xf32>
    %dot_general3A_1425 = tpu.matmul %broadcast_in_dim3A_125, %max3A_1423, %dot_general3A_1424 {dimension_numbers = #tpu.dot_dimension_numbers<[1], [0], [0], [1], [0, 0, 1, 1], [], []>, transpose_lhs_hint = false} : vector<1x128xbf16>, vector<128x512xbf16>, vector<1x512xf32> -> vector<1x512xf32>
    %add3A_1426 = vector.broadcast %broadcast_in_dim3A_147 : vector<1x1xf32> to vector<1x512xf32>
    %add3A_1427 = arith.addf %dot_general3A_1425, %add3A_1426 : vector<1x512xf32>
    %mul3A_1428 = vector.broadcast %div3A_61 : f32 to vector<1x512xf32>
    %mul3A_1429 = arith.mulf %mul3A_1428, %add3A_1427 : vector<1x512xf32>
    %swap3A_1430 = arith.constant 0 : index
    %swap3A_1431 = arith.constant 13312 : index
    %swap3A_1432 = vector.load %arg9[%swap3A_1430, %swap3A_1431] : memref<4x32768xf32, #tpu.memory_space<vmem>>, vector<1x512xf32>
    tpu.vector_store %arg9[%swap3A_1430, %swap3A_1431], %mul3A_1429 {strides = array<i32>} : memref<4x32768xf32, #tpu.memory_space<vmem>>, vector<1x512xf32>,
    %max3A_1433 = vector.broadcast %neg3A_133 : vector<128x1xbf16> to vector<128x512xbf16>
    %max3A_1434 = arith.maximumf %mul3A_1421, %max3A_1433 : vector<128x512xbf16>
    %dot_general3A_1435 = arith.constant dense<0.000000e+00> : vector<1x512xf32>
    %dot_general3A_1436 = tpu.matmul %broadcast_in_dim3A_125, %max3A_1434, %dot_general3A_1435 {dimension_numbers = #tpu.dot_dimension_numbers<[1], [0], [0], [1], [0, 0, 1, 1], [], []>, transpose_lhs_hint = false} : vector<1x128xbf16>, vector<128x512xbf16>, vector<1x512xf32> -> vector<1x512xf32>
    %add3A_1437 = vector.broadcast %broadcast_in_dim3A_153 : vector<1x1xf32> to vector<1x512xf32>
    %add3A_1438 = arith.addf %dot_general3A_1436, %add3A_1437 : vector<1x512xf32>
    %mul3A_1439 = vector.broadcast %div3A_82 : f32 to vector<1x512xf32>
    %mul3A_1440 = arith.mulf %mul3A_1439, %add3A_1438 : vector<1x512xf32>
    %swap3A_1441 = arith.constant 1 : index
    %swap3A_1442 = arith.constant 13312 : index
    %swap3A_1443 = vector.load %arg9[%swap3A_1441, %swap3A_1442] : memref<4x32768xf32, #tpu.memory_space<vmem>>, vector<1x512xf32>
    tpu.vector_store %arg9[%swap3A_1441, %swap3A_1442], %mul3A_1440 {strides = array<i32>} : memref<4x32768xf32, #tpu.memory_space<vmem>>, vector<1x512xf32>,
    %max3A_1444 = vector.broadcast %neg3A_137 : vector<128x1xbf16> to vector<128x512xbf16>
    %max3A_1445 = arith.maximumf %mul3A_1421, %max3A_1444 : vector<128x512xbf16>
    %dot_general3A_1446 = arith.constant dense<0.000000e+00> : vector<1x512xf32>
    %dot_general3A_1447 = tpu.matmul %broadcast_in_dim3A_125, %max3A_1445, %dot_general3A_1446 {dimension_numbers = #tpu.dot_dimension_numbers<[1], [0], [0], [1], [0, 0, 1, 1], [], []>, transpose_lhs_hint = false} : vector<1x128xbf16>, vector<128x512xbf16>, vector<1x512xf32> -> vector<1x512xf32>
    %add3A_1448 = vector.broadcast %broadcast_in_dim3A_159 : vector<1x1xf32> to vector<1x512xf32>
    %add3A_1449 = arith.addf %dot_general3A_1447, %add3A_1448 : vector<1x512xf32>
    %mul3A_1450 = vector.broadcast %div3A_103 : f32 to vector<1x512xf32>
    %mul3A_1451 = arith.mulf %mul3A_1450, %add3A_1449 : vector<1x512xf32>
    %swap3A_1452 = arith.constant 2 : index
    %swap3A_1453 = arith.constant 13312 : index
    %swap3A_1454 = vector.load %arg9[%swap3A_1452, %swap3A_1453] : memref<4x32768xf32, #tpu.memory_space<vmem>>, vector<1x512xf32>
    tpu.vector_store %arg9[%swap3A_1452, %swap3A_1453], %mul3A_1451 {strides = array<i32>} : memref<4x32768xf32, #tpu.memory_space<vmem>>, vector<1x512xf32>,
    %max3A_1455 = vector.broadcast %neg3A_141 : vector<128x1xbf16> to vector<128x512xbf16>
    %max3A_1456 = arith.maximumf %mul3A_1421, %max3A_1455 : vector<128x512xbf16>
    %dot_general3A_1457 = arith.constant dense<0.000000e+00> : vector<1x512xf32>
    %dot_general3A_1458 = tpu.matmul %broadcast_in_dim3A_125, %max3A_1456, %dot_general3A_1457 {dimension_numbers = #tpu.dot_dimension_numbers<[1], [0], [0], [1], [0, 0, 1, 1], [], []>, transpose_lhs_hint = false} : vector<1x128xbf16>, vector<128x512xbf16>, vector<1x512xf32> -> vector<1x512xf32>
    %add3A_1459 = vector.broadcast %broadcast_in_dim3A_165 : vector<1x1xf32> to vector<1x512xf32>
    %add3A_1460 = arith.addf %dot_general3A_1458, %add3A_1459 : vector<1x512xf32>
    %mul3A_1461 = vector.broadcast %div3A_124 : f32 to vector<1x512xf32>
    %mul3A_1462 = arith.mulf %mul3A_1461, %add3A_1460 : vector<1x512xf32>
    %swap3A_1463 = arith.constant 3 : index
    %swap3A_1464 = arith.constant 13312 : index
    %swap3A_1465 = vector.load %arg9[%swap3A_1463, %swap3A_1464] : memref<4x32768xf32, #tpu.memory_space<vmem>>, vector<1x512xf32>
    tpu.vector_store %arg9[%swap3A_1463, %swap3A_1464], %mul3A_1462 {strides = array<i32>} : memref<4x32768xf32, #tpu.memory_space<vmem>>, vector<1x512xf32>,
    %slice3A_1466 = vector.extract_strided_slice %convert_element_type3A_171 {offsets = [0, 13824], sizes = [1, 512], strides = [1, 1]} : vector<1x32768xbf16> to vector<1x512xbf16>
    %mul3A_1467 = vector.broadcast %convert_element_type3A : vector<128x1xbf16> to vector<128x512xbf16>
    %mul3A_1468 = vector.broadcast %slice3A_1466 : vector<1x512xbf16> to vector<128x512xbf16>
    %mul3A_1469 = arith.mulf %mul3A_1467, %mul3A_1468 : vector<128x512xbf16>
    %max3A_1470 = vector.broadcast %neg3A_129 : vector<128x1xbf16> to vector<128x512xbf16>
    %max3A_1471 = arith.maximumf %mul3A_1469, %max3A_1470 : vector<128x512xbf16>
    %dot_general3A_1472 = arith.constant dense<0.000000e+00> : vector<1x512xf32>
    %dot_general3A_1473 = tpu.matmul %broadcast_in_dim3A_125, %max3A_1471, %dot_general3A_1472 {dimension_numbers = #tpu.dot_dimension_numbers<[1], [0], [0], [1], [0, 0, 1, 1], [], []>, transpose_lhs_hint = false} : vector<1x128xbf16>, vector<128x512xbf16>, vector<1x512xf32> -> vector<1x512xf32>
    %add3A_1474 = vector.broadcast %broadcast_in_dim3A_147 : vector<1x1xf32> to vector<1x512xf32>
    %add3A_1475 = arith.addf %dot_general3A_1473, %add3A_1474 : vector<1x512xf32>
    %mul3A_1476 = vector.broadcast %div3A_61 : f32 to vector<1x512xf32>
    %mul3A_1477 = arith.mulf %mul3A_1476, %add3A_1475 : vector<1x512xf32>
    %swap3A_1478 = arith.constant 0 : index
    %swap3A_1479 = arith.constant 13824 : index
    %swap3A_1480 = vector.load %arg9[%swap3A_1478, %swap3A_1479] : memref<4x32768xf32, #tpu.memory_space<vmem>>, vector<1x512xf32>
    tpu.vector_store %arg9[%swap3A_1478, %swap3A_1479], %mul3A_1477 {strides = array<i32>} : memref<4x32768xf32, #tpu.memory_space<vmem>>, vector<1x512xf32>,
    %max3A_1481 = vector.broadcast %neg3A_133 : vector<128x1xbf16> to vector<128x512xbf16>
    %max3A_1482 = arith.maximumf %mul3A_1469, %max3A_1481 : vector<128x512xbf16>
    %dot_general3A_1483 = arith.constant dense<0.000000e+00> : vector<1x512xf32>
    %dot_general3A_1484 = tpu.matmul %broadcast_in_dim3A_125, %max3A_1482, %dot_general3A_1483 {dimension_numbers = #tpu.dot_dimension_numbers<[1], [0], [0], [1], [0, 0, 1, 1], [], []>, transpose_lhs_hint = false} : vector<1x128xbf16>, vector<128x512xbf16>, vector<1x512xf32> -> vector<1x512xf32>
    %add3A_1485 = vector.broadcast %broadcast_in_dim3A_153 : vector<1x1xf32> to vector<1x512xf32>
    %add3A_1486 = arith.addf %dot_general3A_1484, %add3A_1485 : vector<1x512xf32>
    %mul3A_1487 = vector.broadcast %div3A_82 : f32 to vector<1x512xf32>
    %mul3A_1488 = arith.mulf %mul3A_1487, %add3A_1486 : vector<1x512xf32>
    %swap3A_1489 = arith.constant 1 : index
    %swap3A_1490 = arith.constant 13824 : index
    %swap3A_1491 = vector.load %arg9[%swap3A_1489, %swap3A_1490] : memref<4x32768xf32, #tpu.memory_space<vmem>>, vector<1x512xf32>
    tpu.vector_store %arg9[%swap3A_1489, %swap3A_1490], %mul3A_1488 {strides = array<i32>} : memref<4x32768xf32, #tpu.memory_space<vmem>>, vector<1x512xf32>,
    %max3A_1492 = vector.broadcast %neg3A_137 : vector<128x1xbf16> to vector<128x512xbf16>
    %max3A_1493 = arith.maximumf %mul3A_1469, %max3A_1492 : vector<128x512xbf16>
    %dot_general3A_1494 = arith.constant dense<0.000000e+00> : vector<1x512xf32>
    %dot_general3A_1495 = tpu.matmul %broadcast_in_dim3A_125, %max3A_1493, %dot_general3A_1494 {dimension_numbers = #tpu.dot_dimension_numbers<[1], [0], [0], [1], [0, 0, 1, 1], [], []>, transpose_lhs_hint = false} : vector<1x128xbf16>, vector<128x512xbf16>, vector<1x512xf32> -> vector<1x512xf32>
    %add3A_1496 = vector.broadcast %broadcast_in_dim3A_159 : vector<1x1xf32> to vector<1x512xf32>
    %add3A_1497 = arith.addf %dot_general3A_1495, %add3A_1496 : vector<1x512xf32>
    %mul3A_1498 = vector.broadcast %div3A_103 : f32 to vector<1x512xf32>
    %mul3A_1499 = arith.mulf %mul3A_1498, %add3A_1497 : vector<1x512xf32>
    %swap3A_1500 = arith.constant 2 : index
    %swap3A_1501 = arith.constant 13824 : index
    %swap3A_1502 = vector.load %arg9[%swap3A_1500, %swap3A_1501] : memref<4x32768xf32, #tpu.memory_space<vmem>>, vector<1x512xf32>
    tpu.vector_store %arg9[%swap3A_1500, %swap3A_1501], %mul3A_1499 {strides = array<i32>} : memref<4x32768xf32, #tpu.memory_space<vmem>>, vector<1x512xf32>,
    %max3A_1503 = vector.broadcast %neg3A_141 : vector<128x1xbf16> to vector<128x512xbf16>
    %max3A_1504 = arith.maximumf %mul3A_1469, %max3A_1503 : vector<128x512xbf16>
    %dot_general3A_1505 = arith.constant dense<0.000000e+00> : vector<1x512xf32>
    %dot_general3A_1506 = tpu.matmul %broadcast_in_dim3A_125, %max3A_1504, %dot_general3A_1505 {dimension_numbers = #tpu.dot_dimension_numbers<[1], [0], [0], [1], [0, 0, 1, 1], [], []>, transpose_lhs_hint = false} : vector<1x128xbf16>, vector<128x512xbf16>, vector<1x512xf32> -> vector<1x512xf32>
    %add3A_1507 = vector.broadcast %broadcast_in_dim3A_165 : vector<1x1xf32> to vector<1x512xf32>
    %add3A_1508 = arith.addf %dot_general3A_1506, %add3A_1507 : vector<1x512xf32>
    %mul3A_1509 = vector.broadcast %div3A_124 : f32 to vector<1x512xf32>
    %mul3A_1510 = arith.mulf %mul3A_1509, %add3A_1508 : vector<1x512xf32>
    %swap3A_1511 = arith.constant 3 : index
    %swap3A_1512 = arith.constant 13824 : index
    %swap3A_1513 = vector.load %arg9[%swap3A_1511, %swap3A_1512] : memref<4x32768xf32, #tpu.memory_space<vmem>>, vector<1x512xf32>
    tpu.vector_store %arg9[%swap3A_1511, %swap3A_1512], %mul3A_1510 {strides = array<i32>} : memref<4x32768xf32, #tpu.memory_space<vmem>>, vector<1x512xf32>,
    %slice3A_1514 = vector.extract_strided_slice %convert_element_type3A_171 {offsets = [0, 14336], sizes = [1, 512], strides = [1, 1]} : vector<1x32768xbf16> to vector<1x512xbf16>
    %mul3A_1515 = vector.broadcast %convert_element_type3A : vector<128x1xbf16> to vector<128x512xbf16>
    %mul3A_1516 = vector.broadcast %slice3A_1514 : vector<1x512xbf16> to vector<128x512xbf16>
    %mul3A_1517 = arith.mulf %mul3A_1515, %mul3A_1516 : vector<128x512xbf16>
    %max3A_1518 = vector.broadcast %neg3A_129 : vector<128x1xbf16> to vector<128x512xbf16>
    %max3A_1519 = arith.maximumf %mul3A_1517, %max3A_1518 : vector<128x512xbf16>
    %dot_general3A_1520 = arith.constant dense<0.000000e+00> : vector<1x512xf32>
    %dot_general3A_1521 = tpu.matmul %broadcast_in_dim3A_125, %max3A_1519, %dot_general3A_1520 {dimension_numbers = #tpu.dot_dimension_numbers<[1], [0], [0], [1], [0, 0, 1, 1], [], []>, transpose_lhs_hint = false} : vector<1x128xbf16>, vector<128x512xbf16>, vector<1x512xf32> -> vector<1x512xf32>
    %add3A_1522 = vector.broadcast %broadcast_in_dim3A_147 : vector<1x1xf32> to vector<1x512xf32>
    %add3A_1523 = arith.addf %dot_general3A_1521, %add3A_1522 : vector<1x512xf32>
    %mul3A_1524 = vector.broadcast %div3A_61 : f32 to vector<1x512xf32>
    %mul3A_1525 = arith.mulf %mul3A_1524, %add3A_1523 : vector<1x512xf32>
    %swap3A_1526 = arith.constant 0 : index
    %swap3A_1527 = arith.constant 14336 : index
    %swap3A_1528 = vector.load %arg9[%swap3A_1526, %swap3A_1527] : memref<4x32768xf32, #tpu.memory_space<vmem>>, vector<1x512xf32>
    tpu.vector_store %arg9[%swap3A_1526, %swap3A_1527], %mul3A_1525 {strides = array<i32>} : memref<4x32768xf32, #tpu.memory_space<vmem>>, vector<1x512xf32>,
    %max3A_1529 = vector.broadcast %neg3A_133 : vector<128x1xbf16> to vector<128x512xbf16>
    %max3A_1530 = arith.maximumf %mul3A_1517, %max3A_1529 : vector<128x512xbf16>
    %dot_general3A_1531 = arith.constant dense<0.000000e+00> : vector<1x512xf32>
    %dot_general3A_1532 = tpu.matmul %broadcast_in_dim3A_125, %max3A_1530, %dot_general3A_1531 {dimension_numbers = #tpu.dot_dimension_numbers<[1], [0], [0], [1], [0, 0, 1, 1], [], []>, transpose_lhs_hint = false} : vector<1x128xbf16>, vector<128x512xbf16>, vector<1x512xf32> -> vector<1x512xf32>
    %add3A_1533 = vector.broadcast %broadcast_in_dim3A_153 : vector<1x1xf32> to vector<1x512xf32>
    %add3A_1534 = arith.addf %dot_general3A_1532, %add3A_1533 : vector<1x512xf32>
    %mul3A_1535 = vector.broadcast %div3A_82 : f32 to vector<1x512xf32>
    %mul3A_1536 = arith.mulf %mul3A_1535, %add3A_1534 : vector<1x512xf32>
    %swap3A_1537 = arith.constant 1 : index
    %swap3A_1538 = arith.constant 14336 : index
    %swap3A_1539 = vector.load %arg9[%swap3A_1537, %swap3A_1538] : memref<4x32768xf32, #tpu.memory_space<vmem>>, vector<1x512xf32>
    tpu.vector_store %arg9[%swap3A_1537, %swap3A_1538], %mul3A_1536 {strides = array<i32>} : memref<4x32768xf32, #tpu.memory_space<vmem>>, vector<1x512xf32>,
    %max3A_1540 = vector.broadcast %neg3A_137 : vector<128x1xbf16> to vector<128x512xbf16>
    %max3A_1541 = arith.maximumf %mul3A_1517, %max3A_1540 : vector<128x512xbf16>
    %dot_general3A_1542 = arith.constant dense<0.000000e+00> : vector<1x512xf32>
    %dot_general3A_1543 = tpu.matmul %broadcast_in_dim3A_125, %max3A_1541, %dot_general3A_1542 {dimension_numbers = #tpu.dot_dimension_numbers<[1], [0], [0], [1], [0, 0, 1, 1], [], []>, transpose_lhs_hint = false} : vector<1x128xbf16>, vector<128x512xbf16>, vector<1x512xf32> -> vector<1x512xf32>
    %add3A_1544 = vector.broadcast %broadcast_in_dim3A_159 : vector<1x1xf32> to vector<1x512xf32>
    %add3A_1545 = arith.addf %dot_general3A_1543, %add3A_1544 : vector<1x512xf32>
    %mul3A_1546 = vector.broadcast %div3A_103 : f32 to vector<1x512xf32>
    %mul3A_1547 = arith.mulf %mul3A_1546, %add3A_1545 : vector<1x512xf32>
    %swap3A_1548 = arith.constant 2 : index
    %swap3A_1549 = arith.constant 14336 : index
    %swap3A_1550 = vector.load %arg9[%swap3A_1548, %swap3A_1549] : memref<4x32768xf32, #tpu.memory_space<vmem>>, vector<1x512xf32>
    tpu.vector_store %arg9[%swap3A_1548, %swap3A_1549], %mul3A_1547 {strides = array<i32>} : memref<4x32768xf32, #tpu.memory_space<vmem>>, vector<1x512xf32>,
    %max3A_1551 = vector.broadcast %neg3A_141 : vector<128x1xbf16> to vector<128x512xbf16>
    %max3A_1552 = arith.maximumf %mul3A_1517, %max3A_1551 : vector<128x512xbf16>
    %dot_general3A_1553 = arith.constant dense<0.000000e+00> : vector<1x512xf32>
    %dot_general3A_1554 = tpu.matmul %broadcast_in_dim3A_125, %max3A_1552, %dot_general3A_1553 {dimension_numbers = #tpu.dot_dimension_numbers<[1], [0], [0], [1], [0, 0, 1, 1], [], []>, transpose_lhs_hint = false} : vector<1x128xbf16>, vector<128x512xbf16>, vector<1x512xf32> -> vector<1x512xf32>
    %add3A_1555 = vector.broadcast %broadcast_in_dim3A_165 : vector<1x1xf32> to vector<1x512xf32>
    %add3A_1556 = arith.addf %dot_general3A_1554, %add3A_1555 : vector<1x512xf32>
    %mul3A_1557 = vector.broadcast %div3A_124 : f32 to vector<1x512xf32>
    %mul3A_1558 = arith.mulf %mul3A_1557, %add3A_1556 : vector<1x512xf32>
    %swap3A_1559 = arith.constant 3 : index
    %swap3A_1560 = arith.constant 14336 : index
    %swap3A_1561 = vector.load %arg9[%swap3A_1559, %swap3A_1560] : memref<4x32768xf32, #tpu.memory_space<vmem>>, vector<1x512xf32>
    tpu.vector_store %arg9[%swap3A_1559, %swap3A_1560], %mul3A_1558 {strides = array<i32>} : memref<4x32768xf32, #tpu.memory_space<vmem>>, vector<1x512xf32>,
    %slice3A_1562 = vector.extract_strided_slice %convert_element_type3A_171 {offsets = [0, 14848], sizes = [1, 512], strides = [1, 1]} : vector<1x32768xbf16> to vector<1x512xbf16>
    %mul3A_1563 = vector.broadcast %convert_element_type3A : vector<128x1xbf16> to vector<128x512xbf16>
    %mul3A_1564 = vector.broadcast %slice3A_1562 : vector<1x512xbf16> to vector<128x512xbf16>
    %mul3A_1565 = arith.mulf %mul3A_1563, %mul3A_1564 : vector<128x512xbf16>
    %max3A_1566 = vector.broadcast %neg3A_129 : vector<128x1xbf16> to vector<128x512xbf16>
    %max3A_1567 = arith.maximumf %mul3A_1565, %max3A_1566 : vector<128x512xbf16>
    %dot_general3A_1568 = arith.constant dense<0.000000e+00> : vector<1x512xf32>
    %dot_general3A_1569 = tpu.matmul %broadcast_in_dim3A_125, %max3A_1567, %dot_general3A_1568 {dimension_numbers = #tpu.dot_dimension_numbers<[1], [0], [0], [1], [0, 0, 1, 1], [], []>, transpose_lhs_hint = false} : vector<1x128xbf16>, vector<128x512xbf16>, vector<1x512xf32> -> vector<1x512xf32>
    %add3A_1570 = vector.broadcast %broadcast_in_dim3A_147 : vector<1x1xf32> to vector<1x512xf32>
    %add3A_1571 = arith.addf %dot_general3A_1569, %add3A_1570 : vector<1x512xf32>
    %mul3A_1572 = vector.broadcast %div3A_61 : f32 to vector<1x512xf32>
    %mul3A_1573 = arith.mulf %mul3A_1572, %add3A_1571 : vector<1x512xf32>
    %swap3A_1574 = arith.constant 0 : index
    %swap3A_1575 = arith.constant 14848 : index
    %swap3A_1576 = vector.load %arg9[%swap3A_1574, %swap3A_1575] : memref<4x32768xf32, #tpu.memory_space<vmem>>, vector<1x512xf32>
    tpu.vector_store %arg9[%swap3A_1574, %swap3A_1575], %mul3A_1573 {strides = array<i32>} : memref<4x32768xf32, #tpu.memory_space<vmem>>, vector<1x512xf32>,
    %max3A_1577 = vector.broadcast %neg3A_133 : vector<128x1xbf16> to vector<128x512xbf16>
    %max3A_1578 = arith.maximumf %mul3A_1565, %max3A_1577 : vector<128x512xbf16>
    %dot_general3A_1579 = arith.constant dense<0.000000e+00> : vector<1x512xf32>
    %dot_general3A_1580 = tpu.matmul %broadcast_in_dim3A_125, %max3A_1578, %dot_general3A_1579 {dimension_numbers = #tpu.dot_dimension_numbers<[1], [0], [0], [1], [0, 0, 1, 1], [], []>, transpose_lhs_hint = false} : vector<1x128xbf16>, vector<128x512xbf16>, vector<1x512xf32> -> vector<1x512xf32>
    %add3A_1581 = vector.broadcast %broadcast_in_dim3A_153 : vector<1x1xf32> to vector<1x512xf32>
    %add3A_1582 = arith.addf %dot_general3A_1580, %add3A_1581 : vector<1x512xf32>
    %mul3A_1583 = vector.broadcast %div3A_82 : f32 to vector<1x512xf32>
    %mul3A_1584 = arith.mulf %mul3A_1583, %add3A_1582 : vector<1x512xf32>
    %swap3A_1585 = arith.constant 1 : index
    %swap3A_1586 = arith.constant 14848 : index
    %swap3A_1587 = vector.load %arg9[%swap3A_1585, %swap3A_1586] : memref<4x32768xf32, #tpu.memory_space<vmem>>, vector<1x512xf32>
    tpu.vector_store %arg9[%swap3A_1585, %swap3A_1586], %mul3A_1584 {strides = array<i32>} : memref<4x32768xf32, #tpu.memory_space<vmem>>, vector<1x512xf32>,
    %max3A_1588 = vector.broadcast %neg3A_137 : vector<128x1xbf16> to vector<128x512xbf16>
    %max3A_1589 = arith.maximumf %mul3A_1565, %max3A_1588 : vector<128x512xbf16>
    %dot_general3A_1590 = arith.constant dense<0.000000e+00> : vector<1x512xf32>
    %dot_general3A_1591 = tpu.matmul %broadcast_in_dim3A_125, %max3A_1589, %dot_general3A_1590 {dimension_numbers = #tpu.dot_dimension_numbers<[1], [0], [0], [1], [0, 0, 1, 1], [], []>, transpose_lhs_hint = false} : vector<1x128xbf16>, vector<128x512xbf16>, vector<1x512xf32> -> vector<1x512xf32>
    %add3A_1592 = vector.broadcast %broadcast_in_dim3A_159 : vector<1x1xf32> to vector<1x512xf32>
    %add3A_1593 = arith.addf %dot_general3A_1591, %add3A_1592 : vector<1x512xf32>
    %mul3A_1594 = vector.broadcast %div3A_103 : f32 to vector<1x512xf32>
    %mul3A_1595 = arith.mulf %mul3A_1594, %add3A_1593 : vector<1x512xf32>
    %swap3A_1596 = arith.constant 2 : index
    %swap3A_1597 = arith.constant 14848 : index
    %swap3A_1598 = vector.load %arg9[%swap3A_1596, %swap3A_1597] : memref<4x32768xf32, #tpu.memory_space<vmem>>, vector<1x512xf32>
    tpu.vector_store %arg9[%swap3A_1596, %swap3A_1597], %mul3A_1595 {strides = array<i32>} : memref<4x32768xf32, #tpu.memory_space<vmem>>, vector<1x512xf32>,
    %max3A_1599 = vector.broadcast %neg3A_141 : vector<128x1xbf16> to vector<128x512xbf16>
    %max3A_1600 = arith.maximumf %mul3A_1565, %max3A_1599 : vector<128x512xbf16>
    %dot_general3A_1601 = arith.constant dense<0.000000e+00> : vector<1x512xf32>
    %dot_general3A_1602 = tpu.matmul %broadcast_in_dim3A_125, %max3A_1600, %dot_general3A_1601 {dimension_numbers = #tpu.dot_dimension_numbers<[1], [0], [0], [1], [0, 0, 1, 1], [], []>, transpose_lhs_hint = false} : vector<1x128xbf16>, vector<128x512xbf16>, vector<1x512xf32> -> vector<1x512xf32>
    %add3A_1603 = vector.broadcast %broadcast_in_dim3A_165 : vector<1x1xf32> to vector<1x512xf32>
    %add3A_1604 = arith.addf %dot_general3A_1602, %add3A_1603 : vector<1x512xf32>
    %mul3A_1605 = vector.broadcast %div3A_124 : f32 to vector<1x512xf32>
    %mul3A_1606 = arith.mulf %mul3A_1605, %add3A_1604 : vector<1x512xf32>
    %swap3A_1607 = arith.constant 3 : index
    %swap3A_1608 = arith.constant 14848 : index
    %swap3A_1609 = vector.load %arg9[%swap3A_1607, %swap3A_1608] : memref<4x32768xf32, #tpu.memory_space<vmem>>, vector<1x512xf32>
    tpu.vector_store %arg9[%swap3A_1607, %swap3A_1608], %mul3A_1606 {strides = array<i32>} : memref<4x32768xf32, #tpu.memory_space<vmem>>, vector<1x512xf32>,
    %slice3A_1610 = vector.extract_strided_slice %convert_element_type3A_171 {offsets = [0, 15360], sizes = [1, 512], strides = [1, 1]} : vector<1x32768xbf16> to vector<1x512xbf16>
    %mul3A_1611 = vector.broadcast %convert_element_type3A : vector<128x1xbf16> to vector<128x512xbf16>
    %mul3A_1612 = vector.broadcast %slice3A_1610 : vector<1x512xbf16> to vector<128x512xbf16>
    %mul3A_1613 = arith.mulf %mul3A_1611, %mul3A_1612 : vector<128x512xbf16>
    %max3A_1614 = vector.broadcast %neg3A_129 : vector<128x1xbf16> to vector<128x512xbf16>
    %max3A_1615 = arith.maximumf %mul3A_1613, %max3A_1614 : vector<128x512xbf16>
    %dot_general3A_1616 = arith.constant dense<0.000000e+00> : vector<1x512xf32>
    %dot_general3A_1617 = tpu.matmul %broadcast_in_dim3A_125, %max3A_1615, %dot_general3A_1616 {dimension_numbers = #tpu.dot_dimension_numbers<[1], [0], [0], [1], [0, 0, 1, 1], [], []>, transpose_lhs_hint = false} : vector<1x128xbf16>, vector<128x512xbf16>, vector<1x512xf32> -> vector<1x512xf32>
    %add3A_1618 = vector.broadcast %broadcast_in_dim3A_147 : vector<1x1xf32> to vector<1x512xf32>
    %add3A_1619 = arith.addf %dot_general3A_1617, %add3A_1618 : vector<1x512xf32>
    %mul3A_1620 = vector.broadcast %div3A_61 : f32 to vector<1x512xf32>
    %mul3A_1621 = arith.mulf %mul3A_1620, %add3A_1619 : vector<1x512xf32>
    %swap3A_1622 = arith.constant 0 : index
    %swap3A_1623 = arith.constant 15360 : index
    %swap3A_1624 = vector.load %arg9[%swap3A_1622, %swap3A_1623] : memref<4x32768xf32, #tpu.memory_space<vmem>>, vector<1x512xf32>
    tpu.vector_store %arg9[%swap3A_1622, %swap3A_1623], %mul3A_1621 {strides = array<i32>} : memref<4x32768xf32, #tpu.memory_space<vmem>>, vector<1x512xf32>,
    %max3A_1625 = vector.broadcast %neg3A_133 : vector<128x1xbf16> to vector<128x512xbf16>
    %max3A_1626 = arith.maximumf %mul3A_1613, %max3A_1625 : vector<128x512xbf16>
    %dot_general3A_1627 = arith.constant dense<0.000000e+00> : vector<1x512xf32>
    %dot_general3A_1628 = tpu.matmul %broadcast_in_dim3A_125, %max3A_1626, %dot_general3A_1627 {dimension_numbers = #tpu.dot_dimension_numbers<[1], [0], [0], [1], [0, 0, 1, 1], [], []>, transpose_lhs_hint = false} : vector<1x128xbf16>, vector<128x512xbf16>, vector<1x512xf32> -> vector<1x512xf32>
    %add3A_1629 = vector.broadcast %broadcast_in_dim3A_153 : vector<1x1xf32> to vector<1x512xf32>
    %add3A_1630 = arith.addf %dot_general3A_1628, %add3A_1629 : vector<1x512xf32>
    %mul3A_1631 = vector.broadcast %div3A_82 : f32 to vector<1x512xf32>
    %mul3A_1632 = arith.mulf %mul3A_1631, %add3A_1630 : vector<1x512xf32>
    %swap3A_1633 = arith.constant 1 : index
    %swap3A_1634 = arith.constant 15360 : index
    %swap3A_1635 = vector.load %arg9[%swap3A_1633, %swap3A_1634] : memref<4x32768xf32, #tpu.memory_space<vmem>>, vector<1x512xf32>
    tpu.vector_store %arg9[%swap3A_1633, %swap3A_1634], %mul3A_1632 {strides = array<i32>} : memref<4x32768xf32, #tpu.memory_space<vmem>>, vector<1x512xf32>,
    %max3A_1636 = vector.broadcast %neg3A_137 : vector<128x1xbf16> to vector<128x512xbf16>
    %max3A_1637 = arith.maximumf %mul3A_1613, %max3A_1636 : vector<128x512xbf16>
    %dot_general3A_1638 = arith.constant dense<0.000000e+00> : vector<1x512xf32>
    %dot_general3A_1639 = tpu.matmul %broadcast_in_dim3A_125, %max3A_1637, %dot_general3A_1638 {dimension_numbers = #tpu.dot_dimension_numbers<[1], [0], [0], [1], [0, 0, 1, 1], [], []>, transpose_lhs_hint = false} : vector<1x128xbf16>, vector<128x512xbf16>, vector<1x512xf32> -> vector<1x512xf32>
    %add3A_1640 = vector.broadcast %broadcast_in_dim3A_159 : vector<1x1xf32> to vector<1x512xf32>
    %add3A_1641 = arith.addf %dot_general3A_1639, %add3A_1640 : vector<1x512xf32>
    %mul3A_1642 = vector.broadcast %div3A_103 : f32 to vector<1x512xf32>
    %mul3A_1643 = arith.mulf %mul3A_1642, %add3A_1641 : vector<1x512xf32>
    %swap3A_1644 = arith.constant 2 : index
    %swap3A_1645 = arith.constant 15360 : index
    %swap3A_1646 = vector.load %arg9[%swap3A_1644, %swap3A_1645] : memref<4x32768xf32, #tpu.memory_space<vmem>>, vector<1x512xf32>
    tpu.vector_store %arg9[%swap3A_1644, %swap3A_1645], %mul3A_1643 {strides = array<i32>} : memref<4x32768xf32, #tpu.memory_space<vmem>>, vector<1x512xf32>,
    %max3A_1647 = vector.broadcast %neg3A_141 : vector<128x1xbf16> to vector<128x512xbf16>
    %max3A_1648 = arith.maximumf %mul3A_1613, %max3A_1647 : vector<128x512xbf16>
    %dot_general3A_1649 = arith.constant dense<0.000000e+00> : vector<1x512xf32>
    %dot_general3A_1650 = tpu.matmul %broadcast_in_dim3A_125, %max3A_1648, %dot_general3A_1649 {dimension_numbers = #tpu.dot_dimension_numbers<[1], [0], [0], [1], [0, 0, 1, 1], [], []>, transpose_lhs_hint = false} : vector<1x128xbf16>, vector<128x512xbf16>, vector<1x512xf32> -> vector<1x512xf32>
    %add3A_1651 = vector.broadcast %broadcast_in_dim3A_165 : vector<1x1xf32> to vector<1x512xf32>
    %add3A_1652 = arith.addf %dot_general3A_1650, %add3A_1651 : vector<1x512xf32>
    %mul3A_1653 = vector.broadcast %div3A_124 : f32 to vector<1x512xf32>
    %mul3A_1654 = arith.mulf %mul3A_1653, %add3A_1652 : vector<1x512xf32>
    %swap3A_1655 = arith.constant 3 : index
    %swap3A_1656 = arith.constant 15360 : index
    %swap3A_1657 = vector.load %arg9[%swap3A_1655, %swap3A_1656] : memref<4x32768xf32, #tpu.memory_space<vmem>>, vector<1x512xf32>
    tpu.vector_store %arg9[%swap3A_1655, %swap3A_1656], %mul3A_1654 {strides = array<i32>} : memref<4x32768xf32, #tpu.memory_space<vmem>>, vector<1x512xf32>,
    %slice3A_1658 = vector.extract_strided_slice %convert_element_type3A_171 {offsets = [0, 15872], sizes = [1, 512], strides = [1, 1]} : vector<1x32768xbf16> to vector<1x512xbf16>
    %mul3A_1659 = vector.broadcast %convert_element_type3A : vector<128x1xbf16> to vector<128x512xbf16>
    %mul3A_1660 = vector.broadcast %slice3A_1658 : vector<1x512xbf16> to vector<128x512xbf16>
    %mul3A_1661 = arith.mulf %mul3A_1659, %mul3A_1660 : vector<128x512xbf16>
    %max3A_1662 = vector.broadcast %neg3A_129 : vector<128x1xbf16> to vector<128x512xbf16>
    %max3A_1663 = arith.maximumf %mul3A_1661, %max3A_1662 : vector<128x512xbf16>
    %dot_general3A_1664 = arith.constant dense<0.000000e+00> : vector<1x512xf32>
    %dot_general3A_1665 = tpu.matmul %broadcast_in_dim3A_125, %max3A_1663, %dot_general3A_1664 {dimension_numbers = #tpu.dot_dimension_numbers<[1], [0], [0], [1], [0, 0, 1, 1], [], []>, transpose_lhs_hint = false} : vector<1x128xbf16>, vector<128x512xbf16>, vector<1x512xf32> -> vector<1x512xf32>
    %add3A_1666 = vector.broadcast %broadcast_in_dim3A_147 : vector<1x1xf32> to vector<1x512xf32>
    %add3A_1667 = arith.addf %dot_general3A_1665, %add3A_1666 : vector<1x512xf32>
    %mul3A_1668 = vector.broadcast %div3A_61 : f32 to vector<1x512xf32>
    %mul3A_1669 = arith.mulf %mul3A_1668, %add3A_1667 : vector<1x512xf32>
    %swap3A_1670 = arith.constant 0 : index
    %swap3A_1671 = arith.constant 15872 : index
    %swap3A_1672 = vector.load %arg9[%swap3A_1670, %swap3A_1671] : memref<4x32768xf32, #tpu.memory_space<vmem>>, vector<1x512xf32>
    tpu.vector_store %arg9[%swap3A_1670, %swap3A_1671], %mul3A_1669 {strides = array<i32>} : memref<4x32768xf32, #tpu.memory_space<vmem>>, vector<1x512xf32>,
    %max3A_1673 = vector.broadcast %neg3A_133 : vector<128x1xbf16> to vector<128x512xbf16>
    %max3A_1674 = arith.maximumf %mul3A_1661, %max3A_1673 : vector<128x512xbf16>
    %dot_general3A_1675 = arith.constant dense<0.000000e+00> : vector<1x512xf32>
    %dot_general3A_1676 = tpu.matmul %broadcast_in_dim3A_125, %max3A_1674, %dot_general3A_1675 {dimension_numbers = #tpu.dot_dimension_numbers<[1], [0], [0], [1], [0, 0, 1, 1], [], []>, transpose_lhs_hint = false} : vector<1x128xbf16>, vector<128x512xbf16>, vector<1x512xf32> -> vector<1x512xf32>
    %add3A_1677 = vector.broadcast %broadcast_in_dim3A_153 : vector<1x1xf32> to vector<1x512xf32>
    %add3A_1678 = arith.addf %dot_general3A_1676, %add3A_1677 : vector<1x512xf32>
    %mul3A_1679 = vector.broadcast %div3A_82 : f32 to vector<1x512xf32>
    %mul3A_1680 = arith.mulf %mul3A_1679, %add3A_1678 : vector<1x512xf32>
    %swap3A_1681 = arith.constant 1 : index
    %swap3A_1682 = arith.constant 15872 : index
    %swap3A_1683 = vector.load %arg9[%swap3A_1681, %swap3A_1682] : memref<4x32768xf32, #tpu.memory_space<vmem>>, vector<1x512xf32>
    tpu.vector_store %arg9[%swap3A_1681, %swap3A_1682], %mul3A_1680 {strides = array<i32>} : memref<4x32768xf32, #tpu.memory_space<vmem>>, vector<1x512xf32>,
    %max3A_1684 = vector.broadcast %neg3A_137 : vector<128x1xbf16> to vector<128x512xbf16>
    %max3A_1685 = arith.maximumf %mul3A_1661, %max3A_1684 : vector<128x512xbf16>
    %dot_general3A_1686 = arith.constant dense<0.000000e+00> : vector<1x512xf32>
    %dot_general3A_1687 = tpu.matmul %broadcast_in_dim3A_125, %max3A_1685, %dot_general3A_1686 {dimension_numbers = #tpu.dot_dimension_numbers<[1], [0], [0], [1], [0, 0, 1, 1], [], []>, transpose_lhs_hint = false} : vector<1x128xbf16>, vector<128x512xbf16>, vector<1x512xf32> -> vector<1x512xf32>
    %add3A_1688 = vector.broadcast %broadcast_in_dim3A_159 : vector<1x1xf32> to vector<1x512xf32>
    %add3A_1689 = arith.addf %dot_general3A_1687, %add3A_1688 : vector<1x512xf32>
    %mul3A_1690 = vector.broadcast %div3A_103 : f32 to vector<1x512xf32>
    %mul3A_1691 = arith.mulf %mul3A_1690, %add3A_1689 : vector<1x512xf32>
    %swap3A_1692 = arith.constant 2 : index
    %swap3A_1693 = arith.constant 15872 : index
    %swap3A_1694 = vector.load %arg9[%swap3A_1692, %swap3A_1693] : memref<4x32768xf32, #tpu.memory_space<vmem>>, vector<1x512xf32>
    tpu.vector_store %arg9[%swap3A_1692, %swap3A_1693], %mul3A_1691 {strides = array<i32>} : memref<4x32768xf32, #tpu.memory_space<vmem>>, vector<1x512xf32>,
    %max3A_1695 = vector.broadcast %neg3A_141 : vector<128x1xbf16> to vector<128x512xbf16>
    %max3A_1696 = arith.maximumf %mul3A_1661, %max3A_1695 : vector<128x512xbf16>
    %dot_general3A_1697 = arith.constant dense<0.000000e+00> : vector<1x512xf32>
    %dot_general3A_1698 = tpu.matmul %broadcast_in_dim3A_125, %max3A_1696, %dot_general3A_1697 {dimension_numbers = #tpu.dot_dimension_numbers<[1], [0], [0], [1], [0, 0, 1, 1], [], []>, transpose_lhs_hint = false} : vector<1x128xbf16>, vector<128x512xbf16>, vector<1x512xf32> -> vector<1x512xf32>
    %add3A_1699 = vector.broadcast %broadcast_in_dim3A_165 : vector<1x1xf32> to vector<1x512xf32>
    %add3A_1700 = arith.addf %dot_general3A_1698, %add3A_1699 : vector<1x512xf32>
    %mul3A_1701 = vector.broadcast %div3A_124 : f32 to vector<1x512xf32>
    %mul3A_1702 = arith.mulf %mul3A_1701, %add3A_1700 : vector<1x512xf32>
    %swap3A_1703 = arith.constant 3 : index
    %swap3A_1704 = arith.constant 15872 : index
    %swap3A_1705 = vector.load %arg9[%swap3A_1703, %swap3A_1704] : memref<4x32768xf32, #tpu.memory_space<vmem>>, vector<1x512xf32>
    tpu.vector_store %arg9[%swap3A_1703, %swap3A_1704], %mul3A_1702 {strides = array<i32>} : memref<4x32768xf32, #tpu.memory_space<vmem>>, vector<1x512xf32>,
    %slice3A_1706 = vector.extract_strided_slice %convert_element_type3A_171 {offsets = [0, 16384], sizes = [1, 512], strides = [1, 1]} : vector<1x32768xbf16> to vector<1x512xbf16>
    %mul3A_1707 = vector.broadcast %convert_element_type3A : vector<128x1xbf16> to vector<128x512xbf16>
    %mul3A_1708 = vector.broadcast %slice3A_1706 : vector<1x512xbf16> to vector<128x512xbf16>
    %mul3A_1709 = arith.mulf %mul3A_1707, %mul3A_1708 : vector<128x512xbf16>
    %max3A_1710 = vector.broadcast %neg3A_129 : vector<128x1xbf16> to vector<128x512xbf16>
    %max3A_1711 = arith.maximumf %mul3A_1709, %max3A_1710 : vector<128x512xbf16>
    %dot_general3A_1712 = arith.constant dense<0.000000e+00> : vector<1x512xf32>
    %dot_general3A_1713 = tpu.matmul %broadcast_in_dim3A_125, %max3A_1711, %dot_general3A_1712 {dimension_numbers = #tpu.dot_dimension_numbers<[1], [0], [0], [1], [0, 0, 1, 1], [], []>, transpose_lhs_hint = false} : vector<1x128xbf16>, vector<128x512xbf16>, vector<1x512xf32> -> vector<1x512xf32>
    %add3A_1714 = vector.broadcast %broadcast_in_dim3A_147 : vector<1x1xf32> to vector<1x512xf32>
    %add3A_1715 = arith.addf %dot_general3A_1713, %add3A_1714 : vector<1x512xf32>
    %mul3A_1716 = vector.broadcast %div3A_61 : f32 to vector<1x512xf32>
    %mul3A_1717 = arith.mulf %mul3A_1716, %add3A_1715 : vector<1x512xf32>
    %swap3A_1718 = arith.constant 0 : index
    %swap3A_1719 = arith.constant 16384 : index
    %swap3A_1720 = vector.load %arg9[%swap3A_1718, %swap3A_1719] : memref<4x32768xf32, #tpu.memory_space<vmem>>, vector<1x512xf32>
    tpu.vector_store %arg9[%swap3A_1718, %swap3A_1719], %mul3A_1717 {strides = array<i32>} : memref<4x32768xf32, #tpu.memory_space<vmem>>, vector<1x512xf32>,
    %max3A_1721 = vector.broadcast %neg3A_133 : vector<128x1xbf16> to vector<128x512xbf16>
    %max3A_1722 = arith.maximumf %mul3A_1709, %max3A_1721 : vector<128x512xbf16>
    %dot_general3A_1723 = arith.constant dense<0.000000e+00> : vector<1x512xf32>
    %dot_general3A_1724 = tpu.matmul %broadcast_in_dim3A_125, %max3A_1722, %dot_general3A_1723 {dimension_numbers = #tpu.dot_dimension_numbers<[1], [0], [0], [1], [0, 0, 1, 1], [], []>, transpose_lhs_hint = false} : vector<1x128xbf16>, vector<128x512xbf16>, vector<1x512xf32> -> vector<1x512xf32>
    %add3A_1725 = vector.broadcast %broadcast_in_dim3A_153 : vector<1x1xf32> to vector<1x512xf32>
    %add3A_1726 = arith.addf %dot_general3A_1724, %add3A_1725 : vector<1x512xf32>
    %mul3A_1727 = vector.broadcast %div3A_82 : f32 to vector<1x512xf32>
    %mul3A_1728 = arith.mulf %mul3A_1727, %add3A_1726 : vector<1x512xf32>
    %swap3A_1729 = arith.constant 1 : index
    %swap3A_1730 = arith.constant 16384 : index
    %swap3A_1731 = vector.load %arg9[%swap3A_1729, %swap3A_1730] : memref<4x32768xf32, #tpu.memory_space<vmem>>, vector<1x512xf32>
    tpu.vector_store %arg9[%swap3A_1729, %swap3A_1730], %mul3A_1728 {strides = array<i32>} : memref<4x32768xf32, #tpu.memory_space<vmem>>, vector<1x512xf32>,
    %max3A_1732 = vector.broadcast %neg3A_137 : vector<128x1xbf16> to vector<128x512xbf16>
    %max3A_1733 = arith.maximumf %mul3A_1709, %max3A_1732 : vector<128x512xbf16>
    %dot_general3A_1734 = arith.constant dense<0.000000e+00> : vector<1x512xf32>
    %dot_general3A_1735 = tpu.matmul %broadcast_in_dim3A_125, %max3A_1733, %dot_general3A_1734 {dimension_numbers = #tpu.dot_dimension_numbers<[1], [0], [0], [1], [0, 0, 1, 1], [], []>, transpose_lhs_hint = false} : vector<1x128xbf16>, vector<128x512xbf16>, vector<1x512xf32> -> vector<1x512xf32>
    %add3A_1736 = vector.broadcast %broadcast_in_dim3A_159 : vector<1x1xf32> to vector<1x512xf32>
    %add3A_1737 = arith.addf %dot_general3A_1735, %add3A_1736 : vector<1x512xf32>
    %mul3A_1738 = vector.broadcast %div3A_103 : f32 to vector<1x512xf32>
    %mul3A_1739 = arith.mulf %mul3A_1738, %add3A_1737 : vector<1x512xf32>
    %swap3A_1740 = arith.constant 2 : index
    %swap3A_1741 = arith.constant 16384 : index
    %swap3A_1742 = vector.load %arg9[%swap3A_1740, %swap3A_1741] : memref<4x32768xf32, #tpu.memory_space<vmem>>, vector<1x512xf32>
    tpu.vector_store %arg9[%swap3A_1740, %swap3A_1741], %mul3A_1739 {strides = array<i32>} : memref<4x32768xf32, #tpu.memory_space<vmem>>, vector<1x512xf32>,
    %max3A_1743 = vector.broadcast %neg3A_141 : vector<128x1xbf16> to vector<128x512xbf16>
    %max3A_1744 = arith.maximumf %mul3A_1709, %max3A_1743 : vector<128x512xbf16>
    %dot_general3A_1745 = arith.constant dense<0.000000e+00> : vector<1x512xf32>
    %dot_general3A_1746 = tpu.matmul %broadcast_in_dim3A_125, %max3A_1744, %dot_general3A_1745 {dimension_numbers = #tpu.dot_dimension_numbers<[1], [0], [0], [1], [0, 0, 1, 1], [], []>, transpose_lhs_hint = false} : vector<1x128xbf16>, vector<128x512xbf16>, vector<1x512xf32> -> vector<1x512xf32>
    %add3A_1747 = vector.broadcast %broadcast_in_dim3A_165 : vector<1x1xf32> to vector<1x512xf32>
    %add3A_1748 = arith.addf %dot_general3A_1746, %add3A_1747 : vector<1x512xf32>
    %mul3A_1749 = vector.broadcast %div3A_124 : f32 to vector<1x512xf32>
    %mul3A_1750 = arith.mulf %mul3A_1749, %add3A_1748 : vector<1x512xf32>
    %swap3A_1751 = arith.constant 3 : index
    %swap3A_1752 = arith.constant 16384 : index
    %swap3A_1753 = vector.load %arg9[%swap3A_1751, %swap3A_1752] : memref<4x32768xf32, #tpu.memory_space<vmem>>, vector<1x512xf32>
    tpu.vector_store %arg9[%swap3A_1751, %swap3A_1752], %mul3A_1750 {strides = array<i32>} : memref<4x32768xf32, #tpu.memory_space<vmem>>, vector<1x512xf32>,
    %slice3A_1754 = vector.extract_strided_slice %convert_element_type3A_171 {offsets = [0, 16896], sizes = [1, 512], strides = [1, 1]} : vector<1x32768xbf16> to vector<1x512xbf16>
    %mul3A_1755 = vector.broadcast %convert_element_type3A : vector<128x1xbf16> to vector<128x512xbf16>
    %mul3A_1756 = vector.broadcast %slice3A_1754 : vector<1x512xbf16> to vector<128x512xbf16>
    %mul3A_1757 = arith.mulf %mul3A_1755, %mul3A_1756 : vector<128x512xbf16>
    %max3A_1758 = vector.broadcast %neg3A_129 : vector<128x1xbf16> to vector<128x512xbf16>
    %max3A_1759 = arith.maximumf %mul3A_1757, %max3A_1758 : vector<128x512xbf16>
    %dot_general3A_1760 = arith.constant dense<0.000000e+00> : vector<1x512xf32>
    %dot_general3A_1761 = tpu.matmul %broadcast_in_dim3A_125, %max3A_1759, %dot_general3A_1760 {dimension_numbers = #tpu.dot_dimension_numbers<[1], [0], [0], [1], [0, 0, 1, 1], [], []>, transpose_lhs_hint = false} : vector<1x128xbf16>, vector<128x512xbf16>, vector<1x512xf32> -> vector<1x512xf32>
    %add3A_1762 = vector.broadcast %broadcast_in_dim3A_147 : vector<1x1xf32> to vector<1x512xf32>
    %add3A_1763 = arith.addf %dot_general3A_1761, %add3A_1762 : vector<1x512xf32>
    %mul3A_1764 = vector.broadcast %div3A_61 : f32 to vector<1x512xf32>
    %mul3A_1765 = arith.mulf %mul3A_1764, %add3A_1763 : vector<1x512xf32>
    %swap3A_1766 = arith.constant 0 : index
    %swap3A_1767 = arith.constant 16896 : index
    %swap3A_1768 = vector.load %arg9[%swap3A_1766, %swap3A_1767] : memref<4x32768xf32, #tpu.memory_space<vmem>>, vector<1x512xf32>
    tpu.vector_store %arg9[%swap3A_1766, %swap3A_1767], %mul3A_1765 {strides = array<i32>} : memref<4x32768xf32, #tpu.memory_space<vmem>>, vector<1x512xf32>,
    %max3A_1769 = vector.broadcast %neg3A_133 : vector<128x1xbf16> to vector<128x512xbf16>
    %max3A_1770 = arith.maximumf %mul3A_1757, %max3A_1769 : vector<128x512xbf16>
    %dot_general3A_1771 = arith.constant dense<0.000000e+00> : vector<1x512xf32>
    %dot_general3A_1772 = tpu.matmul %broadcast_in_dim3A_125, %max3A_1770, %dot_general3A_1771 {dimension_numbers = #tpu.dot_dimension_numbers<[1], [0], [0], [1], [0, 0, 1, 1], [], []>, transpose_lhs_hint = false} : vector<1x128xbf16>, vector<128x512xbf16>, vector<1x512xf32> -> vector<1x512xf32>
    %add3A_1773 = vector.broadcast %broadcast_in_dim3A_153 : vector<1x1xf32> to vector<1x512xf32>
    %add3A_1774 = arith.addf %dot_general3A_1772, %add3A_1773 : vector<1x512xf32>
    %mul3A_1775 = vector.broadcast %div3A_82 : f32 to vector<1x512xf32>
    %mul3A_1776 = arith.mulf %mul3A_1775, %add3A_1774 : vector<1x512xf32>
    %swap3A_1777 = arith.constant 1 : index
    %swap3A_1778 = arith.constant 16896 : index
    %swap3A_1779 = vector.load %arg9[%swap3A_1777, %swap3A_1778] : memref<4x32768xf32, #tpu.memory_space<vmem>>, vector<1x512xf32>
    tpu.vector_store %arg9[%swap3A_1777, %swap3A_1778], %mul3A_1776 {strides = array<i32>} : memref<4x32768xf32, #tpu.memory_space<vmem>>, vector<1x512xf32>,
    %max3A_1780 = vector.broadcast %neg3A_137 : vector<128x1xbf16> to vector<128x512xbf16>
    %max3A_1781 = arith.maximumf %mul3A_1757, %max3A_1780 : vector<128x512xbf16>
    %dot_general3A_1782 = arith.constant dense<0.000000e+00> : vector<1x512xf32>
    %dot_general3A_1783 = tpu.matmul %broadcast_in_dim3A_125, %max3A_1781, %dot_general3A_1782 {dimension_numbers = #tpu.dot_dimension_numbers<[1], [0], [0], [1], [0, 0, 1, 1], [], []>, transpose_lhs_hint = false} : vector<1x128xbf16>, vector<128x512xbf16>, vector<1x512xf32> -> vector<1x512xf32>
    %add3A_1784 = vector.broadcast %broadcast_in_dim3A_159 : vector<1x1xf32> to vector<1x512xf32>
    %add3A_1785 = arith.addf %dot_general3A_1783, %add3A_1784 : vector<1x512xf32>
    %mul3A_1786 = vector.broadcast %div3A_103 : f32 to vector<1x512xf32>
    %mul3A_1787 = arith.mulf %mul3A_1786, %add3A_1785 : vector<1x512xf32>
    %swap3A_1788 = arith.constant 2 : index
    %swap3A_1789 = arith.constant 16896 : index
    %swap3A_1790 = vector.load %arg9[%swap3A_1788, %swap3A_1789] : memref<4x32768xf32, #tpu.memory_space<vmem>>, vector<1x512xf32>
    tpu.vector_store %arg9[%swap3A_1788, %swap3A_1789], %mul3A_1787 {strides = array<i32>} : memref<4x32768xf32, #tpu.memory_space<vmem>>, vector<1x512xf32>,
    %max3A_1791 = vector.broadcast %neg3A_141 : vector<128x1xbf16> to vector<128x512xbf16>
    %max3A_1792 = arith.maximumf %mul3A_1757, %max3A_1791 : vector<128x512xbf16>
    %dot_general3A_1793 = arith.constant dense<0.000000e+00> : vector<1x512xf32>
    %dot_general3A_1794 = tpu.matmul %broadcast_in_dim3A_125, %max3A_1792, %dot_general3A_1793 {dimension_numbers = #tpu.dot_dimension_numbers<[1], [0], [0], [1], [0, 0, 1, 1], [], []>, transpose_lhs_hint = false} : vector<1x128xbf16>, vector<128x512xbf16>, vector<1x512xf32> -> vector<1x512xf32>
    %add3A_1795 = vector.broadcast %broadcast_in_dim3A_165 : vector<1x1xf32> to vector<1x512xf32>
    %add3A_1796 = arith.addf %dot_general3A_1794, %add3A_1795 : vector<1x512xf32>
    %mul3A_1797 = vector.broadcast %div3A_124 : f32 to vector<1x512xf32>
    %mul3A_1798 = arith.mulf %mul3A_1797, %add3A_1796 : vector<1x512xf32>
    %swap3A_1799 = arith.constant 3 : index
    %swap3A_1800 = arith.constant 16896 : index
    %swap3A_1801 = vector.load %arg9[%swap3A_1799, %swap3A_1800] : memref<4x32768xf32, #tpu.memory_space<vmem>>, vector<1x512xf32>
    tpu.vector_store %arg9[%swap3A_1799, %swap3A_1800], %mul3A_1798 {strides = array<i32>} : memref<4x32768xf32, #tpu.memory_space<vmem>>, vector<1x512xf32>,
    %slice3A_1802 = vector.extract_strided_slice %convert_element_type3A_171 {offsets = [0, 17408], sizes = [1, 512], strides = [1, 1]} : vector<1x32768xbf16> to vector<1x512xbf16>
    %mul3A_1803 = vector.broadcast %convert_element_type3A : vector<128x1xbf16> to vector<128x512xbf16>
    %mul3A_1804 = vector.broadcast %slice3A_1802 : vector<1x512xbf16> to vector<128x512xbf16>
    %mul3A_1805 = arith.mulf %mul3A_1803, %mul3A_1804 : vector<128x512xbf16>
    %max3A_1806 = vector.broadcast %neg3A_129 : vector<128x1xbf16> to vector<128x512xbf16>
    %max3A_1807 = arith.maximumf %mul3A_1805, %max3A_1806 : vector<128x512xbf16>
    %dot_general3A_1808 = arith.constant dense<0.000000e+00> : vector<1x512xf32>
    %dot_general3A_1809 = tpu.matmul %broadcast_in_dim3A_125, %max3A_1807, %dot_general3A_1808 {dimension_numbers = #tpu.dot_dimension_numbers<[1], [0], [0], [1], [0, 0, 1, 1], [], []>, transpose_lhs_hint = false} : vector<1x128xbf16>, vector<128x512xbf16>, vector<1x512xf32> -> vector<1x512xf32>
    %add3A_1810 = vector.broadcast %broadcast_in_dim3A_147 : vector<1x1xf32> to vector<1x512xf32>
    %add3A_1811 = arith.addf %dot_general3A_1809, %add3A_1810 : vector<1x512xf32>
    %mul3A_1812 = vector.broadcast %div3A_61 : f32 to vector<1x512xf32>
    %mul3A_1813 = arith.mulf %mul3A_1812, %add3A_1811 : vector<1x512xf32>
    %swap3A_1814 = arith.constant 0 : index
    %swap3A_1815 = arith.constant 17408 : index
    %swap3A_1816 = vector.load %arg9[%swap3A_1814, %swap3A_1815] : memref<4x32768xf32, #tpu.memory_space<vmem>>, vector<1x512xf32>
    tpu.vector_store %arg9[%swap3A_1814, %swap3A_1815], %mul3A_1813 {strides = array<i32>} : memref<4x32768xf32, #tpu.memory_space<vmem>>, vector<1x512xf32>,
    %max3A_1817 = vector.broadcast %neg3A_133 : vector<128x1xbf16> to vector<128x512xbf16>
    %max3A_1818 = arith.maximumf %mul3A_1805, %max3A_1817 : vector<128x512xbf16>
    %dot_general3A_1819 = arith.constant dense<0.000000e+00> : vector<1x512xf32>
    %dot_general3A_1820 = tpu.matmul %broadcast_in_dim3A_125, %max3A_1818, %dot_general3A_1819 {dimension_numbers = #tpu.dot_dimension_numbers<[1], [0], [0], [1], [0, 0, 1, 1], [], []>, transpose_lhs_hint = false} : vector<1x128xbf16>, vector<128x512xbf16>, vector<1x512xf32> -> vector<1x512xf32>
    %add3A_1821 = vector.broadcast %broadcast_in_dim3A_153 : vector<1x1xf32> to vector<1x512xf32>
    %add3A_1822 = arith.addf %dot_general3A_1820, %add3A_1821 : vector<1x512xf32>
    %mul3A_1823 = vector.broadcast %div3A_82 : f32 to vector<1x512xf32>
    %mul3A_1824 = arith.mulf %mul3A_1823, %add3A_1822 : vector<1x512xf32>
    %swap3A_1825 = arith.constant 1 : index
    %swap3A_1826 = arith.constant 17408 : index
    %swap3A_1827 = vector.load %arg9[%swap3A_1825, %swap3A_1826] : memref<4x32768xf32, #tpu.memory_space<vmem>>, vector<1x512xf32>
    tpu.vector_store %arg9[%swap3A_1825, %swap3A_1826], %mul3A_1824 {strides = array<i32>} : memref<4x32768xf32, #tpu.memory_space<vmem>>, vector<1x512xf32>,
    %max3A_1828 = vector.broadcast %neg3A_137 : vector<128x1xbf16> to vector<128x512xbf16>
    %max3A_1829 = arith.maximumf %mul3A_1805, %max3A_1828 : vector<128x512xbf16>
    %dot_general3A_1830 = arith.constant dense<0.000000e+00> : vector<1x512xf32>
    %dot_general3A_1831 = tpu.matmul %broadcast_in_dim3A_125, %max3A_1829, %dot_general3A_1830 {dimension_numbers = #tpu.dot_dimension_numbers<[1], [0], [0], [1], [0, 0, 1, 1], [], []>, transpose_lhs_hint = false} : vector<1x128xbf16>, vector<128x512xbf16>, vector<1x512xf32> -> vector<1x512xf32>
    %add3A_1832 = vector.broadcast %broadcast_in_dim3A_159 : vector<1x1xf32> to vector<1x512xf32>
    %add3A_1833 = arith.addf %dot_general3A_1831, %add3A_1832 : vector<1x512xf32>
    %mul3A_1834 = vector.broadcast %div3A_103 : f32 to vector<1x512xf32>
    %mul3A_1835 = arith.mulf %mul3A_1834, %add3A_1833 : vector<1x512xf32>
    %swap3A_1836 = arith.constant 2 : index
    %swap3A_1837 = arith.constant 17408 : index
    %swap3A_1838 = vector.load %arg9[%swap3A_1836, %swap3A_1837] : memref<4x32768xf32, #tpu.memory_space<vmem>>, vector<1x512xf32>
    tpu.vector_store %arg9[%swap3A_1836, %swap3A_1837], %mul3A_1835 {strides = array<i32>} : memref<4x32768xf32, #tpu.memory_space<vmem>>, vector<1x512xf32>,
    %max3A_1839 = vector.broadcast %neg3A_141 : vector<128x1xbf16> to vector<128x512xbf16>
    %max3A_1840 = arith.maximumf %mul3A_1805, %max3A_1839 : vector<128x512xbf16>
    %dot_general3A_1841 = arith.constant dense<0.000000e+00> : vector<1x512xf32>
    %dot_general3A_1842 = tpu.matmul %broadcast_in_dim3A_125, %max3A_1840, %dot_general3A_1841 {dimension_numbers = #tpu.dot_dimension_numbers<[1], [0], [0], [1], [0, 0, 1, 1], [], []>, transpose_lhs_hint = false} : vector<1x128xbf16>, vector<128x512xbf16>, vector<1x512xf32> -> vector<1x512xf32>
    %add3A_1843 = vector.broadcast %broadcast_in_dim3A_165 : vector<1x1xf32> to vector<1x512xf32>
    %add3A_1844 = arith.addf %dot_general3A_1842, %add3A_1843 : vector<1x512xf32>
    %mul3A_1845 = vector.broadcast %div3A_124 : f32 to vector<1x512xf32>
    %mul3A_1846 = arith.mulf %mul3A_1845, %add3A_1844 : vector<1x512xf32>
    %swap3A_1847 = arith.constant 3 : index
    %swap3A_1848 = arith.constant 17408 : index
    %swap3A_1849 = vector.load %arg9[%swap3A_1847, %swap3A_1848] : memref<4x32768xf32, #tpu.memory_space<vmem>>, vector<1x512xf32>
    tpu.vector_store %arg9[%swap3A_1847, %swap3A_1848], %mul3A_1846 {strides = array<i32>} : memref<4x32768xf32, #tpu.memory_space<vmem>>, vector<1x512xf32>,
    %slice3A_1850 = vector.extract_strided_slice %convert_element_type3A_171 {offsets = [0, 17920], sizes = [1, 512], strides = [1, 1]} : vector<1x32768xbf16> to vector<1x512xbf16>
    %mul3A_1851 = vector.broadcast %convert_element_type3A : vector<128x1xbf16> to vector<128x512xbf16>
    %mul3A_1852 = vector.broadcast %slice3A_1850 : vector<1x512xbf16> to vector<128x512xbf16>
    %mul3A_1853 = arith.mulf %mul3A_1851, %mul3A_1852 : vector<128x512xbf16>
    %max3A_1854 = vector.broadcast %neg3A_129 : vector<128x1xbf16> to vector<128x512xbf16>
    %max3A_1855 = arith.maximumf %mul3A_1853, %max3A_1854 : vector<128x512xbf16>
    %dot_general3A_1856 = arith.constant dense<0.000000e+00> : vector<1x512xf32>
    %dot_general3A_1857 = tpu.matmul %broadcast_in_dim3A_125, %max3A_1855, %dot_general3A_1856 {dimension_numbers = #tpu.dot_dimension_numbers<[1], [0], [0], [1], [0, 0, 1, 1], [], []>, transpose_lhs_hint = false} : vector<1x128xbf16>, vector<128x512xbf16>, vector<1x512xf32> -> vector<1x512xf32>
    %add3A_1858 = vector.broadcast %broadcast_in_dim3A_147 : vector<1x1xf32> to vector<1x512xf32>
    %add3A_1859 = arith.addf %dot_general3A_1857, %add3A_1858 : vector<1x512xf32>
    %mul3A_1860 = vector.broadcast %div3A_61 : f32 to vector<1x512xf32>
    %mul3A_1861 = arith.mulf %mul3A_1860, %add3A_1859 : vector<1x512xf32>
    %swap3A_1862 = arith.constant 0 : index
    %swap3A_1863 = arith.constant 17920 : index
    %swap3A_1864 = vector.load %arg9[%swap3A_1862, %swap3A_1863] : memref<4x32768xf32, #tpu.memory_space<vmem>>, vector<1x512xf32>
    tpu.vector_store %arg9[%swap3A_1862, %swap3A_1863], %mul3A_1861 {strides = array<i32>} : memref<4x32768xf32, #tpu.memory_space<vmem>>, vector<1x512xf32>,
    %max3A_1865 = vector.broadcast %neg3A_133 : vector<128x1xbf16> to vector<128x512xbf16>
    %max3A_1866 = arith.maximumf %mul3A_1853, %max3A_1865 : vector<128x512xbf16>
    %dot_general3A_1867 = arith.constant dense<0.000000e+00> : vector<1x512xf32>
    %dot_general3A_1868 = tpu.matmul %broadcast_in_dim3A_125, %max3A_1866, %dot_general3A_1867 {dimension_numbers = #tpu.dot_dimension_numbers<[1], [0], [0], [1], [0, 0, 1, 1], [], []>, transpose_lhs_hint = false} : vector<1x128xbf16>, vector<128x512xbf16>, vector<1x512xf32> -> vector<1x512xf32>
    %add3A_1869 = vector.broadcast %broadcast_in_dim3A_153 : vector<1x1xf32> to vector<1x512xf32>
    %add3A_1870 = arith.addf %dot_general3A_1868, %add3A_1869 : vector<1x512xf32>
    %mul3A_1871 = vector.broadcast %div3A_82 : f32 to vector<1x512xf32>
    %mul3A_1872 = arith.mulf %mul3A_1871, %add3A_1870 : vector<1x512xf32>
    %swap3A_1873 = arith.constant 1 : index
    %swap3A_1874 = arith.constant 17920 : index
    %swap3A_1875 = vector.load %arg9[%swap3A_1873, %swap3A_1874] : memref<4x32768xf32, #tpu.memory_space<vmem>>, vector<1x512xf32>
    tpu.vector_store %arg9[%swap3A_1873, %swap3A_1874], %mul3A_1872 {strides = array<i32>} : memref<4x32768xf32, #tpu.memory_space<vmem>>, vector<1x512xf32>,
    %max3A_1876 = vector.broadcast %neg3A_137 : vector<128x1xbf16> to vector<128x512xbf16>
    %max3A_1877 = arith.maximumf %mul3A_1853, %max3A_1876 : vector<128x512xbf16>
    %dot_general3A_1878 = arith.constant dense<0.000000e+00> : vector<1x512xf32>
    %dot_general3A_1879 = tpu.matmul %broadcast_in_dim3A_125, %max3A_1877, %dot_general3A_1878 {dimension_numbers = #tpu.dot_dimension_numbers<[1], [0], [0], [1], [0, 0, 1, 1], [], []>, transpose_lhs_hint = false} : vector<1x128xbf16>, vector<128x512xbf16>, vector<1x512xf32> -> vector<1x512xf32>
    %add3A_1880 = vector.broadcast %broadcast_in_dim3A_159 : vector<1x1xf32> to vector<1x512xf32>
    %add3A_1881 = arith.addf %dot_general3A_1879, %add3A_1880 : vector<1x512xf32>
    %mul3A_1882 = vector.broadcast %div3A_103 : f32 to vector<1x512xf32>
    %mul3A_1883 = arith.mulf %mul3A_1882, %add3A_1881 : vector<1x512xf32>
    %swap3A_1884 = arith.constant 2 : index
    %swap3A_1885 = arith.constant 17920 : index
    %swap3A_1886 = vector.load %arg9[%swap3A_1884, %swap3A_1885] : memref<4x32768xf32, #tpu.memory_space<vmem>>, vector<1x512xf32>
    tpu.vector_store %arg9[%swap3A_1884, %swap3A_1885], %mul3A_1883 {strides = array<i32>} : memref<4x32768xf32, #tpu.memory_space<vmem>>, vector<1x512xf32>,
    %max3A_1887 = vector.broadcast %neg3A_141 : vector<128x1xbf16> to vector<128x512xbf16>
    %max3A_1888 = arith.maximumf %mul3A_1853, %max3A_1887 : vector<128x512xbf16>
    %dot_general3A_1889 = arith.constant dense<0.000000e+00> : vector<1x512xf32>
    %dot_general3A_1890 = tpu.matmul %broadcast_in_dim3A_125, %max3A_1888, %dot_general3A_1889 {dimension_numbers = #tpu.dot_dimension_numbers<[1], [0], [0], [1], [0, 0, 1, 1], [], []>, transpose_lhs_hint = false} : vector<1x128xbf16>, vector<128x512xbf16>, vector<1x512xf32> -> vector<1x512xf32>
    %add3A_1891 = vector.broadcast %broadcast_in_dim3A_165 : vector<1x1xf32> to vector<1x512xf32>
    %add3A_1892 = arith.addf %dot_general3A_1890, %add3A_1891 : vector<1x512xf32>
    %mul3A_1893 = vector.broadcast %div3A_124 : f32 to vector<1x512xf32>
    %mul3A_1894 = arith.mulf %mul3A_1893, %add3A_1892 : vector<1x512xf32>
    %swap3A_1895 = arith.constant 3 : index
    %swap3A_1896 = arith.constant 17920 : index
    %swap3A_1897 = vector.load %arg9[%swap3A_1895, %swap3A_1896] : memref<4x32768xf32, #tpu.memory_space<vmem>>, vector<1x512xf32>
    tpu.vector_store %arg9[%swap3A_1895, %swap3A_1896], %mul3A_1894 {strides = array<i32>} : memref<4x32768xf32, #tpu.memory_space<vmem>>, vector<1x512xf32>,
    %slice3A_1898 = vector.extract_strided_slice %convert_element_type3A_171 {offsets = [0, 18432], sizes = [1, 512], strides = [1, 1]} : vector<1x32768xbf16> to vector<1x512xbf16>
    %mul3A_1899 = vector.broadcast %convert_element_type3A : vector<128x1xbf16> to vector<128x512xbf16>
    %mul3A_1900 = vector.broadcast %slice3A_1898 : vector<1x512xbf16> to vector<128x512xbf16>
    %mul3A_1901 = arith.mulf %mul3A_1899, %mul3A_1900 : vector<128x512xbf16>
    %max3A_1902 = vector.broadcast %neg3A_129 : vector<128x1xbf16> to vector<128x512xbf16>
    %max3A_1903 = arith.maximumf %mul3A_1901, %max3A_1902 : vector<128x512xbf16>
    %dot_general3A_1904 = arith.constant dense<0.000000e+00> : vector<1x512xf32>
    %dot_general3A_1905 = tpu.matmul %broadcast_in_dim3A_125, %max3A_1903, %dot_general3A_1904 {dimension_numbers = #tpu.dot_dimension_numbers<[1], [0], [0], [1], [0, 0, 1, 1], [], []>, transpose_lhs_hint = false} : vector<1x128xbf16>, vector<128x512xbf16>, vector<1x512xf32> -> vector<1x512xf32>
    %add3A_1906 = vector.broadcast %broadcast_in_dim3A_147 : vector<1x1xf32> to vector<1x512xf32>
    %add3A_1907 = arith.addf %dot_general3A_1905, %add3A_1906 : vector<1x512xf32>
    %mul3A_1908 = vector.broadcast %div3A_61 : f32 to vector<1x512xf32>
    %mul3A_1909 = arith.mulf %mul3A_1908, %add3A_1907 : vector<1x512xf32>
    %swap3A_1910 = arith.constant 0 : index
    %swap3A_1911 = arith.constant 18432 : index
    %swap3A_1912 = vector.load %arg9[%swap3A_1910, %swap3A_1911] : memref<4x32768xf32, #tpu.memory_space<vmem>>, vector<1x512xf32>
    tpu.vector_store %arg9[%swap3A_1910, %swap3A_1911], %mul3A_1909 {strides = array<i32>} : memref<4x32768xf32, #tpu.memory_space<vmem>>, vector<1x512xf32>,
    %max3A_1913 = vector.broadcast %neg3A_133 : vector<128x1xbf16> to vector<128x512xbf16>
    %max3A_1914 = arith.maximumf %mul3A_1901, %max3A_1913 : vector<128x512xbf16>
    %dot_general3A_1915 = arith.constant dense<0.000000e+00> : vector<1x512xf32>
    %dot_general3A_1916 = tpu.matmul %broadcast_in_dim3A_125, %max3A_1914, %dot_general3A_1915 {dimension_numbers = #tpu.dot_dimension_numbers<[1], [0], [0], [1], [0, 0, 1, 1], [], []>, transpose_lhs_hint = false} : vector<1x128xbf16>, vector<128x512xbf16>, vector<1x512xf32> -> vector<1x512xf32>
    %add3A_1917 = vector.broadcast %broadcast_in_dim3A_153 : vector<1x1xf32> to vector<1x512xf32>
    %add3A_1918 = arith.addf %dot_general3A_1916, %add3A_1917 : vector<1x512xf32>
    %mul3A_1919 = vector.broadcast %div3A_82 : f32 to vector<1x512xf32>
    %mul3A_1920 = arith.mulf %mul3A_1919, %add3A_1918 : vector<1x512xf32>
    %swap3A_1921 = arith.constant 1 : index
    %swap3A_1922 = arith.constant 18432 : index
    %swap3A_1923 = vector.load %arg9[%swap3A_1921, %swap3A_1922] : memref<4x32768xf32, #tpu.memory_space<vmem>>, vector<1x512xf32>
    tpu.vector_store %arg9[%swap3A_1921, %swap3A_1922], %mul3A_1920 {strides = array<i32>} : memref<4x32768xf32, #tpu.memory_space<vmem>>, vector<1x512xf32>,
    %max3A_1924 = vector.broadcast %neg3A_137 : vector<128x1xbf16> to vector<128x512xbf16>
    %max3A_1925 = arith.maximumf %mul3A_1901, %max3A_1924 : vector<128x512xbf16>
    %dot_general3A_1926 = arith.constant dense<0.000000e+00> : vector<1x512xf32>
    %dot_general3A_1927 = tpu.matmul %broadcast_in_dim3A_125, %max3A_1925, %dot_general3A_1926 {dimension_numbers = #tpu.dot_dimension_numbers<[1], [0], [0], [1], [0, 0, 1, 1], [], []>, transpose_lhs_hint = false} : vector<1x128xbf16>, vector<128x512xbf16>, vector<1x512xf32> -> vector<1x512xf32>
    %add3A_1928 = vector.broadcast %broadcast_in_dim3A_159 : vector<1x1xf32> to vector<1x512xf32>
    %add3A_1929 = arith.addf %dot_general3A_1927, %add3A_1928 : vector<1x512xf32>
    %mul3A_1930 = vector.broadcast %div3A_103 : f32 to vector<1x512xf32>
    %mul3A_1931 = arith.mulf %mul3A_1930, %add3A_1929 : vector<1x512xf32>
    %swap3A_1932 = arith.constant 2 : index
    %swap3A_1933 = arith.constant 18432 : index
    %swap3A_1934 = vector.load %arg9[%swap3A_1932, %swap3A_1933] : memref<4x32768xf32, #tpu.memory_space<vmem>>, vector<1x512xf32>
    tpu.vector_store %arg9[%swap3A_1932, %swap3A_1933], %mul3A_1931 {strides = array<i32>} : memref<4x32768xf32, #tpu.memory_space<vmem>>, vector<1x512xf32>,
    %max3A_1935 = vector.broadcast %neg3A_141 : vector<128x1xbf16> to vector<128x512xbf16>
    %max3A_1936 = arith.maximumf %mul3A_1901, %max3A_1935 : vector<128x512xbf16>
    %dot_general3A_1937 = arith.constant dense<0.000000e+00> : vector<1x512xf32>
    %dot_general3A_1938 = tpu.matmul %broadcast_in_dim3A_125, %max3A_1936, %dot_general3A_1937 {dimension_numbers = #tpu.dot_dimension_numbers<[1], [0], [0], [1], [0, 0, 1, 1], [], []>, transpose_lhs_hint = false} : vector<1x128xbf16>, vector<128x512xbf16>, vector<1x512xf32> -> vector<1x512xf32>
    %add3A_1939 = vector.broadcast %broadcast_in_dim3A_165 : vector<1x1xf32> to vector<1x512xf32>
    %add3A_1940 = arith.addf %dot_general3A_1938, %add3A_1939 : vector<1x512xf32>
    %mul3A_1941 = vector.broadcast %div3A_124 : f32 to vector<1x512xf32>
    %mul3A_1942 = arith.mulf %mul3A_1941, %add3A_1940 : vector<1x512xf32>
    %swap3A_1943 = arith.constant 3 : index
    %swap3A_1944 = arith.constant 18432 : index
    %swap3A_1945 = vector.load %arg9[%swap3A_1943, %swap3A_1944] : memref<4x32768xf32, #tpu.memory_space<vmem>>, vector<1x512xf32>
    tpu.vector_store %arg9[%swap3A_1943, %swap3A_1944], %mul3A_1942 {strides = array<i32>} : memref<4x32768xf32, #tpu.memory_space<vmem>>, vector<1x512xf32>,
    %slice3A_1946 = vector.extract_strided_slice %convert_element_type3A_171 {offsets = [0, 18944], sizes = [1, 512], strides = [1, 1]} : vector<1x32768xbf16> to vector<1x512xbf16>
    %mul3A_1947 = vector.broadcast %convert_element_type3A : vector<128x1xbf16> to vector<128x512xbf16>
    %mul3A_1948 = vector.broadcast %slice3A_1946 : vector<1x512xbf16> to vector<128x512xbf16>
    %mul3A_1949 = arith.mulf %mul3A_1947, %mul3A_1948 : vector<128x512xbf16>
    %max3A_1950 = vector.broadcast %neg3A_129 : vector<128x1xbf16> to vector<128x512xbf16>
    %max3A_1951 = arith.maximumf %mul3A_1949, %max3A_1950 : vector<128x512xbf16>
    %dot_general3A_1952 = arith.constant dense<0.000000e+00> : vector<1x512xf32>
    %dot_general3A_1953 = tpu.matmul %broadcast_in_dim3A_125, %max3A_1951, %dot_general3A_1952 {dimension_numbers = #tpu.dot_dimension_numbers<[1], [0], [0], [1], [0, 0, 1, 1], [], []>, transpose_lhs_hint = false} : vector<1x128xbf16>, vector<128x512xbf16>, vector<1x512xf32> -> vector<1x512xf32>
    %add3A_1954 = vector.broadcast %broadcast_in_dim3A_147 : vector<1x1xf32> to vector<1x512xf32>
    %add3A_1955 = arith.addf %dot_general3A_1953, %add3A_1954 : vector<1x512xf32>
    %mul3A_1956 = vector.broadcast %div3A_61 : f32 to vector<1x512xf32>
    %mul3A_1957 = arith.mulf %mul3A_1956, %add3A_1955 : vector<1x512xf32>
    %swap3A_1958 = arith.constant 0 : index
    %swap3A_1959 = arith.constant 18944 : index
    %swap3A_1960 = vector.load %arg9[%swap3A_1958, %swap3A_1959] : memref<4x32768xf32, #tpu.memory_space<vmem>>, vector<1x512xf32>
    tpu.vector_store %arg9[%swap3A_1958, %swap3A_1959], %mul3A_1957 {strides = array<i32>} : memref<4x32768xf32, #tpu.memory_space<vmem>>, vector<1x512xf32>,
    %max3A_1961 = vector.broadcast %neg3A_133 : vector<128x1xbf16> to vector<128x512xbf16>
    %max3A_1962 = arith.maximumf %mul3A_1949, %max3A_1961 : vector<128x512xbf16>
    %dot_general3A_1963 = arith.constant dense<0.000000e+00> : vector<1x512xf32>
    %dot_general3A_1964 = tpu.matmul %broadcast_in_dim3A_125, %max3A_1962, %dot_general3A_1963 {dimension_numbers = #tpu.dot_dimension_numbers<[1], [0], [0], [1], [0, 0, 1, 1], [], []>, transpose_lhs_hint = false} : vector<1x128xbf16>, vector<128x512xbf16>, vector<1x512xf32> -> vector<1x512xf32>
    %add3A_1965 = vector.broadcast %broadcast_in_dim3A_153 : vector<1x1xf32> to vector<1x512xf32>
    %add3A_1966 = arith.addf %dot_general3A_1964, %add3A_1965 : vector<1x512xf32>
    %mul3A_1967 = vector.broadcast %div3A_82 : f32 to vector<1x512xf32>
    %mul3A_1968 = arith.mulf %mul3A_1967, %add3A_1966 : vector<1x512xf32>
    %swap3A_1969 = arith.constant 1 : index
    %swap3A_1970 = arith.constant 18944 : index
    %swap3A_1971 = vector.load %arg9[%swap3A_1969, %swap3A_1970] : memref<4x32768xf32, #tpu.memory_space<vmem>>, vector<1x512xf32>
    tpu.vector_store %arg9[%swap3A_1969, %swap3A_1970], %mul3A_1968 {strides = array<i32>} : memref<4x32768xf32, #tpu.memory_space<vmem>>, vector<1x512xf32>,
    %max3A_1972 = vector.broadcast %neg3A_137 : vector<128x1xbf16> to vector<128x512xbf16>
    %max3A_1973 = arith.maximumf %mul3A_1949, %max3A_1972 : vector<128x512xbf16>
    %dot_general3A_1974 = arith.constant dense<0.000000e+00> : vector<1x512xf32>
    %dot_general3A_1975 = tpu.matmul %broadcast_in_dim3A_125, %max3A_1973, %dot_general3A_1974 {dimension_numbers = #tpu.dot_dimension_numbers<[1], [0], [0], [1], [0, 0, 1, 1], [], []>, transpose_lhs_hint = false} : vector<1x128xbf16>, vector<128x512xbf16>, vector<1x512xf32> -> vector<1x512xf32>
    %add3A_1976 = vector.broadcast %broadcast_in_dim3A_159 : vector<1x1xf32> to vector<1x512xf32>
    %add3A_1977 = arith.addf %dot_general3A_1975, %add3A_1976 : vector<1x512xf32>
    %mul3A_1978 = vector.broadcast %div3A_103 : f32 to vector<1x512xf32>
    %mul3A_1979 = arith.mulf %mul3A_1978, %add3A_1977 : vector<1x512xf32>
    %swap3A_1980 = arith.constant 2 : index
    %swap3A_1981 = arith.constant 18944 : index
    %swap3A_1982 = vector.load %arg9[%swap3A_1980, %swap3A_1981] : memref<4x32768xf32, #tpu.memory_space<vmem>>, vector<1x512xf32>
    tpu.vector_store %arg9[%swap3A_1980, %swap3A_1981], %mul3A_1979 {strides = array<i32>} : memref<4x32768xf32, #tpu.memory_space<vmem>>, vector<1x512xf32>,
    %max3A_1983 = vector.broadcast %neg3A_141 : vector<128x1xbf16> to vector<128x512xbf16>
    %max3A_1984 = arith.maximumf %mul3A_1949, %max3A_1983 : vector<128x512xbf16>
    %dot_general3A_1985 = arith.constant dense<0.000000e+00> : vector<1x512xf32>
    %dot_general3A_1986 = tpu.matmul %broadcast_in_dim3A_125, %max3A_1984, %dot_general3A_1985 {dimension_numbers = #tpu.dot_dimension_numbers<[1], [0], [0], [1], [0, 0, 1, 1], [], []>, transpose_lhs_hint = false} : vector<1x128xbf16>, vector<128x512xbf16>, vector<1x512xf32> -> vector<1x512xf32>
    %add3A_1987 = vector.broadcast %broadcast_in_dim3A_165 : vector<1x1xf32> to vector<1x512xf32>
    %add3A_1988 = arith.addf %dot_general3A_1986, %add3A_1987 : vector<1x512xf32>
    %mul3A_1989 = vector.broadcast %div3A_124 : f32 to vector<1x512xf32>
    %mul3A_1990 = arith.mulf %mul3A_1989, %add3A_1988 : vector<1x512xf32>
    %swap3A_1991 = arith.constant 3 : index
    %swap3A_1992 = arith.constant 18944 : index
    %swap3A_1993 = vector.load %arg9[%swap3A_1991, %swap3A_1992] : memref<4x32768xf32, #tpu.memory_space<vmem>>, vector<1x512xf32>
    tpu.vector_store %arg9[%swap3A_1991, %swap3A_1992], %mul3A_1990 {strides = array<i32>} : memref<4x32768xf32, #tpu.memory_space<vmem>>, vector<1x512xf32>,
    %slice3A_1994 = vector.extract_strided_slice %convert_element_type3A_171 {offsets = [0, 19456], sizes = [1, 512], strides = [1, 1]} : vector<1x32768xbf16> to vector<1x512xbf16>
    %mul3A_1995 = vector.broadcast %convert_element_type3A : vector<128x1xbf16> to vector<128x512xbf16>
    %mul3A_1996 = vector.broadcast %slice3A_1994 : vector<1x512xbf16> to vector<128x512xbf16>
    %mul3A_1997 = arith.mulf %mul3A_1995, %mul3A_1996 : vector<128x512xbf16>
    %max3A_1998 = vector.broadcast %neg3A_129 : vector<128x1xbf16> to vector<128x512xbf16>
    %max3A_1999 = arith.maximumf %mul3A_1997, %max3A_1998 : vector<128x512xbf16>
    %dot_general3A_2000 = arith.constant dense<0.000000e+00> : vector<1x512xf32>
    %dot_general3A_2001 = tpu.matmul %broadcast_in_dim3A_125, %max3A_1999, %dot_general3A_2000 {dimension_numbers = #tpu.dot_dimension_numbers<[1], [0], [0], [1], [0, 0, 1, 1], [], []>, transpose_lhs_hint = false} : vector<1x128xbf16>, vector<128x512xbf16>, vector<1x512xf32> -> vector<1x512xf32>
    %add3A_2002 = vector.broadcast %broadcast_in_dim3A_147 : vector<1x1xf32> to vector<1x512xf32>
    %add3A_2003 = arith.addf %dot_general3A_2001, %add3A_2002 : vector<1x512xf32>
    %mul3A_2004 = vector.broadcast %div3A_61 : f32 to vector<1x512xf32>
    %mul3A_2005 = arith.mulf %mul3A_2004, %add3A_2003 : vector<1x512xf32>
    %swap3A_2006 = arith.constant 0 : index
    %swap3A_2007 = arith.constant 19456 : index
    %swap3A_2008 = vector.load %arg9[%swap3A_2006, %swap3A_2007] : memref<4x32768xf32, #tpu.memory_space<vmem>>, vector<1x512xf32>
    tpu.vector_store %arg9[%swap3A_2006, %swap3A_2007], %mul3A_2005 {strides = array<i32>} : memref<4x32768xf32, #tpu.memory_space<vmem>>, vector<1x512xf32>,
    %max3A_2009 = vector.broadcast %neg3A_133 : vector<128x1xbf16> to vector<128x512xbf16>
    %max3A_2010 = arith.maximumf %mul3A_1997, %max3A_2009 : vector<128x512xbf16>
    %dot_general3A_2011 = arith.constant dense<0.000000e+00> : vector<1x512xf32>
    %dot_general3A_2012 = tpu.matmul %broadcast_in_dim3A_125, %max3A_2010, %dot_general3A_2011 {dimension_numbers = #tpu.dot_dimension_numbers<[1], [0], [0], [1], [0, 0, 1, 1], [], []>, transpose_lhs_hint = false} : vector<1x128xbf16>, vector<128x512xbf16>, vector<1x512xf32> -> vector<1x512xf32>
    %add3A_2013 = vector.broadcast %broadcast_in_dim3A_153 : vector<1x1xf32> to vector<1x512xf32>
    %add3A_2014 = arith.addf %dot_general3A_2012, %add3A_2013 : vector<1x512xf32>
    %mul3A_2015 = vector.broadcast %div3A_82 : f32 to vector<1x512xf32>
    %mul3A_2016 = arith.mulf %mul3A_2015, %add3A_2014 : vector<1x512xf32>
    %swap3A_2017 = arith.constant 1 : index
    %swap3A_2018 = arith.constant 19456 : index
    %swap3A_2019 = vector.load %arg9[%swap3A_2017, %swap3A_2018] : memref<4x32768xf32, #tpu.memory_space<vmem>>, vector<1x512xf32>
    tpu.vector_store %arg9[%swap3A_2017, %swap3A_2018], %mul3A_2016 {strides = array<i32>} : memref<4x32768xf32, #tpu.memory_space<vmem>>, vector<1x512xf32>,
    %max3A_2020 = vector.broadcast %neg3A_137 : vector<128x1xbf16> to vector<128x512xbf16>
    %max3A_2021 = arith.maximumf %mul3A_1997, %max3A_2020 : vector<128x512xbf16>
    %dot_general3A_2022 = arith.constant dense<0.000000e+00> : vector<1x512xf32>
    %dot_general3A_2023 = tpu.matmul %broadcast_in_dim3A_125, %max3A_2021, %dot_general3A_2022 {dimension_numbers = #tpu.dot_dimension_numbers<[1], [0], [0], [1], [0, 0, 1, 1], [], []>, transpose_lhs_hint = false} : vector<1x128xbf16>, vector<128x512xbf16>, vector<1x512xf32> -> vector<1x512xf32>
    %add3A_2024 = vector.broadcast %broadcast_in_dim3A_159 : vector<1x1xf32> to vector<1x512xf32>
    %add3A_2025 = arith.addf %dot_general3A_2023, %add3A_2024 : vector<1x512xf32>
    %mul3A_2026 = vector.broadcast %div3A_103 : f32 to vector<1x512xf32>
    %mul3A_2027 = arith.mulf %mul3A_2026, %add3A_2025 : vector<1x512xf32>
    %swap3A_2028 = arith.constant 2 : index
    %swap3A_2029 = arith.constant 19456 : index
    %swap3A_2030 = vector.load %arg9[%swap3A_2028, %swap3A_2029] : memref<4x32768xf32, #tpu.memory_space<vmem>>, vector<1x512xf32>
    tpu.vector_store %arg9[%swap3A_2028, %swap3A_2029], %mul3A_2027 {strides = array<i32>} : memref<4x32768xf32, #tpu.memory_space<vmem>>, vector<1x512xf32>,
    %max3A_2031 = vector.broadcast %neg3A_141 : vector<128x1xbf16> to vector<128x512xbf16>
    %max3A_2032 = arith.maximumf %mul3A_1997, %max3A_2031 : vector<128x512xbf16>
    %dot_general3A_2033 = arith.constant dense<0.000000e+00> : vector<1x512xf32>
    %dot_general3A_2034 = tpu.matmul %broadcast_in_dim3A_125, %max3A_2032, %dot_general3A_2033 {dimension_numbers = #tpu.dot_dimension_numbers<[1], [0], [0], [1], [0, 0, 1, 1], [], []>, transpose_lhs_hint = false} : vector<1x128xbf16>, vector<128x512xbf16>, vector<1x512xf32> -> vector<1x512xf32>
    %add3A_2035 = vector.broadcast %broadcast_in_dim3A_165 : vector<1x1xf32> to vector<1x512xf32>
    %add3A_2036 = arith.addf %dot_general3A_2034, %add3A_2035 : vector<1x512xf32>
    %mul3A_2037 = vector.broadcast %div3A_124 : f32 to vector<1x512xf32>
    %mul3A_2038 = arith.mulf %mul3A_2037, %add3A_2036 : vector<1x512xf32>
    %swap3A_2039 = arith.constant 3 : index
    %swap3A_2040 = arith.constant 19456 : index
    %swap3A_2041 = vector.load %arg9[%swap3A_2039, %swap3A_2040] : memref<4x32768xf32, #tpu.memory_space<vmem>>, vector<1x512xf32>
    tpu.vector_store %arg9[%swap3A_2039, %swap3A_2040], %mul3A_2038 {strides = array<i32>} : memref<4x32768xf32, #tpu.memory_space<vmem>>, vector<1x512xf32>,
    %slice3A_2042 = vector.extract_strided_slice %convert_element_type3A_171 {offsets = [0, 19968], sizes = [1, 512], strides = [1, 1]} : vector<1x32768xbf16> to vector<1x512xbf16>
    %mul3A_2043 = vector.broadcast %convert_element_type3A : vector<128x1xbf16> to vector<128x512xbf16>
    %mul3A_2044 = vector.broadcast %slice3A_2042 : vector<1x512xbf16> to vector<128x512xbf16>
    %mul3A_2045 = arith.mulf %mul3A_2043, %mul3A_2044 : vector<128x512xbf16>
    %max3A_2046 = vector.broadcast %neg3A_129 : vector<128x1xbf16> to vector<128x512xbf16>
    %max3A_2047 = arith.maximumf %mul3A_2045, %max3A_2046 : vector<128x512xbf16>
    %dot_general3A_2048 = arith.constant dense<0.000000e+00> : vector<1x512xf32>
    %dot_general3A_2049 = tpu.matmul %broadcast_in_dim3A_125, %max3A_2047, %dot_general3A_2048 {dimension_numbers = #tpu.dot_dimension_numbers<[1], [0], [0], [1], [0, 0, 1, 1], [], []>, transpose_lhs_hint = false} : vector<1x128xbf16>, vector<128x512xbf16>, vector<1x512xf32> -> vector<1x512xf32>
    %add3A_2050 = vector.broadcast %broadcast_in_dim3A_147 : vector<1x1xf32> to vector<1x512xf32>
    %add3A_2051 = arith.addf %dot_general3A_2049, %add3A_2050 : vector<1x512xf32>
    %mul3A_2052 = vector.broadcast %div3A_61 : f32 to vector<1x512xf32>
    %mul3A_2053 = arith.mulf %mul3A_2052, %add3A_2051 : vector<1x512xf32>
    %swap3A_2054 = arith.constant 0 : index
    %swap3A_2055 = arith.constant 19968 : index
    %swap3A_2056 = vector.load %arg9[%swap3A_2054, %swap3A_2055] : memref<4x32768xf32, #tpu.memory_space<vmem>>, vector<1x512xf32>
    tpu.vector_store %arg9[%swap3A_2054, %swap3A_2055], %mul3A_2053 {strides = array<i32>} : memref<4x32768xf32, #tpu.memory_space<vmem>>, vector<1x512xf32>,
    %max3A_2057 = vector.broadcast %neg3A_133 : vector<128x1xbf16> to vector<128x512xbf16>
    %max3A_2058 = arith.maximumf %mul3A_2045, %max3A_2057 : vector<128x512xbf16>
    %dot_general3A_2059 = arith.constant dense<0.000000e+00> : vector<1x512xf32>
    %dot_general3A_2060 = tpu.matmul %broadcast_in_dim3A_125, %max3A_2058, %dot_general3A_2059 {dimension_numbers = #tpu.dot_dimension_numbers<[1], [0], [0], [1], [0, 0, 1, 1], [], []>, transpose_lhs_hint = false} : vector<1x128xbf16>, vector<128x512xbf16>, vector<1x512xf32> -> vector<1x512xf32>
    %add3A_2061 = vector.broadcast %broadcast_in_dim3A_153 : vector<1x1xf32> to vector<1x512xf32>
    %add3A_2062 = arith.addf %dot_general3A_2060, %add3A_2061 : vector<1x512xf32>
    %mul3A_2063 = vector.broadcast %div3A_82 : f32 to vector<1x512xf32>
    %mul3A_2064 = arith.mulf %mul3A_2063, %add3A_2062 : vector<1x512xf32>
    %swap3A_2065 = arith.constant 1 : index
    %swap3A_2066 = arith.constant 19968 : index
    %swap3A_2067 = vector.load %arg9[%swap3A_2065, %swap3A_2066] : memref<4x32768xf32, #tpu.memory_space<vmem>>, vector<1x512xf32>
    tpu.vector_store %arg9[%swap3A_2065, %swap3A_2066], %mul3A_2064 {strides = array<i32>} : memref<4x32768xf32, #tpu.memory_space<vmem>>, vector<1x512xf32>,
    %max3A_2068 = vector.broadcast %neg3A_137 : vector<128x1xbf16> to vector<128x512xbf16>
    %max3A_2069 = arith.maximumf %mul3A_2045, %max3A_2068 : vector<128x512xbf16>
    %dot_general3A_2070 = arith.constant dense<0.000000e+00> : vector<1x512xf32>
    %dot_general3A_2071 = tpu.matmul %broadcast_in_dim3A_125, %max3A_2069, %dot_general3A_2070 {dimension_numbers = #tpu.dot_dimension_numbers<[1], [0], [0], [1], [0, 0, 1, 1], [], []>, transpose_lhs_hint = false} : vector<1x128xbf16>, vector<128x512xbf16>, vector<1x512xf32> -> vector<1x512xf32>
    %add3A_2072 = vector.broadcast %broadcast_in_dim3A_159 : vector<1x1xf32> to vector<1x512xf32>
    %add3A_2073 = arith.addf %dot_general3A_2071, %add3A_2072 : vector<1x512xf32>
    %mul3A_2074 = vector.broadcast %div3A_103 : f32 to vector<1x512xf32>
    %mul3A_2075 = arith.mulf %mul3A_2074, %add3A_2073 : vector<1x512xf32>
    %swap3A_2076 = arith.constant 2 : index
    %swap3A_2077 = arith.constant 19968 : index
    %swap3A_2078 = vector.load %arg9[%swap3A_2076, %swap3A_2077] : memref<4x32768xf32, #tpu.memory_space<vmem>>, vector<1x512xf32>
    tpu.vector_store %arg9[%swap3A_2076, %swap3A_2077], %mul3A_2075 {strides = array<i32>} : memref<4x32768xf32, #tpu.memory_space<vmem>>, vector<1x512xf32>,
    %max3A_2079 = vector.broadcast %neg3A_141 : vector<128x1xbf16> to vector<128x512xbf16>
    %max3A_2080 = arith.maximumf %mul3A_2045, %max3A_2079 : vector<128x512xbf16>
    %dot_general3A_2081 = arith.constant dense<0.000000e+00> : vector<1x512xf32>
    %dot_general3A_2082 = tpu.matmul %broadcast_in_dim3A_125, %max3A_2080, %dot_general3A_2081 {dimension_numbers = #tpu.dot_dimension_numbers<[1], [0], [0], [1], [0, 0, 1, 1], [], []>, transpose_lhs_hint = false} : vector<1x128xbf16>, vector<128x512xbf16>, vector<1x512xf32> -> vector<1x512xf32>
    %add3A_2083 = vector.broadcast %broadcast_in_dim3A_165 : vector<1x1xf32> to vector<1x512xf32>
    %add3A_2084 = arith.addf %dot_general3A_2082, %add3A_2083 : vector<1x512xf32>
    %mul3A_2085 = vector.broadcast %div3A_124 : f32 to vector<1x512xf32>
    %mul3A_2086 = arith.mulf %mul3A_2085, %add3A_2084 : vector<1x512xf32>
    %swap3A_2087 = arith.constant 3 : index
    %swap3A_2088 = arith.constant 19968 : index
    %swap3A_2089 = vector.load %arg9[%swap3A_2087, %swap3A_2088] : memref<4x32768xf32, #tpu.memory_space<vmem>>, vector<1x512xf32>
    tpu.vector_store %arg9[%swap3A_2087, %swap3A_2088], %mul3A_2086 {strides = array<i32>} : memref<4x32768xf32, #tpu.memory_space<vmem>>, vector<1x512xf32>,
    %slice3A_2090 = vector.extract_strided_slice %convert_element_type3A_171 {offsets = [0, 20480], sizes = [1, 512], strides = [1, 1]} : vector<1x32768xbf16> to vector<1x512xbf16>
    %mul3A_2091 = vector.broadcast %convert_element_type3A : vector<128x1xbf16> to vector<128x512xbf16>
    %mul3A_2092 = vector.broadcast %slice3A_2090 : vector<1x512xbf16> to vector<128x512xbf16>
    %mul3A_2093 = arith.mulf %mul3A_2091, %mul3A_2092 : vector<128x512xbf16>
    %max3A_2094 = vector.broadcast %neg3A_129 : vector<128x1xbf16> to vector<128x512xbf16>
    %max3A_2095 = arith.maximumf %mul3A_2093, %max3A_2094 : vector<128x512xbf16>
    %dot_general3A_2096 = arith.constant dense<0.000000e+00> : vector<1x512xf32>
    %dot_general3A_2097 = tpu.matmul %broadcast_in_dim3A_125, %max3A_2095, %dot_general3A_2096 {dimension_numbers = #tpu.dot_dimension_numbers<[1], [0], [0], [1], [0, 0, 1, 1], [], []>, transpose_lhs_hint = false} : vector<1x128xbf16>, vector<128x512xbf16>, vector<1x512xf32> -> vector<1x512xf32>
    %add3A_2098 = vector.broadcast %broadcast_in_dim3A_147 : vector<1x1xf32> to vector<1x512xf32>
    %add3A_2099 = arith.addf %dot_general3A_2097, %add3A_2098 : vector<1x512xf32>
    %mul3A_2100 = vector.broadcast %div3A_61 : f32 to vector<1x512xf32>
    %mul3A_2101 = arith.mulf %mul3A_2100, %add3A_2099 : vector<1x512xf32>
    %swap3A_2102 = arith.constant 0 : index
    %swap3A_2103 = arith.constant 20480 : index
    %swap3A_2104 = vector.load %arg9[%swap3A_2102, %swap3A_2103] : memref<4x32768xf32, #tpu.memory_space<vmem>>, vector<1x512xf32>
    tpu.vector_store %arg9[%swap3A_2102, %swap3A_2103], %mul3A_2101 {strides = array<i32>} : memref<4x32768xf32, #tpu.memory_space<vmem>>, vector<1x512xf32>,
    %max3A_2105 = vector.broadcast %neg3A_133 : vector<128x1xbf16> to vector<128x512xbf16>
    %max3A_2106 = arith.maximumf %mul3A_2093, %max3A_2105 : vector<128x512xbf16>
    %dot_general3A_2107 = arith.constant dense<0.000000e+00> : vector<1x512xf32>
    %dot_general3A_2108 = tpu.matmul %broadcast_in_dim3A_125, %max3A_2106, %dot_general3A_2107 {dimension_numbers = #tpu.dot_dimension_numbers<[1], [0], [0], [1], [0, 0, 1, 1], [], []>, transpose_lhs_hint = false} : vector<1x128xbf16>, vector<128x512xbf16>, vector<1x512xf32> -> vector<1x512xf32>
    %add3A_2109 = vector.broadcast %broadcast_in_dim3A_153 : vector<1x1xf32> to vector<1x512xf32>
    %add3A_2110 = arith.addf %dot_general3A_2108, %add3A_2109 : vector<1x512xf32>
    %mul3A_2111 = vector.broadcast %div3A_82 : f32 to vector<1x512xf32>
    %mul3A_2112 = arith.mulf %mul3A_2111, %add3A_2110 : vector<1x512xf32>
    %swap3A_2113 = arith.constant 1 : index
    %swap3A_2114 = arith.constant 20480 : index
    %swap3A_2115 = vector.load %arg9[%swap3A_2113, %swap3A_2114] : memref<4x32768xf32, #tpu.memory_space<vmem>>, vector<1x512xf32>
    tpu.vector_store %arg9[%swap3A_2113, %swap3A_2114], %mul3A_2112 {strides = array<i32>} : memref<4x32768xf32, #tpu.memory_space<vmem>>, vector<1x512xf32>,
    %max3A_2116 = vector.broadcast %neg3A_137 : vector<128x1xbf16> to vector<128x512xbf16>
    %max3A_2117 = arith.maximumf %mul3A_2093, %max3A_2116 : vector<128x512xbf16>
    %dot_general3A_2118 = arith.constant dense<0.000000e+00> : vector<1x512xf32>
    %dot_general3A_2119 = tpu.matmul %broadcast_in_dim3A_125, %max3A_2117, %dot_general3A_2118 {dimension_numbers = #tpu.dot_dimension_numbers<[1], [0], [0], [1], [0, 0, 1, 1], [], []>, transpose_lhs_hint = false} : vector<1x128xbf16>, vector<128x512xbf16>, vector<1x512xf32> -> vector<1x512xf32>
    %add3A_2120 = vector.broadcast %broadcast_in_dim3A_159 : vector<1x1xf32> to vector<1x512xf32>
    %add3A_2121 = arith.addf %dot_general3A_2119, %add3A_2120 : vector<1x512xf32>
    %mul3A_2122 = vector.broadcast %div3A_103 : f32 to vector<1x512xf32>
    %mul3A_2123 = arith.mulf %mul3A_2122, %add3A_2121 : vector<1x512xf32>
    %swap3A_2124 = arith.constant 2 : index
    %swap3A_2125 = arith.constant 20480 : index
    %swap3A_2126 = vector.load %arg9[%swap3A_2124, %swap3A_2125] : memref<4x32768xf32, #tpu.memory_space<vmem>>, vector<1x512xf32>
    tpu.vector_store %arg9[%swap3A_2124, %swap3A_2125], %mul3A_2123 {strides = array<i32>} : memref<4x32768xf32, #tpu.memory_space<vmem>>, vector<1x512xf32>,
    %max3A_2127 = vector.broadcast %neg3A_141 : vector<128x1xbf16> to vector<128x512xbf16>
    %max3A_2128 = arith.maximumf %mul3A_2093, %max3A_2127 : vector<128x512xbf16>
    %dot_general3A_2129 = arith.constant dense<0.000000e+00> : vector<1x512xf32>
    %dot_general3A_2130 = tpu.matmul %broadcast_in_dim3A_125, %max3A_2128, %dot_general3A_2129 {dimension_numbers = #tpu.dot_dimension_numbers<[1], [0], [0], [1], [0, 0, 1, 1], [], []>, transpose_lhs_hint = false} : vector<1x128xbf16>, vector<128x512xbf16>, vector<1x512xf32> -> vector<1x512xf32>
    %add3A_2131 = vector.broadcast %broadcast_in_dim3A_165 : vector<1x1xf32> to vector<1x512xf32>
    %add3A_2132 = arith.addf %dot_general3A_2130, %add3A_2131 : vector<1x512xf32>
    %mul3A_2133 = vector.broadcast %div3A_124 : f32 to vector<1x512xf32>
    %mul3A_2134 = arith.mulf %mul3A_2133, %add3A_2132 : vector<1x512xf32>
    %swap3A_2135 = arith.constant 3 : index
    %swap3A_2136 = arith.constant 20480 : index
    %swap3A_2137 = vector.load %arg9[%swap3A_2135, %swap3A_2136] : memref<4x32768xf32, #tpu.memory_space<vmem>>, vector<1x512xf32>
    tpu.vector_store %arg9[%swap3A_2135, %swap3A_2136], %mul3A_2134 {strides = array<i32>} : memref<4x32768xf32, #tpu.memory_space<vmem>>, vector<1x512xf32>,
    %slice3A_2138 = vector.extract_strided_slice %convert_element_type3A_171 {offsets = [0, 20992], sizes = [1, 512], strides = [1, 1]} : vector<1x32768xbf16> to vector<1x512xbf16>
    %mul3A_2139 = vector.broadcast %convert_element_type3A : vector<128x1xbf16> to vector<128x512xbf16>
    %mul3A_2140 = vector.broadcast %slice3A_2138 : vector<1x512xbf16> to vector<128x512xbf16>
    %mul3A_2141 = arith.mulf %mul3A_2139, %mul3A_2140 : vector<128x512xbf16>
    %max3A_2142 = vector.broadcast %neg3A_129 : vector<128x1xbf16> to vector<128x512xbf16>
    %max3A_2143 = arith.maximumf %mul3A_2141, %max3A_2142 : vector<128x512xbf16>
    %dot_general3A_2144 = arith.constant dense<0.000000e+00> : vector<1x512xf32>
    %dot_general3A_2145 = tpu.matmul %broadcast_in_dim3A_125, %max3A_2143, %dot_general3A_2144 {dimension_numbers = #tpu.dot_dimension_numbers<[1], [0], [0], [1], [0, 0, 1, 1], [], []>, transpose_lhs_hint = false} : vector<1x128xbf16>, vector<128x512xbf16>, vector<1x512xf32> -> vector<1x512xf32>
    %add3A_2146 = vector.broadcast %broadcast_in_dim3A_147 : vector<1x1xf32> to vector<1x512xf32>
    %add3A_2147 = arith.addf %dot_general3A_2145, %add3A_2146 : vector<1x512xf32>
    %mul3A_2148 = vector.broadcast %div3A_61 : f32 to vector<1x512xf32>
    %mul3A_2149 = arith.mulf %mul3A_2148, %add3A_2147 : vector<1x512xf32>
    %swap3A_2150 = arith.constant 0 : index
    %swap3A_2151 = arith.constant 20992 : index
    %swap3A_2152 = vector.load %arg9[%swap3A_2150, %swap3A_2151] : memref<4x32768xf32, #tpu.memory_space<vmem>>, vector<1x512xf32>
    tpu.vector_store %arg9[%swap3A_2150, %swap3A_2151], %mul3A_2149 {strides = array<i32>} : memref<4x32768xf32, #tpu.memory_space<vmem>>, vector<1x512xf32>,
    %max3A_2153 = vector.broadcast %neg3A_133 : vector<128x1xbf16> to vector<128x512xbf16>
    %max3A_2154 = arith.maximumf %mul3A_2141, %max3A_2153 : vector<128x512xbf16>
    %dot_general3A_2155 = arith.constant dense<0.000000e+00> : vector<1x512xf32>
    %dot_general3A_2156 = tpu.matmul %broadcast_in_dim3A_125, %max3A_2154, %dot_general3A_2155 {dimension_numbers = #tpu.dot_dimension_numbers<[1], [0], [0], [1], [0, 0, 1, 1], [], []>, transpose_lhs_hint = false} : vector<1x128xbf16>, vector<128x512xbf16>, vector<1x512xf32> -> vector<1x512xf32>
    %add3A_2157 = vector.broadcast %broadcast_in_dim3A_153 : vector<1x1xf32> to vector<1x512xf32>
    %add3A_2158 = arith.addf %dot_general3A_2156, %add3A_2157 : vector<1x512xf32>
    %mul3A_2159 = vector.broadcast %div3A_82 : f32 to vector<1x512xf32>
    %mul3A_2160 = arith.mulf %mul3A_2159, %add3A_2158 : vector<1x512xf32>
    %swap3A_2161 = arith.constant 1 : index
    %swap3A_2162 = arith.constant 20992 : index
    %swap3A_2163 = vector.load %arg9[%swap3A_2161, %swap3A_2162] : memref<4x32768xf32, #tpu.memory_space<vmem>>, vector<1x512xf32>
    tpu.vector_store %arg9[%swap3A_2161, %swap3A_2162], %mul3A_2160 {strides = array<i32>} : memref<4x32768xf32, #tpu.memory_space<vmem>>, vector<1x512xf32>,
    %max3A_2164 = vector.broadcast %neg3A_137 : vector<128x1xbf16> to vector<128x512xbf16>
    %max3A_2165 = arith.maximumf %mul3A_2141, %max3A_2164 : vector<128x512xbf16>
    %dot_general3A_2166 = arith.constant dense<0.000000e+00> : vector<1x512xf32>
    %dot_general3A_2167 = tpu.matmul %broadcast_in_dim3A_125, %max3A_2165, %dot_general3A_2166 {dimension_numbers = #tpu.dot_dimension_numbers<[1], [0], [0], [1], [0, 0, 1, 1], [], []>, transpose_lhs_hint = false} : vector<1x128xbf16>, vector<128x512xbf16>, vector<1x512xf32> -> vector<1x512xf32>
    %add3A_2168 = vector.broadcast %broadcast_in_dim3A_159 : vector<1x1xf32> to vector<1x512xf32>
    %add3A_2169 = arith.addf %dot_general3A_2167, %add3A_2168 : vector<1x512xf32>
    %mul3A_2170 = vector.broadcast %div3A_103 : f32 to vector<1x512xf32>
    %mul3A_2171 = arith.mulf %mul3A_2170, %add3A_2169 : vector<1x512xf32>
    %swap3A_2172 = arith.constant 2 : index
    %swap3A_2173 = arith.constant 20992 : index
    %swap3A_2174 = vector.load %arg9[%swap3A_2172, %swap3A_2173] : memref<4x32768xf32, #tpu.memory_space<vmem>>, vector<1x512xf32>
    tpu.vector_store %arg9[%swap3A_2172, %swap3A_2173], %mul3A_2171 {strides = array<i32>} : memref<4x32768xf32, #tpu.memory_space<vmem>>, vector<1x512xf32>,
    %max3A_2175 = vector.broadcast %neg3A_141 : vector<128x1xbf16> to vector<128x512xbf16>
    %max3A_2176 = arith.maximumf %mul3A_2141, %max3A_2175 : vector<128x512xbf16>
    %dot_general3A_2177 = arith.constant dense<0.000000e+00> : vector<1x512xf32>
    %dot_general3A_2178 = tpu.matmul %broadcast_in_dim3A_125, %max3A_2176, %dot_general3A_2177 {dimension_numbers = #tpu.dot_dimension_numbers<[1], [0], [0], [1], [0, 0, 1, 1], [], []>, transpose_lhs_hint = false} : vector<1x128xbf16>, vector<128x512xbf16>, vector<1x512xf32> -> vector<1x512xf32>
    %add3A_2179 = vector.broadcast %broadcast_in_dim3A_165 : vector<1x1xf32> to vector<1x512xf32>
    %add3A_2180 = arith.addf %dot_general3A_2178, %add3A_2179 : vector<1x512xf32>
    %mul3A_2181 = vector.broadcast %div3A_124 : f32 to vector<1x512xf32>
    %mul3A_2182 = arith.mulf %mul3A_2181, %add3A_2180 : vector<1x512xf32>
    %swap3A_2183 = arith.constant 3 : index
    %swap3A_2184 = arith.constant 20992 : index
    %swap3A_2185 = vector.load %arg9[%swap3A_2183, %swap3A_2184] : memref<4x32768xf32, #tpu.memory_space<vmem>>, vector<1x512xf32>
    tpu.vector_store %arg9[%swap3A_2183, %swap3A_2184], %mul3A_2182 {strides = array<i32>} : memref<4x32768xf32, #tpu.memory_space<vmem>>, vector<1x512xf32>,
    %slice3A_2186 = vector.extract_strided_slice %convert_element_type3A_171 {offsets = [0, 21504], sizes = [1, 512], strides = [1, 1]} : vector<1x32768xbf16> to vector<1x512xbf16>
    %mul3A_2187 = vector.broadcast %convert_element_type3A : vector<128x1xbf16> to vector<128x512xbf16>
    %mul3A_2188 = vector.broadcast %slice3A_2186 : vector<1x512xbf16> to vector<128x512xbf16>
    %mul3A_2189 = arith.mulf %mul3A_2187, %mul3A_2188 : vector<128x512xbf16>
    %max3A_2190 = vector.broadcast %neg3A_129 : vector<128x1xbf16> to vector<128x512xbf16>
    %max3A_2191 = arith.maximumf %mul3A_2189, %max3A_2190 : vector<128x512xbf16>
    %dot_general3A_2192 = arith.constant dense<0.000000e+00> : vector<1x512xf32>
    %dot_general3A_2193 = tpu.matmul %broadcast_in_dim3A_125, %max3A_2191, %dot_general3A_2192 {dimension_numbers = #tpu.dot_dimension_numbers<[1], [0], [0], [1], [0, 0, 1, 1], [], []>, transpose_lhs_hint = false} : vector<1x128xbf16>, vector<128x512xbf16>, vector<1x512xf32> -> vector<1x512xf32>
    %add3A_2194 = vector.broadcast %broadcast_in_dim3A_147 : vector<1x1xf32> to vector<1x512xf32>
    %add3A_2195 = arith.addf %dot_general3A_2193, %add3A_2194 : vector<1x512xf32>
    %mul3A_2196 = vector.broadcast %div3A_61 : f32 to vector<1x512xf32>
    %mul3A_2197 = arith.mulf %mul3A_2196, %add3A_2195 : vector<1x512xf32>
    %swap3A_2198 = arith.constant 0 : index
    %swap3A_2199 = arith.constant 21504 : index
    %swap3A_2200 = vector.load %arg9[%swap3A_2198, %swap3A_2199] : memref<4x32768xf32, #tpu.memory_space<vmem>>, vector<1x512xf32>
    tpu.vector_store %arg9[%swap3A_2198, %swap3A_2199], %mul3A_2197 {strides = array<i32>} : memref<4x32768xf32, #tpu.memory_space<vmem>>, vector<1x512xf32>,
    %max3A_2201 = vector.broadcast %neg3A_133 : vector<128x1xbf16> to vector<128x512xbf16>
    %max3A_2202 = arith.maximumf %mul3A_2189, %max3A_2201 : vector<128x512xbf16>
    %dot_general3A_2203 = arith.constant dense<0.000000e+00> : vector<1x512xf32>
    %dot_general3A_2204 = tpu.matmul %broadcast_in_dim3A_125, %max3A_2202, %dot_general3A_2203 {dimension_numbers = #tpu.dot_dimension_numbers<[1], [0], [0], [1], [0, 0, 1, 1], [], []>, transpose_lhs_hint = false} : vector<1x128xbf16>, vector<128x512xbf16>, vector<1x512xf32> -> vector<1x512xf32>
    %add3A_2205 = vector.broadcast %broadcast_in_dim3A_153 : vector<1x1xf32> to vector<1x512xf32>
    %add3A_2206 = arith.addf %dot_general3A_2204, %add3A_2205 : vector<1x512xf32>
    %mul3A_2207 = vector.broadcast %div3A_82 : f32 to vector<1x512xf32>
    %mul3A_2208 = arith.mulf %mul3A_2207, %add3A_2206 : vector<1x512xf32>
    %swap3A_2209 = arith.constant 1 : index
    %swap3A_2210 = arith.constant 21504 : index
    %swap3A_2211 = vector.load %arg9[%swap3A_2209, %swap3A_2210] : memref<4x32768xf32, #tpu.memory_space<vmem>>, vector<1x512xf32>
    tpu.vector_store %arg9[%swap3A_2209, %swap3A_2210], %mul3A_2208 {strides = array<i32>} : memref<4x32768xf32, #tpu.memory_space<vmem>>, vector<1x512xf32>,
    %max3A_2212 = vector.broadcast %neg3A_137 : vector<128x1xbf16> to vector<128x512xbf16>
    %max3A_2213 = arith.maximumf %mul3A_2189, %max3A_2212 : vector<128x512xbf16>
    %dot_general3A_2214 = arith.constant dense<0.000000e+00> : vector<1x512xf32>
    %dot_general3A_2215 = tpu.matmul %broadcast_in_dim3A_125, %max3A_2213, %dot_general3A_2214 {dimension_numbers = #tpu.dot_dimension_numbers<[1], [0], [0], [1], [0, 0, 1, 1], [], []>, transpose_lhs_hint = false} : vector<1x128xbf16>, vector<128x512xbf16>, vector<1x512xf32> -> vector<1x512xf32>
    %add3A_2216 = vector.broadcast %broadcast_in_dim3A_159 : vector<1x1xf32> to vector<1x512xf32>
    %add3A_2217 = arith.addf %dot_general3A_2215, %add3A_2216 : vector<1x512xf32>
    %mul3A_2218 = vector.broadcast %div3A_103 : f32 to vector<1x512xf32>
    %mul3A_2219 = arith.mulf %mul3A_2218, %add3A_2217 : vector<1x512xf32>
    %swap3A_2220 = arith.constant 2 : index
    %swap3A_2221 = arith.constant 21504 : index
    %swap3A_2222 = vector.load %arg9[%swap3A_2220, %swap3A_2221] : memref<4x32768xf32, #tpu.memory_space<vmem>>, vector<1x512xf32>
    tpu.vector_store %arg9[%swap3A_2220, %swap3A_2221], %mul3A_2219 {strides = array<i32>} : memref<4x32768xf32, #tpu.memory_space<vmem>>, vector<1x512xf32>,
    %max3A_2223 = vector.broadcast %neg3A_141 : vector<128x1xbf16> to vector<128x512xbf16>
    %max3A_2224 = arith.maximumf %mul3A_2189, %max3A_2223 : vector<128x512xbf16>
    %dot_general3A_2225 = arith.constant dense<0.000000e+00> : vector<1x512xf32>
    %dot_general3A_2226 = tpu.matmul %broadcast_in_dim3A_125, %max3A_2224, %dot_general3A_2225 {dimension_numbers = #tpu.dot_dimension_numbers<[1], [0], [0], [1], [0, 0, 1, 1], [], []>, transpose_lhs_hint = false} : vector<1x128xbf16>, vector<128x512xbf16>, vector<1x512xf32> -> vector<1x512xf32>
    %add3A_2227 = vector.broadcast %broadcast_in_dim3A_165 : vector<1x1xf32> to vector<1x512xf32>
    %add3A_2228 = arith.addf %dot_general3A_2226, %add3A_2227 : vector<1x512xf32>
    %mul3A_2229 = vector.broadcast %div3A_124 : f32 to vector<1x512xf32>
    %mul3A_2230 = arith.mulf %mul3A_2229, %add3A_2228 : vector<1x512xf32>
    %swap3A_2231 = arith.constant 3 : index
    %swap3A_2232 = arith.constant 21504 : index
    %swap3A_2233 = vector.load %arg9[%swap3A_2231, %swap3A_2232] : memref<4x32768xf32, #tpu.memory_space<vmem>>, vector<1x512xf32>
    tpu.vector_store %arg9[%swap3A_2231, %swap3A_2232], %mul3A_2230 {strides = array<i32>} : memref<4x32768xf32, #tpu.memory_space<vmem>>, vector<1x512xf32>,
    %slice3A_2234 = vector.extract_strided_slice %convert_element_type3A_171 {offsets = [0, 22016], sizes = [1, 512], strides = [1, 1]} : vector<1x32768xbf16> to vector<1x512xbf16>
    %mul3A_2235 = vector.broadcast %convert_element_type3A : vector<128x1xbf16> to vector<128x512xbf16>
    %mul3A_2236 = vector.broadcast %slice3A_2234 : vector<1x512xbf16> to vector<128x512xbf16>
    %mul3A_2237 = arith.mulf %mul3A_2235, %mul3A_2236 : vector<128x512xbf16>
    %max3A_2238 = vector.broadcast %neg3A_129 : vector<128x1xbf16> to vector<128x512xbf16>
    %max3A_2239 = arith.maximumf %mul3A_2237, %max3A_2238 : vector<128x512xbf16>
    %dot_general3A_2240 = arith.constant dense<0.000000e+00> : vector<1x512xf32>
    %dot_general3A_2241 = tpu.matmul %broadcast_in_dim3A_125, %max3A_2239, %dot_general3A_2240 {dimension_numbers = #tpu.dot_dimension_numbers<[1], [0], [0], [1], [0, 0, 1, 1], [], []>, transpose_lhs_hint = false} : vector<1x128xbf16>, vector<128x512xbf16>, vector<1x512xf32> -> vector<1x512xf32>
    %add3A_2242 = vector.broadcast %broadcast_in_dim3A_147 : vector<1x1xf32> to vector<1x512xf32>
    %add3A_2243 = arith.addf %dot_general3A_2241, %add3A_2242 : vector<1x512xf32>
    %mul3A_2244 = vector.broadcast %div3A_61 : f32 to vector<1x512xf32>
    %mul3A_2245 = arith.mulf %mul3A_2244, %add3A_2243 : vector<1x512xf32>
    %swap3A_2246 = arith.constant 0 : index
    %swap3A_2247 = arith.constant 22016 : index
    %swap3A_2248 = vector.load %arg9[%swap3A_2246, %swap3A_2247] : memref<4x32768xf32, #tpu.memory_space<vmem>>, vector<1x512xf32>
    tpu.vector_store %arg9[%swap3A_2246, %swap3A_2247], %mul3A_2245 {strides = array<i32>} : memref<4x32768xf32, #tpu.memory_space<vmem>>, vector<1x512xf32>,
    %max3A_2249 = vector.broadcast %neg3A_133 : vector<128x1xbf16> to vector<128x512xbf16>
    %max3A_2250 = arith.maximumf %mul3A_2237, %max3A_2249 : vector<128x512xbf16>
    %dot_general3A_2251 = arith.constant dense<0.000000e+00> : vector<1x512xf32>
    %dot_general3A_2252 = tpu.matmul %broadcast_in_dim3A_125, %max3A_2250, %dot_general3A_2251 {dimension_numbers = #tpu.dot_dimension_numbers<[1], [0], [0], [1], [0, 0, 1, 1], [], []>, transpose_lhs_hint = false} : vector<1x128xbf16>, vector<128x512xbf16>, vector<1x512xf32> -> vector<1x512xf32>
    %add3A_2253 = vector.broadcast %broadcast_in_dim3A_153 : vector<1x1xf32> to vector<1x512xf32>
    %add3A_2254 = arith.addf %dot_general3A_2252, %add3A_2253 : vector<1x512xf32>
    %mul3A_2255 = vector.broadcast %div3A_82 : f32 to vector<1x512xf32>
    %mul3A_2256 = arith.mulf %mul3A_2255, %add3A_2254 : vector<1x512xf32>
    %swap3A_2257 = arith.constant 1 : index
    %swap3A_2258 = arith.constant 22016 : index
    %swap3A_2259 = vector.load %arg9[%swap3A_2257, %swap3A_2258] : memref<4x32768xf32, #tpu.memory_space<vmem>>, vector<1x512xf32>
    tpu.vector_store %arg9[%swap3A_2257, %swap3A_2258], %mul3A_2256 {strides = array<i32>} : memref<4x32768xf32, #tpu.memory_space<vmem>>, vector<1x512xf32>,
    %max3A_2260 = vector.broadcast %neg3A_137 : vector<128x1xbf16> to vector<128x512xbf16>
    %max3A_2261 = arith.maximumf %mul3A_2237, %max3A_2260 : vector<128x512xbf16>
    %dot_general3A_2262 = arith.constant dense<0.000000e+00> : vector<1x512xf32>
    %dot_general3A_2263 = tpu.matmul %broadcast_in_dim3A_125, %max3A_2261, %dot_general3A_2262 {dimension_numbers = #tpu.dot_dimension_numbers<[1], [0], [0], [1], [0, 0, 1, 1], [], []>, transpose_lhs_hint = false} : vector<1x128xbf16>, vector<128x512xbf16>, vector<1x512xf32> -> vector<1x512xf32>
    %add3A_2264 = vector.broadcast %broadcast_in_dim3A_159 : vector<1x1xf32> to vector<1x512xf32>
    %add3A_2265 = arith.addf %dot_general3A_2263, %add3A_2264 : vector<1x512xf32>
    %mul3A_2266 = vector.broadcast %div3A_103 : f32 to vector<1x512xf32>
    %mul3A_2267 = arith.mulf %mul3A_2266, %add3A_2265 : vector<1x512xf32>
    %swap3A_2268 = arith.constant 2 : index
    %swap3A_2269 = arith.constant 22016 : index
    %swap3A_2270 = vector.load %arg9[%swap3A_2268, %swap3A_2269] : memref<4x32768xf32, #tpu.memory_space<vmem>>, vector<1x512xf32>
    tpu.vector_store %arg9[%swap3A_2268, %swap3A_2269], %mul3A_2267 {strides = array<i32>} : memref<4x32768xf32, #tpu.memory_space<vmem>>, vector<1x512xf32>,
    %max3A_2271 = vector.broadcast %neg3A_141 : vector<128x1xbf16> to vector<128x512xbf16>
    %max3A_2272 = arith.maximumf %mul3A_2237, %max3A_2271 : vector<128x512xbf16>
    %dot_general3A_2273 = arith.constant dense<0.000000e+00> : vector<1x512xf32>
    %dot_general3A_2274 = tpu.matmul %broadcast_in_dim3A_125, %max3A_2272, %dot_general3A_2273 {dimension_numbers = #tpu.dot_dimension_numbers<[1], [0], [0], [1], [0, 0, 1, 1], [], []>, transpose_lhs_hint = false} : vector<1x128xbf16>, vector<128x512xbf16>, vector<1x512xf32> -> vector<1x512xf32>
    %add3A_2275 = vector.broadcast %broadcast_in_dim3A_165 : vector<1x1xf32> to vector<1x512xf32>
    %add3A_2276 = arith.addf %dot_general3A_2274, %add3A_2275 : vector<1x512xf32>
    %mul3A_2277 = vector.broadcast %div3A_124 : f32 to vector<1x512xf32>
    %mul3A_2278 = arith.mulf %mul3A_2277, %add3A_2276 : vector<1x512xf32>
    %swap3A_2279 = arith.constant 3 : index
    %swap3A_2280 = arith.constant 22016 : index
    %swap3A_2281 = vector.load %arg9[%swap3A_2279, %swap3A_2280] : memref<4x32768xf32, #tpu.memory_space<vmem>>, vector<1x512xf32>
    tpu.vector_store %arg9[%swap3A_2279, %swap3A_2280], %mul3A_2278 {strides = array<i32>} : memref<4x32768xf32, #tpu.memory_space<vmem>>, vector<1x512xf32>,
    %slice3A_2282 = vector.extract_strided_slice %convert_element_type3A_171 {offsets = [0, 22528], sizes = [1, 512], strides = [1, 1]} : vector<1x32768xbf16> to vector<1x512xbf16>
    %mul3A_2283 = vector.broadcast %convert_element_type3A : vector<128x1xbf16> to vector<128x512xbf16>
    %mul3A_2284 = vector.broadcast %slice3A_2282 : vector<1x512xbf16> to vector<128x512xbf16>
    %mul3A_2285 = arith.mulf %mul3A_2283, %mul3A_2284 : vector<128x512xbf16>
    %max3A_2286 = vector.broadcast %neg3A_129 : vector<128x1xbf16> to vector<128x512xbf16>
    %max3A_2287 = arith.maximumf %mul3A_2285, %max3A_2286 : vector<128x512xbf16>
    %dot_general3A_2288 = arith.constant dense<0.000000e+00> : vector<1x512xf32>
    %dot_general3A_2289 = tpu.matmul %broadcast_in_dim3A_125, %max3A_2287, %dot_general3A_2288 {dimension_numbers = #tpu.dot_dimension_numbers<[1], [0], [0], [1], [0, 0, 1, 1], [], []>, transpose_lhs_hint = false} : vector<1x128xbf16>, vector<128x512xbf16>, vector<1x512xf32> -> vector<1x512xf32>
    %add3A_2290 = vector.broadcast %broadcast_in_dim3A_147 : vector<1x1xf32> to vector<1x512xf32>
    %add3A_2291 = arith.addf %dot_general3A_2289, %add3A_2290 : vector<1x512xf32>
    %mul3A_2292 = vector.broadcast %div3A_61 : f32 to vector<1x512xf32>
    %mul3A_2293 = arith.mulf %mul3A_2292, %add3A_2291 : vector<1x512xf32>
    %swap3A_2294 = arith.constant 0 : index
    %swap3A_2295 = arith.constant 22528 : index
    %swap3A_2296 = vector.load %arg9[%swap3A_2294, %swap3A_2295] : memref<4x32768xf32, #tpu.memory_space<vmem>>, vector<1x512xf32>
    tpu.vector_store %arg9[%swap3A_2294, %swap3A_2295], %mul3A_2293 {strides = array<i32>} : memref<4x32768xf32, #tpu.memory_space<vmem>>, vector<1x512xf32>,
    %max3A_2297 = vector.broadcast %neg3A_133 : vector<128x1xbf16> to vector<128x512xbf16>
    %max3A_2298 = arith.maximumf %mul3A_2285, %max3A_2297 : vector<128x512xbf16>
    %dot_general3A_2299 = arith.constant dense<0.000000e+00> : vector<1x512xf32>
    %dot_general3A_2300 = tpu.matmul %broadcast_in_dim3A_125, %max3A_2298, %dot_general3A_2299 {dimension_numbers = #tpu.dot_dimension_numbers<[1], [0], [0], [1], [0, 0, 1, 1], [], []>, transpose_lhs_hint = false} : vector<1x128xbf16>, vector<128x512xbf16>, vector<1x512xf32> -> vector<1x512xf32>
    %add3A_2301 = vector.broadcast %broadcast_in_dim3A_153 : vector<1x1xf32> to vector<1x512xf32>
    %add3A_2302 = arith.addf %dot_general3A_2300, %add3A_2301 : vector<1x512xf32>
    %mul3A_2303 = vector.broadcast %div3A_82 : f32 to vector<1x512xf32>
    %mul3A_2304 = arith.mulf %mul3A_2303, %add3A_2302 : vector<1x512xf32>
    %swap3A_2305 = arith.constant 1 : index
    %swap3A_2306 = arith.constant 22528 : index
    %swap3A_2307 = vector.load %arg9[%swap3A_2305, %swap3A_2306] : memref<4x32768xf32, #tpu.memory_space<vmem>>, vector<1x512xf32>
    tpu.vector_store %arg9[%swap3A_2305, %swap3A_2306], %mul3A_2304 {strides = array<i32>} : memref<4x32768xf32, #tpu.memory_space<vmem>>, vector<1x512xf32>,
    %max3A_2308 = vector.broadcast %neg3A_137 : vector<128x1xbf16> to vector<128x512xbf16>
    %max3A_2309 = arith.maximumf %mul3A_2285, %max3A_2308 : vector<128x512xbf16>
    %dot_general3A_2310 = arith.constant dense<0.000000e+00> : vector<1x512xf32>
    %dot_general3A_2311 = tpu.matmul %broadcast_in_dim3A_125, %max3A_2309, %dot_general3A_2310 {dimension_numbers = #tpu.dot_dimension_numbers<[1], [0], [0], [1], [0, 0, 1, 1], [], []>, transpose_lhs_hint = false} : vector<1x128xbf16>, vector<128x512xbf16>, vector<1x512xf32> -> vector<1x512xf32>
    %add3A_2312 = vector.broadcast %broadcast_in_dim3A_159 : vector<1x1xf32> to vector<1x512xf32>
    %add3A_2313 = arith.addf %dot_general3A_2311, %add3A_2312 : vector<1x512xf32>
    %mul3A_2314 = vector.broadcast %div3A_103 : f32 to vector<1x512xf32>
    %mul3A_2315 = arith.mulf %mul3A_2314, %add3A_2313 : vector<1x512xf32>
    %swap3A_2316 = arith.constant 2 : index
    %swap3A_2317 = arith.constant 22528 : index
    %swap3A_2318 = vector.load %arg9[%swap3A_2316, %swap3A_2317] : memref<4x32768xf32, #tpu.memory_space<vmem>>, vector<1x512xf32>
    tpu.vector_store %arg9[%swap3A_2316, %swap3A_2317], %mul3A_2315 {strides = array<i32>} : memref<4x32768xf32, #tpu.memory_space<vmem>>, vector<1x512xf32>,
    %max3A_2319 = vector.broadcast %neg3A_141 : vector<128x1xbf16> to vector<128x512xbf16>
    %max3A_2320 = arith.maximumf %mul3A_2285, %max3A_2319 : vector<128x512xbf16>
    %dot_general3A_2321 = arith.constant dense<0.000000e+00> : vector<1x512xf32>
    %dot_general3A_2322 = tpu.matmul %broadcast_in_dim3A_125, %max3A_2320, %dot_general3A_2321 {dimension_numbers = #tpu.dot_dimension_numbers<[1], [0], [0], [1], [0, 0, 1, 1], [], []>, transpose_lhs_hint = false} : vector<1x128xbf16>, vector<128x512xbf16>, vector<1x512xf32> -> vector<1x512xf32>
    %add3A_2323 = vector.broadcast %broadcast_in_dim3A_165 : vector<1x1xf32> to vector<1x512xf32>
    %add3A_2324 = arith.addf %dot_general3A_2322, %add3A_2323 : vector<1x512xf32>
    %mul3A_2325 = vector.broadcast %div3A_124 : f32 to vector<1x512xf32>
    %mul3A_2326 = arith.mulf %mul3A_2325, %add3A_2324 : vector<1x512xf32>
    %swap3A_2327 = arith.constant 3 : index
    %swap3A_2328 = arith.constant 22528 : index
    %swap3A_2329 = vector.load %arg9[%swap3A_2327, %swap3A_2328] : memref<4x32768xf32, #tpu.memory_space<vmem>>, vector<1x512xf32>
    tpu.vector_store %arg9[%swap3A_2327, %swap3A_2328], %mul3A_2326 {strides = array<i32>} : memref<4x32768xf32, #tpu.memory_space<vmem>>, vector<1x512xf32>,
    %slice3A_2330 = vector.extract_strided_slice %convert_element_type3A_171 {offsets = [0, 23040], sizes = [1, 512], strides = [1, 1]} : vector<1x32768xbf16> to vector<1x512xbf16>
    %mul3A_2331 = vector.broadcast %convert_element_type3A : vector<128x1xbf16> to vector<128x512xbf16>
    %mul3A_2332 = vector.broadcast %slice3A_2330 : vector<1x512xbf16> to vector<128x512xbf16>
    %mul3A_2333 = arith.mulf %mul3A_2331, %mul3A_2332 : vector<128x512xbf16>
    %max3A_2334 = vector.broadcast %neg3A_129 : vector<128x1xbf16> to vector<128x512xbf16>
    %max3A_2335 = arith.maximumf %mul3A_2333, %max3A_2334 : vector<128x512xbf16>
    %dot_general3A_2336 = arith.constant dense<0.000000e+00> : vector<1x512xf32>
    %dot_general3A_2337 = tpu.matmul %broadcast_in_dim3A_125, %max3A_2335, %dot_general3A_2336 {dimension_numbers = #tpu.dot_dimension_numbers<[1], [0], [0], [1], [0, 0, 1, 1], [], []>, transpose_lhs_hint = false} : vector<1x128xbf16>, vector<128x512xbf16>, vector<1x512xf32> -> vector<1x512xf32>
    %add3A_2338 = vector.broadcast %broadcast_in_dim3A_147 : vector<1x1xf32> to vector<1x512xf32>
    %add3A_2339 = arith.addf %dot_general3A_2337, %add3A_2338 : vector<1x512xf32>
    %mul3A_2340 = vector.broadcast %div3A_61 : f32 to vector<1x512xf32>
    %mul3A_2341 = arith.mulf %mul3A_2340, %add3A_2339 : vector<1x512xf32>
    %swap3A_2342 = arith.constant 0 : index
    %swap3A_2343 = arith.constant 23040 : index
    %swap3A_2344 = vector.load %arg9[%swap3A_2342, %swap3A_2343] : memref<4x32768xf32, #tpu.memory_space<vmem>>, vector<1x512xf32>
    tpu.vector_store %arg9[%swap3A_2342, %swap3A_2343], %mul3A_2341 {strides = array<i32>} : memref<4x32768xf32, #tpu.memory_space<vmem>>, vector<1x512xf32>,
    %max3A_2345 = vector.broadcast %neg3A_133 : vector<128x1xbf16> to vector<128x512xbf16>
    %max3A_2346 = arith.maximumf %mul3A_2333, %max3A_2345 : vector<128x512xbf16>
    %dot_general3A_2347 = arith.constant dense<0.000000e+00> : vector<1x512xf32>
    %dot_general3A_2348 = tpu.matmul %broadcast_in_dim3A_125, %max3A_2346, %dot_general3A_2347 {dimension_numbers = #tpu.dot_dimension_numbers<[1], [0], [0], [1], [0, 0, 1, 1], [], []>, transpose_lhs_hint = false} : vector<1x128xbf16>, vector<128x512xbf16>, vector<1x512xf32> -> vector<1x512xf32>
    %add3A_2349 = vector.broadcast %broadcast_in_dim3A_153 : vector<1x1xf32> to vector<1x512xf32>
    %add3A_2350 = arith.addf %dot_general3A_2348, %add3A_2349 : vector<1x512xf32>
    %mul3A_2351 = vector.broadcast %div3A_82 : f32 to vector<1x512xf32>
    %mul3A_2352 = arith.mulf %mul3A_2351, %add3A_2350 : vector<1x512xf32>
    %swap3A_2353 = arith.constant 1 : index
    %swap3A_2354 = arith.constant 23040 : index
    %swap3A_2355 = vector.load %arg9[%swap3A_2353, %swap3A_2354] : memref<4x32768xf32, #tpu.memory_space<vmem>>, vector<1x512xf32>
    tpu.vector_store %arg9[%swap3A_2353, %swap3A_2354], %mul3A_2352 {strides = array<i32>} : memref<4x32768xf32, #tpu.memory_space<vmem>>, vector<1x512xf32>,
    %max3A_2356 = vector.broadcast %neg3A_137 : vector<128x1xbf16> to vector<128x512xbf16>
    %max3A_2357 = arith.maximumf %mul3A_2333, %max3A_2356 : vector<128x512xbf16>
    %dot_general3A_2358 = arith.constant dense<0.000000e+00> : vector<1x512xf32>
    %dot_general3A_2359 = tpu.matmul %broadcast_in_dim3A_125, %max3A_2357, %dot_general3A_2358 {dimension_numbers = #tpu.dot_dimension_numbers<[1], [0], [0], [1], [0, 0, 1, 1], [], []>, transpose_lhs_hint = false} : vector<1x128xbf16>, vector<128x512xbf16>, vector<1x512xf32> -> vector<1x512xf32>
    %add3A_2360 = vector.broadcast %broadcast_in_dim3A_159 : vector<1x1xf32> to vector<1x512xf32>
    %add3A_2361 = arith.addf %dot_general3A_2359, %add3A_2360 : vector<1x512xf32>
    %mul3A_2362 = vector.broadcast %div3A_103 : f32 to vector<1x512xf32>
    %mul3A_2363 = arith.mulf %mul3A_2362, %add3A_2361 : vector<1x512xf32>
    %swap3A_2364 = arith.constant 2 : index
    %swap3A_2365 = arith.constant 23040 : index
    %swap3A_2366 = vector.load %arg9[%swap3A_2364, %swap3A_2365] : memref<4x32768xf32, #tpu.memory_space<vmem>>, vector<1x512xf32>
    tpu.vector_store %arg9[%swap3A_2364, %swap3A_2365], %mul3A_2363 {strides = array<i32>} : memref<4x32768xf32, #tpu.memory_space<vmem>>, vector<1x512xf32>,
    %max3A_2367 = vector.broadcast %neg3A_141 : vector<128x1xbf16> to vector<128x512xbf16>
    %max3A_2368 = arith.maximumf %mul3A_2333, %max3A_2367 : vector<128x512xbf16>
    %dot_general3A_2369 = arith.constant dense<0.000000e+00> : vector<1x512xf32>
    %dot_general3A_2370 = tpu.matmul %broadcast_in_dim3A_125, %max3A_2368, %dot_general3A_2369 {dimension_numbers = #tpu.dot_dimension_numbers<[1], [0], [0], [1], [0, 0, 1, 1], [], []>, transpose_lhs_hint = false} : vector<1x128xbf16>, vector<128x512xbf16>, vector<1x512xf32> -> vector<1x512xf32>
    %add3A_2371 = vector.broadcast %broadcast_in_dim3A_165 : vector<1x1xf32> to vector<1x512xf32>
    %add3A_2372 = arith.addf %dot_general3A_2370, %add3A_2371 : vector<1x512xf32>
    %mul3A_2373 = vector.broadcast %div3A_124 : f32 to vector<1x512xf32>
    %mul3A_2374 = arith.mulf %mul3A_2373, %add3A_2372 : vector<1x512xf32>
    %swap3A_2375 = arith.constant 3 : index
    %swap3A_2376 = arith.constant 23040 : index
    %swap3A_2377 = vector.load %arg9[%swap3A_2375, %swap3A_2376] : memref<4x32768xf32, #tpu.memory_space<vmem>>, vector<1x512xf32>
    tpu.vector_store %arg9[%swap3A_2375, %swap3A_2376], %mul3A_2374 {strides = array<i32>} : memref<4x32768xf32, #tpu.memory_space<vmem>>, vector<1x512xf32>,
    %slice3A_2378 = vector.extract_strided_slice %convert_element_type3A_171 {offsets = [0, 23552], sizes = [1, 512], strides = [1, 1]} : vector<1x32768xbf16> to vector<1x512xbf16>
    %mul3A_2379 = vector.broadcast %convert_element_type3A : vector<128x1xbf16> to vector<128x512xbf16>
    %mul3A_2380 = vector.broadcast %slice3A_2378 : vector<1x512xbf16> to vector<128x512xbf16>
    %mul3A_2381 = arith.mulf %mul3A_2379, %mul3A_2380 : vector<128x512xbf16>
    %max3A_2382 = vector.broadcast %neg3A_129 : vector<128x1xbf16> to vector<128x512xbf16>
    %max3A_2383 = arith.maximumf %mul3A_2381, %max3A_2382 : vector<128x512xbf16>
    %dot_general3A_2384 = arith.constant dense<0.000000e+00> : vector<1x512xf32>
    %dot_general3A_2385 = tpu.matmul %broadcast_in_dim3A_125, %max3A_2383, %dot_general3A_2384 {dimension_numbers = #tpu.dot_dimension_numbers<[1], [0], [0], [1], [0, 0, 1, 1], [], []>, transpose_lhs_hint = false} : vector<1x128xbf16>, vector<128x512xbf16>, vector<1x512xf32> -> vector<1x512xf32>
    %add3A_2386 = vector.broadcast %broadcast_in_dim3A_147 : vector<1x1xf32> to vector<1x512xf32>
    %add3A_2387 = arith.addf %dot_general3A_2385, %add3A_2386 : vector<1x512xf32>
    %mul3A_2388 = vector.broadcast %div3A_61 : f32 to vector<1x512xf32>
    %mul3A_2389 = arith.mulf %mul3A_2388, %add3A_2387 : vector<1x512xf32>
    %swap3A_2390 = arith.constant 0 : index
    %swap3A_2391 = arith.constant 23552 : index
    %swap3A_2392 = vector.load %arg9[%swap3A_2390, %swap3A_2391] : memref<4x32768xf32, #tpu.memory_space<vmem>>, vector<1x512xf32>
    tpu.vector_store %arg9[%swap3A_2390, %swap3A_2391], %mul3A_2389 {strides = array<i32>} : memref<4x32768xf32, #tpu.memory_space<vmem>>, vector<1x512xf32>,
    %max3A_2393 = vector.broadcast %neg3A_133 : vector<128x1xbf16> to vector<128x512xbf16>
    %max3A_2394 = arith.maximumf %mul3A_2381, %max3A_2393 : vector<128x512xbf16>
    %dot_general3A_2395 = arith.constant dense<0.000000e+00> : vector<1x512xf32>
    %dot_general3A_2396 = tpu.matmul %broadcast_in_dim3A_125, %max3A_2394, %dot_general3A_2395 {dimension_numbers = #tpu.dot_dimension_numbers<[1], [0], [0], [1], [0, 0, 1, 1], [], []>, transpose_lhs_hint = false} : vector<1x128xbf16>, vector<128x512xbf16>, vector<1x512xf32> -> vector<1x512xf32>
    %add3A_2397 = vector.broadcast %broadcast_in_dim3A_153 : vector<1x1xf32> to vector<1x512xf32>
    %add3A_2398 = arith.addf %dot_general3A_2396, %add3A_2397 : vector<1x512xf32>
    %mul3A_2399 = vector.broadcast %div3A_82 : f32 to vector<1x512xf32>
    %mul3A_2400 = arith.mulf %mul3A_2399, %add3A_2398 : vector<1x512xf32>
    %swap3A_2401 = arith.constant 1 : index
    %swap3A_2402 = arith.constant 23552 : index
    %swap3A_2403 = vector.load %arg9[%swap3A_2401, %swap3A_2402] : memref<4x32768xf32, #tpu.memory_space<vmem>>, vector<1x512xf32>
    tpu.vector_store %arg9[%swap3A_2401, %swap3A_2402], %mul3A_2400 {strides = array<i32>} : memref<4x32768xf32, #tpu.memory_space<vmem>>, vector<1x512xf32>,
    %max3A_2404 = vector.broadcast %neg3A_137 : vector<128x1xbf16> to vector<128x512xbf16>
    %max3A_2405 = arith.maximumf %mul3A_2381, %max3A_2404 : vector<128x512xbf16>
    %dot_general3A_2406 = arith.constant dense<0.000000e+00> : vector<1x512xf32>
    %dot_general3A_2407 = tpu.matmul %broadcast_in_dim3A_125, %max3A_2405, %dot_general3A_2406 {dimension_numbers = #tpu.dot_dimension_numbers<[1], [0], [0], [1], [0, 0, 1, 1], [], []>, transpose_lhs_hint = false} : vector<1x128xbf16>, vector<128x512xbf16>, vector<1x512xf32> -> vector<1x512xf32>
    %add3A_2408 = vector.broadcast %broadcast_in_dim3A_159 : vector<1x1xf32> to vector<1x512xf32>
    %add3A_2409 = arith.addf %dot_general3A_2407, %add3A_2408 : vector<1x512xf32>
    %mul3A_2410 = vector.broadcast %div3A_103 : f32 to vector<1x512xf32>
    %mul3A_2411 = arith.mulf %mul3A_2410, %add3A_2409 : vector<1x512xf32>
    %swap3A_2412 = arith.constant 2 : index
    %swap3A_2413 = arith.constant 23552 : index
    %swap3A_2414 = vector.load %arg9[%swap3A_2412, %swap3A_2413] : memref<4x32768xf32, #tpu.memory_space<vmem>>, vector<1x512xf32>
    tpu.vector_store %arg9[%swap3A_2412, %swap3A_2413], %mul3A_2411 {strides = array<i32>} : memref<4x32768xf32, #tpu.memory_space<vmem>>, vector<1x512xf32>,
    %max3A_2415 = vector.broadcast %neg3A_141 : vector<128x1xbf16> to vector<128x512xbf16>
    %max3A_2416 = arith.maximumf %mul3A_2381, %max3A_2415 : vector<128x512xbf16>
    %dot_general3A_2417 = arith.constant dense<0.000000e+00> : vector<1x512xf32>
    %dot_general3A_2418 = tpu.matmul %broadcast_in_dim3A_125, %max3A_2416, %dot_general3A_2417 {dimension_numbers = #tpu.dot_dimension_numbers<[1], [0], [0], [1], [0, 0, 1, 1], [], []>, transpose_lhs_hint = false} : vector<1x128xbf16>, vector<128x512xbf16>, vector<1x512xf32> -> vector<1x512xf32>
    %add3A_2419 = vector.broadcast %broadcast_in_dim3A_165 : vector<1x1xf32> to vector<1x512xf32>
    %add3A_2420 = arith.addf %dot_general3A_2418, %add3A_2419 : vector<1x512xf32>
    %mul3A_2421 = vector.broadcast %div3A_124 : f32 to vector<1x512xf32>
    %mul3A_2422 = arith.mulf %mul3A_2421, %add3A_2420 : vector<1x512xf32>
    %swap3A_2423 = arith.constant 3 : index
    %swap3A_2424 = arith.constant 23552 : index
    %swap3A_2425 = vector.load %arg9[%swap3A_2423, %swap3A_2424] : memref<4x32768xf32, #tpu.memory_space<vmem>>, vector<1x512xf32>
    tpu.vector_store %arg9[%swap3A_2423, %swap3A_2424], %mul3A_2422 {strides = array<i32>} : memref<4x32768xf32, #tpu.memory_space<vmem>>, vector<1x512xf32>,
    %slice3A_2426 = vector.extract_strided_slice %convert_element_type3A_171 {offsets = [0, 24064], sizes = [1, 512], strides = [1, 1]} : vector<1x32768xbf16> to vector<1x512xbf16>
    %mul3A_2427 = vector.broadcast %convert_element_type3A : vector<128x1xbf16> to vector<128x512xbf16>
    %mul3A_2428 = vector.broadcast %slice3A_2426 : vector<1x512xbf16> to vector<128x512xbf16>
    %mul3A_2429 = arith.mulf %mul3A_2427, %mul3A_2428 : vector<128x512xbf16>
    %max3A_2430 = vector.broadcast %neg3A_129 : vector<128x1xbf16> to vector<128x512xbf16>
    %max3A_2431 = arith.maximumf %mul3A_2429, %max3A_2430 : vector<128x512xbf16>
    %dot_general3A_2432 = arith.constant dense<0.000000e+00> : vector<1x512xf32>
    %dot_general3A_2433 = tpu.matmul %broadcast_in_dim3A_125, %max3A_2431, %dot_general3A_2432 {dimension_numbers = #tpu.dot_dimension_numbers<[1], [0], [0], [1], [0, 0, 1, 1], [], []>, transpose_lhs_hint = false} : vector<1x128xbf16>, vector<128x512xbf16>, vector<1x512xf32> -> vector<1x512xf32>
    %add3A_2434 = vector.broadcast %broadcast_in_dim3A_147 : vector<1x1xf32> to vector<1x512xf32>
    %add3A_2435 = arith.addf %dot_general3A_2433, %add3A_2434 : vector<1x512xf32>
    %mul3A_2436 = vector.broadcast %div3A_61 : f32 to vector<1x512xf32>
    %mul3A_2437 = arith.mulf %mul3A_2436, %add3A_2435 : vector<1x512xf32>
    %swap3A_2438 = arith.constant 0 : index
    %swap3A_2439 = arith.constant 24064 : index
    %swap3A_2440 = vector.load %arg9[%swap3A_2438, %swap3A_2439] : memref<4x32768xf32, #tpu.memory_space<vmem>>, vector<1x512xf32>
    tpu.vector_store %arg9[%swap3A_2438, %swap3A_2439], %mul3A_2437 {strides = array<i32>} : memref<4x32768xf32, #tpu.memory_space<vmem>>, vector<1x512xf32>,
    %max3A_2441 = vector.broadcast %neg3A_133 : vector<128x1xbf16> to vector<128x512xbf16>
    %max3A_2442 = arith.maximumf %mul3A_2429, %max3A_2441 : vector<128x512xbf16>
    %dot_general3A_2443 = arith.constant dense<0.000000e+00> : vector<1x512xf32>
    %dot_general3A_2444 = tpu.matmul %broadcast_in_dim3A_125, %max3A_2442, %dot_general3A_2443 {dimension_numbers = #tpu.dot_dimension_numbers<[1], [0], [0], [1], [0, 0, 1, 1], [], []>, transpose_lhs_hint = false} : vector<1x128xbf16>, vector<128x512xbf16>, vector<1x512xf32> -> vector<1x512xf32>
    %add3A_2445 = vector.broadcast %broadcast_in_dim3A_153 : vector<1x1xf32> to vector<1x512xf32>
    %add3A_2446 = arith.addf %dot_general3A_2444, %add3A_2445 : vector<1x512xf32>
    %mul3A_2447 = vector.broadcast %div3A_82 : f32 to vector<1x512xf32>
    %mul3A_2448 = arith.mulf %mul3A_2447, %add3A_2446 : vector<1x512xf32>
    %swap3A_2449 = arith.constant 1 : index
    %swap3A_2450 = arith.constant 24064 : index
    %swap3A_2451 = vector.load %arg9[%swap3A_2449, %swap3A_2450] : memref<4x32768xf32, #tpu.memory_space<vmem>>, vector<1x512xf32>
    tpu.vector_store %arg9[%swap3A_2449, %swap3A_2450], %mul3A_2448 {strides = array<i32>} : memref<4x32768xf32, #tpu.memory_space<vmem>>, vector<1x512xf32>,
    %max3A_2452 = vector.broadcast %neg3A_137 : vector<128x1xbf16> to vector<128x512xbf16>
    %max3A_2453 = arith.maximumf %mul3A_2429, %max3A_2452 : vector<128x512xbf16>
    %dot_general3A_2454 = arith.constant dense<0.000000e+00> : vector<1x512xf32>
    %dot_general3A_2455 = tpu.matmul %broadcast_in_dim3A_125, %max3A_2453, %dot_general3A_2454 {dimension_numbers = #tpu.dot_dimension_numbers<[1], [0], [0], [1], [0, 0, 1, 1], [], []>, transpose_lhs_hint = false} : vector<1x128xbf16>, vector<128x512xbf16>, vector<1x512xf32> -> vector<1x512xf32>
    %add3A_2456 = vector.broadcast %broadcast_in_dim3A_159 : vector<1x1xf32> to vector<1x512xf32>
    %add3A_2457 = arith.addf %dot_general3A_2455, %add3A_2456 : vector<1x512xf32>
    %mul3A_2458 = vector.broadcast %div3A_103 : f32 to vector<1x512xf32>
    %mul3A_2459 = arith.mulf %mul3A_2458, %add3A_2457 : vector<1x512xf32>
    %swap3A_2460 = arith.constant 2 : index
    %swap3A_2461 = arith.constant 24064 : index
    %swap3A_2462 = vector.load %arg9[%swap3A_2460, %swap3A_2461] : memref<4x32768xf32, #tpu.memory_space<vmem>>, vector<1x512xf32>
    tpu.vector_store %arg9[%swap3A_2460, %swap3A_2461], %mul3A_2459 {strides = array<i32>} : memref<4x32768xf32, #tpu.memory_space<vmem>>, vector<1x512xf32>,
    %max3A_2463 = vector.broadcast %neg3A_141 : vector<128x1xbf16> to vector<128x512xbf16>
    %max3A_2464 = arith.maximumf %mul3A_2429, %max3A_2463 : vector<128x512xbf16>
    %dot_general3A_2465 = arith.constant dense<0.000000e+00> : vector<1x512xf32>
    %dot_general3A_2466 = tpu.matmul %broadcast_in_dim3A_125, %max3A_2464, %dot_general3A_2465 {dimension_numbers = #tpu.dot_dimension_numbers<[1], [0], [0], [1], [0, 0, 1, 1], [], []>, transpose_lhs_hint = false} : vector<1x128xbf16>, vector<128x512xbf16>, vector<1x512xf32> -> vector<1x512xf32>
    %add3A_2467 = vector.broadcast %broadcast_in_dim3A_165 : vector<1x1xf32> to vector<1x512xf32>
    %add3A_2468 = arith.addf %dot_general3A_2466, %add3A_2467 : vector<1x512xf32>
    %mul3A_2469 = vector.broadcast %div3A_124 : f32 to vector<1x512xf32>
    %mul3A_2470 = arith.mulf %mul3A_2469, %add3A_2468 : vector<1x512xf32>
    %swap3A_2471 = arith.constant 3 : index
    %swap3A_2472 = arith.constant 24064 : index
    %swap3A_2473 = vector.load %arg9[%swap3A_2471, %swap3A_2472] : memref<4x32768xf32, #tpu.memory_space<vmem>>, vector<1x512xf32>
    tpu.vector_store %arg9[%swap3A_2471, %swap3A_2472], %mul3A_2470 {strides = array<i32>} : memref<4x32768xf32, #tpu.memory_space<vmem>>, vector<1x512xf32>,
    %slice3A_2474 = vector.extract_strided_slice %convert_element_type3A_171 {offsets = [0, 24576], sizes = [1, 512], strides = [1, 1]} : vector<1x32768xbf16> to vector<1x512xbf16>
    %mul3A_2475 = vector.broadcast %convert_element_type3A : vector<128x1xbf16> to vector<128x512xbf16>
    %mul3A_2476 = vector.broadcast %slice3A_2474 : vector<1x512xbf16> to vector<128x512xbf16>
    %mul3A_2477 = arith.mulf %mul3A_2475, %mul3A_2476 : vector<128x512xbf16>
    %max3A_2478 = vector.broadcast %neg3A_129 : vector<128x1xbf16> to vector<128x512xbf16>
    %max3A_2479 = arith.maximumf %mul3A_2477, %max3A_2478 : vector<128x512xbf16>
    %dot_general3A_2480 = arith.constant dense<0.000000e+00> : vector<1x512xf32>
    %dot_general3A_2481 = tpu.matmul %broadcast_in_dim3A_125, %max3A_2479, %dot_general3A_2480 {dimension_numbers = #tpu.dot_dimension_numbers<[1], [0], [0], [1], [0, 0, 1, 1], [], []>, transpose_lhs_hint = false} : vector<1x128xbf16>, vector<128x512xbf16>, vector<1x512xf32> -> vector<1x512xf32>
    %add3A_2482 = vector.broadcast %broadcast_in_dim3A_147 : vector<1x1xf32> to vector<1x512xf32>
    %add3A_2483 = arith.addf %dot_general3A_2481, %add3A_2482 : vector<1x512xf32>
    %mul3A_2484 = vector.broadcast %div3A_61 : f32 to vector<1x512xf32>
    %mul3A_2485 = arith.mulf %mul3A_2484, %add3A_2483 : vector<1x512xf32>
    %swap3A_2486 = arith.constant 0 : index
    %swap3A_2487 = arith.constant 24576 : index
    %swap3A_2488 = vector.load %arg9[%swap3A_2486, %swap3A_2487] : memref<4x32768xf32, #tpu.memory_space<vmem>>, vector<1x512xf32>
    tpu.vector_store %arg9[%swap3A_2486, %swap3A_2487], %mul3A_2485 {strides = array<i32>} : memref<4x32768xf32, #tpu.memory_space<vmem>>, vector<1x512xf32>,
    %max3A_2489 = vector.broadcast %neg3A_133 : vector<128x1xbf16> to vector<128x512xbf16>
    %max3A_2490 = arith.maximumf %mul3A_2477, %max3A_2489 : vector<128x512xbf16>
    %dot_general3A_2491 = arith.constant dense<0.000000e+00> : vector<1x512xf32>
    %dot_general3A_2492 = tpu.matmul %broadcast_in_dim3A_125, %max3A_2490, %dot_general3A_2491 {dimension_numbers = #tpu.dot_dimension_numbers<[1], [0], [0], [1], [0, 0, 1, 1], [], []>, transpose_lhs_hint = false} : vector<1x128xbf16>, vector<128x512xbf16>, vector<1x512xf32> -> vector<1x512xf32>
    %add3A_2493 = vector.broadcast %broadcast_in_dim3A_153 : vector<1x1xf32> to vector<1x512xf32>
    %add3A_2494 = arith.addf %dot_general3A_2492, %add3A_2493 : vector<1x512xf32>
    %mul3A_2495 = vector.broadcast %div3A_82 : f32 to vector<1x512xf32>
    %mul3A_2496 = arith.mulf %mul3A_2495, %add3A_2494 : vector<1x512xf32>
    %swap3A_2497 = arith.constant 1 : index
    %swap3A_2498 = arith.constant 24576 : index
    %swap3A_2499 = vector.load %arg9[%swap3A_2497, %swap3A_2498] : memref<4x32768xf32, #tpu.memory_space<vmem>>, vector<1x512xf32>
    tpu.vector_store %arg9[%swap3A_2497, %swap3A_2498], %mul3A_2496 {strides = array<i32>} : memref<4x32768xf32, #tpu.memory_space<vmem>>, vector<1x512xf32>,
    %max3A_2500 = vector.broadcast %neg3A_137 : vector<128x1xbf16> to vector<128x512xbf16>
    %max3A_2501 = arith.maximumf %mul3A_2477, %max3A_2500 : vector<128x512xbf16>
    %dot_general3A_2502 = arith.constant dense<0.000000e+00> : vector<1x512xf32>
    %dot_general3A_2503 = tpu.matmul %broadcast_in_dim3A_125, %max3A_2501, %dot_general3A_2502 {dimension_numbers = #tpu.dot_dimension_numbers<[1], [0], [0], [1], [0, 0, 1, 1], [], []>, transpose_lhs_hint = false} : vector<1x128xbf16>, vector<128x512xbf16>, vector<1x512xf32> -> vector<1x512xf32>
    %add3A_2504 = vector.broadcast %broadcast_in_dim3A_159 : vector<1x1xf32> to vector<1x512xf32>
    %add3A_2505 = arith.addf %dot_general3A_2503, %add3A_2504 : vector<1x512xf32>
    %mul3A_2506 = vector.broadcast %div3A_103 : f32 to vector<1x512xf32>
    %mul3A_2507 = arith.mulf %mul3A_2506, %add3A_2505 : vector<1x512xf32>
    %swap3A_2508 = arith.constant 2 : index
    %swap3A_2509 = arith.constant 24576 : index
    %swap3A_2510 = vector.load %arg9[%swap3A_2508, %swap3A_2509] : memref<4x32768xf32, #tpu.memory_space<vmem>>, vector<1x512xf32>
    tpu.vector_store %arg9[%swap3A_2508, %swap3A_2509], %mul3A_2507 {strides = array<i32>} : memref<4x32768xf32, #tpu.memory_space<vmem>>, vector<1x512xf32>,
    %max3A_2511 = vector.broadcast %neg3A_141 : vector<128x1xbf16> to vector<128x512xbf16>
    %max3A_2512 = arith.maximumf %mul3A_2477, %max3A_2511 : vector<128x512xbf16>
    %dot_general3A_2513 = arith.constant dense<0.000000e+00> : vector<1x512xf32>
    %dot_general3A_2514 = tpu.matmul %broadcast_in_dim3A_125, %max3A_2512, %dot_general3A_2513 {dimension_numbers = #tpu.dot_dimension_numbers<[1], [0], [0], [1], [0, 0, 1, 1], [], []>, transpose_lhs_hint = false} : vector<1x128xbf16>, vector<128x512xbf16>, vector<1x512xf32> -> vector<1x512xf32>
    %add3A_2515 = vector.broadcast %broadcast_in_dim3A_165 : vector<1x1xf32> to vector<1x512xf32>
    %add3A_2516 = arith.addf %dot_general3A_2514, %add3A_2515 : vector<1x512xf32>
    %mul3A_2517 = vector.broadcast %div3A_124 : f32 to vector<1x512xf32>
    %mul3A_2518 = arith.mulf %mul3A_2517, %add3A_2516 : vector<1x512xf32>
    %swap3A_2519 = arith.constant 3 : index
    %swap3A_2520 = arith.constant 24576 : index
    %swap3A_2521 = vector.load %arg9[%swap3A_2519, %swap3A_2520] : memref<4x32768xf32, #tpu.memory_space<vmem>>, vector<1x512xf32>
    tpu.vector_store %arg9[%swap3A_2519, %swap3A_2520], %mul3A_2518 {strides = array<i32>} : memref<4x32768xf32, #tpu.memory_space<vmem>>, vector<1x512xf32>,
    %slice3A_2522 = vector.extract_strided_slice %convert_element_type3A_171 {offsets = [0, 25088], sizes = [1, 512], strides = [1, 1]} : vector<1x32768xbf16> to vector<1x512xbf16>
    %mul3A_2523 = vector.broadcast %convert_element_type3A : vector<128x1xbf16> to vector<128x512xbf16>
    %mul3A_2524 = vector.broadcast %slice3A_2522 : vector<1x512xbf16> to vector<128x512xbf16>
    %mul3A_2525 = arith.mulf %mul3A_2523, %mul3A_2524 : vector<128x512xbf16>
    %max3A_2526 = vector.broadcast %neg3A_129 : vector<128x1xbf16> to vector<128x512xbf16>
    %max3A_2527 = arith.maximumf %mul3A_2525, %max3A_2526 : vector<128x512xbf16>
    %dot_general3A_2528 = arith.constant dense<0.000000e+00> : vector<1x512xf32>
    %dot_general3A_2529 = tpu.matmul %broadcast_in_dim3A_125, %max3A_2527, %dot_general3A_2528 {dimension_numbers = #tpu.dot_dimension_numbers<[1], [0], [0], [1], [0, 0, 1, 1], [], []>, transpose_lhs_hint = false} : vector<1x128xbf16>, vector<128x512xbf16>, vector<1x512xf32> -> vector<1x512xf32>
    %add3A_2530 = vector.broadcast %broadcast_in_dim3A_147 : vector<1x1xf32> to vector<1x512xf32>
    %add3A_2531 = arith.addf %dot_general3A_2529, %add3A_2530 : vector<1x512xf32>
    %mul3A_2532 = vector.broadcast %div3A_61 : f32 to vector<1x512xf32>
    %mul3A_2533 = arith.mulf %mul3A_2532, %add3A_2531 : vector<1x512xf32>
    %swap3A_2534 = arith.constant 0 : index
    %swap3A_2535 = arith.constant 25088 : index
    %swap3A_2536 = vector.load %arg9[%swap3A_2534, %swap3A_2535] : memref<4x32768xf32, #tpu.memory_space<vmem>>, vector<1x512xf32>
    tpu.vector_store %arg9[%swap3A_2534, %swap3A_2535], %mul3A_2533 {strides = array<i32>} : memref<4x32768xf32, #tpu.memory_space<vmem>>, vector<1x512xf32>,
    %max3A_2537 = vector.broadcast %neg3A_133 : vector<128x1xbf16> to vector<128x512xbf16>
    %max3A_2538 = arith.maximumf %mul3A_2525, %max3A_2537 : vector<128x512xbf16>
    %dot_general3A_2539 = arith.constant dense<0.000000e+00> : vector<1x512xf32>
    %dot_general3A_2540 = tpu.matmul %broadcast_in_dim3A_125, %max3A_2538, %dot_general3A_2539 {dimension_numbers = #tpu.dot_dimension_numbers<[1], [0], [0], [1], [0, 0, 1, 1], [], []>, transpose_lhs_hint = false} : vector<1x128xbf16>, vector<128x512xbf16>, vector<1x512xf32> -> vector<1x512xf32>
    %add3A_2541 = vector.broadcast %broadcast_in_dim3A_153 : vector<1x1xf32> to vector<1x512xf32>
    %add3A_2542 = arith.addf %dot_general3A_2540, %add3A_2541 : vector<1x512xf32>
    %mul3A_2543 = vector.broadcast %div3A_82 : f32 to vector<1x512xf32>
    %mul3A_2544 = arith.mulf %mul3A_2543, %add3A_2542 : vector<1x512xf32>
    %swap3A_2545 = arith.constant 1 : index
    %swap3A_2546 = arith.constant 25088 : index
    %swap3A_2547 = vector.load %arg9[%swap3A_2545, %swap3A_2546] : memref<4x32768xf32, #tpu.memory_space<vmem>>, vector<1x512xf32>
    tpu.vector_store %arg9[%swap3A_2545, %swap3A_2546], %mul3A_2544 {strides = array<i32>} : memref<4x32768xf32, #tpu.memory_space<vmem>>, vector<1x512xf32>,
    %max3A_2548 = vector.broadcast %neg3A_137 : vector<128x1xbf16> to vector<128x512xbf16>
    %max3A_2549 = arith.maximumf %mul3A_2525, %max3A_2548 : vector<128x512xbf16>
    %dot_general3A_2550 = arith.constant dense<0.000000e+00> : vector<1x512xf32>
    %dot_general3A_2551 = tpu.matmul %broadcast_in_dim3A_125, %max3A_2549, %dot_general3A_2550 {dimension_numbers = #tpu.dot_dimension_numbers<[1], [0], [0], [1], [0, 0, 1, 1], [], []>, transpose_lhs_hint = false} : vector<1x128xbf16>, vector<128x512xbf16>, vector<1x512xf32> -> vector<1x512xf32>
    %add3A_2552 = vector.broadcast %broadcast_in_dim3A_159 : vector<1x1xf32> to vector<1x512xf32>
    %add3A_2553 = arith.addf %dot_general3A_2551, %add3A_2552 : vector<1x512xf32>
    %mul3A_2554 = vector.broadcast %div3A_103 : f32 to vector<1x512xf32>
    %mul3A_2555 = arith.mulf %mul3A_2554, %add3A_2553 : vector<1x512xf32>
    %swap3A_2556 = arith.constant 2 : index
    %swap3A_2557 = arith.constant 25088 : index
    %swap3A_2558 = vector.load %arg9[%swap3A_2556, %swap3A_2557] : memref<4x32768xf32, #tpu.memory_space<vmem>>, vector<1x512xf32>
    tpu.vector_store %arg9[%swap3A_2556, %swap3A_2557], %mul3A_2555 {strides = array<i32>} : memref<4x32768xf32, #tpu.memory_space<vmem>>, vector<1x512xf32>,
    %max3A_2559 = vector.broadcast %neg3A_141 : vector<128x1xbf16> to vector<128x512xbf16>
    %max3A_2560 = arith.maximumf %mul3A_2525, %max3A_2559 : vector<128x512xbf16>
    %dot_general3A_2561 = arith.constant dense<0.000000e+00> : vector<1x512xf32>
    %dot_general3A_2562 = tpu.matmul %broadcast_in_dim3A_125, %max3A_2560, %dot_general3A_2561 {dimension_numbers = #tpu.dot_dimension_numbers<[1], [0], [0], [1], [0, 0, 1, 1], [], []>, transpose_lhs_hint = false} : vector<1x128xbf16>, vector<128x512xbf16>, vector<1x512xf32> -> vector<1x512xf32>
    %add3A_2563 = vector.broadcast %broadcast_in_dim3A_165 : vector<1x1xf32> to vector<1x512xf32>
    %add3A_2564 = arith.addf %dot_general3A_2562, %add3A_2563 : vector<1x512xf32>
    %mul3A_2565 = vector.broadcast %div3A_124 : f32 to vector<1x512xf32>
    %mul3A_2566 = arith.mulf %mul3A_2565, %add3A_2564 : vector<1x512xf32>
    %swap3A_2567 = arith.constant 3 : index
    %swap3A_2568 = arith.constant 25088 : index
    %swap3A_2569 = vector.load %arg9[%swap3A_2567, %swap3A_2568] : memref<4x32768xf32, #tpu.memory_space<vmem>>, vector<1x512xf32>
    tpu.vector_store %arg9[%swap3A_2567, %swap3A_2568], %mul3A_2566 {strides = array<i32>} : memref<4x32768xf32, #tpu.memory_space<vmem>>, vector<1x512xf32>,
    %slice3A_2570 = vector.extract_strided_slice %convert_element_type3A_171 {offsets = [0, 25600], sizes = [1, 512], strides = [1, 1]} : vector<1x32768xbf16> to vector<1x512xbf16>
    %mul3A_2571 = vector.broadcast %convert_element_type3A : vector<128x1xbf16> to vector<128x512xbf16>
    %mul3A_2572 = vector.broadcast %slice3A_2570 : vector<1x512xbf16> to vector<128x512xbf16>
    %mul3A_2573 = arith.mulf %mul3A_2571, %mul3A_2572 : vector<128x512xbf16>
    %max3A_2574 = vector.broadcast %neg3A_129 : vector<128x1xbf16> to vector<128x512xbf16>
    %max3A_2575 = arith.maximumf %mul3A_2573, %max3A_2574 : vector<128x512xbf16>
    %dot_general3A_2576 = arith.constant dense<0.000000e+00> : vector<1x512xf32>
    %dot_general3A_2577 = tpu.matmul %broadcast_in_dim3A_125, %max3A_2575, %dot_general3A_2576 {dimension_numbers = #tpu.dot_dimension_numbers<[1], [0], [0], [1], [0, 0, 1, 1], [], []>, transpose_lhs_hint = false} : vector<1x128xbf16>, vector<128x512xbf16>, vector<1x512xf32> -> vector<1x512xf32>
    %add3A_2578 = vector.broadcast %broadcast_in_dim3A_147 : vector<1x1xf32> to vector<1x512xf32>
    %add3A_2579 = arith.addf %dot_general3A_2577, %add3A_2578 : vector<1x512xf32>
    %mul3A_2580 = vector.broadcast %div3A_61 : f32 to vector<1x512xf32>
    %mul3A_2581 = arith.mulf %mul3A_2580, %add3A_2579 : vector<1x512xf32>
    %swap3A_2582 = arith.constant 0 : index
    %swap3A_2583 = arith.constant 25600 : index
    %swap3A_2584 = vector.load %arg9[%swap3A_2582, %swap3A_2583] : memref<4x32768xf32, #tpu.memory_space<vmem>>, vector<1x512xf32>
    tpu.vector_store %arg9[%swap3A_2582, %swap3A_2583], %mul3A_2581 {strides = array<i32>} : memref<4x32768xf32, #tpu.memory_space<vmem>>, vector<1x512xf32>,
    %max3A_2585 = vector.broadcast %neg3A_133 : vector<128x1xbf16> to vector<128x512xbf16>
    %max3A_2586 = arith.maximumf %mul3A_2573, %max3A_2585 : vector<128x512xbf16>
    %dot_general3A_2587 = arith.constant dense<0.000000e+00> : vector<1x512xf32>
    %dot_general3A_2588 = tpu.matmul %broadcast_in_dim3A_125, %max3A_2586, %dot_general3A_2587 {dimension_numbers = #tpu.dot_dimension_numbers<[1], [0], [0], [1], [0, 0, 1, 1], [], []>, transpose_lhs_hint = false} : vector<1x128xbf16>, vector<128x512xbf16>, vector<1x512xf32> -> vector<1x512xf32>
    %add3A_2589 = vector.broadcast %broadcast_in_dim3A_153 : vector<1x1xf32> to vector<1x512xf32>
    %add3A_2590 = arith.addf %dot_general3A_2588, %add3A_2589 : vector<1x512xf32>
    %mul3A_2591 = vector.broadcast %div3A_82 : f32 to vector<1x512xf32>
    %mul3A_2592 = arith.mulf %mul3A_2591, %add3A_2590 : vector<1x512xf32>
    %swap3A_2593 = arith.constant 1 : index
    %swap3A_2594 = arith.constant 25600 : index
    %swap3A_2595 = vector.load %arg9[%swap3A_2593, %swap3A_2594] : memref<4x32768xf32, #tpu.memory_space<vmem>>, vector<1x512xf32>
    tpu.vector_store %arg9[%swap3A_2593, %swap3A_2594], %mul3A_2592 {strides = array<i32>} : memref<4x32768xf32, #tpu.memory_space<vmem>>, vector<1x512xf32>,
    %max3A_2596 = vector.broadcast %neg3A_137 : vector<128x1xbf16> to vector<128x512xbf16>
    %max3A_2597 = arith.maximumf %mul3A_2573, %max3A_2596 : vector<128x512xbf16>
    %dot_general3A_2598 = arith.constant dense<0.000000e+00> : vector<1x512xf32>
    %dot_general3A_2599 = tpu.matmul %broadcast_in_dim3A_125, %max3A_2597, %dot_general3A_2598 {dimension_numbers = #tpu.dot_dimension_numbers<[1], [0], [0], [1], [0, 0, 1, 1], [], []>, transpose_lhs_hint = false} : vector<1x128xbf16>, vector<128x512xbf16>, vector<1x512xf32> -> vector<1x512xf32>
    %add3A_2600 = vector.broadcast %broadcast_in_dim3A_159 : vector<1x1xf32> to vector<1x512xf32>
    %add3A_2601 = arith.addf %dot_general3A_2599, %add3A_2600 : vector<1x512xf32>
    %mul3A_2602 = vector.broadcast %div3A_103 : f32 to vector<1x512xf32>
    %mul3A_2603 = arith.mulf %mul3A_2602, %add3A_2601 : vector<1x512xf32>
    %swap3A_2604 = arith.constant 2 : index
    %swap3A_2605 = arith.constant 25600 : index
    %swap3A_2606 = vector.load %arg9[%swap3A_2604, %swap3A_2605] : memref<4x32768xf32, #tpu.memory_space<vmem>>, vector<1x512xf32>
    tpu.vector_store %arg9[%swap3A_2604, %swap3A_2605], %mul3A_2603 {strides = array<i32>} : memref<4x32768xf32, #tpu.memory_space<vmem>>, vector<1x512xf32>,
    %max3A_2607 = vector.broadcast %neg3A_141 : vector<128x1xbf16> to vector<128x512xbf16>
    %max3A_2608 = arith.maximumf %mul3A_2573, %max3A_2607 : vector<128x512xbf16>
    %dot_general3A_2609 = arith.constant dense<0.000000e+00> : vector<1x512xf32>
    %dot_general3A_2610 = tpu.matmul %broadcast_in_dim3A_125, %max3A_2608, %dot_general3A_2609 {dimension_numbers = #tpu.dot_dimension_numbers<[1], [0], [0], [1], [0, 0, 1, 1], [], []>, transpose_lhs_hint = false} : vector<1x128xbf16>, vector<128x512xbf16>, vector<1x512xf32> -> vector<1x512xf32>
    %add3A_2611 = vector.broadcast %broadcast_in_dim3A_165 : vector<1x1xf32> to vector<1x512xf32>
    %add3A_2612 = arith.addf %dot_general3A_2610, %add3A_2611 : vector<1x512xf32>
    %mul3A_2613 = vector.broadcast %div3A_124 : f32 to vector<1x512xf32>
    %mul3A_2614 = arith.mulf %mul3A_2613, %add3A_2612 : vector<1x512xf32>
    %swap3A_2615 = arith.constant 3 : index
    %swap3A_2616 = arith.constant 25600 : index
    %swap3A_2617 = vector.load %arg9[%swap3A_2615, %swap3A_2616] : memref<4x32768xf32, #tpu.memory_space<vmem>>, vector<1x512xf32>
    tpu.vector_store %arg9[%swap3A_2615, %swap3A_2616], %mul3A_2614 {strides = array<i32>} : memref<4x32768xf32, #tpu.memory_space<vmem>>, vector<1x512xf32>,
    %slice3A_2618 = vector.extract_strided_slice %convert_element_type3A_171 {offsets = [0, 26112], sizes = [1, 512], strides = [1, 1]} : vector<1x32768xbf16> to vector<1x512xbf16>
    %mul3A_2619 = vector.broadcast %convert_element_type3A : vector<128x1xbf16> to vector<128x512xbf16>
    %mul3A_2620 = vector.broadcast %slice3A_2618 : vector<1x512xbf16> to vector<128x512xbf16>
    %mul3A_2621 = arith.mulf %mul3A_2619, %mul3A_2620 : vector<128x512xbf16>
    %max3A_2622 = vector.broadcast %neg3A_129 : vector<128x1xbf16> to vector<128x512xbf16>
    %max3A_2623 = arith.maximumf %mul3A_2621, %max3A_2622 : vector<128x512xbf16>
    %dot_general3A_2624 = arith.constant dense<0.000000e+00> : vector<1x512xf32>
    %dot_general3A_2625 = tpu.matmul %broadcast_in_dim3A_125, %max3A_2623, %dot_general3A_2624 {dimension_numbers = #tpu.dot_dimension_numbers<[1], [0], [0], [1], [0, 0, 1, 1], [], []>, transpose_lhs_hint = false} : vector<1x128xbf16>, vector<128x512xbf16>, vector<1x512xf32> -> vector<1x512xf32>
    %add3A_2626 = vector.broadcast %broadcast_in_dim3A_147 : vector<1x1xf32> to vector<1x512xf32>
    %add3A_2627 = arith.addf %dot_general3A_2625, %add3A_2626 : vector<1x512xf32>
    %mul3A_2628 = vector.broadcast %div3A_61 : f32 to vector<1x512xf32>
    %mul3A_2629 = arith.mulf %mul3A_2628, %add3A_2627 : vector<1x512xf32>
    %swap3A_2630 = arith.constant 0 : index
    %swap3A_2631 = arith.constant 26112 : index
    %swap3A_2632 = vector.load %arg9[%swap3A_2630, %swap3A_2631] : memref<4x32768xf32, #tpu.memory_space<vmem>>, vector<1x512xf32>
    tpu.vector_store %arg9[%swap3A_2630, %swap3A_2631], %mul3A_2629 {strides = array<i32>} : memref<4x32768xf32, #tpu.memory_space<vmem>>, vector<1x512xf32>,
    %max3A_2633 = vector.broadcast %neg3A_133 : vector<128x1xbf16> to vector<128x512xbf16>
    %max3A_2634 = arith.maximumf %mul3A_2621, %max3A_2633 : vector<128x512xbf16>
    %dot_general3A_2635 = arith.constant dense<0.000000e+00> : vector<1x512xf32>
    %dot_general3A_2636 = tpu.matmul %broadcast_in_dim3A_125, %max3A_2634, %dot_general3A_2635 {dimension_numbers = #tpu.dot_dimension_numbers<[1], [0], [0], [1], [0, 0, 1, 1], [], []>, transpose_lhs_hint = false} : vector<1x128xbf16>, vector<128x512xbf16>, vector<1x512xf32> -> vector<1x512xf32>
    %add3A_2637 = vector.broadcast %broadcast_in_dim3A_153 : vector<1x1xf32> to vector<1x512xf32>
    %add3A_2638 = arith.addf %dot_general3A_2636, %add3A_2637 : vector<1x512xf32>
    %mul3A_2639 = vector.broadcast %div3A_82 : f32 to vector<1x512xf32>
    %mul3A_2640 = arith.mulf %mul3A_2639, %add3A_2638 : vector<1x512xf32>
    %swap3A_2641 = arith.constant 1 : index
    %swap3A_2642 = arith.constant 26112 : index
    %swap3A_2643 = vector.load %arg9[%swap3A_2641, %swap3A_2642] : memref<4x32768xf32, #tpu.memory_space<vmem>>, vector<1x512xf32>
    tpu.vector_store %arg9[%swap3A_2641, %swap3A_2642], %mul3A_2640 {strides = array<i32>} : memref<4x32768xf32, #tpu.memory_space<vmem>>, vector<1x512xf32>,
    %max3A_2644 = vector.broadcast %neg3A_137 : vector<128x1xbf16> to vector<128x512xbf16>
    %max3A_2645 = arith.maximumf %mul3A_2621, %max3A_2644 : vector<128x512xbf16>
    %dot_general3A_2646 = arith.constant dense<0.000000e+00> : vector<1x512xf32>
    %dot_general3A_2647 = tpu.matmul %broadcast_in_dim3A_125, %max3A_2645, %dot_general3A_2646 {dimension_numbers = #tpu.dot_dimension_numbers<[1], [0], [0], [1], [0, 0, 1, 1], [], []>, transpose_lhs_hint = false} : vector<1x128xbf16>, vector<128x512xbf16>, vector<1x512xf32> -> vector<1x512xf32>
    %add3A_2648 = vector.broadcast %broadcast_in_dim3A_159 : vector<1x1xf32> to vector<1x512xf32>
    %add3A_2649 = arith.addf %dot_general3A_2647, %add3A_2648 : vector<1x512xf32>
    %mul3A_2650 = vector.broadcast %div3A_103 : f32 to vector<1x512xf32>
    %mul3A_2651 = arith.mulf %mul3A_2650, %add3A_2649 : vector<1x512xf32>
    %swap3A_2652 = arith.constant 2 : index
    %swap3A_2653 = arith.constant 26112 : index
    %swap3A_2654 = vector.load %arg9[%swap3A_2652, %swap3A_2653] : memref<4x32768xf32, #tpu.memory_space<vmem>>, vector<1x512xf32>
    tpu.vector_store %arg9[%swap3A_2652, %swap3A_2653], %mul3A_2651 {strides = array<i32>} : memref<4x32768xf32, #tpu.memory_space<vmem>>, vector<1x512xf32>,
    %max3A_2655 = vector.broadcast %neg3A_141 : vector<128x1xbf16> to vector<128x512xbf16>
    %max3A_2656 = arith.maximumf %mul3A_2621, %max3A_2655 : vector<128x512xbf16>
    %dot_general3A_2657 = arith.constant dense<0.000000e+00> : vector<1x512xf32>
    %dot_general3A_2658 = tpu.matmul %broadcast_in_dim3A_125, %max3A_2656, %dot_general3A_2657 {dimension_numbers = #tpu.dot_dimension_numbers<[1], [0], [0], [1], [0, 0, 1, 1], [], []>, transpose_lhs_hint = false} : vector<1x128xbf16>, vector<128x512xbf16>, vector<1x512xf32> -> vector<1x512xf32>
    %add3A_2659 = vector.broadcast %broadcast_in_dim3A_165 : vector<1x1xf32> to vector<1x512xf32>
    %add3A_2660 = arith.addf %dot_general3A_2658, %add3A_2659 : vector<1x512xf32>
    %mul3A_2661 = vector.broadcast %div3A_124 : f32 to vector<1x512xf32>
    %mul3A_2662 = arith.mulf %mul3A_2661, %add3A_2660 : vector<1x512xf32>
    %swap3A_2663 = arith.constant 3 : index
    %swap3A_2664 = arith.constant 26112 : index
    %swap3A_2665 = vector.load %arg9[%swap3A_2663, %swap3A_2664] : memref<4x32768xf32, #tpu.memory_space<vmem>>, vector<1x512xf32>
    tpu.vector_store %arg9[%swap3A_2663, %swap3A_2664], %mul3A_2662 {strides = array<i32>} : memref<4x32768xf32, #tpu.memory_space<vmem>>, vector<1x512xf32>,
    %slice3A_2666 = vector.extract_strided_slice %convert_element_type3A_171 {offsets = [0, 26624], sizes = [1, 512], strides = [1, 1]} : vector<1x32768xbf16> to vector<1x512xbf16>
    %mul3A_2667 = vector.broadcast %convert_element_type3A : vector<128x1xbf16> to vector<128x512xbf16>
    %mul3A_2668 = vector.broadcast %slice3A_2666 : vector<1x512xbf16> to vector<128x512xbf16>
    %mul3A_2669 = arith.mulf %mul3A_2667, %mul3A_2668 : vector<128x512xbf16>
    %max3A_2670 = vector.broadcast %neg3A_129 : vector<128x1xbf16> to vector<128x512xbf16>
    %max3A_2671 = arith.maximumf %mul3A_2669, %max3A_2670 : vector<128x512xbf16>
    %dot_general3A_2672 = arith.constant dense<0.000000e+00> : vector<1x512xf32>
    %dot_general3A_2673 = tpu.matmul %broadcast_in_dim3A_125, %max3A_2671, %dot_general3A_2672 {dimension_numbers = #tpu.dot_dimension_numbers<[1], [0], [0], [1], [0, 0, 1, 1], [], []>, transpose_lhs_hint = false} : vector<1x128xbf16>, vector<128x512xbf16>, vector<1x512xf32> -> vector<1x512xf32>
    %add3A_2674 = vector.broadcast %broadcast_in_dim3A_147 : vector<1x1xf32> to vector<1x512xf32>
    %add3A_2675 = arith.addf %dot_general3A_2673, %add3A_2674 : vector<1x512xf32>
    %mul3A_2676 = vector.broadcast %div3A_61 : f32 to vector<1x512xf32>
    %mul3A_2677 = arith.mulf %mul3A_2676, %add3A_2675 : vector<1x512xf32>
    %swap3A_2678 = arith.constant 0 : index
    %swap3A_2679 = arith.constant 26624 : index
    %swap3A_2680 = vector.load %arg9[%swap3A_2678, %swap3A_2679] : memref<4x32768xf32, #tpu.memory_space<vmem>>, vector<1x512xf32>
    tpu.vector_store %arg9[%swap3A_2678, %swap3A_2679], %mul3A_2677 {strides = array<i32>} : memref<4x32768xf32, #tpu.memory_space<vmem>>, vector<1x512xf32>,
    %max3A_2681 = vector.broadcast %neg3A_133 : vector<128x1xbf16> to vector<128x512xbf16>
    %max3A_2682 = arith.maximumf %mul3A_2669, %max3A_2681 : vector<128x512xbf16>
    %dot_general3A_2683 = arith.constant dense<0.000000e+00> : vector<1x512xf32>
    %dot_general3A_2684 = tpu.matmul %broadcast_in_dim3A_125, %max3A_2682, %dot_general3A_2683 {dimension_numbers = #tpu.dot_dimension_numbers<[1], [0], [0], [1], [0, 0, 1, 1], [], []>, transpose_lhs_hint = false} : vector<1x128xbf16>, vector<128x512xbf16>, vector<1x512xf32> -> vector<1x512xf32>
    %add3A_2685 = vector.broadcast %broadcast_in_dim3A_153 : vector<1x1xf32> to vector<1x512xf32>
    %add3A_2686 = arith.addf %dot_general3A_2684, %add3A_2685 : vector<1x512xf32>
    %mul3A_2687 = vector.broadcast %div3A_82 : f32 to vector<1x512xf32>
    %mul3A_2688 = arith.mulf %mul3A_2687, %add3A_2686 : vector<1x512xf32>
    %swap3A_2689 = arith.constant 1 : index
    %swap3A_2690 = arith.constant 26624 : index
    %swap3A_2691 = vector.load %arg9[%swap3A_2689, %swap3A_2690] : memref<4x32768xf32, #tpu.memory_space<vmem>>, vector<1x512xf32>
    tpu.vector_store %arg9[%swap3A_2689, %swap3A_2690], %mul3A_2688 {strides = array<i32>} : memref<4x32768xf32, #tpu.memory_space<vmem>>, vector<1x512xf32>,
    %max3A_2692 = vector.broadcast %neg3A_137 : vector<128x1xbf16> to vector<128x512xbf16>
    %max3A_2693 = arith.maximumf %mul3A_2669, %max3A_2692 : vector<128x512xbf16>
    %dot_general3A_2694 = arith.constant dense<0.000000e+00> : vector<1x512xf32>
    %dot_general3A_2695 = tpu.matmul %broadcast_in_dim3A_125, %max3A_2693, %dot_general3A_2694 {dimension_numbers = #tpu.dot_dimension_numbers<[1], [0], [0], [1], [0, 0, 1, 1], [], []>, transpose_lhs_hint = false} : vector<1x128xbf16>, vector<128x512xbf16>, vector<1x512xf32> -> vector<1x512xf32>
    %add3A_2696 = vector.broadcast %broadcast_in_dim3A_159 : vector<1x1xf32> to vector<1x512xf32>
    %add3A_2697 = arith.addf %dot_general3A_2695, %add3A_2696 : vector<1x512xf32>
    %mul3A_2698 = vector.broadcast %div3A_103 : f32 to vector<1x512xf32>
    %mul3A_2699 = arith.mulf %mul3A_2698, %add3A_2697 : vector<1x512xf32>
    %swap3A_2700 = arith.constant 2 : index
    %swap3A_2701 = arith.constant 26624 : index
    %swap3A_2702 = vector.load %arg9[%swap3A_2700, %swap3A_2701] : memref<4x32768xf32, #tpu.memory_space<vmem>>, vector<1x512xf32>
    tpu.vector_store %arg9[%swap3A_2700, %swap3A_2701], %mul3A_2699 {strides = array<i32>} : memref<4x32768xf32, #tpu.memory_space<vmem>>, vector<1x512xf32>,
    %max3A_2703 = vector.broadcast %neg3A_141 : vector<128x1xbf16> to vector<128x512xbf16>
    %max3A_2704 = arith.maximumf %mul3A_2669, %max3A_2703 : vector<128x512xbf16>
    %dot_general3A_2705 = arith.constant dense<0.000000e+00> : vector<1x512xf32>
    %dot_general3A_2706 = tpu.matmul %broadcast_in_dim3A_125, %max3A_2704, %dot_general3A_2705 {dimension_numbers = #tpu.dot_dimension_numbers<[1], [0], [0], [1], [0, 0, 1, 1], [], []>, transpose_lhs_hint = false} : vector<1x128xbf16>, vector<128x512xbf16>, vector<1x512xf32> -> vector<1x512xf32>
    %add3A_2707 = vector.broadcast %broadcast_in_dim3A_165 : vector<1x1xf32> to vector<1x512xf32>
    %add3A_2708 = arith.addf %dot_general3A_2706, %add3A_2707 : vector<1x512xf32>
    %mul3A_2709 = vector.broadcast %div3A_124 : f32 to vector<1x512xf32>
    %mul3A_2710 = arith.mulf %mul3A_2709, %add3A_2708 : vector<1x512xf32>
    %swap3A_2711 = arith.constant 3 : index
    %swap3A_2712 = arith.constant 26624 : index
    %swap3A_2713 = vector.load %arg9[%swap3A_2711, %swap3A_2712] : memref<4x32768xf32, #tpu.memory_space<vmem>>, vector<1x512xf32>
    tpu.vector_store %arg9[%swap3A_2711, %swap3A_2712], %mul3A_2710 {strides = array<i32>} : memref<4x32768xf32, #tpu.memory_space<vmem>>, vector<1x512xf32>,
    %slice3A_2714 = vector.extract_strided_slice %convert_element_type3A_171 {offsets = [0, 27136], sizes = [1, 512], strides = [1, 1]} : vector<1x32768xbf16> to vector<1x512xbf16>
    %mul3A_2715 = vector.broadcast %convert_element_type3A : vector<128x1xbf16> to vector<128x512xbf16>
    %mul3A_2716 = vector.broadcast %slice3A_2714 : vector<1x512xbf16> to vector<128x512xbf16>
    %mul3A_2717 = arith.mulf %mul3A_2715, %mul3A_2716 : vector<128x512xbf16>
    %max3A_2718 = vector.broadcast %neg3A_129 : vector<128x1xbf16> to vector<128x512xbf16>
    %max3A_2719 = arith.maximumf %mul3A_2717, %max3A_2718 : vector<128x512xbf16>
    %dot_general3A_2720 = arith.constant dense<0.000000e+00> : vector<1x512xf32>
    %dot_general3A_2721 = tpu.matmul %broadcast_in_dim3A_125, %max3A_2719, %dot_general3A_2720 {dimension_numbers = #tpu.dot_dimension_numbers<[1], [0], [0], [1], [0, 0, 1, 1], [], []>, transpose_lhs_hint = false} : vector<1x128xbf16>, vector<128x512xbf16>, vector<1x512xf32> -> vector<1x512xf32>
    %add3A_2722 = vector.broadcast %broadcast_in_dim3A_147 : vector<1x1xf32> to vector<1x512xf32>
    %add3A_2723 = arith.addf %dot_general3A_2721, %add3A_2722 : vector<1x512xf32>
    %mul3A_2724 = vector.broadcast %div3A_61 : f32 to vector<1x512xf32>
    %mul3A_2725 = arith.mulf %mul3A_2724, %add3A_2723 : vector<1x512xf32>
    %swap3A_2726 = arith.constant 0 : index
    %swap3A_2727 = arith.constant 27136 : index
    %swap3A_2728 = vector.load %arg9[%swap3A_2726, %swap3A_2727] : memref<4x32768xf32, #tpu.memory_space<vmem>>, vector<1x512xf32>
    tpu.vector_store %arg9[%swap3A_2726, %swap3A_2727], %mul3A_2725 {strides = array<i32>} : memref<4x32768xf32, #tpu.memory_space<vmem>>, vector<1x512xf32>,
    %max3A_2729 = vector.broadcast %neg3A_133 : vector<128x1xbf16> to vector<128x512xbf16>
    %max3A_2730 = arith.maximumf %mul3A_2717, %max3A_2729 : vector<128x512xbf16>
    %dot_general3A_2731 = arith.constant dense<0.000000e+00> : vector<1x512xf32>
    %dot_general3A_2732 = tpu.matmul %broadcast_in_dim3A_125, %max3A_2730, %dot_general3A_2731 {dimension_numbers = #tpu.dot_dimension_numbers<[1], [0], [0], [1], [0, 0, 1, 1], [], []>, transpose_lhs_hint = false} : vector<1x128xbf16>, vector<128x512xbf16>, vector<1x512xf32> -> vector<1x512xf32>
    %add3A_2733 = vector.broadcast %broadcast_in_dim3A_153 : vector<1x1xf32> to vector<1x512xf32>
    %add3A_2734 = arith.addf %dot_general3A_2732, %add3A_2733 : vector<1x512xf32>
    %mul3A_2735 = vector.broadcast %div3A_82 : f32 to vector<1x512xf32>
    %mul3A_2736 = arith.mulf %mul3A_2735, %add3A_2734 : vector<1x512xf32>
    %swap3A_2737 = arith.constant 1 : index
    %swap3A_2738 = arith.constant 27136 : index
    %swap3A_2739 = vector.load %arg9[%swap3A_2737, %swap3A_2738] : memref<4x32768xf32, #tpu.memory_space<vmem>>, vector<1x512xf32>
    tpu.vector_store %arg9[%swap3A_2737, %swap3A_2738], %mul3A_2736 {strides = array<i32>} : memref<4x32768xf32, #tpu.memory_space<vmem>>, vector<1x512xf32>,
    %max3A_2740 = vector.broadcast %neg3A_137 : vector<128x1xbf16> to vector<128x512xbf16>
    %max3A_2741 = arith.maximumf %mul3A_2717, %max3A_2740 : vector<128x512xbf16>
    %dot_general3A_2742 = arith.constant dense<0.000000e+00> : vector<1x512xf32>
    %dot_general3A_2743 = tpu.matmul %broadcast_in_dim3A_125, %max3A_2741, %dot_general3A_2742 {dimension_numbers = #tpu.dot_dimension_numbers<[1], [0], [0], [1], [0, 0, 1, 1], [], []>, transpose_lhs_hint = false} : vector<1x128xbf16>, vector<128x512xbf16>, vector<1x512xf32> -> vector<1x512xf32>
    %add3A_2744 = vector.broadcast %broadcast_in_dim3A_159 : vector<1x1xf32> to vector<1x512xf32>
    %add3A_2745 = arith.addf %dot_general3A_2743, %add3A_2744 : vector<1x512xf32>
    %mul3A_2746 = vector.broadcast %div3A_103 : f32 to vector<1x512xf32>
    %mul3A_2747 = arith.mulf %mul3A_2746, %add3A_2745 : vector<1x512xf32>
    %swap3A_2748 = arith.constant 2 : index
    %swap3A_2749 = arith.constant 27136 : index
    %swap3A_2750 = vector.load %arg9[%swap3A_2748, %swap3A_2749] : memref<4x32768xf32, #tpu.memory_space<vmem>>, vector<1x512xf32>
    tpu.vector_store %arg9[%swap3A_2748, %swap3A_2749], %mul3A_2747 {strides = array<i32>} : memref<4x32768xf32, #tpu.memory_space<vmem>>, vector<1x512xf32>,
    %max3A_2751 = vector.broadcast %neg3A_141 : vector<128x1xbf16> to vector<128x512xbf16>
    %max3A_2752 = arith.maximumf %mul3A_2717, %max3A_2751 : vector<128x512xbf16>
    %dot_general3A_2753 = arith.constant dense<0.000000e+00> : vector<1x512xf32>
    %dot_general3A_2754 = tpu.matmul %broadcast_in_dim3A_125, %max3A_2752, %dot_general3A_2753 {dimension_numbers = #tpu.dot_dimension_numbers<[1], [0], [0], [1], [0, 0, 1, 1], [], []>, transpose_lhs_hint = false} : vector<1x128xbf16>, vector<128x512xbf16>, vector<1x512xf32> -> vector<1x512xf32>
    %add3A_2755 = vector.broadcast %broadcast_in_dim3A_165 : vector<1x1xf32> to vector<1x512xf32>
    %add3A_2756 = arith.addf %dot_general3A_2754, %add3A_2755 : vector<1x512xf32>
    %mul3A_2757 = vector.broadcast %div3A_124 : f32 to vector<1x512xf32>
    %mul3A_2758 = arith.mulf %mul3A_2757, %add3A_2756 : vector<1x512xf32>
    %swap3A_2759 = arith.constant 3 : index
    %swap3A_2760 = arith.constant 27136 : index
    %swap3A_2761 = vector.load %arg9[%swap3A_2759, %swap3A_2760] : memref<4x32768xf32, #tpu.memory_space<vmem>>, vector<1x512xf32>
    tpu.vector_store %arg9[%swap3A_2759, %swap3A_2760], %mul3A_2758 {strides = array<i32>} : memref<4x32768xf32, #tpu.memory_space<vmem>>, vector<1x512xf32>,
    %slice3A_2762 = vector.extract_strided_slice %convert_element_type3A_171 {offsets = [0, 27648], sizes = [1, 512], strides = [1, 1]} : vector<1x32768xbf16> to vector<1x512xbf16>
    %mul3A_2763 = vector.broadcast %convert_element_type3A : vector<128x1xbf16> to vector<128x512xbf16>
    %mul3A_2764 = vector.broadcast %slice3A_2762 : vector<1x512xbf16> to vector<128x512xbf16>
    %mul3A_2765 = arith.mulf %mul3A_2763, %mul3A_2764 : vector<128x512xbf16>
    %max3A_2766 = vector.broadcast %neg3A_129 : vector<128x1xbf16> to vector<128x512xbf16>
    %max3A_2767 = arith.maximumf %mul3A_2765, %max3A_2766 : vector<128x512xbf16>
    %dot_general3A_2768 = arith.constant dense<0.000000e+00> : vector<1x512xf32>
    %dot_general3A_2769 = tpu.matmul %broadcast_in_dim3A_125, %max3A_2767, %dot_general3A_2768 {dimension_numbers = #tpu.dot_dimension_numbers<[1], [0], [0], [1], [0, 0, 1, 1], [], []>, transpose_lhs_hint = false} : vector<1x128xbf16>, vector<128x512xbf16>, vector<1x512xf32> -> vector<1x512xf32>
    %add3A_2770 = vector.broadcast %broadcast_in_dim3A_147 : vector<1x1xf32> to vector<1x512xf32>
    %add3A_2771 = arith.addf %dot_general3A_2769, %add3A_2770 : vector<1x512xf32>
    %mul3A_2772 = vector.broadcast %div3A_61 : f32 to vector<1x512xf32>
    %mul3A_2773 = arith.mulf %mul3A_2772, %add3A_2771 : vector<1x512xf32>
    %swap3A_2774 = arith.constant 0 : index
    %swap3A_2775 = arith.constant 27648 : index
    %swap3A_2776 = vector.load %arg9[%swap3A_2774, %swap3A_2775] : memref<4x32768xf32, #tpu.memory_space<vmem>>, vector<1x512xf32>
    tpu.vector_store %arg9[%swap3A_2774, %swap3A_2775], %mul3A_2773 {strides = array<i32>} : memref<4x32768xf32, #tpu.memory_space<vmem>>, vector<1x512xf32>,
    %max3A_2777 = vector.broadcast %neg3A_133 : vector<128x1xbf16> to vector<128x512xbf16>
    %max3A_2778 = arith.maximumf %mul3A_2765, %max3A_2777 : vector<128x512xbf16>
    %dot_general3A_2779 = arith.constant dense<0.000000e+00> : vector<1x512xf32>
    %dot_general3A_2780 = tpu.matmul %broadcast_in_dim3A_125, %max3A_2778, %dot_general3A_2779 {dimension_numbers = #tpu.dot_dimension_numbers<[1], [0], [0], [1], [0, 0, 1, 1], [], []>, transpose_lhs_hint = false} : vector<1x128xbf16>, vector<128x512xbf16>, vector<1x512xf32> -> vector<1x512xf32>
    %add3A_2781 = vector.broadcast %broadcast_in_dim3A_153 : vector<1x1xf32> to vector<1x512xf32>
    %add3A_2782 = arith.addf %dot_general3A_2780, %add3A_2781 : vector<1x512xf32>
    %mul3A_2783 = vector.broadcast %div3A_82 : f32 to vector<1x512xf32>
    %mul3A_2784 = arith.mulf %mul3A_2783, %add3A_2782 : vector<1x512xf32>
    %swap3A_2785 = arith.constant 1 : index
    %swap3A_2786 = arith.constant 27648 : index
    %swap3A_2787 = vector.load %arg9[%swap3A_2785, %swap3A_2786] : memref<4x32768xf32, #tpu.memory_space<vmem>>, vector<1x512xf32>
    tpu.vector_store %arg9[%swap3A_2785, %swap3A_2786], %mul3A_2784 {strides = array<i32>} : memref<4x32768xf32, #tpu.memory_space<vmem>>, vector<1x512xf32>,
    %max3A_2788 = vector.broadcast %neg3A_137 : vector<128x1xbf16> to vector<128x512xbf16>
    %max3A_2789 = arith.maximumf %mul3A_2765, %max3A_2788 : vector<128x512xbf16>
    %dot_general3A_2790 = arith.constant dense<0.000000e+00> : vector<1x512xf32>
    %dot_general3A_2791 = tpu.matmul %broadcast_in_dim3A_125, %max3A_2789, %dot_general3A_2790 {dimension_numbers = #tpu.dot_dimension_numbers<[1], [0], [0], [1], [0, 0, 1, 1], [], []>, transpose_lhs_hint = false} : vector<1x128xbf16>, vector<128x512xbf16>, vector<1x512xf32> -> vector<1x512xf32>
    %add3A_2792 = vector.broadcast %broadcast_in_dim3A_159 : vector<1x1xf32> to vector<1x512xf32>
    %add3A_2793 = arith.addf %dot_general3A_2791, %add3A_2792 : vector<1x512xf32>
    %mul3A_2794 = vector.broadcast %div3A_103 : f32 to vector<1x512xf32>
    %mul3A_2795 = arith.mulf %mul3A_2794, %add3A_2793 : vector<1x512xf32>
    %swap3A_2796 = arith.constant 2 : index
    %swap3A_2797 = arith.constant 27648 : index
    %swap3A_2798 = vector.load %arg9[%swap3A_2796, %swap3A_2797] : memref<4x32768xf32, #tpu.memory_space<vmem>>, vector<1x512xf32>
    tpu.vector_store %arg9[%swap3A_2796, %swap3A_2797], %mul3A_2795 {strides = array<i32>} : memref<4x32768xf32, #tpu.memory_space<vmem>>, vector<1x512xf32>,
    %max3A_2799 = vector.broadcast %neg3A_141 : vector<128x1xbf16> to vector<128x512xbf16>
    %max3A_2800 = arith.maximumf %mul3A_2765, %max3A_2799 : vector<128x512xbf16>
    %dot_general3A_2801 = arith.constant dense<0.000000e+00> : vector<1x512xf32>
    %dot_general3A_2802 = tpu.matmul %broadcast_in_dim3A_125, %max3A_2800, %dot_general3A_2801 {dimension_numbers = #tpu.dot_dimension_numbers<[1], [0], [0], [1], [0, 0, 1, 1], [], []>, transpose_lhs_hint = false} : vector<1x128xbf16>, vector<128x512xbf16>, vector<1x512xf32> -> vector<1x512xf32>
    %add3A_2803 = vector.broadcast %broadcast_in_dim3A_165 : vector<1x1xf32> to vector<1x512xf32>
    %add3A_2804 = arith.addf %dot_general3A_2802, %add3A_2803 : vector<1x512xf32>
    %mul3A_2805 = vector.broadcast %div3A_124 : f32 to vector<1x512xf32>
    %mul3A_2806 = arith.mulf %mul3A_2805, %add3A_2804 : vector<1x512xf32>
    %swap3A_2807 = arith.constant 3 : index
    %swap3A_2808 = arith.constant 27648 : index
    %swap3A_2809 = vector.load %arg9[%swap3A_2807, %swap3A_2808] : memref<4x32768xf32, #tpu.memory_space<vmem>>, vector<1x512xf32>
    tpu.vector_store %arg9[%swap3A_2807, %swap3A_2808], %mul3A_2806 {strides = array<i32>} : memref<4x32768xf32, #tpu.memory_space<vmem>>, vector<1x512xf32>,
    %slice3A_2810 = vector.extract_strided_slice %convert_element_type3A_171 {offsets = [0, 28160], sizes = [1, 512], strides = [1, 1]} : vector<1x32768xbf16> to vector<1x512xbf16>
    %mul3A_2811 = vector.broadcast %convert_element_type3A : vector<128x1xbf16> to vector<128x512xbf16>
    %mul3A_2812 = vector.broadcast %slice3A_2810 : vector<1x512xbf16> to vector<128x512xbf16>
    %mul3A_2813 = arith.mulf %mul3A_2811, %mul3A_2812 : vector<128x512xbf16>
    %max3A_2814 = vector.broadcast %neg3A_129 : vector<128x1xbf16> to vector<128x512xbf16>
    %max3A_2815 = arith.maximumf %mul3A_2813, %max3A_2814 : vector<128x512xbf16>
    %dot_general3A_2816 = arith.constant dense<0.000000e+00> : vector<1x512xf32>
    %dot_general3A_2817 = tpu.matmul %broadcast_in_dim3A_125, %max3A_2815, %dot_general3A_2816 {dimension_numbers = #tpu.dot_dimension_numbers<[1], [0], [0], [1], [0, 0, 1, 1], [], []>, transpose_lhs_hint = false} : vector<1x128xbf16>, vector<128x512xbf16>, vector<1x512xf32> -> vector<1x512xf32>
    %add3A_2818 = vector.broadcast %broadcast_in_dim3A_147 : vector<1x1xf32> to vector<1x512xf32>
    %add3A_2819 = arith.addf %dot_general3A_2817, %add3A_2818 : vector<1x512xf32>
    %mul3A_2820 = vector.broadcast %div3A_61 : f32 to vector<1x512xf32>
    %mul3A_2821 = arith.mulf %mul3A_2820, %add3A_2819 : vector<1x512xf32>
    %swap3A_2822 = arith.constant 0 : index
    %swap3A_2823 = arith.constant 28160 : index
    %swap3A_2824 = vector.load %arg9[%swap3A_2822, %swap3A_2823] : memref<4x32768xf32, #tpu.memory_space<vmem>>, vector<1x512xf32>
    tpu.vector_store %arg9[%swap3A_2822, %swap3A_2823], %mul3A_2821 {strides = array<i32>} : memref<4x32768xf32, #tpu.memory_space<vmem>>, vector<1x512xf32>,
    %max3A_2825 = vector.broadcast %neg3A_133 : vector<128x1xbf16> to vector<128x512xbf16>
    %max3A_2826 = arith.maximumf %mul3A_2813, %max3A_2825 : vector<128x512xbf16>
    %dot_general3A_2827 = arith.constant dense<0.000000e+00> : vector<1x512xf32>
    %dot_general3A_2828 = tpu.matmul %broadcast_in_dim3A_125, %max3A_2826, %dot_general3A_2827 {dimension_numbers = #tpu.dot_dimension_numbers<[1], [0], [0], [1], [0, 0, 1, 1], [], []>, transpose_lhs_hint = false} : vector<1x128xbf16>, vector<128x512xbf16>, vector<1x512xf32> -> vector<1x512xf32>
    %add3A_2829 = vector.broadcast %broadcast_in_dim3A_153 : vector<1x1xf32> to vector<1x512xf32>
    %add3A_2830 = arith.addf %dot_general3A_2828, %add3A_2829 : vector<1x512xf32>
    %mul3A_2831 = vector.broadcast %div3A_82 : f32 to vector<1x512xf32>
    %mul3A_2832 = arith.mulf %mul3A_2831, %add3A_2830 : vector<1x512xf32>
    %swap3A_2833 = arith.constant 1 : index
    %swap3A_2834 = arith.constant 28160 : index
    %swap3A_2835 = vector.load %arg9[%swap3A_2833, %swap3A_2834] : memref<4x32768xf32, #tpu.memory_space<vmem>>, vector<1x512xf32>
    tpu.vector_store %arg9[%swap3A_2833, %swap3A_2834], %mul3A_2832 {strides = array<i32>} : memref<4x32768xf32, #tpu.memory_space<vmem>>, vector<1x512xf32>,
    %max3A_2836 = vector.broadcast %neg3A_137 : vector<128x1xbf16> to vector<128x512xbf16>
    %max3A_2837 = arith.maximumf %mul3A_2813, %max3A_2836 : vector<128x512xbf16>
    %dot_general3A_2838 = arith.constant dense<0.000000e+00> : vector<1x512xf32>
    %dot_general3A_2839 = tpu.matmul %broadcast_in_dim3A_125, %max3A_2837, %dot_general3A_2838 {dimension_numbers = #tpu.dot_dimension_numbers<[1], [0], [0], [1], [0, 0, 1, 1], [], []>, transpose_lhs_hint = false} : vector<1x128xbf16>, vector<128x512xbf16>, vector<1x512xf32> -> vector<1x512xf32>
    %add3A_2840 = vector.broadcast %broadcast_in_dim3A_159 : vector<1x1xf32> to vector<1x512xf32>
    %add3A_2841 = arith.addf %dot_general3A_2839, %add3A_2840 : vector<1x512xf32>
    %mul3A_2842 = vector.broadcast %div3A_103 : f32 to vector<1x512xf32>
    %mul3A_2843 = arith.mulf %mul3A_2842, %add3A_2841 : vector<1x512xf32>
    %swap3A_2844 = arith.constant 2 : index
    %swap3A_2845 = arith.constant 28160 : index
    %swap3A_2846 = vector.load %arg9[%swap3A_2844, %swap3A_2845] : memref<4x32768xf32, #tpu.memory_space<vmem>>, vector<1x512xf32>
    tpu.vector_store %arg9[%swap3A_2844, %swap3A_2845], %mul3A_2843 {strides = array<i32>} : memref<4x32768xf32, #tpu.memory_space<vmem>>, vector<1x512xf32>,
    %max3A_2847 = vector.broadcast %neg3A_141 : vector<128x1xbf16> to vector<128x512xbf16>
    %max3A_2848 = arith.maximumf %mul3A_2813, %max3A_2847 : vector<128x512xbf16>
    %dot_general3A_2849 = arith.constant dense<0.000000e+00> : vector<1x512xf32>
    %dot_general3A_2850 = tpu.matmul %broadcast_in_dim3A_125, %max3A_2848, %dot_general3A_2849 {dimension_numbers = #tpu.dot_dimension_numbers<[1], [0], [0], [1], [0, 0, 1, 1], [], []>, transpose_lhs_hint = false} : vector<1x128xbf16>, vector<128x512xbf16>, vector<1x512xf32> -> vector<1x512xf32>
    %add3A_2851 = vector.broadcast %broadcast_in_dim3A_165 : vector<1x1xf32> to vector<1x512xf32>
    %add3A_2852 = arith.addf %dot_general3A_2850, %add3A_2851 : vector<1x512xf32>
    %mul3A_2853 = vector.broadcast %div3A_124 : f32 to vector<1x512xf32>
    %mul3A_2854 = arith.mulf %mul3A_2853, %add3A_2852 : vector<1x512xf32>
    %swap3A_2855 = arith.constant 3 : index
    %swap3A_2856 = arith.constant 28160 : index
    %swap3A_2857 = vector.load %arg9[%swap3A_2855, %swap3A_2856] : memref<4x32768xf32, #tpu.memory_space<vmem>>, vector<1x512xf32>
    tpu.vector_store %arg9[%swap3A_2855, %swap3A_2856], %mul3A_2854 {strides = array<i32>} : memref<4x32768xf32, #tpu.memory_space<vmem>>, vector<1x512xf32>,
    %slice3A_2858 = vector.extract_strided_slice %convert_element_type3A_171 {offsets = [0, 28672], sizes = [1, 512], strides = [1, 1]} : vector<1x32768xbf16> to vector<1x512xbf16>
    %mul3A_2859 = vector.broadcast %convert_element_type3A : vector<128x1xbf16> to vector<128x512xbf16>
    %mul3A_2860 = vector.broadcast %slice3A_2858 : vector<1x512xbf16> to vector<128x512xbf16>
    %mul3A_2861 = arith.mulf %mul3A_2859, %mul3A_2860 : vector<128x512xbf16>
    %max3A_2862 = vector.broadcast %neg3A_129 : vector<128x1xbf16> to vector<128x512xbf16>
    %max3A_2863 = arith.maximumf %mul3A_2861, %max3A_2862 : vector<128x512xbf16>
    %dot_general3A_2864 = arith.constant dense<0.000000e+00> : vector<1x512xf32>
    %dot_general3A_2865 = tpu.matmul %broadcast_in_dim3A_125, %max3A_2863, %dot_general3A_2864 {dimension_numbers = #tpu.dot_dimension_numbers<[1], [0], [0], [1], [0, 0, 1, 1], [], []>, transpose_lhs_hint = false} : vector<1x128xbf16>, vector<128x512xbf16>, vector<1x512xf32> -> vector<1x512xf32>
    %add3A_2866 = vector.broadcast %broadcast_in_dim3A_147 : vector<1x1xf32> to vector<1x512xf32>
    %add3A_2867 = arith.addf %dot_general3A_2865, %add3A_2866 : vector<1x512xf32>
    %mul3A_2868 = vector.broadcast %div3A_61 : f32 to vector<1x512xf32>
    %mul3A_2869 = arith.mulf %mul3A_2868, %add3A_2867 : vector<1x512xf32>
    %swap3A_2870 = arith.constant 0 : index
    %swap3A_2871 = arith.constant 28672 : index
    %swap3A_2872 = vector.load %arg9[%swap3A_2870, %swap3A_2871] : memref<4x32768xf32, #tpu.memory_space<vmem>>, vector<1x512xf32>
    tpu.vector_store %arg9[%swap3A_2870, %swap3A_2871], %mul3A_2869 {strides = array<i32>} : memref<4x32768xf32, #tpu.memory_space<vmem>>, vector<1x512xf32>,
    %max3A_2873 = vector.broadcast %neg3A_133 : vector<128x1xbf16> to vector<128x512xbf16>
    %max3A_2874 = arith.maximumf %mul3A_2861, %max3A_2873 : vector<128x512xbf16>
    %dot_general3A_2875 = arith.constant dense<0.000000e+00> : vector<1x512xf32>
    %dot_general3A_2876 = tpu.matmul %broadcast_in_dim3A_125, %max3A_2874, %dot_general3A_2875 {dimension_numbers = #tpu.dot_dimension_numbers<[1], [0], [0], [1], [0, 0, 1, 1], [], []>, transpose_lhs_hint = false} : vector<1x128xbf16>, vector<128x512xbf16>, vector<1x512xf32> -> vector<1x512xf32>
    %add3A_2877 = vector.broadcast %broadcast_in_dim3A_153 : vector<1x1xf32> to vector<1x512xf32>
    %add3A_2878 = arith.addf %dot_general3A_2876, %add3A_2877 : vector<1x512xf32>
    %mul3A_2879 = vector.broadcast %div3A_82 : f32 to vector<1x512xf32>
    %mul3A_2880 = arith.mulf %mul3A_2879, %add3A_2878 : vector<1x512xf32>
    %swap3A_2881 = arith.constant 1 : index
    %swap3A_2882 = arith.constant 28672 : index
    %swap3A_2883 = vector.load %arg9[%swap3A_2881, %swap3A_2882] : memref<4x32768xf32, #tpu.memory_space<vmem>>, vector<1x512xf32>
    tpu.vector_store %arg9[%swap3A_2881, %swap3A_2882], %mul3A_2880 {strides = array<i32>} : memref<4x32768xf32, #tpu.memory_space<vmem>>, vector<1x512xf32>,
    %max3A_2884 = vector.broadcast %neg3A_137 : vector<128x1xbf16> to vector<128x512xbf16>
    %max3A_2885 = arith.maximumf %mul3A_2861, %max3A_2884 : vector<128x512xbf16>
    %dot_general3A_2886 = arith.constant dense<0.000000e+00> : vector<1x512xf32>
    %dot_general3A_2887 = tpu.matmul %broadcast_in_dim3A_125, %max3A_2885, %dot_general3A_2886 {dimension_numbers = #tpu.dot_dimension_numbers<[1], [0], [0], [1], [0, 0, 1, 1], [], []>, transpose_lhs_hint = false} : vector<1x128xbf16>, vector<128x512xbf16>, vector<1x512xf32> -> vector<1x512xf32>
    %add3A_2888 = vector.broadcast %broadcast_in_dim3A_159 : vector<1x1xf32> to vector<1x512xf32>
    %add3A_2889 = arith.addf %dot_general3A_2887, %add3A_2888 : vector<1x512xf32>
    %mul3A_2890 = vector.broadcast %div3A_103 : f32 to vector<1x512xf32>
    %mul3A_2891 = arith.mulf %mul3A_2890, %add3A_2889 : vector<1x512xf32>
    %swap3A_2892 = arith.constant 2 : index
    %swap3A_2893 = arith.constant 28672 : index
    %swap3A_2894 = vector.load %arg9[%swap3A_2892, %swap3A_2893] : memref<4x32768xf32, #tpu.memory_space<vmem>>, vector<1x512xf32>
    tpu.vector_store %arg9[%swap3A_2892, %swap3A_2893], %mul3A_2891 {strides = array<i32>} : memref<4x32768xf32, #tpu.memory_space<vmem>>, vector<1x512xf32>,
    %max3A_2895 = vector.broadcast %neg3A_141 : vector<128x1xbf16> to vector<128x512xbf16>
    %max3A_2896 = arith.maximumf %mul3A_2861, %max3A_2895 : vector<128x512xbf16>
    %dot_general3A_2897 = arith.constant dense<0.000000e+00> : vector<1x512xf32>
    %dot_general3A_2898 = tpu.matmul %broadcast_in_dim3A_125, %max3A_2896, %dot_general3A_2897 {dimension_numbers = #tpu.dot_dimension_numbers<[1], [0], [0], [1], [0, 0, 1, 1], [], []>, transpose_lhs_hint = false} : vector<1x128xbf16>, vector<128x512xbf16>, vector<1x512xf32> -> vector<1x512xf32>
    %add3A_2899 = vector.broadcast %broadcast_in_dim3A_165 : vector<1x1xf32> to vector<1x512xf32>
    %add3A_2900 = arith.addf %dot_general3A_2898, %add3A_2899 : vector<1x512xf32>
    %mul3A_2901 = vector.broadcast %div3A_124 : f32 to vector<1x512xf32>
    %mul3A_2902 = arith.mulf %mul3A_2901, %add3A_2900 : vector<1x512xf32>
    %swap3A_2903 = arith.constant 3 : index
    %swap3A_2904 = arith.constant 28672 : index
    %swap3A_2905 = vector.load %arg9[%swap3A_2903, %swap3A_2904] : memref<4x32768xf32, #tpu.memory_space<vmem>>, vector<1x512xf32>
    tpu.vector_store %arg9[%swap3A_2903, %swap3A_2904], %mul3A_2902 {strides = array<i32>} : memref<4x32768xf32, #tpu.memory_space<vmem>>, vector<1x512xf32>,
    %slice3A_2906 = vector.extract_strided_slice %convert_element_type3A_171 {offsets = [0, 29184], sizes = [1, 512], strides = [1, 1]} : vector<1x32768xbf16> to vector<1x512xbf16>
    %mul3A_2907 = vector.broadcast %convert_element_type3A : vector<128x1xbf16> to vector<128x512xbf16>
    %mul3A_2908 = vector.broadcast %slice3A_2906 : vector<1x512xbf16> to vector<128x512xbf16>
    %mul3A_2909 = arith.mulf %mul3A_2907, %mul3A_2908 : vector<128x512xbf16>
    %max3A_2910 = vector.broadcast %neg3A_129 : vector<128x1xbf16> to vector<128x512xbf16>
    %max3A_2911 = arith.maximumf %mul3A_2909, %max3A_2910 : vector<128x512xbf16>
    %dot_general3A_2912 = arith.constant dense<0.000000e+00> : vector<1x512xf32>
    %dot_general3A_2913 = tpu.matmul %broadcast_in_dim3A_125, %max3A_2911, %dot_general3A_2912 {dimension_numbers = #tpu.dot_dimension_numbers<[1], [0], [0], [1], [0, 0, 1, 1], [], []>, transpose_lhs_hint = false} : vector<1x128xbf16>, vector<128x512xbf16>, vector<1x512xf32> -> vector<1x512xf32>
    %add3A_2914 = vector.broadcast %broadcast_in_dim3A_147 : vector<1x1xf32> to vector<1x512xf32>
    %add3A_2915 = arith.addf %dot_general3A_2913, %add3A_2914 : vector<1x512xf32>
    %mul3A_2916 = vector.broadcast %div3A_61 : f32 to vector<1x512xf32>
    %mul3A_2917 = arith.mulf %mul3A_2916, %add3A_2915 : vector<1x512xf32>
    %swap3A_2918 = arith.constant 0 : index
    %swap3A_2919 = arith.constant 29184 : index
    %swap3A_2920 = vector.load %arg9[%swap3A_2918, %swap3A_2919] : memref<4x32768xf32, #tpu.memory_space<vmem>>, vector<1x512xf32>
    tpu.vector_store %arg9[%swap3A_2918, %swap3A_2919], %mul3A_2917 {strides = array<i32>} : memref<4x32768xf32, #tpu.memory_space<vmem>>, vector<1x512xf32>,
    %max3A_2921 = vector.broadcast %neg3A_133 : vector<128x1xbf16> to vector<128x512xbf16>
    %max3A_2922 = arith.maximumf %mul3A_2909, %max3A_2921 : vector<128x512xbf16>
    %dot_general3A_2923 = arith.constant dense<0.000000e+00> : vector<1x512xf32>
    %dot_general3A_2924 = tpu.matmul %broadcast_in_dim3A_125, %max3A_2922, %dot_general3A_2923 {dimension_numbers = #tpu.dot_dimension_numbers<[1], [0], [0], [1], [0, 0, 1, 1], [], []>, transpose_lhs_hint = false} : vector<1x128xbf16>, vector<128x512xbf16>, vector<1x512xf32> -> vector<1x512xf32>
    %add3A_2925 = vector.broadcast %broadcast_in_dim3A_153 : vector<1x1xf32> to vector<1x512xf32>
    %add3A_2926 = arith.addf %dot_general3A_2924, %add3A_2925 : vector<1x512xf32>
    %mul3A_2927 = vector.broadcast %div3A_82 : f32 to vector<1x512xf32>
    %mul3A_2928 = arith.mulf %mul3A_2927, %add3A_2926 : vector<1x512xf32>
    %swap3A_2929 = arith.constant 1 : index
    %swap3A_2930 = arith.constant 29184 : index
    %swap3A_2931 = vector.load %arg9[%swap3A_2929, %swap3A_2930] : memref<4x32768xf32, #tpu.memory_space<vmem>>, vector<1x512xf32>
    tpu.vector_store %arg9[%swap3A_2929, %swap3A_2930], %mul3A_2928 {strides = array<i32>} : memref<4x32768xf32, #tpu.memory_space<vmem>>, vector<1x512xf32>,
    %max3A_2932 = vector.broadcast %neg3A_137 : vector<128x1xbf16> to vector<128x512xbf16>
    %max3A_2933 = arith.maximumf %mul3A_2909, %max3A_2932 : vector<128x512xbf16>
    %dot_general3A_2934 = arith.constant dense<0.000000e+00> : vector<1x512xf32>
    %dot_general3A_2935 = tpu.matmul %broadcast_in_dim3A_125, %max3A_2933, %dot_general3A_2934 {dimension_numbers = #tpu.dot_dimension_numbers<[1], [0], [0], [1], [0, 0, 1, 1], [], []>, transpose_lhs_hint = false} : vector<1x128xbf16>, vector<128x512xbf16>, vector<1x512xf32> -> vector<1x512xf32>
    %add3A_2936 = vector.broadcast %broadcast_in_dim3A_159 : vector<1x1xf32> to vector<1x512xf32>
    %add3A_2937 = arith.addf %dot_general3A_2935, %add3A_2936 : vector<1x512xf32>
    %mul3A_2938 = vector.broadcast %div3A_103 : f32 to vector<1x512xf32>
    %mul3A_2939 = arith.mulf %mul3A_2938, %add3A_2937 : vector<1x512xf32>
    %swap3A_2940 = arith.constant 2 : index
    %swap3A_2941 = arith.constant 29184 : index
    %swap3A_2942 = vector.load %arg9[%swap3A_2940, %swap3A_2941] : memref<4x32768xf32, #tpu.memory_space<vmem>>, vector<1x512xf32>
    tpu.vector_store %arg9[%swap3A_2940, %swap3A_2941], %mul3A_2939 {strides = array<i32>} : memref<4x32768xf32, #tpu.memory_space<vmem>>, vector<1x512xf32>,
    %max3A_2943 = vector.broadcast %neg3A_141 : vector<128x1xbf16> to vector<128x512xbf16>
    %max3A_2944 = arith.maximumf %mul3A_2909, %max3A_2943 : vector<128x512xbf16>
    %dot_general3A_2945 = arith.constant dense<0.000000e+00> : vector<1x512xf32>
    %dot_general3A_2946 = tpu.matmul %broadcast_in_dim3A_125, %max3A_2944, %dot_general3A_2945 {dimension_numbers = #tpu.dot_dimension_numbers<[1], [0], [0], [1], [0, 0, 1, 1], [], []>, transpose_lhs_hint = false} : vector<1x128xbf16>, vector<128x512xbf16>, vector<1x512xf32> -> vector<1x512xf32>
    %add3A_2947 = vector.broadcast %broadcast_in_dim3A_165 : vector<1x1xf32> to vector<1x512xf32>
    %add3A_2948 = arith.addf %dot_general3A_2946, %add3A_2947 : vector<1x512xf32>
    %mul3A_2949 = vector.broadcast %div3A_124 : f32 to vector<1x512xf32>
    %mul3A_2950 = arith.mulf %mul3A_2949, %add3A_2948 : vector<1x512xf32>
    %swap3A_2951 = arith.constant 3 : index
    %swap3A_2952 = arith.constant 29184 : index
    %swap3A_2953 = vector.load %arg9[%swap3A_2951, %swap3A_2952] : memref<4x32768xf32, #tpu.memory_space<vmem>>, vector<1x512xf32>
    tpu.vector_store %arg9[%swap3A_2951, %swap3A_2952], %mul3A_2950 {strides = array<i32>} : memref<4x32768xf32, #tpu.memory_space<vmem>>, vector<1x512xf32>,
    %slice3A_2954 = vector.extract_strided_slice %convert_element_type3A_171 {offsets = [0, 29696], sizes = [1, 512], strides = [1, 1]} : vector<1x32768xbf16> to vector<1x512xbf16>
    %mul3A_2955 = vector.broadcast %convert_element_type3A : vector<128x1xbf16> to vector<128x512xbf16>
    %mul3A_2956 = vector.broadcast %slice3A_2954 : vector<1x512xbf16> to vector<128x512xbf16>
    %mul3A_2957 = arith.mulf %mul3A_2955, %mul3A_2956 : vector<128x512xbf16>
    %max3A_2958 = vector.broadcast %neg3A_129 : vector<128x1xbf16> to vector<128x512xbf16>
    %max3A_2959 = arith.maximumf %mul3A_2957, %max3A_2958 : vector<128x512xbf16>
    %dot_general3A_2960 = arith.constant dense<0.000000e+00> : vector<1x512xf32>
    %dot_general3A_2961 = tpu.matmul %broadcast_in_dim3A_125, %max3A_2959, %dot_general3A_2960 {dimension_numbers = #tpu.dot_dimension_numbers<[1], [0], [0], [1], [0, 0, 1, 1], [], []>, transpose_lhs_hint = false} : vector<1x128xbf16>, vector<128x512xbf16>, vector<1x512xf32> -> vector<1x512xf32>
    %add3A_2962 = vector.broadcast %broadcast_in_dim3A_147 : vector<1x1xf32> to vector<1x512xf32>
    %add3A_2963 = arith.addf %dot_general3A_2961, %add3A_2962 : vector<1x512xf32>
    %mul3A_2964 = vector.broadcast %div3A_61 : f32 to vector<1x512xf32>
    %mul3A_2965 = arith.mulf %mul3A_2964, %add3A_2963 : vector<1x512xf32>
    %swap3A_2966 = arith.constant 0 : index
    %swap3A_2967 = arith.constant 29696 : index
    %swap3A_2968 = vector.load %arg9[%swap3A_2966, %swap3A_2967] : memref<4x32768xf32, #tpu.memory_space<vmem>>, vector<1x512xf32>
    tpu.vector_store %arg9[%swap3A_2966, %swap3A_2967], %mul3A_2965 {strides = array<i32>} : memref<4x32768xf32, #tpu.memory_space<vmem>>, vector<1x512xf32>,
    %max3A_2969 = vector.broadcast %neg3A_133 : vector<128x1xbf16> to vector<128x512xbf16>
    %max3A_2970 = arith.maximumf %mul3A_2957, %max3A_2969 : vector<128x512xbf16>
    %dot_general3A_2971 = arith.constant dense<0.000000e+00> : vector<1x512xf32>
    %dot_general3A_2972 = tpu.matmul %broadcast_in_dim3A_125, %max3A_2970, %dot_general3A_2971 {dimension_numbers = #tpu.dot_dimension_numbers<[1], [0], [0], [1], [0, 0, 1, 1], [], []>, transpose_lhs_hint = false} : vector<1x128xbf16>, vector<128x512xbf16>, vector<1x512xf32> -> vector<1x512xf32>
    %add3A_2973 = vector.broadcast %broadcast_in_dim3A_153 : vector<1x1xf32> to vector<1x512xf32>
    %add3A_2974 = arith.addf %dot_general3A_2972, %add3A_2973 : vector<1x512xf32>
    %mul3A_2975 = vector.broadcast %div3A_82 : f32 to vector<1x512xf32>
    %mul3A_2976 = arith.mulf %mul3A_2975, %add3A_2974 : vector<1x512xf32>
    %swap3A_2977 = arith.constant 1 : index
    %swap3A_2978 = arith.constant 29696 : index
    %swap3A_2979 = vector.load %arg9[%swap3A_2977, %swap3A_2978] : memref<4x32768xf32, #tpu.memory_space<vmem>>, vector<1x512xf32>
    tpu.vector_store %arg9[%swap3A_2977, %swap3A_2978], %mul3A_2976 {strides = array<i32>} : memref<4x32768xf32, #tpu.memory_space<vmem>>, vector<1x512xf32>,
    %max3A_2980 = vector.broadcast %neg3A_137 : vector<128x1xbf16> to vector<128x512xbf16>
    %max3A_2981 = arith.maximumf %mul3A_2957, %max3A_2980 : vector<128x512xbf16>
    %dot_general3A_2982 = arith.constant dense<0.000000e+00> : vector<1x512xf32>
    %dot_general3A_2983 = tpu.matmul %broadcast_in_dim3A_125, %max3A_2981, %dot_general3A_2982 {dimension_numbers = #tpu.dot_dimension_numbers<[1], [0], [0], [1], [0, 0, 1, 1], [], []>, transpose_lhs_hint = false} : vector<1x128xbf16>, vector<128x512xbf16>, vector<1x512xf32> -> vector<1x512xf32>
    %add3A_2984 = vector.broadcast %broadcast_in_dim3A_159 : vector<1x1xf32> to vector<1x512xf32>
    %add3A_2985 = arith.addf %dot_general3A_2983, %add3A_2984 : vector<1x512xf32>
    %mul3A_2986 = vector.broadcast %div3A_103 : f32 to vector<1x512xf32>
    %mul3A_2987 = arith.mulf %mul3A_2986, %add3A_2985 : vector<1x512xf32>
    %swap3A_2988 = arith.constant 2 : index
    %swap3A_2989 = arith.constant 29696 : index
    %swap3A_2990 = vector.load %arg9[%swap3A_2988, %swap3A_2989] : memref<4x32768xf32, #tpu.memory_space<vmem>>, vector<1x512xf32>
    tpu.vector_store %arg9[%swap3A_2988, %swap3A_2989], %mul3A_2987 {strides = array<i32>} : memref<4x32768xf32, #tpu.memory_space<vmem>>, vector<1x512xf32>,
    %max3A_2991 = vector.broadcast %neg3A_141 : vector<128x1xbf16> to vector<128x512xbf16>
    %max3A_2992 = arith.maximumf %mul3A_2957, %max3A_2991 : vector<128x512xbf16>
    %dot_general3A_2993 = arith.constant dense<0.000000e+00> : vector<1x512xf32>
    %dot_general3A_2994 = tpu.matmul %broadcast_in_dim3A_125, %max3A_2992, %dot_general3A_2993 {dimension_numbers = #tpu.dot_dimension_numbers<[1], [0], [0], [1], [0, 0, 1, 1], [], []>, transpose_lhs_hint = false} : vector<1x128xbf16>, vector<128x512xbf16>, vector<1x512xf32> -> vector<1x512xf32>
    %add3A_2995 = vector.broadcast %broadcast_in_dim3A_165 : vector<1x1xf32> to vector<1x512xf32>
    %add3A_2996 = arith.addf %dot_general3A_2994, %add3A_2995 : vector<1x512xf32>
    %mul3A_2997 = vector.broadcast %div3A_124 : f32 to vector<1x512xf32>
    %mul3A_2998 = arith.mulf %mul3A_2997, %add3A_2996 : vector<1x512xf32>
    %swap3A_2999 = arith.constant 3 : index
    %swap3A_3000 = arith.constant 29696 : index
    %swap3A_3001 = vector.load %arg9[%swap3A_2999, %swap3A_3000] : memref<4x32768xf32, #tpu.memory_space<vmem>>, vector<1x512xf32>
    tpu.vector_store %arg9[%swap3A_2999, %swap3A_3000], %mul3A_2998 {strides = array<i32>} : memref<4x32768xf32, #tpu.memory_space<vmem>>, vector<1x512xf32>,
    %slice3A_3002 = vector.extract_strided_slice %convert_element_type3A_171 {offsets = [0, 30208], sizes = [1, 512], strides = [1, 1]} : vector<1x32768xbf16> to vector<1x512xbf16>
    %mul3A_3003 = vector.broadcast %convert_element_type3A : vector<128x1xbf16> to vector<128x512xbf16>
    %mul3A_3004 = vector.broadcast %slice3A_3002 : vector<1x512xbf16> to vector<128x512xbf16>
    %mul3A_3005 = arith.mulf %mul3A_3003, %mul3A_3004 : vector<128x512xbf16>
    %max3A_3006 = vector.broadcast %neg3A_129 : vector<128x1xbf16> to vector<128x512xbf16>
    %max3A_3007 = arith.maximumf %mul3A_3005, %max3A_3006 : vector<128x512xbf16>
    %dot_general3A_3008 = arith.constant dense<0.000000e+00> : vector<1x512xf32>
    %dot_general3A_3009 = tpu.matmul %broadcast_in_dim3A_125, %max3A_3007, %dot_general3A_3008 {dimension_numbers = #tpu.dot_dimension_numbers<[1], [0], [0], [1], [0, 0, 1, 1], [], []>, transpose_lhs_hint = false} : vector<1x128xbf16>, vector<128x512xbf16>, vector<1x512xf32> -> vector<1x512xf32>
    %add3A_3010 = vector.broadcast %broadcast_in_dim3A_147 : vector<1x1xf32> to vector<1x512xf32>
    %add3A_3011 = arith.addf %dot_general3A_3009, %add3A_3010 : vector<1x512xf32>
    %mul3A_3012 = vector.broadcast %div3A_61 : f32 to vector<1x512xf32>
    %mul3A_3013 = arith.mulf %mul3A_3012, %add3A_3011 : vector<1x512xf32>
    %swap3A_3014 = arith.constant 0 : index
    %swap3A_3015 = arith.constant 30208 : index
    %swap3A_3016 = vector.load %arg9[%swap3A_3014, %swap3A_3015] : memref<4x32768xf32, #tpu.memory_space<vmem>>, vector<1x512xf32>
    tpu.vector_store %arg9[%swap3A_3014, %swap3A_3015], %mul3A_3013 {strides = array<i32>} : memref<4x32768xf32, #tpu.memory_space<vmem>>, vector<1x512xf32>,
    %max3A_3017 = vector.broadcast %neg3A_133 : vector<128x1xbf16> to vector<128x512xbf16>
    %max3A_3018 = arith.maximumf %mul3A_3005, %max3A_3017 : vector<128x512xbf16>
    %dot_general3A_3019 = arith.constant dense<0.000000e+00> : vector<1x512xf32>
    %dot_general3A_3020 = tpu.matmul %broadcast_in_dim3A_125, %max3A_3018, %dot_general3A_3019 {dimension_numbers = #tpu.dot_dimension_numbers<[1], [0], [0], [1], [0, 0, 1, 1], [], []>, transpose_lhs_hint = false} : vector<1x128xbf16>, vector<128x512xbf16>, vector<1x512xf32> -> vector<1x512xf32>
    %add3A_3021 = vector.broadcast %broadcast_in_dim3A_153 : vector<1x1xf32> to vector<1x512xf32>
    %add3A_3022 = arith.addf %dot_general3A_3020, %add3A_3021 : vector<1x512xf32>
    %mul3A_3023 = vector.broadcast %div3A_82 : f32 to vector<1x512xf32>
    %mul3A_3024 = arith.mulf %mul3A_3023, %add3A_3022 : vector<1x512xf32>
    %swap3A_3025 = arith.constant 1 : index
    %swap3A_3026 = arith.constant 30208 : index
    %swap3A_3027 = vector.load %arg9[%swap3A_3025, %swap3A_3026] : memref<4x32768xf32, #tpu.memory_space<vmem>>, vector<1x512xf32>
    tpu.vector_store %arg9[%swap3A_3025, %swap3A_3026], %mul3A_3024 {strides = array<i32>} : memref<4x32768xf32, #tpu.memory_space<vmem>>, vector<1x512xf32>,
    %max3A_3028 = vector.broadcast %neg3A_137 : vector<128x1xbf16> to vector<128x512xbf16>
    %max3A_3029 = arith.maximumf %mul3A_3005, %max3A_3028 : vector<128x512xbf16>
    %dot_general3A_3030 = arith.constant dense<0.000000e+00> : vector<1x512xf32>
    %dot_general3A_3031 = tpu.matmul %broadcast_in_dim3A_125, %max3A_3029, %dot_general3A_3030 {dimension_numbers = #tpu.dot_dimension_numbers<[1], [0], [0], [1], [0, 0, 1, 1], [], []>, transpose_lhs_hint = false} : vector<1x128xbf16>, vector<128x512xbf16>, vector<1x512xf32> -> vector<1x512xf32>
    %add3A_3032 = vector.broadcast %broadcast_in_dim3A_159 : vector<1x1xf32> to vector<1x512xf32>
    %add3A_3033 = arith.addf %dot_general3A_3031, %add3A_3032 : vector<1x512xf32>
    %mul3A_3034 = vector.broadcast %div3A_103 : f32 to vector<1x512xf32>
    %mul3A_3035 = arith.mulf %mul3A_3034, %add3A_3033 : vector<1x512xf32>
    %swap3A_3036 = arith.constant 2 : index
    %swap3A_3037 = arith.constant 30208 : index
    %swap3A_3038 = vector.load %arg9[%swap3A_3036, %swap3A_3037] : memref<4x32768xf32, #tpu.memory_space<vmem>>, vector<1x512xf32>
    tpu.vector_store %arg9[%swap3A_3036, %swap3A_3037], %mul3A_3035 {strides = array<i32>} : memref<4x32768xf32, #tpu.memory_space<vmem>>, vector<1x512xf32>,
    %max3A_3039 = vector.broadcast %neg3A_141 : vector<128x1xbf16> to vector<128x512xbf16>
    %max3A_3040 = arith.maximumf %mul3A_3005, %max3A_3039 : vector<128x512xbf16>
    %dot_general3A_3041 = arith.constant dense<0.000000e+00> : vector<1x512xf32>
    %dot_general3A_3042 = tpu.matmul %broadcast_in_dim3A_125, %max3A_3040, %dot_general3A_3041 {dimension_numbers = #tpu.dot_dimension_numbers<[1], [0], [0], [1], [0, 0, 1, 1], [], []>, transpose_lhs_hint = false} : vector<1x128xbf16>, vector<128x512xbf16>, vector<1x512xf32> -> vector<1x512xf32>
    %add3A_3043 = vector.broadcast %broadcast_in_dim3A_165 : vector<1x1xf32> to vector<1x512xf32>
    %add3A_3044 = arith.addf %dot_general3A_3042, %add3A_3043 : vector<1x512xf32>
    %mul3A_3045 = vector.broadcast %div3A_124 : f32 to vector<1x512xf32>
    %mul3A_3046 = arith.mulf %mul3A_3045, %add3A_3044 : vector<1x512xf32>
    %swap3A_3047 = arith.constant 3 : index
    %swap3A_3048 = arith.constant 30208 : index
    %swap3A_3049 = vector.load %arg9[%swap3A_3047, %swap3A_3048] : memref<4x32768xf32, #tpu.memory_space<vmem>>, vector<1x512xf32>
    tpu.vector_store %arg9[%swap3A_3047, %swap3A_3048], %mul3A_3046 {strides = array<i32>} : memref<4x32768xf32, #tpu.memory_space<vmem>>, vector<1x512xf32>,
    %slice3A_3050 = vector.extract_strided_slice %convert_element_type3A_171 {offsets = [0, 30720], sizes = [1, 512], strides = [1, 1]} : vector<1x32768xbf16> to vector<1x512xbf16>
    %mul3A_3051 = vector.broadcast %convert_element_type3A : vector<128x1xbf16> to vector<128x512xbf16>
    %mul3A_3052 = vector.broadcast %slice3A_3050 : vector<1x512xbf16> to vector<128x512xbf16>
    %mul3A_3053 = arith.mulf %mul3A_3051, %mul3A_3052 : vector<128x512xbf16>
    %max3A_3054 = vector.broadcast %neg3A_129 : vector<128x1xbf16> to vector<128x512xbf16>
    %max3A_3055 = arith.maximumf %mul3A_3053, %max3A_3054 : vector<128x512xbf16>
    %dot_general3A_3056 = arith.constant dense<0.000000e+00> : vector<1x512xf32>
    %dot_general3A_3057 = tpu.matmul %broadcast_in_dim3A_125, %max3A_3055, %dot_general3A_3056 {dimension_numbers = #tpu.dot_dimension_numbers<[1], [0], [0], [1], [0, 0, 1, 1], [], []>, transpose_lhs_hint = false} : vector<1x128xbf16>, vector<128x512xbf16>, vector<1x512xf32> -> vector<1x512xf32>
    %add3A_3058 = vector.broadcast %broadcast_in_dim3A_147 : vector<1x1xf32> to vector<1x512xf32>
    %add3A_3059 = arith.addf %dot_general3A_3057, %add3A_3058 : vector<1x512xf32>
    %mul3A_3060 = vector.broadcast %div3A_61 : f32 to vector<1x512xf32>
    %mul3A_3061 = arith.mulf %mul3A_3060, %add3A_3059 : vector<1x512xf32>
    %swap3A_3062 = arith.constant 0 : index
    %swap3A_3063 = arith.constant 30720 : index
    %swap3A_3064 = vector.load %arg9[%swap3A_3062, %swap3A_3063] : memref<4x32768xf32, #tpu.memory_space<vmem>>, vector<1x512xf32>
    tpu.vector_store %arg9[%swap3A_3062, %swap3A_3063], %mul3A_3061 {strides = array<i32>} : memref<4x32768xf32, #tpu.memory_space<vmem>>, vector<1x512xf32>,
    %max3A_3065 = vector.broadcast %neg3A_133 : vector<128x1xbf16> to vector<128x512xbf16>
    %max3A_3066 = arith.maximumf %mul3A_3053, %max3A_3065 : vector<128x512xbf16>
    %dot_general3A_3067 = arith.constant dense<0.000000e+00> : vector<1x512xf32>
    %dot_general3A_3068 = tpu.matmul %broadcast_in_dim3A_125, %max3A_3066, %dot_general3A_3067 {dimension_numbers = #tpu.dot_dimension_numbers<[1], [0], [0], [1], [0, 0, 1, 1], [], []>, transpose_lhs_hint = false} : vector<1x128xbf16>, vector<128x512xbf16>, vector<1x512xf32> -> vector<1x512xf32>
    %add3A_3069 = vector.broadcast %broadcast_in_dim3A_153 : vector<1x1xf32> to vector<1x512xf32>
    %add3A_3070 = arith.addf %dot_general3A_3068, %add3A_3069 : vector<1x512xf32>
    %mul3A_3071 = vector.broadcast %div3A_82 : f32 to vector<1x512xf32>
    %mul3A_3072 = arith.mulf %mul3A_3071, %add3A_3070 : vector<1x512xf32>
    %swap3A_3073 = arith.constant 1 : index
    %swap3A_3074 = arith.constant 30720 : index
    %swap3A_3075 = vector.load %arg9[%swap3A_3073, %swap3A_3074] : memref<4x32768xf32, #tpu.memory_space<vmem>>, vector<1x512xf32>
    tpu.vector_store %arg9[%swap3A_3073, %swap3A_3074], %mul3A_3072 {strides = array<i32>} : memref<4x32768xf32, #tpu.memory_space<vmem>>, vector<1x512xf32>,
    %max3A_3076 = vector.broadcast %neg3A_137 : vector<128x1xbf16> to vector<128x512xbf16>
    %max3A_3077 = arith.maximumf %mul3A_3053, %max3A_3076 : vector<128x512xbf16>
    %dot_general3A_3078 = arith.constant dense<0.000000e+00> : vector<1x512xf32>
    %dot_general3A_3079 = tpu.matmul %broadcast_in_dim3A_125, %max3A_3077, %dot_general3A_3078 {dimension_numbers = #tpu.dot_dimension_numbers<[1], [0], [0], [1], [0, 0, 1, 1], [], []>, transpose_lhs_hint = false} : vector<1x128xbf16>, vector<128x512xbf16>, vector<1x512xf32> -> vector<1x512xf32>
    %add3A_3080 = vector.broadcast %broadcast_in_dim3A_159 : vector<1x1xf32> to vector<1x512xf32>
    %add3A_3081 = arith.addf %dot_general3A_3079, %add3A_3080 : vector<1x512xf32>
    %mul3A_3082 = vector.broadcast %div3A_103 : f32 to vector<1x512xf32>
    %mul3A_3083 = arith.mulf %mul3A_3082, %add3A_3081 : vector<1x512xf32>
    %swap3A_3084 = arith.constant 2 : index
    %swap3A_3085 = arith.constant 30720 : index
    %swap3A_3086 = vector.load %arg9[%swap3A_3084, %swap3A_3085] : memref<4x32768xf32, #tpu.memory_space<vmem>>, vector<1x512xf32>
    tpu.vector_store %arg9[%swap3A_3084, %swap3A_3085], %mul3A_3083 {strides = array<i32>} : memref<4x32768xf32, #tpu.memory_space<vmem>>, vector<1x512xf32>,
    %max3A_3087 = vector.broadcast %neg3A_141 : vector<128x1xbf16> to vector<128x512xbf16>
    %max3A_3088 = arith.maximumf %mul3A_3053, %max3A_3087 : vector<128x512xbf16>
    %dot_general3A_3089 = arith.constant dense<0.000000e+00> : vector<1x512xf32>
    %dot_general3A_3090 = tpu.matmul %broadcast_in_dim3A_125, %max3A_3088, %dot_general3A_3089 {dimension_numbers = #tpu.dot_dimension_numbers<[1], [0], [0], [1], [0, 0, 1, 1], [], []>, transpose_lhs_hint = false} : vector<1x128xbf16>, vector<128x512xbf16>, vector<1x512xf32> -> vector<1x512xf32>
    %add3A_3091 = vector.broadcast %broadcast_in_dim3A_165 : vector<1x1xf32> to vector<1x512xf32>
    %add3A_3092 = arith.addf %dot_general3A_3090, %add3A_3091 : vector<1x512xf32>
    %mul3A_3093 = vector.broadcast %div3A_124 : f32 to vector<1x512xf32>
    %mul3A_3094 = arith.mulf %mul3A_3093, %add3A_3092 : vector<1x512xf32>
    %swap3A_3095 = arith.constant 3 : index
    %swap3A_3096 = arith.constant 30720 : index
    %swap3A_3097 = vector.load %arg9[%swap3A_3095, %swap3A_3096] : memref<4x32768xf32, #tpu.memory_space<vmem>>, vector<1x512xf32>
    tpu.vector_store %arg9[%swap3A_3095, %swap3A_3096], %mul3A_3094 {strides = array<i32>} : memref<4x32768xf32, #tpu.memory_space<vmem>>, vector<1x512xf32>,
    %slice3A_3098 = vector.extract_strided_slice %convert_element_type3A_171 {offsets = [0, 31232], sizes = [1, 512], strides = [1, 1]} : vector<1x32768xbf16> to vector<1x512xbf16>
    %mul3A_3099 = vector.broadcast %convert_element_type3A : vector<128x1xbf16> to vector<128x512xbf16>
    %mul3A_3100 = vector.broadcast %slice3A_3098 : vector<1x512xbf16> to vector<128x512xbf16>
    %mul3A_3101 = arith.mulf %mul3A_3099, %mul3A_3100 : vector<128x512xbf16>
    %max3A_3102 = vector.broadcast %neg3A_129 : vector<128x1xbf16> to vector<128x512xbf16>
    %max3A_3103 = arith.maximumf %mul3A_3101, %max3A_3102 : vector<128x512xbf16>
    %dot_general3A_3104 = arith.constant dense<0.000000e+00> : vector<1x512xf32>
    %dot_general3A_3105 = tpu.matmul %broadcast_in_dim3A_125, %max3A_3103, %dot_general3A_3104 {dimension_numbers = #tpu.dot_dimension_numbers<[1], [0], [0], [1], [0, 0, 1, 1], [], []>, transpose_lhs_hint = false} : vector<1x128xbf16>, vector<128x512xbf16>, vector<1x512xf32> -> vector<1x512xf32>
    %add3A_3106 = vector.broadcast %broadcast_in_dim3A_147 : vector<1x1xf32> to vector<1x512xf32>
    %add3A_3107 = arith.addf %dot_general3A_3105, %add3A_3106 : vector<1x512xf32>
    %mul3A_3108 = vector.broadcast %div3A_61 : f32 to vector<1x512xf32>
    %mul3A_3109 = arith.mulf %mul3A_3108, %add3A_3107 : vector<1x512xf32>
    %swap3A_3110 = arith.constant 0 : index
    %swap3A_3111 = arith.constant 31232 : index
    %swap3A_3112 = vector.load %arg9[%swap3A_3110, %swap3A_3111] : memref<4x32768xf32, #tpu.memory_space<vmem>>, vector<1x512xf32>
    tpu.vector_store %arg9[%swap3A_3110, %swap3A_3111], %mul3A_3109 {strides = array<i32>} : memref<4x32768xf32, #tpu.memory_space<vmem>>, vector<1x512xf32>,
    %max3A_3113 = vector.broadcast %neg3A_133 : vector<128x1xbf16> to vector<128x512xbf16>
    %max3A_3114 = arith.maximumf %mul3A_3101, %max3A_3113 : vector<128x512xbf16>
    %dot_general3A_3115 = arith.constant dense<0.000000e+00> : vector<1x512xf32>
    %dot_general3A_3116 = tpu.matmul %broadcast_in_dim3A_125, %max3A_3114, %dot_general3A_3115 {dimension_numbers = #tpu.dot_dimension_numbers<[1], [0], [0], [1], [0, 0, 1, 1], [], []>, transpose_lhs_hint = false} : vector<1x128xbf16>, vector<128x512xbf16>, vector<1x512xf32> -> vector<1x512xf32>
    %add3A_3117 = vector.broadcast %broadcast_in_dim3A_153 : vector<1x1xf32> to vector<1x512xf32>
    %add3A_3118 = arith.addf %dot_general3A_3116, %add3A_3117 : vector<1x512xf32>
    %mul3A_3119 = vector.broadcast %div3A_82 : f32 to vector<1x512xf32>
    %mul3A_3120 = arith.mulf %mul3A_3119, %add3A_3118 : vector<1x512xf32>
    %swap3A_3121 = arith.constant 1 : index
    %swap3A_3122 = arith.constant 31232 : index
    %swap3A_3123 = vector.load %arg9[%swap3A_3121, %swap3A_3122] : memref<4x32768xf32, #tpu.memory_space<vmem>>, vector<1x512xf32>
    tpu.vector_store %arg9[%swap3A_3121, %swap3A_3122], %mul3A_3120 {strides = array<i32>} : memref<4x32768xf32, #tpu.memory_space<vmem>>, vector<1x512xf32>,
    %max3A_3124 = vector.broadcast %neg3A_137 : vector<128x1xbf16> to vector<128x512xbf16>
    %max3A_3125 = arith.maximumf %mul3A_3101, %max3A_3124 : vector<128x512xbf16>
    %dot_general3A_3126 = arith.constant dense<0.000000e+00> : vector<1x512xf32>
    %dot_general3A_3127 = tpu.matmul %broadcast_in_dim3A_125, %max3A_3125, %dot_general3A_3126 {dimension_numbers = #tpu.dot_dimension_numbers<[1], [0], [0], [1], [0, 0, 1, 1], [], []>, transpose_lhs_hint = false} : vector<1x128xbf16>, vector<128x512xbf16>, vector<1x512xf32> -> vector<1x512xf32>
    %add3A_3128 = vector.broadcast %broadcast_in_dim3A_159 : vector<1x1xf32> to vector<1x512xf32>
    %add3A_3129 = arith.addf %dot_general3A_3127, %add3A_3128 : vector<1x512xf32>
    %mul3A_3130 = vector.broadcast %div3A_103 : f32 to vector<1x512xf32>
    %mul3A_3131 = arith.mulf %mul3A_3130, %add3A_3129 : vector<1x512xf32>
    %swap3A_3132 = arith.constant 2 : index
    %swap3A_3133 = arith.constant 31232 : index
    %swap3A_3134 = vector.load %arg9[%swap3A_3132, %swap3A_3133] : memref<4x32768xf32, #tpu.memory_space<vmem>>, vector<1x512xf32>
    tpu.vector_store %arg9[%swap3A_3132, %swap3A_3133], %mul3A_3131 {strides = array<i32>} : memref<4x32768xf32, #tpu.memory_space<vmem>>, vector<1x512xf32>,
    %max3A_3135 = vector.broadcast %neg3A_141 : vector<128x1xbf16> to vector<128x512xbf16>
    %max3A_3136 = arith.maximumf %mul3A_3101, %max3A_3135 : vector<128x512xbf16>
    %dot_general3A_3137 = arith.constant dense<0.000000e+00> : vector<1x512xf32>
    %dot_general3A_3138 = tpu.matmul %broadcast_in_dim3A_125, %max3A_3136, %dot_general3A_3137 {dimension_numbers = #tpu.dot_dimension_numbers<[1], [0], [0], [1], [0, 0, 1, 1], [], []>, transpose_lhs_hint = false} : vector<1x128xbf16>, vector<128x512xbf16>, vector<1x512xf32> -> vector<1x512xf32>
    %add3A_3139 = vector.broadcast %broadcast_in_dim3A_165 : vector<1x1xf32> to vector<1x512xf32>
    %add3A_3140 = arith.addf %dot_general3A_3138, %add3A_3139 : vector<1x512xf32>
    %mul3A_3141 = vector.broadcast %div3A_124 : f32 to vector<1x512xf32>
    %mul3A_3142 = arith.mulf %mul3A_3141, %add3A_3140 : vector<1x512xf32>
    %swap3A_3143 = arith.constant 3 : index
    %swap3A_3144 = arith.constant 31232 : index
    %swap3A_3145 = vector.load %arg9[%swap3A_3143, %swap3A_3144] : memref<4x32768xf32, #tpu.memory_space<vmem>>, vector<1x512xf32>
    tpu.vector_store %arg9[%swap3A_3143, %swap3A_3144], %mul3A_3142 {strides = array<i32>} : memref<4x32768xf32, #tpu.memory_space<vmem>>, vector<1x512xf32>,
    %slice3A_3146 = vector.extract_strided_slice %convert_element_type3A_171 {offsets = [0, 31744], sizes = [1, 512], strides = [1, 1]} : vector<1x32768xbf16> to vector<1x512xbf16>
    %mul3A_3147 = vector.broadcast %convert_element_type3A : vector<128x1xbf16> to vector<128x512xbf16>
    %mul3A_3148 = vector.broadcast %slice3A_3146 : vector<1x512xbf16> to vector<128x512xbf16>
    %mul3A_3149 = arith.mulf %mul3A_3147, %mul3A_3148 : vector<128x512xbf16>
    %max3A_3150 = vector.broadcast %neg3A_129 : vector<128x1xbf16> to vector<128x512xbf16>
    %max3A_3151 = arith.maximumf %mul3A_3149, %max3A_3150 : vector<128x512xbf16>
    %dot_general3A_3152 = arith.constant dense<0.000000e+00> : vector<1x512xf32>
    %dot_general3A_3153 = tpu.matmul %broadcast_in_dim3A_125, %max3A_3151, %dot_general3A_3152 {dimension_numbers = #tpu.dot_dimension_numbers<[1], [0], [0], [1], [0, 0, 1, 1], [], []>, transpose_lhs_hint = false} : vector<1x128xbf16>, vector<128x512xbf16>, vector<1x512xf32> -> vector<1x512xf32>
    %add3A_3154 = vector.broadcast %broadcast_in_dim3A_147 : vector<1x1xf32> to vector<1x512xf32>
    %add3A_3155 = arith.addf %dot_general3A_3153, %add3A_3154 : vector<1x512xf32>
    %mul3A_3156 = vector.broadcast %div3A_61 : f32 to vector<1x512xf32>
    %mul3A_3157 = arith.mulf %mul3A_3156, %add3A_3155 : vector<1x512xf32>
    %swap3A_3158 = arith.constant 0 : index
    %swap3A_3159 = arith.constant 31744 : index
    %swap3A_3160 = vector.load %arg9[%swap3A_3158, %swap3A_3159] : memref<4x32768xf32, #tpu.memory_space<vmem>>, vector<1x512xf32>
    tpu.vector_store %arg9[%swap3A_3158, %swap3A_3159], %mul3A_3157 {strides = array<i32>} : memref<4x32768xf32, #tpu.memory_space<vmem>>, vector<1x512xf32>,
    %max3A_3161 = vector.broadcast %neg3A_133 : vector<128x1xbf16> to vector<128x512xbf16>
    %max3A_3162 = arith.maximumf %mul3A_3149, %max3A_3161 : vector<128x512xbf16>
    %dot_general3A_3163 = arith.constant dense<0.000000e+00> : vector<1x512xf32>
    %dot_general3A_3164 = tpu.matmul %broadcast_in_dim3A_125, %max3A_3162, %dot_general3A_3163 {dimension_numbers = #tpu.dot_dimension_numbers<[1], [0], [0], [1], [0, 0, 1, 1], [], []>, transpose_lhs_hint = false} : vector<1x128xbf16>, vector<128x512xbf16>, vector<1x512xf32> -> vector<1x512xf32>
    %add3A_3165 = vector.broadcast %broadcast_in_dim3A_153 : vector<1x1xf32> to vector<1x512xf32>
    %add3A_3166 = arith.addf %dot_general3A_3164, %add3A_3165 : vector<1x512xf32>
    %mul3A_3167 = vector.broadcast %div3A_82 : f32 to vector<1x512xf32>
    %mul3A_3168 = arith.mulf %mul3A_3167, %add3A_3166 : vector<1x512xf32>
    %swap3A_3169 = arith.constant 1 : index
    %swap3A_3170 = arith.constant 31744 : index
    %swap3A_3171 = vector.load %arg9[%swap3A_3169, %swap3A_3170] : memref<4x32768xf32, #tpu.memory_space<vmem>>, vector<1x512xf32>
    tpu.vector_store %arg9[%swap3A_3169, %swap3A_3170], %mul3A_3168 {strides = array<i32>} : memref<4x32768xf32, #tpu.memory_space<vmem>>, vector<1x512xf32>,
    %max3A_3172 = vector.broadcast %neg3A_137 : vector<128x1xbf16> to vector<128x512xbf16>
    %max3A_3173 = arith.maximumf %mul3A_3149, %max3A_3172 : vector<128x512xbf16>
    %dot_general3A_3174 = arith.constant dense<0.000000e+00> : vector<1x512xf32>
    %dot_general3A_3175 = tpu.matmul %broadcast_in_dim3A_125, %max3A_3173, %dot_general3A_3174 {dimension_numbers = #tpu.dot_dimension_numbers<[1], [0], [0], [1], [0, 0, 1, 1], [], []>, transpose_lhs_hint = false} : vector<1x128xbf16>, vector<128x512xbf16>, vector<1x512xf32> -> vector<1x512xf32>
    %add3A_3176 = vector.broadcast %broadcast_in_dim3A_159 : vector<1x1xf32> to vector<1x512xf32>
    %add3A_3177 = arith.addf %dot_general3A_3175, %add3A_3176 : vector<1x512xf32>
    %mul3A_3178 = vector.broadcast %div3A_103 : f32 to vector<1x512xf32>
    %mul3A_3179 = arith.mulf %mul3A_3178, %add3A_3177 : vector<1x512xf32>
    %swap3A_3180 = arith.constant 2 : index
    %swap3A_3181 = arith.constant 31744 : index
    %swap3A_3182 = vector.load %arg9[%swap3A_3180, %swap3A_3181] : memref<4x32768xf32, #tpu.memory_space<vmem>>, vector<1x512xf32>
    tpu.vector_store %arg9[%swap3A_3180, %swap3A_3181], %mul3A_3179 {strides = array<i32>} : memref<4x32768xf32, #tpu.memory_space<vmem>>, vector<1x512xf32>,
    %max3A_3183 = vector.broadcast %neg3A_141 : vector<128x1xbf16> to vector<128x512xbf16>
    %max3A_3184 = arith.maximumf %mul3A_3149, %max3A_3183 : vector<128x512xbf16>
    %dot_general3A_3185 = arith.constant dense<0.000000e+00> : vector<1x512xf32>
    %dot_general3A_3186 = tpu.matmul %broadcast_in_dim3A_125, %max3A_3184, %dot_general3A_3185 {dimension_numbers = #tpu.dot_dimension_numbers<[1], [0], [0], [1], [0, 0, 1, 1], [], []>, transpose_lhs_hint = false} : vector<1x128xbf16>, vector<128x512xbf16>, vector<1x512xf32> -> vector<1x512xf32>
    %add3A_3187 = vector.broadcast %broadcast_in_dim3A_165 : vector<1x1xf32> to vector<1x512xf32>
    %add3A_3188 = arith.addf %dot_general3A_3186, %add3A_3187 : vector<1x512xf32>
    %mul3A_3189 = vector.broadcast %div3A_124 : f32 to vector<1x512xf32>
    %mul3A_3190 = arith.mulf %mul3A_3189, %add3A_3188 : vector<1x512xf32>
    %swap3A_3191 = arith.constant 3 : index
    %swap3A_3192 = arith.constant 31744 : index
    %swap3A_3193 = vector.load %arg9[%swap3A_3191, %swap3A_3192] : memref<4x32768xf32, #tpu.memory_space<vmem>>, vector<1x512xf32>
    tpu.vector_store %arg9[%swap3A_3191, %swap3A_3192], %mul3A_3190 {strides = array<i32>} : memref<4x32768xf32, #tpu.memory_space<vmem>>, vector<1x512xf32>,
    %slice3A_3194 = vector.extract_strided_slice %convert_element_type3A_171 {offsets = [0, 32256], sizes = [1, 512], strides = [1, 1]} : vector<1x32768xbf16> to vector<1x512xbf16>
    %mul3A_3195 = vector.broadcast %convert_element_type3A : vector<128x1xbf16> to vector<128x512xbf16>
    %mul3A_3196 = vector.broadcast %slice3A_3194 : vector<1x512xbf16> to vector<128x512xbf16>
    %mul3A_3197 = arith.mulf %mul3A_3195, %mul3A_3196 : vector<128x512xbf16>
    %max3A_3198 = vector.broadcast %neg3A_129 : vector<128x1xbf16> to vector<128x512xbf16>
    %max3A_3199 = arith.maximumf %mul3A_3197, %max3A_3198 : vector<128x512xbf16>
    %dot_general3A_3200 = arith.constant dense<0.000000e+00> : vector<1x512xf32>
    %dot_general3A_3201 = tpu.matmul %broadcast_in_dim3A_125, %max3A_3199, %dot_general3A_3200 {dimension_numbers = #tpu.dot_dimension_numbers<[1], [0], [0], [1], [0, 0, 1, 1], [], []>, transpose_lhs_hint = false} : vector<1x128xbf16>, vector<128x512xbf16>, vector<1x512xf32> -> vector<1x512xf32>
    %add3A_3202 = vector.broadcast %broadcast_in_dim3A_147 : vector<1x1xf32> to vector<1x512xf32>
    %add3A_3203 = arith.addf %dot_general3A_3201, %add3A_3202 : vector<1x512xf32>
    %mul3A_3204 = vector.broadcast %div3A_61 : f32 to vector<1x512xf32>
    %mul3A_3205 = arith.mulf %mul3A_3204, %add3A_3203 : vector<1x512xf32>
    %swap3A_3206 = arith.constant 0 : index
    %swap3A_3207 = arith.constant 32256 : index
    %swap3A_3208 = vector.load %arg9[%swap3A_3206, %swap3A_3207] : memref<4x32768xf32, #tpu.memory_space<vmem>>, vector<1x512xf32>
    tpu.vector_store %arg9[%swap3A_3206, %swap3A_3207], %mul3A_3205 {strides = array<i32>} : memref<4x32768xf32, #tpu.memory_space<vmem>>, vector<1x512xf32>,
    %max3A_3209 = vector.broadcast %neg3A_133 : vector<128x1xbf16> to vector<128x512xbf16>
    %max3A_3210 = arith.maximumf %mul3A_3197, %max3A_3209 : vector<128x512xbf16>
    %dot_general3A_3211 = arith.constant dense<0.000000e+00> : vector<1x512xf32>
    %dot_general3A_3212 = tpu.matmul %broadcast_in_dim3A_125, %max3A_3210, %dot_general3A_3211 {dimension_numbers = #tpu.dot_dimension_numbers<[1], [0], [0], [1], [0, 0, 1, 1], [], []>, transpose_lhs_hint = false} : vector<1x128xbf16>, vector<128x512xbf16>, vector<1x512xf32> -> vector<1x512xf32>
    %add3A_3213 = vector.broadcast %broadcast_in_dim3A_153 : vector<1x1xf32> to vector<1x512xf32>
    %add3A_3214 = arith.addf %dot_general3A_3212, %add3A_3213 : vector<1x512xf32>
    %mul3A_3215 = vector.broadcast %div3A_82 : f32 to vector<1x512xf32>
    %mul3A_3216 = arith.mulf %mul3A_3215, %add3A_3214 : vector<1x512xf32>
    %swap3A_3217 = arith.constant 1 : index
    %swap3A_3218 = arith.constant 32256 : index
    %swap3A_3219 = vector.load %arg9[%swap3A_3217, %swap3A_3218] : memref<4x32768xf32, #tpu.memory_space<vmem>>, vector<1x512xf32>
    tpu.vector_store %arg9[%swap3A_3217, %swap3A_3218], %mul3A_3216 {strides = array<i32>} : memref<4x32768xf32, #tpu.memory_space<vmem>>, vector<1x512xf32>,
    %max3A_3220 = vector.broadcast %neg3A_137 : vector<128x1xbf16> to vector<128x512xbf16>
    %max3A_3221 = arith.maximumf %mul3A_3197, %max3A_3220 : vector<128x512xbf16>
    %dot_general3A_3222 = arith.constant dense<0.000000e+00> : vector<1x512xf32>
    %dot_general3A_3223 = tpu.matmul %broadcast_in_dim3A_125, %max3A_3221, %dot_general3A_3222 {dimension_numbers = #tpu.dot_dimension_numbers<[1], [0], [0], [1], [0, 0, 1, 1], [], []>, transpose_lhs_hint = false} : vector<1x128xbf16>, vector<128x512xbf16>, vector<1x512xf32> -> vector<1x512xf32>
    %add3A_3224 = vector.broadcast %broadcast_in_dim3A_159 : vector<1x1xf32> to vector<1x512xf32>
    %add3A_3225 = arith.addf %dot_general3A_3223, %add3A_3224 : vector<1x512xf32>
    %mul3A_3226 = vector.broadcast %div3A_103 : f32 to vector<1x512xf32>
    %mul3A_3227 = arith.mulf %mul3A_3226, %add3A_3225 : vector<1x512xf32>
    %swap3A_3228 = arith.constant 2 : index
    %swap3A_3229 = arith.constant 32256 : index
    %swap3A_3230 = vector.load %arg9[%swap3A_3228, %swap3A_3229] : memref<4x32768xf32, #tpu.memory_space<vmem>>, vector<1x512xf32>
    tpu.vector_store %arg9[%swap3A_3228, %swap3A_3229], %mul3A_3227 {strides = array<i32>} : memref<4x32768xf32, #tpu.memory_space<vmem>>, vector<1x512xf32>,
    %max3A_3231 = vector.broadcast %neg3A_141 : vector<128x1xbf16> to vector<128x512xbf16>
    %max3A_3232 = arith.maximumf %mul3A_3197, %max3A_3231 : vector<128x512xbf16>
    %dot_general3A_3233 = arith.constant dense<0.000000e+00> : vector<1x512xf32>
    %dot_general3A_3234 = tpu.matmul %broadcast_in_dim3A_125, %max3A_3232, %dot_general3A_3233 {dimension_numbers = #tpu.dot_dimension_numbers<[1], [0], [0], [1], [0, 0, 1, 1], [], []>, transpose_lhs_hint = false} : vector<1x128xbf16>, vector<128x512xbf16>, vector<1x512xf32> -> vector<1x512xf32>
    %add3A_3235 = vector.broadcast %broadcast_in_dim3A_165 : vector<1x1xf32> to vector<1x512xf32>
    %add3A_3236 = arith.addf %dot_general3A_3234, %add3A_3235 : vector<1x512xf32>
    %mul3A_3237 = vector.broadcast %div3A_124 : f32 to vector<1x512xf32>
    %mul3A_3238 = arith.mulf %mul3A_3237, %add3A_3236 : vector<1x512xf32>
    %swap3A_3239 = arith.constant 3 : index
    %swap3A_3240 = arith.constant 32256 : index
    %swap3A_3241 = vector.load %arg9[%swap3A_3239, %swap3A_3240] : memref<4x32768xf32, #tpu.memory_space<vmem>>, vector<1x512xf32>
    tpu.vector_store %arg9[%swap3A_3239, %swap3A_3240], %mul3A_3238 {strides = array<i32>} : memref<4x32768xf32, #tpu.memory_space<vmem>>, vector<1x512xf32>,
    return
  }
  func.func @transform_0(%arg0: i32) -> (i32, i32, i32) {
    %c0_i32 = arith.constant 0 : i32
    %c0_i32_0 = arith.constant 0 : i32
    %c0_i32_1 = arith.constant 0 : i32
    return %arg0, %c0_i32, %c0_i32_0 : i32, i32, i32
  }
  func.func @transform_1(%arg0: i32) -> (i32, i32) {
    %c0_i32 = arith.constant 0 : i32
    %c0_i32_0 = arith.constant 0 : i32
    %c0_i32_1 = arith.constant 0 : i32
    return %c0_i32, %c0_i32_0 : i32, i32
  }
  func.func @transform_2(%arg0: i32) -> (i32, i32) {
    %c0_i32 = arith.constant 0 : i32
    %c0_i32_0 = arith.constant 0 : i32
    %c0_i32_1 = arith.constant 0 : i32
    return %c0_i32, %c0_i32_0 : i32, i32
  }
  func.func @transform_3(%arg0: i32) -> (i32, i32) {
    %c0_i32 = arith.constant 0 : i32
    %c0_i32_0 = arith.constant 0 : i32
    %c0_i32_1 = arith.constant 0 : i32
    return %c0_i32, %c0_i32_0 : i32, i32
  }
  func.func @transform_4(%arg0: i32) -> (i32, i32) {
    %c0_i32 = arith.constant 0 : i32
    %c0_i32_0 = arith.constant 0 : i32
    %c0_i32_1 = arith.constant 0 : i32
    return %c0_i32, %c0_i32_0 : i32, i32
  }
  func.func @transform_5(%arg0: i32) -> (i32, i32) {
    %c0_i32 = arith.constant 0 : i32
    %c0_i32_0 = arith.constant 0 : i32
    %c0_i32_1 = arith.constant 0 : i32
    return %c0_i32, %c0_i32_0 : i32, i32
  }
  func.func @transform_6(%arg0: i32) -> (i32, i32) {
    %c0_i32 = arith.constant 0 : i32
    %c0_i32_0 = arith.constant 0 : i32
    %c0_i32_1 = arith.constant 0 : i32
    return %c0_i32, %c0_i32_0 : i32, i32
  }
  func.func @transform_7(%arg0: i32) -> (i32, i32) {
    %c0_i32 = arith.constant 0 : i32
    %c0_i32_0 = arith.constant 0 : i32
    %c0_i32_1 = arith.constant 0 : i32
    return %c0_i32, %c0_i32_0 : i32, i32
  }
  func.func @transform_8(%arg0: i32) -> (i32, i32) {
    %c0_i32 = arith.constant 0 : i32
    %c0_i32_0 = arith.constant 0 : i32
    return %c0_i32, %arg0 : i32, i32
  }
}

module attributes {stable_mosaic.version = 14 : i64} {
  func.func @_ffn_body(%arg0: i32, %arg1: memref<400x4xf32, #tpu.memory_space<vmem>>, %arg2: memref<400x10000xf32, #tpu.memory_space<vmem>>, %arg3: memref<1x10000xf32, #tpu.memory_space<vmem>>, %arg4: memref<1x1xf32, #tpu.memory_space<vmem>>, %arg5: memref<1x10000xf32, #tpu.memory_space<vmem>>) attributes {dimension_semantics = [#tpu.dimension_semantics<arbitrary>], iteration_bounds = array<i64: 25>, scalar_prefetch = 0 : i64, scratch_operands = 1 : i64, tpu.core_type = #tpu.core_type<tc>, window_params = [{transform_indices = @transform_0, window_bounds = array<i64: 400, 4>}, {transform_indices = @transform_1, window_bounds = array<i64: 400, 10000>}, {pipeline_mode = #tpu.pipeline_mode<synchronous>, transform_indices = @transform_2, window_bounds = array<i64: 1, 10000>}, {pipeline_mode = #tpu.pipeline_mode<synchronous>, transform_indices = @transform_3, window_bounds = array<i64: 1, 1>}]} {
    %get3A = arith.constant 0 : index
    %get3A_0 = arith.constant 0 : index
    %get3A_1 = vector.load %arg1[%get3A, %get3A_0] : memref<400x4xf32, #tpu.memory_space<vmem>>, vector<400x1xf32>
    %get3A_2 = arith.constant 0 : index
    %get3A_3 = arith.constant 1 : index
    %get3A_4 = vector.load %arg1[%get3A_2, %get3A_3] : memref<400x4xf32, #tpu.memory_space<vmem>>, vector<400x1xf32>
    %add3A = arith.addf %get3A_1, %get3A_4 : vector<400x1xf32>
    %get3A_5 = arith.constant 0 : index
    %get3A_6 = arith.constant 2 : index
    %get3A_7 = vector.load %arg1[%get3A_5, %get3A_6] : memref<400x4xf32, #tpu.memory_space<vmem>>, vector<400x1xf32>
    %get3A_8 = arith.constant 0 : index
    %get3A_9 = arith.constant 3 : index
    %get3A_10 = vector.load %arg1[%get3A_8, %get3A_9] : memref<400x4xf32, #tpu.memory_space<vmem>>, vector<400x1xf32>
    %add3A_11 = arith.addf %get3A_7, %get3A_10 : vector<400x1xf32>
    %add3A_12 = arith.addf %add3A, %add3A_11 : vector<400x1xf32>
    %get3A_13 = arith.constant 0 : index
    %get3A_14 = arith.constant 0 : index
    %get3A_15 = vector.load %arg2[%get3A_13, %get3A_14] : memref<400x10000xf32, #tpu.memory_space<vmem>>, vector<400x10000xf32>
    %dot_general3A = arith.constant dense<0.000000e+00> : vector<1x10000xf32>
    %dot_general3A_16 = tpu.matmul %add3A_12, %get3A_15, %dot_general3A {dimension_numbers = #tpu.dot_dimension_numbers<[0], [0], [1], [1], [0, 1, 1, 1], [], []>, transpose_lhs_hint = false} : vector<400x1xf32>, vector<400x10000xf32>, vector<1x10000xf32> -> vector<1x10000xf32>
    %eq3A = arith.constant 0 : i32
    %eq3A_17 = arith.cmpi eq, %arg0, %eq3A : i32
    %convert_element_type3A = arith.extui %eq3A_17 : i1 to i32
    %cond3A = arith.constant 0 : i32
    %cond3A_18 = arith.cmpi ne, %convert_element_type3A, %cond3A : i32
    scf.if %cond3A_18 {
      %get3A_28 = arith.constant 0 : index
      %get3A_29 = arith.constant 0 : index
      %get3A_30 = vector.load %arg3[%get3A_28, %get3A_29] : memref<1x10000xf32, #tpu.memory_space<vmem>>, vector<1x10000xf32>
      %add3A_31 = arith.addf %get3A_30, %dot_general3A_16 : vector<1x10000xf32>
      %swap3A = arith.constant 0 : index
      %swap3A_32 = arith.constant 0 : index
      %swap3A_33 = vector.load %arg5[%swap3A, %swap3A_32] : memref<1x10000xf32, #tpu.memory_space<vmem>>, vector<1x10000xf32>
      tpu.vector_store %arg5[%swap3A, %swap3A_32], %add3A_31 {strides = array<i32>} : memref<1x10000xf32, #tpu.memory_space<vmem>>, vector<1x10000xf32>,
    } else {
    }
    %gt3A = arith.constant 0 : i32
    %gt3A_19 = arith.cmpi sgt, %arg0, %gt3A : i32
    %convert_element_type3A_20 = arith.extui %gt3A_19 : i1 to i32
    %cond3A_21 = arith.constant 0 : i32
    %cond3A_22 = arith.cmpi ne, %convert_element_type3A_20, %cond3A_21 : i32
    scf.if %cond3A_22 {
      %get3A_28 = arith.constant 0 : index
      %get3A_29 = arith.constant 0 : index
      %get3A_30 = vector.load %arg5[%get3A_28, %get3A_29] : memref<1x10000xf32, #tpu.memory_space<vmem>>, vector<1x10000xf32>
      %add3A_31 = arith.addf %get3A_30, %dot_general3A_16 : vector<1x10000xf32>
      %swap3A = arith.constant 0 : index
      %swap3A_32 = arith.constant 0 : index
      %swap3A_33 = vector.load %arg5[%swap3A, %swap3A_32] : memref<1x10000xf32, #tpu.memory_space<vmem>>, vector<1x10000xf32>
      tpu.vector_store %arg5[%swap3A, %swap3A_32], %add3A_31 {strides = array<i32>} : memref<1x10000xf32, #tpu.memory_space<vmem>>, vector<1x10000xf32>,
    } else {
    }
    %eq3A_23 = arith.constant 24 : i32
    %eq3A_24 = arith.cmpi eq, %arg0, %eq3A_23 : i32
    %convert_element_type3A_25 = arith.extui %eq3A_24 : i1 to i32
    %cond3A_26 = arith.constant 0 : i32
    %cond3A_27 = arith.cmpi ne, %convert_element_type3A_25, %cond3A_26 : i32
    scf.if %cond3A_27 {
      %get3A_28 = arith.constant 0 : index
      %get3A_29 = arith.constant 0 : index
      %get3A_30 = vector.load %arg5[%get3A_28, %get3A_29] : memref<1x10000xf32, #tpu.memory_space<vmem>>, vector<1x10000xf32>
      %gt3A_31 = arith.constant 0.000000e+00 : f32
      %gt3A_32 = vector.broadcast %gt3A_31 : f32 to vector<1x10000xf32>
      %gt3A_33 = arith.cmpf ogt, %get3A_30, %gt3A_32 : vector<1x10000xf32>
      %exp3A = math.exp %get3A_30 : vector<1x10000xf32>
      %sub3A = arith.constant 1.000000e+00 : f32
      %sub3A_34 = vector.broadcast %sub3A : f32 to vector<1x10000xf32>
      %sub3A_35 = arith.subf %exp3A, %sub3A_34 : vector<1x10000xf32>
      %mul3A = arith.constant 1.67326319 : f32
      %mul3A_36 = vector.broadcast %mul3A : f32 to vector<1x10000xf32>
      %mul3A_37 = arith.mulf %mul3A_36, %sub3A_35 : vector<1x10000xf32>
      %select_n3A = arith.select %gt3A_33, %get3A_30, %mul3A_37 : vector<1x10000xi1>, vector<1x10000xf32>
      %mul3A_38 = arith.constant 1.05070102 : f32
      %mul3A_39 = vector.broadcast %mul3A_38 : f32 to vector<1x10000xf32>
      %mul3A_40 = arith.mulf %mul3A_39, %select_n3A : vector<1x10000xf32>
      %exp3A_41 = math.exp %mul3A_40 : vector<1x10000xf32>
      %reduce_sum3A = vector.shape_cast %exp3A_41 : vector<1x10000xf32> to vector<1x1x10000xf32>
      %reduce_sum3A_42 = arith.constant dense<0.000000e+00> : vector<1xf32>
      %reduce_sum3A_43 = vector.multi_reduction <add>, %reduce_sum3A, %reduce_sum3A_42 [1, 2] : vector<1x1x10000xf32> to vector<1xf32>
      %reduce_sum3A_44 = vector.shape_cast %reduce_sum3A_43 : vector<1xf32> to vector<1x1x1xf32>
      %reduce_sum3A_45 = vector.extract %reduce_sum3A_44[0, 0, 0] : f32 from vector<1x1x1xf32>
      %log3A = math.log %reduce_sum3A_45 : f32
      %broadcast_in_dim3A = vector.broadcast %log3A : f32 to vector<1x1xf32>
      %swap3A = arith.constant 0 : index
      %swap3A_46 = arith.constant 0 : index
      %swap3A_47 = vector.load %arg4[%swap3A, %swap3A_46] : memref<1x1xf32, #tpu.memory_space<vmem>>, vector<1x1xf32>
      tpu.vector_store %arg4[%swap3A, %swap3A_46], %broadcast_in_dim3A {strides = array<i32>} : memref<1x1xf32, #tpu.memory_space<vmem>>, vector<1x1xf32>,
    } else {
    }
    return
  }
  func.func @transform_0(%arg0: i32) -> (i32, i32) {
    %c0_i32 = arith.constant 0 : i32
    %c0_i32_0 = arith.constant 0 : i32
    return %arg0, %c0_i32 : i32, i32
  }
  func.func @transform_1(%arg0: i32) -> (i32, i32) {
    %c0_i32 = arith.constant 0 : i32
    %c0_i32_0 = arith.constant 0 : i32
    return %arg0, %c0_i32 : i32, i32
  }
  func.func @transform_2(%arg0: i32) -> (i32, i32) {
    %c0_i32 = arith.constant 0 : i32
    %c0_i32_0 = arith.constant 0 : i32
    %c0_i32_1 = arith.constant 0 : i32
    return %c0_i32, %c0_i32_0 : i32, i32
  }
  func.func @transform_3(%arg0: i32) -> (i32, i32) {
    %c0_i32 = arith.constant 0 : i32
    %c0_i32_0 = arith.constant 0 : i32
    %c0_i32_1 = arith.constant 0 : i32
    return %c0_i32, %c0_i32_0 : i32, i32
  }
}

</mosaic_0001>

<sc_bundles>
// kernel: kernel.10.cloned.1.call-start
scs
__scs_entry_jumppad:
0x0: {  	(pc) =	sbr.rel $0x88, $3  }
0x1: {  	(tag) =	ssettag $0x0;
	lr =	simm.s32 $0x1  }
0x2: {  	[smem:$0x3F94] =	sst lr;
	_ =	strace $0xD0000000  }
0x3: {  	_ = 	snop  }
0x4: {  	_ = 	snop  }
0x5: {  	_ = 	snop  }
0x6: {  	_ = 	snop  }
0x7: {  	_ = 	snop  }
__scs_overlays_trampoline_lowered:
0x8: {  	[smem:$0x3FA3] =	sst s0  }
0x9: {  	[smem:$0x3FA4] =	sst s1  }
0xa: {  	[smem:$0x3FA5] =	sst s2  }
0xb: {  	[smem:$0x3FA6] =	sst s3  }
0xc: {  	[smem:$0x3FA7] =	sst s4  }
0xd: {  	[smem:$0x3FA8] =	sst s5  }
0xe: {  	[smem:$0x3FA9] =	sst s6  }
0xf: {  	[smem:$0x3FAA] =	sst s7  }
0x10: {  	[smem:$0x3FAB] =	sst s8  }
0x11: {  	[smem:$0x3FAC] =	sst s9;
	s0 =	simm.s32 @!p0 $0x0  }
0x12: {  	s1 =	sld [smem:$0x3F92];
	s0 =	simm.s32 @p0 $0x1  }
0x13: {  	[smem:$0x3FAD] =	sst s0;
	s0 =	simm.s32 @!p1 $0x0  }
0x14: {  	s2 =	sld [smem:$0x3F91];
	s0 =	simm.s32 @p1 $0x1  }
0x15: {  	[smem:$0x3FAE] =	sst s0;
	s0 =	simm.s32 @!p2 $0x0  }
0x16: {  	s3 =	sld [smem:$0x3FDB];
	s0 =	simm.s32 @p2 $0x1  }
0x17: {  	s4 =	simm.s32 $0x1BF5;
	[smem:$0x3FB0] =	sst s0  }
0x18: {  	s0 =	sld [smem:$0x3F93];
	_ =	swait.ge [sflag:s4], $0x0  }
0x19: {  	s7 =	sld [smem:$0x3F94]  }
0x1a: {  	s8 =	sadd.s32 $0xFFFFE003, lr  }
0x1b: {  	s9 =	sadd.s32 $0xFFFFFEF7, lr;
	s5 =	simm.s32 $0xFFFFFFFF;
	p2 =	slt.u32 s8, $0xFFFFF086  }
0x1c: {  	p1 =	slt.u32 s9, $0xF7A;
	s5 =	simm.s32 @!p2 $0x0  }
0x1d: {  	s5 =	simm.s32 @p1 $0x1;
	p0 =	seq.s32 s7, s2  }
0x1e: {  	s7 =	smul.u32 @!p0 $0xF7A, s2;
	p2 =	seq.s32 @!p0 s5, $0x0  }
0x1f: {  	s9 =	smul.u32 $0xF7A, s1;
	s8 =	simm.s32 @!p0 $0x1BF5;
	p2 =	por !p2, p0  }
0x20: {  	[sflag:s8] =	ssyncset.s32 @!p0 $0xFFFFF086;
	s6 =	sadd.s32 @!p0 s3, s7;
	s7 =	simm.s32 @!p0 $0x108  }
0x21: {  	s3 =	sadd.s32 s3, s9;
	s6 =	sadd.s32 @!p0 $0x88, s6;
	s7 =	simm.s32 @p2 $0x1082  }
0x22: {  	[simem:s7], [sflag:s8] =	dma.local @!p0 [hbm:s6], $0xF7A  }
0x23: {  	s9 =	sor.u32 $0xD0000000, s2;
	s6 =	simm.s32 $0x108;
	_ =	swait.ge @!p0 [sflag:s8], $0x0  }
0x24: {  	s3 =	sadd.s32 $0x88, s3;
	s6 =	simm.s32 @!p1 $0x1082;
	[sflag:s4] =	ssyncset.s32 $0xFFFFF086  }
0x25: {  	[simem:s6], [sflag:s4] =	dma.local [hbm:s3], $0xF7A  }
0x26: {  	[smem:$0x3F94] =	sst s1;
	(tag) =	ssettag s2;
	_ =	strace s9  }
0x27: {  	s1 =	sld [smem:$0x3FA4]  }
0x28: {  	s2 =	sld [smem:$0x3FA5]  }
0x29: {  	s4 =	sld [smem:$0x3FA7]  }
0x2a: {  	p0 =	seq.s32 s5, $0x0;
	s5 =	sld [smem:$0x3FA8]  }
0x2b: {  	s6 =	sld [smem:$0x3FA9]  }
0x2c: {  	s7 =	sld [smem:$0x3FAA]  }
0x2d: {  	s3 =	simm.s32 $0x108;
	s8 =	sld [smem:$0x3FAB]  }
0x2e: {  	s3 =	simm.s32 @!p0 $0x1082;
	s9 =	sld [smem:$0x3FAC]  }
0x2f: {  	lr =	sadd.s32 s0, s3;
	s0 =	sld [smem:$0x3FA3]  }
0x30: {  	s3 =	sld [smem:$0x3FA6]  }
0x31: {  	[smem:$0x3FAF] =	sst s10  }
0x32: {  	s10 =	sld [smem:$0x3FAD];
	_ =	sdelay $0x3  }
0x33: {  	p0 =	seq.s32 s10, $0x1;
	s10 =	sld [smem:$0x3FAF];
	_ =	sdelay $0x3  }
0x34: {  	[smem:$0x3FAF] =	sst s10  }
0x35: {  	s10 =	sld [smem:$0x3FAE];
	_ =	sdelay $0x3  }
0x36: {  	p1 =	seq.s32 s10, $0x1;
	s10 =	sld [smem:$0x3FAF];
	_ =	sdelay $0x3  }
0x37: {  	[smem:$0x3FAF] =	sst s10  }
0x38: {  	s10 =	sld [smem:$0x3FB0]  }
0x39: {  	_ = 	snop;
	(pc) =	sbr.ind lr, $3  }
0x3a: {  	_ = 	snop  }
0x3b: {  	_ = 	snop  }
0x3c: {  	p2 =	seq.s32 s10, $0x1;
	s10 =	sld [smem:$0x3FAF]  }
0x3d: {  	_ =	shalt  }
0x3e: {  	_ =	shalt  }
0x3f: {  	_ =	shalt  }
0x40: {  	_ =	shalt  }
0x41: {  	_ =	shalt  }
0x42: {  	_ =	shalt  }
0x43: {  	_ =	shalt  }
0x44: {  	_ =	shalt  }
0x45: {  	_ =	shalt  }
0x46: {  	_ =	shalt  }
0x47: {  	_ =	shalt  }
0x48: {  	_ =	shalt  }
0x49: {  	_ =	shalt  }
0x4a: {  	_ =	shalt  }
0x4b: {  	_ =	shalt  }
0x4c: {  	_ =	shalt  }
0x4d: {  	_ =	shalt  }
0x4e: {  	_ =	shalt  }
0x4f: {  	_ =	shalt  }
0x50: {  	_ =	shalt  }
0x51: {  	_ =	shalt  }
0x52: {  	_ =	shalt  }
0x53: {  	_ =	shalt  }
0x54: {  	_ =	shalt  }
0x55: {  	_ =	shalt  }
0x56: {  	_ =	shalt  }
0x57: {  	_ =	shalt  }
0x58: {  	_ =	shalt  }
0x59: {  	_ =	shalt  }
0x5a: {  	_ =	shalt  }
0x5b: {  	_ =	shalt  }
0x5c: {  	_ =	shalt  }
0x5d: {  	_ =	shalt  }
0x5e: {  	_ =	shalt  }
0x5f: {  	_ =	shalt  }
0x60: {  	_ =	shalt  }
0x61: {  	_ =	shalt  }
0x62: {  	_ =	shalt  }
0x63: {  	_ =	shalt  }
0x64: {  	_ =	shalt  }
0x65: {  	_ =	shalt  }
0x66: {  	_ =	shalt  }
0x67: {  	_ =	shalt  }
0x68: {  	_ =	shalt  }
0x69: {  	_ =	shalt  }
0x6a: {  	_ =	shalt  }
0x6b: {  	_ =	shalt  }
0x6c: {  	_ =	shalt  }
0x6d: {  	_ =	shalt  }
0x6e: {  	_ =	shalt  }
0x6f: {  	_ =	shalt  }
0x70: {  	_ =	shalt  }
0x71: {  	_ =	shalt  }
0x72: {  	_ =	shalt  }
0x73: {  	_ =	shalt  }
0x74: {  	_ =	shalt  }
0x75: {  	_ =	shalt  }
0x76: {  	_ =	shalt  }
0x77: {  	_ =	shalt  }
0x78: {  	_ =	shalt  }
0x79: {  	_ =	shalt  }
0x7a: {  	_ =	shalt  }
0x7b: {  	_ =	shalt  }
0x7c: {  	_ =	shalt  }
0x7d: {  	_ =	shalt  }
0x7e: {  	_ =	shalt  }
0x7f: {  	_ =	shalt  }
0x80: {  	_ =	shalt  }
0x81: {  	_ =	shalt  }
0x82: {  	_ =	shalt  }
0x83: {  	_ =	shalt  }
0x84: {  	_ =	shalt  }
0x85: {  	_ =	shalt  }
0x86: {  	_ =	shalt  }
0x87: {  	_ =	shalt  }
.Lfunc_end0:
.L_simem_size_0:
called_computation.1_lowered:
.L_overlay_start_0:
0x88: {  	s2 =	sld [smem:$0x3FD9]  }
0x89: {  	s3 =	sld [smem:$0x3FFE];
	_ =	sdelay $0x1  }
0x8a: {  	s1 =	srdreg.scid  }
0x8b: {  	s0 =	sand.u32 $0x1, s1  }
0x8c: {  	s16 =	sshll.u32 s0, $0xA;
	s2 =	sadd.s32 s3, s2  }
0x8d: {  	s2 =	sadd.s32 s2, s16  }
0x8e: {  	[smem:$0x3FBB] =	sst s2  }
0x8f: {  	_ = 	snop  }
0x90: {  	(tm) =	ssettm $0x1  }
0x91: {  	s17 =	sld [smem:$0x3FFB];
	_ =	sdelay $0x3  }
0x92: {  	_ =	strace s17  }
0x93: {  	s2 =	sld [smem:$0x3FFC];
	_ =	sdelay $0x3  }
0x94: {  	_ =	strace s2  }
0x95: {  	s2 =	sld [smem:$0x3FFD];
	_ =	sdelay $0x3  }
0x96: {  	_ =	strace s2  }
0x97: {  	_ =	strace $0x8FFFFFFF  }
0x98: {  	s18 =	sld [smem:$0x3FDB];
	_ =	sdelay $0x1  }
0x99: {  	s19 =	simm.s32 $_scs_section_size  }
0x9a: {  	s4 =	simm.s32 $_size__tile_overlayer_lowered;
	s5 =	simm.s32 $_tile_overlayer_lowered  }
0x9b: {  	s22 =	simm.s32 $0x1BFF;
	s21 =	sshll.u32 s5, $0x1;
	s2 =	sadd.s32 s19, s18  }
0x9c: {  	s6 =	simm.s32 $0x0;
	s20 =	sshll.u32 s4, $0x1;
	s4 =	sadd.s32 s21, s2  }
0x9d: {  	[timem:s6], [sflag:s22] =	dma.local [hbm:s4], s20  }
0x9e: {  	_ =	swait.ge [sflag:s22], s20  }
0x9f: {  	s3 =	ssub.s32 $0x0, s20;
	[sflag:s22] =	ssyncset.done $0x0  }
0xa0: {  	[sflag:s22] =	ssyncadd.s32 s3;
	_ =	sdelay $0x1  }
0xa1: {  	s23 =	simm.s32 $0x1B8B  }
0xa2: {  	_ =	swait.ge [sflag:s23], $0x1  }
0xa3: {  	[sflag:s23] =	ssyncset.done $0x0  }
0xa4: {  	s25 =	simm.s32 $0x1B8E;
	s24 =	sld [smem:$0x3FFE];
	[sflag:s23] =	ssyncadd.s32 $0xFFFFFFFF  }
0xa5: {  	s26 =	simm.s32 $execute0_lowered;
	[smem:$0x3FD2] =	sst s25  }
0xa6: {  	s4 =	sshll.u32 s26, $0x1;
	_ =	strace $0x80000046;
	[dreg:$0x1] =	wrdreg $0xFFFFFFFF  }
0xa7: {  	s28 =	simm.s32 $_size_execute0_lowered;
	s2 =	sadd.s32 s2, s4;
	[dreg:$0x0] =	wrdreg $0x0  }
0xa8: {  	s4 =	sshll.u32 s28, $0x1;
	[dreg:$0x2] =	wrdreg s2  }
0xa9: {  	[dreg:$0x3] =	wrdreg s4  }
0xaa: {  	[dreg:$0x4] =	wrdreg $0xC0  }
0xab: {  	_ =	task [dreg:s6], $0x5FFFF  }
0xac: {  	[dreg:$0x1] =	wrdreg $0xFFFFFFFF  }
0xad: {  	[dreg:$0x0] =	wrdreg $0x60  }
0xae: {  	[dreg:$0x2] =	wrdreg s24  }
0xaf: {  	[dreg:$0x3] =	wrdreg $0xCA800  }
0xb0: {  	[dreg:$0x4] =	wrdreg $0xA  }
0xb1: {  	_ =	task.clear_ibuf [dreg:s6], $0x5FFFF;
	_ =	strace $0x90000046  }
0xb2: {  	s29 =	simm.s32 $0xA;
	_ =	strace $0x80000048  }
0xb3: {  	_ =	swait.ge [sflag:s29], $0x1  }
0xb4: {  	[sflag:s29] =	ssyncadd.s32 $0xFFFFFFFF  }
0xb5: {  	_ =	strace $0x90000048  }
0xb6: {  	_ =	sfence  }
0xb7: {  	s30 =	sld [smem:$0x0];
	_ =	sdelay $0x2  }
0xb8: {  	s31 =	sshll.u32 s1, $0xD;
	s1 =	sshrl.u32 s1, $0x2  }
0xb9: {  	s3 =	sand.u32 $0x4000, s31;
	s1 =	sadd.s32 s1, s30  }
0xba: {  	s0 =	sor.u32 s3, s0;
	s1 =	sshll.u32 s1, $0x11  }
0xbb: {  	s0 =	sor.u32 s1, s0  }
0xbc: {  	s0 =	sadd.s32 $0x8F2B, s0  }
0xbd: {  	[sflag:s0] =	ssyncadd.remote.s32 $0x1  }
0xbe: {  	_ =	sfence.sel $0xFFFF  }
0xbf: {  	[dreg:$0x0] =	wrdreg $0xFFFFFFFF;
	(pc) =	sbr.abs _section_cstart, $3  }
0xc0: {  	[dreg:$0x1] =	wrdreg $0xFFFFFFFF  }
0xc1: {  	_ =	task.clear_ibuf [dreg:s6], $0x2FFFF;
	_ =	strace $0x9FFFFFFF  }
0xc2: {  	(tm) =	ssettm $0x7FFFFFFF  }
0xc3: {  	_ =	shalt  }
tec
execute0_lowered:
.L_overlay_start_1:
0x0: {  	(tag) =	ssettag $0x1  }
0x1: {  	s4 =	rddreg [dreg:$0x0]  }
0x2: {  	s0 =	srdreg.scid;
	s1 =	rddreg [dreg:$0x1]  }
0x3: {  	s23 =	stileid.u32;
	s2 =	simm.s32 $0x0;
	s13 =	simm.s32 $0x2800  }
0x4: {  	s14 =	simm.s32 $0x3C00;
	s15 =	simm.s32 $0x5000;
	s16 =	simm.s32 $0x6400  }
0x5: {  	s17 =	simm.s32 $0x7800;
	s18 =	simm.s32 $0x8C00;
	s19 =	simm.s32 $0xC800  }
0x6: {  	s20 =	simm.s32 $0x2;
	s21 =	simm.s32 $0x1;
	s22 =	simm.s32 $0x80  }
0x7: {  	s31 =	simm.s32 $0x0;
	s5 =	sand.u32 $0x1, s0;
	[smem:$0x7FF] =	sst s2  }
0x8: {  	s10 =	smul.u32 $0xA00, s23;
	p0 =	sne.s32 s23, $0x0;
	s6 =	sshll.u32 s5, $0x4  }
0x9: {  	_ =	strace $0x80000047;
	s5 =	ssub.s32 $0x2, s5;
	s3 =	sor.u32 s23, s6  }
0xa: {  	s11 =	sadd.s32 s6, s4;
	s30 =	sshrl.u32 s5, $0x1;
	s7 =	smul.u32 $0x1400, s3  }
0xb: {  	s10 =	sshrl.u32 s10, $0x2;
	s23 =	simm.s32 $0x0;
	s3 =	sadd.s32 $0x1F400, s4  }
0xc: {  	s12 =	ssub.s32 s5, s30;
	s10 =	sadd.s32 s10, s1;
	s7 =	sshrl.u32 s7, $0x3  }
0xd: {  	s11 =	sadd.s32 $0x1FA00, s11;
	s12 =	smax.u32 s12, $0x1;
	s9 =	sadd.s32 s7, s4  }
0xe: {  	s4 =	sadd.s32 $0x1A400, s9;
	s5 =	sadd.s32 $0x15400, s9;
	s6 =	sadd.s32 $0x1400, s9  }
0xf: {  	v0 =	vimm.f32 $0.0e+00;
	v1 =	vlaneseq.u32;
	s7 =	sadd.s32 $0x6400, s9;
	s8 =	sadd.s32 $0xB400, s9;
	s9 =	sadd.s32 $0x10400, s9  }
.LBB2_1:
0x10: {  	[tilespmem:s2], [sflag:$0x1] =	stream.linear.gather [hbm4b:s3+s2], $0x2800, $0x38;
	[tilespmem:$0xCD00] =	vst v63  }
0x11: {  	_ = 	snop  }
0x12: {  	[tilespmem:s13], [sflag:$0x1] =	stream.linear.gather [hbm4b:s4+s2], $0x1400, $0x38;
	[tilespmem:$0xCD00] =	vst v63  }
0x13: {  	_ = 	snop  }
0x14: {  	[tilespmem:s14], [sflag:$0x1] =	stream.linear.gather [hbm4b:s5+s2], $0x1400, $0x38;
	[tilespmem:$0xCD00] =	vst v63  }
0x15: {  	_ = 	snop  }
0x16: {  	[tilespmem:s15], [sflag:$0x1] =	stream.linear.gather [hbm4b:s6+s2], $0x1400, $0x38;
	[tilespmem:$0xCD00] =	vst v63  }
0x17: {  	_ = 	snop  }
0x18: {  	[tilespmem:s16], [sflag:$0x1] =	stream.linear.gather [hbm4b:s7+s2], $0x1400, $0x38;
	[tilespmem:$0xCD00] =	vst v63  }
0x19: {  	_ = 	snop  }
0x1a: {  	[tilespmem:s17], [sflag:$0x1] =	stream.linear.gather [hbm4b:s8+s2], $0x1400, $0x38;
	[tilespmem:$0xCD00] =	vst v63  }
0x1b: {  	_ = 	snop  }
0x1c: {  	[tilespmem:s18], [sflag:$0x1] =	stream.linear.gather [hbm4b:s9+s2], $0x1400, $0x38;
	[tilespmem:$0xCD00] =	vst v63  }
0x1d: {  	[tilespmem:$0xC800] =	vst v0  }
0x1e: {  	[tilespmem:$0xC810] =	vst v0  }
0x1f: {  	[tilespmem:$0xC820] =	vst v0  }
0x20: {  	[tilespmem:$0xC830] =	vst v0  }
0x21: {  	[tilespmem:$0xC840] =	vst v0  }
0x22: {  	[tilespmem:$0xC850] =	vst v0  }
0x23: {  	[tilespmem:$0xC860] =	vst v0  }
0x24: {  	[tilespmem:$0xC870] =	vst v0  }
0x25: {  	[tilespmem:$0xC880] =	vst v0  }
0x26: {  	[tilespmem:$0xC890] =	vst v0  }
0x27: {  	[tilespmem:$0xC8A0] =	vst v0  }
0x28: {  	[tilespmem:$0xC8B0] =	vst v0  }
0x29: {  	[tilespmem:$0xC8C0] =	vst v0  }
0x2a: {  	[tilespmem:$0xC8D0] =	vst v0  }
0x2b: {  	[tilespmem:$0xC8E0] =	vst v0  }
0x2c: {  	[tilespmem:$0xC8F0] =	vst v0  }
0x2d: {  	[tilespmem:$0xC900] =	vst v0  }
0x2e: {  	[tilespmem:$0xC910] =	vst v0  }
0x2f: {  	[tilespmem:$0xC920] =	vst v0  }
0x30: {  	[tilespmem:$0xC930] =	vst v0  }
0x31: {  	[tilespmem:$0xC940] =	vst v0  }
0x32: {  	[tilespmem:$0xC950] =	vst v0  }
0x33: {  	[tilespmem:$0xC960] =	vst v0  }
0x34: {  	[tilespmem:$0xC970] =	vst v0  }
0x35: {  	[tilespmem:$0xC980] =	vst v0  }
0x36: {  	[tilespmem:$0xC990] =	vst v0  }
0x37: {  	[tilespmem:$0xC9A0] =	vst v0  }
0x38: {  	[tilespmem:$0xC9B0] =	vst v0  }
0x39: {  	[tilespmem:$0xC9C0] =	vst v0  }
0x3a: {  	[tilespmem:$0xC9D0] =	vst v0  }
0x3b: {  	[tilespmem:$0xC9E0] =	vst v0  }
0x3c: {  	[tilespmem:$0xC9F0] =	vst v0  }
0x3d: {  	[tilespmem:$0xCA00] =	vst v0  }
0x3e: {  	[tilespmem:$0xCA10] =	vst v0  }
0x3f: {  	[tilespmem:$0xCA20] =	vst v0  }
0x40: {  	[tilespmem:$0xCA30] =	vst v0  }
0x41: {  	[tilespmem:$0xCA40] =	vst v0  }
0x42: {  	[tilespmem:$0xCA50] =	vst v0  }
0x43: {  	[tilespmem:$0xCA60] =	vst v0  }
0x44: {  	[tilespmem:$0xCA70] =	vst v0  }
0x45: {  	[spmem:s10] =	stream.linear.scatter [tilespmem:s19], [sflag:$0x2], $0x280, $0x38;
	[tilespmem:$0xCD00] =	vst v63  }
0x46: {  	_ =	swait.ge [sflag:s20], $0x280  }
0x47: {  	[sflag:s20] =	ssyncset.done $0x0  }
0x48: {  	[sflag:s20] =	ssyncadd.s32 $0xFFFFFD80  }
0x49: {  	_ =	swait.ge [sflag:s21], $0x2800  }
0x4a: {  	[sflag:s21] =	ssyncset.done $0x0  }
0x4b: {  	[sflag:s21] =	ssyncadd.s32 $0xFFFFD800  }
0x4c: {  	_ =	swait.ge [sflag:s21], $0x1400  }
0x4d: {  	[sflag:s21] =	ssyncset.done $0x0  }
0x4e: {  	[sflag:s21] =	ssyncadd.s32 $0xFFFFEC00  }
0x4f: {  	_ =	swait.ge [sflag:s21], $0x1400  }
0x50: {  	[sflag:s21] =	ssyncset.done $0x0  }
0x51: {  	[sflag:s21] =	ssyncadd.s32 $0xFFFFEC00  }
0x52: {  	_ =	swait.ge [sflag:s21], $0x1400  }
0x53: {  	[sflag:s21] =	ssyncset.done $0x0  }
0x54: {  	[sflag:s21] =	ssyncadd.s32 $0xFFFFEC00  }
0x55: {  	_ =	swait.ge [sflag:s21], $0x1400  }
0x56: {  	[sflag:s21] =	ssyncset.done $0x0  }
0x57: {  	[sflag:s21] =	ssyncadd.s32 $0xFFFFEC00  }
0x58: {  	_ =	swait.ge [sflag:s21], $0x1400  }
0x59: {  	[sflag:s21] =	ssyncset.done $0x0  }
0x5a: {  	[sflag:s21] =	ssyncadd.s32 $0xFFFFEC00  }
0x5b: {  	_ =	swait.ge [sflag:s21], $0x1400  }
0x5c: {  	s24 =	simm.s32 $0xFFFFFFFE;
	s25 =	simm.s32 $0x3C10;
	[sflag:s21] =	ssyncset.done $0x0  }
0x5d: {  	s26 =	simm.s32 $0x2810;
	s28 =	simm.s32 $0x10;
	[sflag:s21] =	ssyncadd.s32 $0xFFFFEC00  }
0x5e: {  	s29 =	simm.s32 $0xA010;
	s30 =	simm.s32 $0xB410;
	[bflag:$0x0] =	sbarrier.arrive $0xFFFF  }
.LBB2_2:
0x5f: {  	v2 =	vld [tilespmem:s26+$0xFFFFFFF0]  }
0x60: {  	v3 =	vld [tilespmem:s25+$0xFFFFFFF0];
	_ =	sdelay $0x6  }
0x61: {  	v2 =	vld.idx.msk [tilespmem:v2+s31+$0x0], $0xffff  }
0x62: {  	v3 =	vld.idx.msk [tilespmem:v3+s31+$0x0], $0xffff;
	_ =	sdelay $0x4  }
0x63: {  	v2 =	vadd.s32 $0x1, v2;
	v3 =	vadd.s32 $0x1, v3  }
0x64: {  	v4 =	vshrl.u32 v2, $0x1;
	v5 =	vand.u32 $0xFFFFFFFE, v3  }
0x65: {  	v3 =	vshrl.u32 v3, $0x1;
	v2 =	vand.u32 $0xFFFFFFFE, v2;
	v4 =	vadd.s32 v4, v5  }
0x66: {  	s0 =	sadd.s32 $0xFFFFFFF0, s28;
	v2 =	vadd.s32 v2, v3;
	v4 =	vmul.u32 $0x1400, v4  }
0x67: {  	v3 =	vor.u32 s0, v1;
	v2 =	vmul.u32 $0x1400, v2  }
0x68: {  	v4 =	vadd.s32 v3, v4  }
0x69: {  	v61 =	vand.u32 $0x6F, v3;
	v2 =	vadd.s32 v3, v2;
	v4 =	vand.u32 $0xFFFFFF80, v4  }
0x6a: {  	v2 =	vand.u32 $0xFFFFFF80, v2;
	v3 =	vor.u32 v61, v4  }
0x6b: {  	v2 =	vor.u32 v61, v2;
	_ =	sdelay $0x3  }
0x6c: {  	v3 =	vld.idx.msk [tilespmem:v3+s15+$0x0], $0xffff  }
0x6d: {  	v2 =	vld.idx.msk [tilespmem:v2+s15+$0x0], $0xffff;
	_ =	sdelay $0x3  }
0x6e: {  	[tilespmem:s29+$0xFFFFFFF0] =	vst v3  }
0x6f: {  	[tilespmem:s30+$0xFFFFFFF0] =	vst v2  }
0x70: {  	v2 =	vld [tilespmem:s26+$0x0]  }
0x71: {  	v3 =	vld [tilespmem:s25+$0x0];
	_ =	sdelay $0x6  }
0x72: {  	v2 =	vld.idx.msk [tilespmem:v2+s31+$0x0], $0xffff  }
0x73: {  	v3 =	vld.idx.msk [tilespmem:v3+s31+$0x0], $0xffff;
	_ =	sdelay $0x4  }
0x74: {  	v2 =	vadd.s32 $0x1, v2;
	v3 =	vadd.s32 $0x1, v3  }
0x75: {  	v62 =	vshrl.u32 v2, $0x1;
	v63 =	vand.u32 $0xFFFFFFFE, v3  }
0x76: {  	v3 =	vshrl.u32 v3, $0x1;
	v2 =	vand.u32 $0xFFFFFFFE, v2;
	v4 =	vadd.s32 v62, v63  }
0x77: {  	v2 =	vadd.s32 v2, v3;
	v4 =	vmul.u32 $0x1400, v4  }
0x78: {  	v3 =	vor.u32 s28, v1;
	v2 =	vmul.u32 $0x1400, v2  }
0x79: {  	v4 =	vadd.s32 v3, v4  }
0x7a: {  	v2 =	vadd.s32 v3, v2;
	_ =	sdelay $0x3  }
0x7b: {  	s24 =	sadd.s32 $0x2, s24;
	v3 =	vld.idx.msk [tilespmem:v4+s15+$0x0], $0xffff  }
0x7c: {  	p1 =	slt.u32 s24, $0x13E;
	v2 =	vld.idx.msk [tilespmem:v2+s15+$0x0], $0xffff  }
.Ltmp0:
0x7d: {  	_ = 	snop;
	(pc) =	sbr.rel @p1 .LBB2_2-.Ltmp0, $3  }
0x7e: {  	_ =	sdelay $0x1  }
0x7f: {  	s25 =	sadd.s32 $0x20, s25;
	s26 =	sadd.s32 $0x20, s26;
	[tilespmem:s29+$0x0] =	vst v3  }
0x80: {  	s28 =	sadd.s32 $0x20, s28;
	s29 =	sadd.s32 $0x20, s29;
	[tilespmem:s30+$0x0] =	vst v2;
	s30 =	sadd.s32 $0x20, s30  }
0x81: {  	s0 =	simm.s32 $0xA000;
	s24 =	simm.s32 $0x3C00  }
0x82: {  	[spmem:s1] =	stream.indirect.scatter.add.f32 [tilespmem:s0], [sflag:$0x1], $0x1, s24, s22, $0xb8;
	[tilespmem:$0xCD00] =	vst v63  }
0x83: {  	s29 =	simm.s32 $0xB400;
	s30 =	simm.s32 $0x2800  }
0x84: {  	[spmem:s1] =	stream.indirect.scatter.add.f32 [tilespmem:s29], [sflag:$0x1], $0x1, s30, s22, $0xb8;
	[tilespmem:$0xCD00] =	vst v63  }
0x85: {  	_ =	swait.ge [sflag:s21], $0x80  }
0x86: {  	[sflag:s21] =	ssyncset.done $0x0  }
0x87: {  	[sflag:s21] =	ssyncadd.s32 $0xFFFFFF80  }
0x88: {  	_ =	swait.ge [sflag:s21], $0x80  }
0x89: {  	s25 =	simm.s32 $0x400;
	s24 =	simm.s32 $0x80;
	[sflag:s21] =	ssyncset.done $0x0  }
.LBB2_4:
0x8a: {  	s0 =	sadd.s32 $0xA000, s24;
	s26 =	sadd.s32 $0x3C00, s24  }
0x8b: {  	[sflag:s21] =	ssyncadd.s32 $0xFFFFFF80;
	s28 =	smov.u32 s25;
	p1 =	sne.s32 s25, $0x4E00  }
0x8c: {  	[spmem:s1] =	stream.indirect.scatter.add.f32 [tilespmem:s0], [sflag:$0x1], $0x1, s26, s22, $0xb8;
	[tilespmem:$0xCD00] =	vst v63  }
0x8d: {  	s0 =	sadd.s32 $0x200, s25;
	s26 =	sadd.s32 $0xB400, s24;
	s24 =	sadd.s32 $0x2800, s24  }
0x8e: {  	[spmem:s1] =	stream.indirect.scatter.add.f32 [tilespmem:s26], [sflag:$0x1], $0x1, s24, s22, $0xb8;
	[tilespmem:$0xCD00] =	vst v63  }
.Ltmp1:
0x8f: {  	_ =	swait.ge [sflag:s21], $0x80;
	(pc) =	sbr.rel @p1 .LBB2_4-.Ltmp1, $4  }
0x90: {  	[sflag:s21] =	ssyncset.done $0x0  }
0x91: {  	[sflag:s21] =	ssyncadd.s32 $0xFFFFFF80  }
0x92: {  	_ =	swait.ge [sflag:s21], $0x80  }
0x93: {  	s25 =	smov.u32 s0;
	s24 =	sshra.s32 s28, $0x2;
	[sflag:s21] =	ssyncset.done $0x0  }
0x94: {  	s0 =	sadd.s32 $0xA000, s24;
	s25 =	sadd.s32 $0x3C00, s24;
	[sflag:s21] =	ssyncadd.s32 $0xFFFFFF80  }
0x95: {  	[spmem:s1] =	stream.indirect.scatter.add.f32 [tilespmem:s0], [sflag:$0x1], $0x1, s25, s22, $0xb8;
	[tilespmem:$0xCD00] =	vst v63  }
0x96: {  	s29 =	sadd.s32 $0xB400, s24;
	s30 =	sadd.s32 $0x2800, s24  }
0x97: {  	[spmem:s1] =	stream.indirect.scatter.add.f32 [tilespmem:s29], [sflag:$0x1], $0x1, s30, s22, $0xb8;
	[tilespmem:$0xCD00] =	vst v63  }
0x98: {  	_ =	swait.ge [sflag:s21], $0x80  }
0x99: {  	[sflag:s21] =	ssyncset.done $0x0  }
0x9a: {  	[sflag:s21] =	ssyncadd.s32 $0xFFFFFF80  }
0x9b: {  	s24 =	simm.s32 @!p0 $0x1;
	_ =	swait.ge [sflag:s21], $0x80  }
0x9c: {  	s26 =	simm.s32 @!p0 $0x10;
	s28 =	simm.s32 @!p0 $0x1C02;
	[sflag:s21] =	ssyncset.done $0x0  }
0x9d: {  	s23 =	sadd.s32 $0x1, s23;
	s0 =	sshrl.u32 @!p0 s1, $0x3;
	[sflag:s21] =	ssyncadd.s32 $0xFFFFFF80  }
0x9e: {  	s25 =	simm.s32 @!p0 $0x20;
	p1 =	sne.s32 s23, s12;
	[bflag:$0x0] =	sbarrier.arrive $0xFFFF  }
0x9f: {  	[hbm:s11@s25], [sflag:s28] =	dma.strided @!p0 [spmem:s0@s26], $0x500, s24, $0x10   }
.Ltmp2:
0xa0: {  	_ = 	snop;
	(pc) =	sbr.rel @p1 .LBB2_1-.Ltmp2, $4  }
0xa1: {  	s0 =	simm.s32 @!p0 $0x2  }
0xa2: {  	_ =	swait.ge @!p0 [sflag:s0], $0x500  }
0xa3: {  	[sflag:s0] =	ssyncset.done @!p0 $0x0  }
0xa4: {  	[sflag:s0] =	ssyncadd.s32 @!p0 $0xFFFFFB00  }
0xa5: {  	_ =	sfence.sel $0x180000  }
0xa6: {  	[bflag:$0x0] =	sbarrier.arrive $0xFFFF  }
0xa7: {  	_ =	strace $0x90000047  }
0xa8: {  	[bflag:$0x2] =	sbarrier.arrive $0xFFFF  }
0xa9: {  	s0 =	rddreg [dreg:$0x2]  }
0xaa: {  	s0 =	sadd.s32 @!p0 $0x100000, s0  }
0xab: {  	[sflag:s0] =	ssyncadd.tile.s32 @!p0 $0x1;
	_ =	shalt  }
.Lfunc_end2:
_tile_overlayer_lowered:
.L_overlay_start_2:
0xac: {  	(tag) =	ssettag $0x2  }
0xad: {  	s0 =	rddreg [dreg:$0x0];
	s2 =	stileid.u32  }
0xae: {  	s1 =	rddreg [dreg:$0x1];
	p0 =	sne.s32 s2, $0x0  }
0xaf: {  	s3 =	rddreg [dreg:$0x2];
	[bflag:$0x3] =	sbarrier.arrive $0xFFFF;
	s2 =	simm.s32 @!p0 $0x1C02  }
0xb0: {  	[timem:s3], [sflag:s2] =	dma.local @!p0 [hbm:s0], s1  }
0xb1: {  	s0 =	simm.s32 @!p0 $0x2  }
0xb2: {  	_ =	swait.ge @!p0 [sflag:s0], s1  }
0xb3: {  	s1 =	ssub.s32 @!p0 $0x0, s1;
	[sflag:s0] =	ssyncset.done @!p0 $0x0  }
0xb4: {  	[sflag:s0] =	ssyncadd.s32 @!p0 s1  }
0xb5: {  	[bflag:$0x3] =	sbarrier.arrive $0xFFFF  }
0xb6: {  	_ =	shalt  }

// kernel: kernel.7.cloned.1.call-start
scs
__scs_entry_jumppad:
0x0: {  	(pc) =	sbr.rel $0x88, $3  }
0x1: {  	(tag) =	ssettag $0x0;
	lr =	simm.s32 $0x1  }
0x2: {  	[smem:$0x3F94] =	sst lr;
	_ =	strace $0xD0000000  }
0x3: {  	_ = 	snop  }
0x4: {  	_ = 	snop  }
0x5: {  	_ = 	snop  }
0x6: {  	_ = 	snop  }
0x7: {  	_ = 	snop  }
__scs_overlays_trampoline_lowered:
0x8: {  	[smem:$0x3FA3] =	sst s0  }
0x9: {  	[smem:$0x3FA4] =	sst s1  }
0xa: {  	[smem:$0x3FA5] =	sst s2  }
0xb: {  	[smem:$0x3FA6] =	sst s3  }
0xc: {  	[smem:$0x3FA7] =	sst s4  }
0xd: {  	[smem:$0x3FA8] =	sst s5  }
0xe: {  	[smem:$0x3FA9] =	sst s6  }
0xf: {  	[smem:$0x3FAA] =	sst s7  }
0x10: {  	[smem:$0x3FAB] =	sst s8  }
0x11: {  	[smem:$0x3FAC] =	sst s9;
	s0 =	simm.s32 @!p0 $0x0  }
0x12: {  	s1 =	sld [smem:$0x3F92];
	s0 =	simm.s32 @p0 $0x1  }
0x13: {  	[smem:$0x3FAD] =	sst s0;
	s0 =	simm.s32 @!p1 $0x0  }
0x14: {  	s2 =	sld [smem:$0x3F91];
	s0 =	simm.s32 @p1 $0x1  }
0x15: {  	[smem:$0x3FAE] =	sst s0;
	s0 =	simm.s32 @!p2 $0x0  }
0x16: {  	s3 =	sld [smem:$0x3FDB];
	s0 =	simm.s32 @p2 $0x1  }
0x17: {  	s4 =	simm.s32 $0x1BF5;
	[smem:$0x3FB0] =	sst s0  }
0x18: {  	s0 =	sld [smem:$0x3F93];
	_ =	swait.ge [sflag:s4], $0x0  }
0x19: {  	s7 =	sld [smem:$0x3F94]  }
0x1a: {  	s8 =	sadd.s32 $0xFFFFE003, lr  }
0x1b: {  	s9 =	sadd.s32 $0xFFFFFEF7, lr;
	s5 =	simm.s32 $0xFFFFFFFF;
	p2 =	slt.u32 s8, $0xFFFFF086  }
0x1c: {  	p1 =	slt.u32 s9, $0xF7A;
	s5 =	simm.s32 @!p2 $0x0  }
0x1d: {  	s5 =	simm.s32 @p1 $0x1;
	p0 =	seq.s32 s7, s2  }
0x1e: {  	s7 =	smul.u32 @!p0 $0xF7A, s2;
	p2 =	seq.s32 @!p0 s5, $0x0  }
0x1f: {  	s9 =	smul.u32 $0xF7A, s1;
	s8 =	simm.s32 @!p0 $0x1BF5;
	p2 =	por !p2, p0  }
0x20: {  	[sflag:s8] =	ssyncset.s32 @!p0 $0xFFFFF086;
	s6 =	sadd.s32 @!p0 s3, s7;
	s7 =	simm.s32 @!p0 $0x108  }
0x21: {  	s3 =	sadd.s32 s3, s9;
	s6 =	sadd.s32 @!p0 $0x88, s6;
	s7 =	simm.s32 @p2 $0x1082  }
0x22: {  	[simem:s7], [sflag:s8] =	dma.local @!p0 [hbm:s6], $0xF7A  }
0x23: {  	s9 =	sor.u32 $0xD0000000, s2;
	s6 =	simm.s32 $0x108;
	_ =	swait.ge @!p0 [sflag:s8], $0x0  }
0x24: {  	s3 =	sadd.s32 $0x88, s3;
	s6 =	simm.s32 @!p1 $0x1082;
	[sflag:s4] =	ssyncset.s32 $0xFFFFF086  }
0x25: {  	[simem:s6], [sflag:s4] =	dma.local [hbm:s3], $0xF7A  }
0x26: {  	[smem:$0x3F94] =	sst s1;
	(tag) =	ssettag s2;
	_ =	strace s9  }
0x27: {  	s1 =	sld [smem:$0x3FA4]  }
0x28: {  	s2 =	sld [smem:$0x3FA5]  }
0x29: {  	s4 =	sld [smem:$0x3FA7]  }
0x2a: {  	p0 =	seq.s32 s5, $0x0;
	s5 =	sld [smem:$0x3FA8]  }
0x2b: {  	s6 =	sld [smem:$0x3FA9]  }
0x2c: {  	s7 =	sld [smem:$0x3FAA]  }
0x2d: {  	s3 =	simm.s32 $0x108;
	s8 =	sld [smem:$0x3FAB]  }
0x2e: {  	s3 =	simm.s32 @!p0 $0x1082;
	s9 =	sld [smem:$0x3FAC]  }
0x2f: {  	lr =	sadd.s32 s0, s3;
	s0 =	sld [smem:$0x3FA3]  }
0x30: {  	s3 =	sld [smem:$0x3FA6]  }
0x31: {  	[smem:$0x3FAF] =	sst s10  }
0x32: {  	s10 =	sld [smem:$0x3FAD];
	_ =	sdelay $0x3  }
0x33: {  	p0 =	seq.s32 s10, $0x1;
	s10 =	sld [smem:$0x3FAF];
	_ =	sdelay $0x3  }
0x34: {  	[smem:$0x3FAF] =	sst s10  }
0x35: {  	s10 =	sld [smem:$0x3FAE];
	_ =	sdelay $0x3  }
0x36: {  	p1 =	seq.s32 s10, $0x1;
	s10 =	sld [smem:$0x3FAF];
	_ =	sdelay $0x3  }
0x37: {  	[smem:$0x3FAF] =	sst s10  }
0x38: {  	s10 =	sld [smem:$0x3FB0]  }
0x39: {  	_ = 	snop;
	(pc) =	sbr.ind lr, $3  }
0x3a: {  	_ = 	snop  }
0x3b: {  	_ = 	snop  }
0x3c: {  	p2 =	seq.s32 s10, $0x1;
	s10 =	sld [smem:$0x3FAF]  }
0x3d: {  	_ =	shalt  }
0x3e: {  	_ =	shalt  }
0x3f: {  	_ =	shalt  }
0x40: {  	_ =	shalt  }
0x41: {  	_ =	shalt  }
0x42: {  	_ =	shalt  }
0x43: {  	_ =	shalt  }
0x44: {  	_ =	shalt  }
0x45: {  	_ =	shalt  }
0x46: {  	_ =	shalt  }
0x47: {  	_ =	shalt  }
0x48: {  	_ =	shalt  }
0x49: {  	_ =	shalt  }
0x4a: {  	_ =	shalt  }
0x4b: {  	_ =	shalt  }
0x4c: {  	_ =	shalt  }
0x4d: {  	_ =	shalt  }
0x4e: {  	_ =	shalt  }
0x4f: {  	_ =	shalt  }
0x50: {  	_ =	shalt  }
0x51: {  	_ =	shalt  }
0x52: {  	_ =	shalt  }
0x53: {  	_ =	shalt  }
0x54: {  	_ =	shalt  }
0x55: {  	_ =	shalt  }
0x56: {  	_ =	shalt  }
0x57: {  	_ =	shalt  }
0x58: {  	_ =	shalt  }
0x59: {  	_ =	shalt  }
0x5a: {  	_ =	shalt  }
0x5b: {  	_ =	shalt  }
0x5c: {  	_ =	shalt  }
0x5d: {  	_ =	shalt  }
0x5e: {  	_ =	shalt  }
0x5f: {  	_ =	shalt  }
0x60: {  	_ =	shalt  }
0x61: {  	_ =	shalt  }
0x62: {  	_ =	shalt  }
0x63: {  	_ =	shalt  }
0x64: {  	_ =	shalt  }
0x65: {  	_ =	shalt  }
0x66: {  	_ =	shalt  }
0x67: {  	_ =	shalt  }
0x68: {  	_ =	shalt  }
0x69: {  	_ =	shalt  }
0x6a: {  	_ =	shalt  }
0x6b: {  	_ =	shalt  }
0x6c: {  	_ =	shalt  }
0x6d: {  	_ =	shalt  }
0x6e: {  	_ =	shalt  }
0x6f: {  	_ =	shalt  }
0x70: {  	_ =	shalt  }
0x71: {  	_ =	shalt  }
0x72: {  	_ =	shalt  }
0x73: {  	_ =	shalt  }
0x74: {  	_ =	shalt  }
0x75: {  	_ =	shalt  }
0x76: {  	_ =	shalt  }
0x77: {  	_ =	shalt  }
0x78: {  	_ =	shalt  }
0x79: {  	_ =	shalt  }
0x7a: {  	_ =	shalt  }
0x7b: {  	_ =	shalt  }
0x7c: {  	_ =	shalt  }
0x7d: {  	_ =	shalt  }
0x7e: {  	_ =	shalt  }
0x7f: {  	_ =	shalt  }
0x80: {  	_ =	shalt  }
0x81: {  	_ =	shalt  }
0x82: {  	_ =	shalt  }
0x83: {  	_ =	shalt  }
0x84: {  	_ =	shalt  }
0x85: {  	_ =	shalt  }
0x86: {  	_ =	shalt  }
0x87: {  	_ =	shalt  }
.Lfunc_end0:
.L_simem_size_0:
called_computation_lowered:
.L_overlay_start_0:
0x88: {  	s2 =	sld [smem:$0x3FD9]  }
0x89: {  	s3 =	sld [smem:$0x3FFE];
	_ =	sdelay $0x1  }
0x8a: {  	s1 =	srdreg.scid  }
0x8b: {  	s0 =	sand.u32 $0x1, s1  }
0x8c: {  	s17 =	sshll.u32 s0, $0xA;
	s2 =	sadd.s32 s3, s2  }
0x8d: {  	s2 =	sadd.s32 s2, s17  }
0x8e: {  	[smem:$0x3FBB] =	sst s2  }
0x8f: {  	_ = 	snop  }
0x90: {  	(tm) =	ssettm $0x1  }
0x91: {  	s18 =	sld [smem:$0x3FFB];
	_ =	sdelay $0x3  }
0x92: {  	_ =	strace s18  }
0x93: {  	s2 =	sld [smem:$0x3FFC];
	_ =	sdelay $0x3  }
0x94: {  	_ =	strace s2  }
0x95: {  	s2 =	sld [smem:$0x3FFD];
	_ =	sdelay $0x3  }
0x96: {  	_ =	strace s2  }
0x97: {  	_ =	strace $0x8FFFFFFF  }
0x98: {  	s19 =	sld [smem:$0x3FDB];
	_ =	sdelay $0x1  }
0x99: {  	s20 =	simm.s32 $_scs_section_size  }
0x9a: {  	s4 =	simm.s32 $_size__tile_overlayer_lowered;
	s5 =	simm.s32 $_tile_overlayer_lowered  }
0x9b: {  	s6 =	simm.s32 $0x1BFF;
	s21 =	sshll.u32 s5, $0x1;
	s3 =	sadd.s32 s20, s19  }
0x9c: {  	s22 =	simm.s32 $0x0;
	s4 =	sshll.u32 s4, $0x1;
	s5 =	sadd.s32 s21, s3  }
0x9d: {  	[timem:s22], [sflag:s6] =	dma.local [hbm:s5], s4  }
0x9e: {  	_ =	swait.ge [sflag:s6], s4  }
0x9f: {  	s4 =	ssub.s32 $0x0, s4;
	[sflag:s6] =	ssyncset.done $0x0  }
0xa0: {  	[sflag:s6] =	ssyncadd.s32 s4;
	_ =	sdelay $0x1  }
0xa1: {  	s23 =	simm.s32 $0x1B8B  }
0xa2: {  	_ =	swait.ge [sflag:s23], $0x1  }
0xa3: {  	[sflag:s23] =	ssyncset.done $0x0  }
0xa4: {  	[sflag:s23] =	ssyncadd.s32 $0xFFFFFFFF  }
0xa5: {  	s4 =	sld [smem:$0x0]  }
0xa6: {  	s5 =	sand.u32 $0xFFFFFFFE, s1  }
0xa7: {  	p0 =	sne.s32 s1, s5  }
0xa8: {  	s5 =	sshll.u32 @p0 s5, $0xE  }
0xa9: {  	s5 =	sadd.s32 @p0 $0x11B8D, s5;
	s6 =	sshll.u32 @p0 s4, $0x11  }
0xaa: {  	s5 =	sor.u32 @p0 s6, s5  }
0xab: {  	[sflag:s5] =	ssyncadd.remote.s32 @p0 $0x1;
	_ =	sdelay $0x1  }
0xac: {  	s5 =	simm.s32 @p0 $0x1B8D  }
0xad: {  	_ =	swait.eq @p0 [sflag:s5], $0x1  }
0xae: {  	[sflag:s5] =	ssyncadd.s32 @p0 $0xFFFFFFFF  }
0xaf: {  	s6 =	sshll.u32 @!p0 s1, $0xE  }
0xb0: {  	s6 =	sor.u32 @!p0 $0x4000, s6;
	s5 =	simm.s32 @!p0 $0x1B8D  }
0xb1: {  	s4 =	sshll.u32 @!p0 s4, $0x11;
	s6 =	sadd.s32 @!p0 $0x11B8D, s6;
	_ =	swait.eq @!p0 [sflag:s5], $0x1  }
0xb2: {  	s4 =	sor.u32 @!p0 s4, s6;
	[sflag:s5] =	ssyncadd.s32 @!p0 $0xFFFFFFFF  }
0xb3: {  	s25 =	simm.s32 $0x1B8E;
	s24 =	sld [smem:$0x3FFE];
	[sflag:s4] =	ssyncadd.remote.s32 @!p0 $0x1  }
0xb4: {  	s26 =	simm.s32 $execute0_lowered;
	[smem:$0x3FD2] =	sst s25  }
0xb5: {  	s5 =	sshll.u32 s26, $0x1;
	_ =	strace $0x80000049;
	[dreg:$0x1] =	wrdreg $0xFFFFFFFF  }
0xb6: {  	s28 =	simm.s32 $_size_execute0_lowered;
	s3 =	sadd.s32 s3, s5;
	[dreg:$0x0] =	wrdreg $0x0  }
0xb7: {  	s5 =	sshll.u32 s28, $0x1;
	[dreg:$0x2] =	wrdreg s3  }
0xb8: {  	[dreg:$0x3] =	wrdreg s5  }
0xb9: {  	[dreg:$0x4] =	wrdreg $0xC0  }
0xba: {  	_ =	task [dreg:s22], $0x5FFFF  }
0xbb: {  	[dreg:$0x1] =	wrdreg $0xFFFFFFFF  }
0xbc: {  	[dreg:$0x0] =	wrdreg $0x60  }
0xbd: {  	[dreg:$0x2] =	wrdreg s24  }
0xbe: {  	[dreg:$0x3] =	wrdreg $0xCA800  }
0xbf: {  	[dreg:$0x4] =	wrdreg $0x9  }
0xc0: {  	_ =	task.clear_ibuf [dreg:s22], $0x5FFFF;
	_ =	strace $0x90000049  }
0xc1: {  	s29 =	simm.s32 $0x9;
	_ =	strace $0x8000004B  }
0xc2: {  	_ =	swait.ge [sflag:s29], $0x1  }
0xc3: {  	[sflag:s29] =	ssyncadd.s32 $0xFFFFFFFF  }
0xc4: {  	_ =	strace $0x9000004B  }
0xc5: {  	_ =	sfence  }
0xc6: {  	s30 =	sld [smem:$0x0];
	_ =	sdelay $0x2  }
0xc7: {  	s31 =	sshll.u32 s1, $0xD;
	s1 =	sshrl.u32 s1, $0x2  }
0xc8: {  	s4 =	sand.u32 $0x4000, s31;
	s1 =	sadd.s32 s1, s30  }
0xc9: {  	s0 =	sor.u32 s4, s0;
	s1 =	sshll.u32 s1, $0x11  }
0xca: {  	s0 =	sor.u32 s1, s0  }
0xcb: {  	s0 =	sadd.s32 $0x8F2B, s0  }
0xcc: {  	[sflag:s0] =	ssyncadd.remote.s32 $0x1  }
0xcd: {  	_ =	sfence.sel $0xFFFF  }
0xce: {  	[dreg:$0x0] =	wrdreg $0xFFFFFFFF;
	(pc) =	sbr.abs _section_cstart, $3  }
0xcf: {  	[dreg:$0x1] =	wrdreg $0xFFFFFFFF  }
0xd0: {  	_ =	task.clear_ibuf [dreg:s22], $0x2FFFF;
	_ =	strace $0x9FFFFFFF  }
0xd1: {  	(tm) =	ssettm $0x7FFFFFFF  }
tec
execute0_lowered:
.L_overlay_start_1:
0x0: {  	(tag) =	ssettag $0x1  }
0x1: {  	s4 =	rddreg [dreg:$0x0]  }
0x2: {  	s0 =	srdreg.scid;
	s1 =	rddreg [dreg:$0x1]  }
0x3: {  	s23 =	stileid.u32;
	s2 =	simm.s32 $0x0;
	s13 =	simm.s32 $0x2800  }
0x4: {  	s14 =	simm.s32 $0x3C00;
	s15 =	simm.s32 $0x5000;
	s16 =	simm.s32 $0x6400  }
0x5: {  	s17 =	simm.s32 $0x7800;
	s18 =	simm.s32 $0x8C00;
	s19 =	simm.s32 $0xC800  }
0x6: {  	s20 =	simm.s32 $0x2;
	s21 =	simm.s32 $0x1;
	s22 =	simm.s32 $0x80  }
0x7: {  	s31 =	simm.s32 $0x0;
	s5 =	sand.u32 $0x1, s0;
	[smem:$0x7FF] =	sst s2  }
0x8: {  	s10 =	smul.u32 $0xA00, s23;
	p0 =	sne.s32 s23, $0x0;
	s6 =	sshll.u32 s5, $0x4  }
0x9: {  	_ =	strace $0x8000004A;
	s5 =	ssub.s32 $0x2, s5;
	s3 =	sor.u32 s23, s6  }
0xa: {  	s11 =	sadd.s32 s6, s4;
	s30 =	sshrl.u32 s5, $0x1;
	s7 =	smul.u32 $0x1400, s3  }
0xb: {  	s10 =	sshrl.u32 s10, $0x2;
	s23 =	simm.s32 $0x0;
	s3 =	sadd.s32 $0x1F400, s4  }
0xc: {  	s12 =	ssub.s32 s5, s30;
	s10 =	sadd.s32 s10, s1;
	s7 =	sshrl.u32 s7, $0x3  }
0xd: {  	s11 =	sadd.s32 $0x3E400, s11;
	s12 =	smax.u32 s12, $0x1;
	s9 =	sadd.s32 s7, s4  }
0xe: {  	s4 =	sadd.s32 $0x20400, s9;
	s5 =	sadd.s32 $0x25400, s9;
	s6 =	sadd.s32 $0x2A400, s9  }
0xf: {  	v0 =	vimm.f32 $0.0e+00;
	v1 =	vlaneseq.u32;
	s7 =	sadd.s32 $0x2F400, s9;
	s8 =	sadd.s32 $0x34400, s9;
	s9 =	sadd.s32 $0x39400, s9  }
.LBB2_1:
0x10: {  	[tilespmem:s2], [sflag:$0x1] =	stream.linear.gather [hbm4b:s3+s2], $0x2800, $0x38;
	[tilespmem:$0xCD00] =	vst v63  }
0x11: {  	_ = 	snop  }
0x12: {  	[tilespmem:s13], [sflag:$0x1] =	stream.linear.gather [hbm4b:s4+s2], $0x1400, $0x38;
	[tilespmem:$0xCD00] =	vst v63  }
0x13: {  	_ = 	snop  }
0x14: {  	[tilespmem:s14], [sflag:$0x1] =	stream.linear.gather [hbm4b:s5+s2], $0x1400, $0x38;
	[tilespmem:$0xCD00] =	vst v63  }
0x15: {  	_ = 	snop  }
0x16: {  	[tilespmem:s15], [sflag:$0x1] =	stream.linear.gather [hbm4b:s6+s2], $0x1400, $0x38;
	[tilespmem:$0xCD00] =	vst v63  }
0x17: {  	_ = 	snop  }
0x18: {  	[tilespmem:s16], [sflag:$0x1] =	stream.linear.gather [hbm4b:s7+s2], $0x1400, $0x38;
	[tilespmem:$0xCD00] =	vst v63  }
0x19: {  	_ = 	snop  }
0x1a: {  	[tilespmem:s17], [sflag:$0x1] =	stream.linear.gather [hbm4b:s8+s2], $0x1400, $0x38;
	[tilespmem:$0xCD00] =	vst v63  }
0x1b: {  	_ = 	snop  }
0x1c: {  	[tilespmem:s18], [sflag:$0x1] =	stream.linear.gather [hbm4b:s9+s2], $0x1400, $0x38;
	[tilespmem:$0xCD00] =	vst v63  }
0x1d: {  	[tilespmem:$0xC800] =	vst v0  }
0x1e: {  	[tilespmem:$0xC810] =	vst v0  }
0x1f: {  	[tilespmem:$0xC820] =	vst v0  }
0x20: {  	[tilespmem:$0xC830] =	vst v0  }
0x21: {  	[tilespmem:$0xC840] =	vst v0  }
0x22: {  	[tilespmem:$0xC850] =	vst v0  }
0x23: {  	[tilespmem:$0xC860] =	vst v0  }
0x24: {  	[tilespmem:$0xC870] =	vst v0  }
0x25: {  	[tilespmem:$0xC880] =	vst v0  }
0x26: {  	[tilespmem:$0xC890] =	vst v0  }
0x27: {  	[tilespmem:$0xC8A0] =	vst v0  }
0x28: {  	[tilespmem:$0xC8B0] =	vst v0  }
0x29: {  	[tilespmem:$0xC8C0] =	vst v0  }
0x2a: {  	[tilespmem:$0xC8D0] =	vst v0  }
0x2b: {  	[tilespmem:$0xC8E0] =	vst v0  }
0x2c: {  	[tilespmem:$0xC8F0] =	vst v0  }
0x2d: {  	[tilespmem:$0xC900] =	vst v0  }
0x2e: {  	[tilespmem:$0xC910] =	vst v0  }
0x2f: {  	[tilespmem:$0xC920] =	vst v0  }
0x30: {  	[tilespmem:$0xC930] =	vst v0  }
0x31: {  	[tilespmem:$0xC940] =	vst v0  }
0x32: {  	[tilespmem:$0xC950] =	vst v0  }
0x33: {  	[tilespmem:$0xC960] =	vst v0  }
0x34: {  	[tilespmem:$0xC970] =	vst v0  }
0x35: {  	[tilespmem:$0xC980] =	vst v0  }
0x36: {  	[tilespmem:$0xC990] =	vst v0  }
0x37: {  	[tilespmem:$0xC9A0] =	vst v0  }
0x38: {  	[tilespmem:$0xC9B0] =	vst v0  }
0x39: {  	[tilespmem:$0xC9C0] =	vst v0  }
0x3a: {  	[tilespmem:$0xC9D0] =	vst v0  }
0x3b: {  	[tilespmem:$0xC9E0] =	vst v0  }
0x3c: {  	[tilespmem:$0xC9F0] =	vst v0  }
0x3d: {  	[tilespmem:$0xCA00] =	vst v0  }
0x3e: {  	[tilespmem:$0xCA10] =	vst v0  }
0x3f: {  	[tilespmem:$0xCA20] =	vst v0  }
0x40: {  	[tilespmem:$0xCA30] =	vst v0  }
0x41: {  	[tilespmem:$0xCA40] =	vst v0  }
0x42: {  	[tilespmem:$0xCA50] =	vst v0  }
0x43: {  	[tilespmem:$0xCA60] =	vst v0  }
0x44: {  	[tilespmem:$0xCA70] =	vst v0  }
0x45: {  	[spmem:s10] =	stream.linear.scatter [tilespmem:s19], [sflag:$0x2], $0x280, $0x38;
	[tilespmem:$0xCD00] =	vst v63  }
0x46: {  	_ =	swait.ge [sflag:s20], $0x280  }
0x47: {  	[sflag:s20] =	ssyncset.done $0x0  }
0x48: {  	[sflag:s20] =	ssyncadd.s32 $0xFFFFFD80  }
0x49: {  	_ =	swait.ge [sflag:s21], $0x2800  }
0x4a: {  	[sflag:s21] =	ssyncset.done $0x0  }
0x4b: {  	[sflag:s21] =	ssyncadd.s32 $0xFFFFD800  }
0x4c: {  	_ =	swait.ge [sflag:s21], $0x1400  }
0x4d: {  	[sflag:s21] =	ssyncset.done $0x0  }
0x4e: {  	[sflag:s21] =	ssyncadd.s32 $0xFFFFEC00  }
0x4f: {  	_ =	swait.ge [sflag:s21], $0x1400  }
0x50: {  	[sflag:s21] =	ssyncset.done $0x0  }
0x51: {  	[sflag:s21] =	ssyncadd.s32 $0xFFFFEC00  }
0x52: {  	_ =	swait.ge [sflag:s21], $0x1400  }
0x53: {  	[sflag:s21] =	ssyncset.done $0x0  }
0x54: {  	[sflag:s21] =	ssyncadd.s32 $0xFFFFEC00  }
0x55: {  	_ =	swait.ge [sflag:s21], $0x1400  }
0x56: {  	[sflag:s21] =	ssyncset.done $0x0  }
0x57: {  	[sflag:s21] =	ssyncadd.s32 $0xFFFFEC00  }
0x58: {  	_ =	swait.ge [sflag:s21], $0x1400  }
0x59: {  	[sflag:s21] =	ssyncset.done $0x0  }
0x5a: {  	[sflag:s21] =	ssyncadd.s32 $0xFFFFEC00  }
0x5b: {  	_ =	swait.ge [sflag:s21], $0x1400  }
0x5c: {  	s24 =	simm.s32 $0xFFFFFFFE;
	s25 =	simm.s32 $0x3C10;
	[sflag:s21] =	ssyncset.done $0x0  }
0x5d: {  	s26 =	simm.s32 $0x2810;
	s28 =	simm.s32 $0x10;
	[sflag:s21] =	ssyncadd.s32 $0xFFFFEC00  }
0x5e: {  	s29 =	simm.s32 $0xA010;
	s30 =	simm.s32 $0xB410;
	[bflag:$0x0] =	sbarrier.arrive $0xFFFF  }
.LBB2_2:
0x5f: {  	v2 =	vld [tilespmem:s26+$0xFFFFFFF0]  }
0x60: {  	v3 =	vld [tilespmem:s25+$0xFFFFFFF0];
	_ =	sdelay $0x6  }
0x61: {  	v2 =	vld.idx.msk [tilespmem:v2+s31+$0x0], $0xffff  }
0x62: {  	v3 =	vld.idx.msk [tilespmem:v3+s31+$0x0], $0xffff;
	_ =	sdelay $0x4  }
0x63: {  	v2 =	vadd.s32 $0x1, v2;
	v3 =	vadd.s32 $0x1, v3  }
0x64: {  	v4 =	vshrl.u32 v2, $0x1;
	v5 =	vand.u32 $0xFFFFFFFE, v3  }
0x65: {  	v3 =	vshrl.u32 v3, $0x1;
	v2 =	vand.u32 $0xFFFFFFFE, v2;
	v4 =	vadd.s32 v4, v5  }
0x66: {  	s0 =	sadd.s32 $0xFFFFFFF0, s28;
	v2 =	vadd.s32 v2, v3;
	v4 =	vmul.u32 $0x1400, v4  }
0x67: {  	v3 =	vor.u32 s0, v1;
	v2 =	vmul.u32 $0x1400, v2  }
0x68: {  	v4 =	vadd.s32 v3, v4  }
0x69: {  	v61 =	vand.u32 $0x6F, v3;
	v2 =	vadd.s32 v3, v2;
	v4 =	vand.u32 $0xFFFFFF80, v4  }
0x6a: {  	v2 =	vand.u32 $0xFFFFFF80, v2;
	v3 =	vor.u32 v61, v4  }
0x6b: {  	v2 =	vor.u32 v61, v2;
	_ =	sdelay $0x3  }
0x6c: {  	v3 =	vld.idx.msk [tilespmem:v3+s15+$0x0], $0xffff  }
0x6d: {  	v2 =	vld.idx.msk [tilespmem:v2+s15+$0x0], $0xffff;
	_ =	sdelay $0x3  }
0x6e: {  	[tilespmem:s29+$0xFFFFFFF0] =	vst v3  }
0x6f: {  	[tilespmem:s30+$0xFFFFFFF0] =	vst v2  }
0x70: {  	v2 =	vld [tilespmem:s26+$0x0]  }
0x71: {  	v3 =	vld [tilespmem:s25+$0x0];
	_ =	sdelay $0x6  }
0x72: {  	v2 =	vld.idx.msk [tilespmem:v2+s31+$0x0], $0xffff  }
0x73: {  	v3 =	vld.idx.msk [tilespmem:v3+s31+$0x0], $0xffff;
	_ =	sdelay $0x4  }
0x74: {  	v2 =	vadd.s32 $0x1, v2;
	v3 =	vadd.s32 $0x1, v3  }
0x75: {  	v62 =	vshrl.u32 v2, $0x1;
	v63 =	vand.u32 $0xFFFFFFFE, v3  }
0x76: {  	v3 =	vshrl.u32 v3, $0x1;
	v2 =	vand.u32 $0xFFFFFFFE, v2;
	v4 =	vadd.s32 v62, v63  }
0x77: {  	v2 =	vadd.s32 v2, v3;
	v4 =	vmul.u32 $0x1400, v4  }
0x78: {  	v3 =	vor.u32 s28, v1;
	v2 =	vmul.u32 $0x1400, v2  }
0x79: {  	v4 =	vadd.s32 v3, v4  }
0x7a: {  	v2 =	vadd.s32 v3, v2;
	_ =	sdelay $0x3  }
0x7b: {  	s24 =	sadd.s32 $0x2, s24;
	v3 =	vld.idx.msk [tilespmem:v4+s15+$0x0], $0xffff  }
0x7c: {  	p1 =	slt.u32 s24, $0x13E;
	v2 =	vld.idx.msk [tilespmem:v2+s15+$0x0], $0xffff  }
.Ltmp0:
0x7d: {  	_ = 	snop;
	(pc) =	sbr.rel @p1 .LBB2_2-.Ltmp0, $3  }
0x7e: {  	_ =	sdelay $0x1  }
0x7f: {  	s25 =	sadd.s32 $0x20, s25;
	s26 =	sadd.s32 $0x20, s26;
	[tilespmem:s29+$0x0] =	vst v3  }
0x80: {  	s28 =	sadd.s32 $0x20, s28;
	s29 =	sadd.s32 $0x20, s29;
	[tilespmem:s30+$0x0] =	vst v2;
	s30 =	sadd.s32 $0x20, s30  }
0x81: {  	s0 =	simm.s32 $0xA000;
	s24 =	simm.s32 $0x3C00  }
0x82: {  	[spmem:s1] =	stream.indirect.scatter.add.f32 [tilespmem:s0], [sflag:$0x1], $0x1, s24, s22, $0xb8;
	[tilespmem:$0xCD00] =	vst v63  }
0x83: {  	s29 =	simm.s32 $0xB400;
	s30 =	simm.s32 $0x2800  }
0x84: {  	[spmem:s1] =	stream.indirect.scatter.add.f32 [tilespmem:s29], [sflag:$0x1], $0x1, s30, s22, $0xb8;
	[tilespmem:$0xCD00] =	vst v63  }
0x85: {  	_ =	swait.ge [sflag:s21], $0x80  }
0x86: {  	[sflag:s21] =	ssyncset.done $0x0  }
0x87: {  	[sflag:s21] =	ssyncadd.s32 $0xFFFFFF80  }
0x88: {  	_ =	swait.ge [sflag:s21], $0x80  }
0x89: {  	s25 =	simm.s32 $0x400;
	s24 =	simm.s32 $0x80;
	[sflag:s21] =	ssyncset.done $0x0  }
.LBB2_4:
0x8a: {  	s0 =	sadd.s32 $0xA000, s24;
	s26 =	sadd.s32 $0x3C00, s24  }
0x8b: {  	[sflag:s21] =	ssyncadd.s32 $0xFFFFFF80;
	s28 =	smov.u32 s25;
	p1 =	sne.s32 s25, $0x4E00  }
0x8c: {  	[spmem:s1] =	stream.indirect.scatter.add.f32 [tilespmem:s0], [sflag:$0x1], $0x1, s26, s22, $0xb8;
	[tilespmem:$0xCD00] =	vst v63  }
0x8d: {  	s0 =	sadd.s32 $0x200, s25;
	s26 =	sadd.s32 $0xB400, s24;
	s24 =	sadd.s32 $0x2800, s24  }
0x8e: {  	[spmem:s1] =	stream.indirect.scatter.add.f32 [tilespmem:s26], [sflag:$0x1], $0x1, s24, s22, $0xb8;
	[tilespmem:$0xCD00] =	vst v63  }
.Ltmp1:
0x8f: {  	_ =	swait.ge [sflag:s21], $0x80;
	(pc) =	sbr.rel @p1 .LBB2_4-.Ltmp1, $4  }
0x90: {  	[sflag:s21] =	ssyncset.done $0x0  }
0x91: {  	[sflag:s21] =	ssyncadd.s32 $0xFFFFFF80  }
0x92: {  	_ =	swait.ge [sflag:s21], $0x80  }
0x93: {  	s25 =	smov.u32 s0;
	s24 =	sshra.s32 s28, $0x2;
	[sflag:s21] =	ssyncset.done $0x0  }
0x94: {  	s0 =	sadd.s32 $0xA000, s24;
	s25 =	sadd.s32 $0x3C00, s24;
	[sflag:s21] =	ssyncadd.s32 $0xFFFFFF80  }
0x95: {  	[spmem:s1] =	stream.indirect.scatter.add.f32 [tilespmem:s0], [sflag:$0x1], $0x1, s25, s22, $0xb8;
	[tilespmem:$0xCD00] =	vst v63  }
0x96: {  	s29 =	sadd.s32 $0xB400, s24;
	s30 =	sadd.s32 $0x2800, s24  }
0x97: {  	[spmem:s1] =	stream.indirect.scatter.add.f32 [tilespmem:s29], [sflag:$0x1], $0x1, s30, s22, $0xb8;
	[tilespmem:$0xCD00] =	vst v63  }
0x98: {  	_ =	swait.ge [sflag:s21], $0x80  }
0x99: {  	[sflag:s21] =	ssyncset.done $0x0  }
0x9a: {  	[sflag:s21] =	ssyncadd.s32 $0xFFFFFF80  }
0x9b: {  	s24 =	simm.s32 @!p0 $0x1;
	_ =	swait.ge [sflag:s21], $0x80  }
0x9c: {  	s26 =	simm.s32 @!p0 $0x10;
	s28 =	simm.s32 @!p0 $0x1C02;
	[sflag:s21] =	ssyncset.done $0x0  }
0x9d: {  	s23 =	sadd.s32 $0x1, s23;
	s0 =	sshrl.u32 @!p0 s1, $0x3;
	[sflag:s21] =	ssyncadd.s32 $0xFFFFFF80  }
0x9e: {  	s25 =	simm.s32 @!p0 $0x20;
	p1 =	sne.s32 s23, s12;
	[bflag:$0x0] =	sbarrier.arrive $0xFFFF  }
0x9f: {  	[hbm:s11@s25], [sflag:s28] =	dma.strided @!p0 [spmem:s0@s26], $0x500, s24, $0x10   }
.Ltmp2:
0xa0: {  	_ = 	snop;
	(pc) =	sbr.rel @p1 .LBB2_1-.Ltmp2, $4  }
0xa1: {  	s0 =	simm.s32 @!p0 $0x2  }
0xa2: {  	_ =	swait.ge @!p0 [sflag:s0], $0x500  }
0xa3: {  	[sflag:s0] =	ssyncset.done @!p0 $0x0  }
0xa4: {  	[sflag:s0] =	ssyncadd.s32 @!p0 $0xFFFFFB00  }
0xa5: {  	_ =	sfence.sel $0x180000  }
0xa6: {  	[bflag:$0x0] =	sbarrier.arrive $0xFFFF  }
0xa7: {  	_ =	strace $0x9000004A  }
0xa8: {  	[bflag:$0x2] =	sbarrier.arrive $0xFFFF  }
0xa9: {  	s0 =	rddreg [dreg:$0x2]  }
0xaa: {  	s0 =	sadd.s32 @!p0 $0x100000, s0  }
0xab: {  	[sflag:s0] =	ssyncadd.tile.s32 @!p0 $0x1;
	_ =	shalt  }
.Lfunc_end2:
_tile_overlayer_lowered:
.L_overlay_start_2:
0xac: {  	(tag) =	ssettag $0x2  }
0xad: {  	s0 =	rddreg [dreg:$0x0];
	s2 =	stileid.u32  }
0xae: {  	s1 =	rddreg [dreg:$0x1];
	p0 =	sne.s32 s2, $0x0  }
0xaf: {  	s3 =	rddreg [dreg:$0x2];
	[bflag:$0x3] =	sbarrier.arrive $0xFFFF;
	s2 =	simm.s32 @!p0 $0x1C02  }
0xb0: {  	[timem:s3], [sflag:s2] =	dma.local @!p0 [hbm:s0], s1  }
0xb1: {  	s0 =	simm.s32 @!p0 $0x2  }
0xb2: {  	_ =	swait.ge @!p0 [sflag:s0], s1  }
0xb3: {  	s1 =	ssub.s32 @!p0 $0x0, s1;
	[sflag:s0] =	ssyncset.done @!p0 $0x0  }
0xb4: {  	[sflag:s0] =	ssyncadd.s32 @!p0 s1  }
0xb5: {  	[bflag:$0x3] =	sbarrier.arrive $0xFFFF  }
0xb6: {  	_ =	shalt  }

</sc_bundles>
